<compile_context>
chip_gen: v7x
topology: tpu7x:2x2x1
jax: 0.10.2.dev20260603
libtpu: 0.0.44.dev20260713+nightly
codegen_flags: <defaults>
</compile_context>

<pallas_src>
import functools

import jax
import jax.numpy as jnp
from jax import lax
from jax.experimental import pallas as pl
from jax.experimental.pallas import tpu as pltpu
from jax.experimental.pallas import tpu_sc as plsc

_N = 10000
_E = 320000
_D = 128
_NEG = 0.2

_NC = 2
_NS = 16
_NW = _NC * _NS
_EW = _E // _NW
_CE = 80
_NCH = _EW // _CE
_RB = 10
_BN = _N // _RB
_NP = 10240
_BNP = _NP // _RB
_ZR = 40
_ZT = 10

_mesh = plsc.VectorSubcoreMesh(
    core_axis_name="c", subcore_axis_name="s", num_cores=_NC, num_subcores=_NS
)
_sc_params = pltpu.CompilerParams(needs_layout_passes=False)


def _prep_body(h_ref, w_ref, a_ref, r_ref, wh_ref, sp_ref):
    hb = h_ref[...]
    wm = w_ref[...]
    wh = jnp.dot(hb, wm, preferred_element_type=jnp.float32)
    wh_ref[...] = wh
    av = a_ref[...][:, 0]
    a1 = av[0:_D].reshape(1, _D)
    a2 = av[_D:2 * _D].reshape(1, _D)
    i = pl.program_id(0)
    sp_ref[0:1, pl.ds(i * _BNP, _BNP)] = jnp.sum(wh * a1, axis=1).reshape(1, _BNP)
    sp_ref[1:2, pl.ds(i * _BNP, _BNP)] = jnp.sum(wh * a2, axis=1).reshape(1, _BNP)

    @pl.when(i == 0)
    def _sr():
        a3 = av[2 * _D:].reshape(1, _D)
        sr = jnp.sum(r_ref[...] * a3, axis=1).reshape(1, 16)
        sp_ref[2:3, pl.ds(0, 16)] = sr


def _prep(h, W, a, rel_emb):
    return pl.pallas_call(
        _prep_body,
        grid=(_RB,),
        in_specs=[
            pl.BlockSpec((_BNP, _D), lambda i: (i, 0)),
            pl.BlockSpec((_D, _D), lambda i: (0, 0)),
            pl.BlockSpec((3 * _D, 1), lambda i: (0, 0)),
            pl.BlockSpec((16, _D), lambda i: (0, 0)),
        ],
        out_specs=[
            pl.BlockSpec((_BNP, _D), lambda i: (i, 0)),
            pl.BlockSpec((4, _NP), lambda i: (0, 0)),
        ],
        out_shape=[
            jax.ShapeDtypeStruct((_N, _D), jnp.float32),
            jax.ShapeDtypeStruct((4, _NP), jnp.float32),
        ],
    )(h, W, a, rel_emb)


@functools.partial(
    pl.kernel,
    out_type=[
        jax.ShapeDtypeStruct((_E,), jnp.float32),
        jax.ShapeDtypeStruct((_NW * 16,), jnp.float32),
    ],
    mesh=_mesh,
    compiler_params=_sc_params,
    scratch_types=[
        pltpu.VMEM((_EW,), jnp.int32),
        pltpu.VMEM((_EW,), jnp.int32),
        pltpu.VMEM((_EW,), jnp.int32),
        pltpu.VMEM((_EW,), jnp.float32),
        pltpu.VMEM((_NP,), jnp.float32),
        pltpu.VMEM((_NP,), jnp.float32),
        pltpu.VMEM((16,), jnp.float32),
        pltpu.VMEM((16,), jnp.float32),
        pltpu.SemaphoreType.DMA,
    ],
)
def _escore(rows_hbm, cols_hbm, et_hbm, sp_hbm,
            e_hbm, mx_hbm,
            rows_v, cols_v, et_v, e_v, s1_v, s2_v, sr_v, mxs_v, sb):
    cid = lax.axis_index("c")
    sid = lax.axis_index("s")
    wid = sid * _NC + cid
    base = wid * _EW
    pltpu.async_copy(rows_hbm.at[pl.ds(base, _EW)], rows_v, sb)
    pltpu.async_copy(cols_hbm.at[pl.ds(base, _EW)], cols_v, sb)
    pltpu.async_copy(et_hbm.at[pl.ds(base, _EW)], et_v, sb)
    pltpu.async_copy(sp_hbm.at[0], s1_v, sb)
    pltpu.async_copy(sp_hbm.at[1], s2_v, sb)
    pltpu.async_copy(sp_hbm.at[2, pl.ds(0, 16)], sr_v, sb)
    pltpu.make_async_copy(rows_hbm.at[pl.ds(base, _EW)], rows_v, sb).wait()
    pltpu.make_async_copy(cols_hbm.at[pl.ds(base, _EW)], cols_v, sb).wait()
    pltpu.make_async_copy(et_hbm.at[pl.ds(base, _EW)], et_v, sb).wait()
    pltpu.make_async_copy(sp_hbm.at[0], s1_v, sb).wait()
    pltpu.make_async_copy(sp_hbm.at[1], s2_v, sb).wait()
    pltpu.make_async_copy(sp_hbm.at[2, pl.ds(0, 16)], sr_v, sb).wait()

    def _it(i, mx):
        off = pl.multiple_of(i * 16, 16)
        r = rows_v[pl.ds(off, 16)]
        c = cols_v[pl.ds(off, 16)]
        t = et_v[pl.ds(off, 16)]
        x = (plsc.load_gather(s1_v, [r])
             + plsc.load_gather(s2_v, [c])
             + plsc.load_gather(sr_v, [t]))
        e = jnp.where(x > 0.0, x, _NEG * x)
        e_v[pl.ds(off, 16)] = e
        return jnp.maximum(mx, e)

    mx = lax.fori_loop(0, _EW // 16, _it, jnp.full((16,), -3e38, jnp.float32))
    mxs_v[...] = mx
    pltpu.sync_copy(e_v, e_hbm.at[pl.ds(base, _EW)])
    pltpu.sync_copy(mxs_v, mx_hbm.at[pl.ds(wid * 16, 16)])


@functools.partial(
    pl.kernel,
    out_type=[
        jax.ShapeDtypeStruct((_NC, _N, _D), jnp.float32),
        jax.ShapeDtypeStruct((_NC * _N,), jnp.float32),
    ],
    mesh=_mesh,
    compiler_params=_sc_params,
    scratch_types=[
        [pltpu.VMEM((_CE,), jnp.int32)] * 4,
        [pltpu.VMEM((_CE,), jnp.int32)] * 4,
        [pltpu.VMEM((_CE,), jnp.float32)] * 4,
        [pltpu.VMEM((_CE,), jnp.float32)] * 4,
        [pltpu.VMEM((_CE, _D), jnp.float32)] * 4,
        pltpu.VMEM((_BN,), jnp.float32),
        pltpu.VMEM((_NW * 16,), jnp.float32),
        pltpu.VMEM_SHARED((_N, _D), jnp.float32),
        pltpu.VMEM_SHARED((_N,), jnp.float32),
        [pltpu.SemaphoreType.DMA] * 4,
        [pltpu.SemaphoreType.DMA] * 4,
        [pltpu.SemaphoreType.DMA] * 4,
        [pltpu.SemaphoreType.DMA] * 4,
    ],
)
def _accum(rows_hbm, cols_hbm, e_hbm, mx_hbm, wh_hbm, zu_hbm, zs_hbm,
           u_hbm, s_hbm,
           rows_c, cols_c, e_c, exp_c, gbuf, zs_v, mx_v,
           u_sh, s_sh, si, sg, su, ss):
    cid = lax.axis_index("c")
    sid = lax.axis_index("s")
    wid = sid * _NC + cid
    wbase = wid * _EW

    _NSLAB = _N // _CE
    pltpu.sync_copy(zu_hbm, gbuf[0])
    for t in range(8):
        g = sid + 16 * t

        @pl.when(g < _NSLAB)
        def _fz(g=g, t=t):
            pltpu.async_copy(gbuf[0], u_sh.at[pl.ds(g * _CE, _CE)],
                             su[t % 4])
    for t in range(8):
        g = sid + 16 * t

        @pl.when(g < _NSLAB)
        def _wz(g=g, t=t):
            pltpu.make_async_copy(gbuf[0], u_sh.at[pl.ds(g * _CE, _CE)],
                                  su[t % 4]).wait()

    @pl.when(sid < _ZT)
    def _zero_s():
        pltpu.sync_copy(zs_hbm, zs_v)
        pltpu.sync_copy(zs_v, s_sh.at[pl.ds(sid * _BN, _BN)])

    plsc.subcore_barrier()

    pltpu.sync_copy(mx_hbm, mx_v)

    mv = mx_v[pl.ds(0, 16)]
    for i in range(1, _NW):
        mv = jnp.maximum(mv, mx_v[pl.ds(16 * i, 16)])
    m = jnp.max(mv)

    col16 = lax.iota(jnp.int32, 16)

    def _stage(jc, s):
        off = pl.multiple_of(wbase + jc * _CE, 16)
        pltpu.async_copy(rows_hbm.at[pl.ds(off, _CE)], rows_c[s], si[s])
        pltpu.async_copy(cols_hbm.at[pl.ds(off, _CE)], cols_c[s], si[s])
        pltpu.async_copy(e_hbm.at[pl.ds(off, _CE)], e_c[s], si[s])

    def _wait_stage(jc, s):
        off = pl.multiple_of(wbase + jc * _CE, 16)
        pltpu.make_async_copy(rows_hbm.at[pl.ds(off, _CE)], rows_c[s],
                              si[s]).wait()
        pltpu.make_async_copy(cols_hbm.at[pl.ds(off, _CE)], cols_c[s],
                              si[s]).wait()
        pltpu.make_async_copy(e_hbm.at[pl.ds(off, _CE)], e_c[s],
                              si[s]).wait()

    def _start_gather(s):
        pltpu.async_copy(wh_hbm.at[cols_c[s]], gbuf[s], sg[s])

    def _wait_gather(s):
        pltpu.make_async_copy(wh_hbm.at[cols_c[s]], gbuf[s], sg[s]).wait()

    def _start_scatter(s):
        pltpu.async_copy(gbuf[s], u_sh.at[rows_c[s]], su[s], add=True)
        pltpu.async_copy(exp_c[s], s_sh.at[rows_c[s]], ss[s], add=True)

    def _wait_scatter(s):
        pltpu.make_async_copy(gbuf[s], u_sh.at[rows_c[s]], su[s]).wait()
        pltpu.make_async_copy(exp_c[s], s_sh.at[rows_c[s]], ss[s]).wait()

    def _scale(s):
        for k in range(_CE // 16):
            exp_c[s][pl.ds(k * 16, 16)] = jnp.exp(e_c[s][pl.ds(k * 16, 16)] - m)

        def _edge(i, c2):
            i0 = 4 * i
            wvs = [
                plsc.load_gather(exp_c[s], [jnp.full((16,), i0 + u, jnp.int32)])
                for u in range(4)
            ]
            rws = [gbuf[s].at[i0 + u] for u in range(4)]
            for k in range(_D // 16):
                sl = pl.ds(16 * k, 16)
                for u in range(4):
                    rws[u][sl] = rws[u][sl] * wvs[u]
            return c2

        lax.fori_loop(0, _CE // 4, _edge, 0)

    def _step(jc, d, last_static):
        s_s = (d + 2) % 4

        if last_static is None:
            @pl.when(jc >= 2)
            def _w():
                _wait_scatter(s_s)

            @pl.when(jc + 2 <= _NCH - 1)
            def _st():
                _stage(jc + 2, s_s)

            @pl.when(jc + 1 <= _NCH - 1)
            def _g():
                _wait_stage(jc + 1, (d + 1) % 4)
                _start_gather((d + 1) % 4)
        else:
            if jc >= 2:
                _wait_scatter(s_s)
            if jc + 2 <= _NCH - 1:
                _stage(jc + 2, s_s)
            if jc + 1 <= _NCH - 1:
                _wait_stage(jc + 1, (d + 1) % 4)
                _start_gather((d + 1) % 4)

        _wait_gather(d)
        _scale(d)
        _start_scatter(d)

    _stage(0, 0)
    _stage(1, 1)
    _wait_stage(0, 0)
    _start_gather(0)

    def _body(i, carry):
        jc = i * 4
        _step(jc, 0, None)
        _step(jc + 1, 1, None)
        _step(jc + 2, 2, None)
        _step(jc + 3, 3, None)
        return carry

    lax.fori_loop(0, (_NCH - 1) // 4, _body, 0)
    _step(_NCH - 1, (_NCH - 1) % 4, True)
    _wait_scatter((_NCH - 2) % 4)
    _wait_scatter((_NCH - 1) % 4)

    plsc.subcore_barrier()

    for t in range(8):
        g = sid + 16 * t
        b = t % 4

        @pl.when(g < _NSLAB)
        def _wo(g=g, b=b, t=t):
            if t >= 4:
                gp = g - 64
                pltpu.make_async_copy(
                    gbuf[b], u_hbm.at[cid, pl.ds(gp * _CE, _CE)], su[b]
                ).wait()
            sl = pl.ds(g * _CE, _CE)
            pltpu.sync_copy(u_sh.at[sl], gbuf[b])
            pltpu.async_copy(gbuf[b], u_hbm.at[cid, sl], su[b])
    for t in range(4, 8):
        g = sid + 16 * t
        b = t % 4

        @pl.when(g < _NSLAB)
        def _wd(g=g, b=b):
            pltpu.make_async_copy(gbuf[b], u_hbm.at[cid, pl.ds(g * _CE, _CE)],
                                  su[b]).wait()

    for t in range(4):
        g = sid + 16 * t
        b = t % 4

        @pl.when((g < _NSLAB) & (g + 64 >= _NSLAB))
        def _wd3(g=g, b=b):
            pltpu.make_async_copy(gbuf[b], u_hbm.at[cid, pl.ds(g * _CE, _CE)],
                                  su[b]).wait()

    @pl.when(sid < _ZT)
    def _out_s():
        sl = pl.ds(sid * _BN, _BN)
        pltpu.sync_copy(s_sh.at[sl], zs_v)
        pltpu.sync_copy(zs_v, s_hbm.at[pl.ds(cid * _N + sid * _BN, _BN)])


def _final_body(u_ref, s_ref, o_ref):
    u = u_ref[0] + u_ref[1]
    s = s_ref[0, 0] + s_ref[0, 1]
    hp = u / (s + 1e-10)[:, None]
    o_ref[...] = jnp.where(hp > 0.0, hp, jnp.exp(jnp.minimum(hp, 0.0)) - 1.0)


def _final(u, s):
    return pl.pallas_call(
        _final_body,
        grid=(_RB,),
        in_specs=[
            pl.BlockSpec((_NC, _BN, _D), lambda i: (0, i, 0)),
            pl.BlockSpec((1, _NC, _BN), lambda i: (i, 0, 0)),
        ],
        out_specs=pl.BlockSpec((_BN, _D), lambda i: (i, 0)),
        out_shape=jax.ShapeDtypeStruct((_N, _D), jnp.float32),
    )(u, s)


@jax.jit
def _impl(h, adj, edge_types, W, rel_emb, a):
    rows = adj[0]
    cols = adj[1]
    wh, sp = _prep(h, W, a, rel_emb)
    e, mx = _escore(rows, cols, edge_types, sp)
    zu = jnp.zeros((_CE, _D), jnp.float32)
    zs = jnp.zeros((_BN,), jnp.float32)
    u, s = _accum(rows, cols, e, mx, wh, zu, zs)
    s3 = s.reshape(_NC, _RB, _BN).transpose(1, 0, 2)
    return _final(u, s3)


def kernel(h, adj, edge_types, W, rel_emb, a):
    return _impl(h, adj, edge_types, W, rel_emb, a)

# --- scband reference (transcript-rebuilt; emitter-appended) ---
"""Pipeline reference for scband-relational-gatlayer-33603824124032 (READ-ONLY COPY).

The authoritative reference and input builder live on the scoring server;
editing this copy changes nothing except your own understanding.
"""

import jax, jax.numpy as jnp
import numpy as np

N = 10000
E = 320000
D_IN = 128
D_OUT = 128
NUM_REL = 16
ALPHA = 0.2


def setup_inputs(seed: int = 0) -> dict:
    key = jax.random.key(seed)
    k1, k2, k3, k4, k5, k6 = jax.random.split(key, 6)
    h = jax.random.normal(k1, (N, D_IN), dtype=jnp.float32)
    adj = jax.random.randint(k2, (2, E), 0, N, dtype=jnp.int32)
    edge_types = jax.random.randint(k3, (E,), 0, NUM_REL, dtype=jnp.int32)
    # Learned params: W from nn.Linear(in,out,bias=False) stored as [in,out] for h @ W,
    # rel_emb [NUM_REL, D_OUT] (xavier-uniform-like), a [2*D_OUT + D_OUT, 1].
    W = jax.random.normal(k4, (D_IN, D_OUT), dtype=jnp.float32) * (1.0 / np.sqrt(D_IN))
    lim_r = np.sqrt(6.0 / (NUM_REL + D_OUT))
    rel_emb = jax.random.uniform(k5, (NUM_REL, D_OUT), dtype=jnp.float32, minval=-lim_r, maxval=lim_r)
    lim_a = 1.414 * np.sqrt(6.0 / (3 * D_OUT + 1))
    a = jax.random.uniform(k6, (3 * D_OUT, 1), dtype=jnp.float32, minval=-lim_a, maxval=lim_a)
    return {"h": h, "adj": adj, "edge_types": edge_types, "W": W, "rel_emb": rel_emb, "a": a}


def reference(h, adj, edge_types, W, rel_emb, a):
    # Wh = self.W(h)
    Wh = h @ W
    rows = adj[0]
    cols = adj[1]
    # r_vecs = self.rel_emb(edge_types)
    r_vecs = jnp.take(rel_emb, edge_types, axis=0)
    Wh_i = jnp.take(Wh, rows, axis=0)
    Wh_j = jnp.take(Wh, cols, axis=0)
    a_input = jnp.concatenate([Wh_i, Wh_j, r_vecs], axis=1)
    e = jax.nn.leaky_relu(jnp.squeeze(a_input @ a, axis=1), negative_slope=ALPHA)
    e = e - jnp.max(e)
    exp_e = jnp.exp(e)
    sum_exp = jax.ops.segment_sum(exp_e, rows, num_segments=N)
    alpha = exp_e / (jnp.take(sum_exp, rows, axis=0) + 1e-10)
    # dropout is identity in eval mode
    # h_prime = sparse.mm(adj_att, Wh): out[row] += alpha * Wh[col]
    h_prime = jnp.zeros((N, D_OUT), dtype=Wh.dtype).at[rows].add(alpha[:, None] * Wh_j)
    return jax.nn.elu(h_prime)

if __name__ == "__main__":
    import jax
    _d = setup_inputs()
    print(jax.jit(kernel)(*tuple(_d.values())))

</pallas_src>

<mosaic_0001>
#map = affine_map<(d0, d1) -> (0)>
#map1 = affine_map<(d0, d1) -> (0, 0)>
module attributes {stable_mosaic.version = 14 : i64} {
  func.func @_escore(%arg0: i32, %arg1: i32, %arg2: memref<320000xi32, #tpu.memory_space<hbm>>, %arg3: memref<320000xi32, #tpu.memory_space<hbm>>, %arg4: memref<320000xi32, #tpu.memory_space<hbm>>, %arg5: memref<4x10240xf32, #tpu.memory_space<hbm>>, %arg6: memref<320000xf32, #tpu.memory_space<hbm>>, %arg7: memref<512xf32, #tpu.memory_space<hbm>>, %arg8: memref<10000xi32, #tpu.memory_space<vmem>>, %arg9: memref<10000xi32, #tpu.memory_space<vmem>>, %arg10: memref<10000xi32, #tpu.memory_space<vmem>>, %arg11: memref<10000xf32, #tpu.memory_space<vmem>>, %arg12: memref<10240xf32, #tpu.memory_space<vmem>>, %arg13: memref<10240xf32, #tpu.memory_space<vmem>>, %arg14: memref<16xf32, #tpu.memory_space<vmem>>, %arg15: memref<16xf32, #tpu.memory_space<vmem>>, %arg16: memref<!tpu.dma_semaphore, #tpu.memory_space<semaphore_mem>>) attributes {dimension_semantics = [#tpu.dimension_semantics<core_parallel>, #tpu.dimension_semantics<subcore_parallel>], iteration_bounds = array<i64: 2, 16>, scalar_prefetch = 0 : i64, scratch_operands = 9 : i64, tpu.core_type = #tpu.core_type<sc_vector_subcore>, window_params = [{transform_indices = #map}, {transform_indices = #map}, {transform_indices = #map}, {transform_indices = #map1}, {transform_indices = #map}, {transform_indices = #map}]} {
    %mul3A = arith.constant 2 : i32
    %mul3A_0 = arith.muli %arg1, %mul3A : i32
    %add3A = arith.addi %mul3A_0, %arg0 : i32
    %mul3A_1 = arith.constant 10000 : i32
    %mul3A_2 = arith.muli %add3A, %mul3A_1 : i32
    %dma_start3A = tpu.memref_slice %arg2[%mul3A_2] : memref<320000xi32, #tpu.memory_space<hbm>> -> memref<10000xi32, #tpu.memory_space<hbm>>
    %dma_start3A_3 = tpu.memref_slice %arg2[%mul3A_2] : memref<320000xi32, #tpu.memory_space<hbm>> -> memref<10000xi32, #tpu.memory_space<hbm>>
    tpu.enqueue_dma source(%dma_start3A_3 : memref<10000xi32, #tpu.memory_space<hbm>>) target(%arg8 : memref<10000xi32, #tpu.memory_space<vmem>>) target_semaphore(%arg16 : memref<!tpu.dma_semaphore, #tpu.memory_space<semaphore_mem>>)
    %dma_start3A_4 = tpu.memref_slice %arg3[%mul3A_2] : memref<320000xi32, #tpu.memory_space<hbm>> -> memref<10000xi32, #tpu.memory_space<hbm>>
    %dma_start3A_5 = tpu.memref_slice %arg3[%mul3A_2] : memref<320000xi32, #tpu.memory_space<hbm>> -> memref<10000xi32, #tpu.memory_space<hbm>>
    tpu.enqueue_dma source(%dma_start3A_5 : memref<10000xi32, #tpu.memory_space<hbm>>) target(%arg9 : memref<10000xi32, #tpu.memory_space<vmem>>) target_semaphore(%arg16 : memref<!tpu.dma_semaphore, #tpu.memory_space<semaphore_mem>>)
    %dma_start3A_6 = tpu.memref_slice %arg4[%mul3A_2] : memref<320000xi32, #tpu.memory_space<hbm>> -> memref<10000xi32, #tpu.memory_space<hbm>>
    %dma_start3A_7 = tpu.memref_slice %arg4[%mul3A_2] : memref<320000xi32, #tpu.memory_space<hbm>> -> memref<10000xi32, #tpu.memory_space<hbm>>
    tpu.enqueue_dma source(%dma_start3A_7 : memref<10000xi32, #tpu.memory_space<hbm>>) target(%arg10 : memref<10000xi32, #tpu.memory_space<vmem>>) target_semaphore(%arg16 : memref<!tpu.dma_semaphore, #tpu.memory_space<semaphore_mem>>)
    %dma_start3A_8 = arith.constant 0 : i32
    %dma_start3A_9 = arith.constant 0 : i32
    %dma_start3A_10 = tpu.memref_slice %arg5[%dma_start3A_8, %dma_start3A_9] : memref<4x10240xf32, #tpu.memory_space<hbm>> -> memref<1x10240xf32, #tpu.memory_space<hbm>>
    %dma_start3A_11 = tpu.memref_squeeze %dma_start3A_10 : memref<1x10240xf32, #tpu.memory_space<hbm>> -> memref<10240xf32, #tpu.memory_space<hbm>>
    %dma_start3A_12 = arith.constant 0 : i32
    %dma_start3A_13 = tpu.memref_slice %arg5[%dma_start3A_8, %dma_start3A_12] : memref<4x10240xf32, #tpu.memory_space<hbm>> -> memref<1x10240xf32, #tpu.memory_space<hbm>>
    %dma_start3A_14 = tpu.memref_squeeze %dma_start3A_13 : memref<1x10240xf32, #tpu.memory_space<hbm>> -> memref<10240xf32, #tpu.memory_space<hbm>>
    tpu.enqueue_dma source(%dma_start3A_14 : memref<10240xf32, #tpu.memory_space<hbm>>) target(%arg12 : memref<10240xf32, #tpu.memory_space<vmem>>) target_semaphore(%arg16 : memref<!tpu.dma_semaphore, #tpu.memory_space<semaphore_mem>>)
    %dma_start3A_15 = arith.constant 1 : i32
    %dma_start3A_16 = arith.constant 0 : i32
    %dma_start3A_17 = tpu.memref_slice %arg5[%dma_start3A_15, %dma_start3A_16] : memref<4x10240xf32, #tpu.memory_space<hbm>> -> memref<1x10240xf32, #tpu.memory_space<hbm>>
    %dma_start3A_18 = tpu.memref_squeeze %dma_start3A_17 : memref<1x10240xf32, #tpu.memory_space<hbm>> -> memref<10240xf32, #tpu.memory_space<hbm>>
    %dma_start3A_19 = arith.constant 0 : i32
    %dma_start3A_20 = tpu.memref_slice %arg5[%dma_start3A_15, %dma_start3A_19] : memref<4x10240xf32, #tpu.memory_space<hbm>> -> memref<1x10240xf32, #tpu.memory_space<hbm>>
    %dma_start3A_21 = tpu.memref_squeeze %dma_start3A_20 : memref<1x10240xf32, #tpu.memory_space<hbm>> -> memref<10240xf32, #tpu.memory_space<hbm>>
    tpu.enqueue_dma source(%dma_start3A_21 : memref<10240xf32, #tpu.memory_space<hbm>>) target(%arg13 : memref<10240xf32, #tpu.memory_space<vmem>>) target_semaphore(%arg16 : memref<!tpu.dma_semaphore, #tpu.memory_space<semaphore_mem>>)
    %dma_start3A_22 = arith.constant 2 : i32
    %dma_start3A_23 = arith.constant 0 : i32
    %dma_start3A_24 = tpu.memref_slice %arg5[%dma_start3A_22, %dma_start3A_23] : memref<4x10240xf32, #tpu.memory_space<hbm>> -> memref<1x16xf32, #tpu.memory_space<hbm>>
    %dma_start3A_25 = tpu.memref_squeeze %dma_start3A_24 : memref<1x16xf32, #tpu.memory_space<hbm>> -> memref<16xf32, #tpu.memory_space<hbm>>
    %dma_start3A_26 = arith.constant 0 : i32
    %dma_start3A_27 = tpu.memref_slice %arg5[%dma_start3A_22, %dma_start3A_26] : memref<4x10240xf32, #tpu.memory_space<hbm>> -> memref<1x16xf32, #tpu.memory_space<hbm>>
    %dma_start3A_28 = tpu.memref_squeeze %dma_start3A_27 : memref<1x16xf32, #tpu.memory_space<hbm>> -> memref<16xf32, #tpu.memory_space<hbm>>
    tpu.enqueue_dma source(%dma_start3A_28 : memref<16xf32, #tpu.memory_space<hbm>>) target(%arg14 : memref<16xf32, #tpu.memory_space<vmem>>) target_semaphore(%arg16 : memref<!tpu.dma_semaphore, #tpu.memory_space<semaphore_mem>>)
    %dma_wait3A = tpu.memref_slice %arg2[%mul3A_2] : memref<320000xi32, #tpu.memory_space<hbm>> -> memref<10000xi32, #tpu.memory_space<hbm>>
    %dma_wait3A_29 = tpu.memref_slice %arg2[%mul3A_2] : memref<320000xi32, #tpu.memory_space<hbm>> -> memref<10000xi32, #tpu.memory_space<hbm>>
    tpu.wait_dma2 semaphore(%arg16 : memref<!tpu.dma_semaphore, #tpu.memory_space<semaphore_mem>>) src(%dma_wait3A_29 : memref<10000xi32, #tpu.memory_space<hbm>>) dst(%arg8 : memref<10000xi32, #tpu.memory_space<vmem>>)
    %dma_wait3A_30 = tpu.memref_slice %arg3[%mul3A_2] : memref<320000xi32, #tpu.memory_space<hbm>> -> memref<10000xi32, #tpu.memory_space<hbm>>
    %dma_wait3A_31 = tpu.memref_slice %arg3[%mul3A_2] : memref<320000xi32, #tpu.memory_space<hbm>> -> memref<10000xi32, #tpu.memory_space<hbm>>
    tpu.wait_dma2 semaphore(%arg16 : memref<!tpu.dma_semaphore, #tpu.memory_space<semaphore_mem>>) src(%dma_wait3A_31 : memref<10000xi32, #tpu.memory_space<hbm>>) dst(%arg9 : memref<10000xi32, #tpu.memory_space<vmem>>)
    %dma_wait3A_32 = tpu.memref_slice %arg4[%mul3A_2] : memref<320000xi32, #tpu.memory_space<hbm>> -> memref<10000xi32, #tpu.memory_space<hbm>>
    %dma_wait3A_33 = tpu.memref_slice %arg4[%mul3A_2] : memref<320000xi32, #tpu.memory_space<hbm>> -> memref<10000xi32, #tpu.memory_space<hbm>>
    tpu.wait_dma2 semaphore(%arg16 : memref<!tpu.dma_semaphore, #tpu.memory_space<semaphore_mem>>) src(%dma_wait3A_33 : memref<10000xi32, #tpu.memory_space<hbm>>) dst(%arg10 : memref<10000xi32, #tpu.memory_space<vmem>>)
    %dma_wait3A_34 = arith.constant 0 : i32
    %dma_wait3A_35 = arith.constant 0 : i32
    %dma_wait3A_36 = tpu.memref_slice %arg5[%dma_wait3A_34, %dma_wait3A_35] : memref<4x10240xf32, #tpu.memory_space<hbm>> -> memref<1x10240xf32, #tpu.memory_space<hbm>>
    %dma_wait3A_37 = tpu.memref_squeeze %dma_wait3A_36 : memref<1x10240xf32, #tpu.memory_space<hbm>> -> memref<10240xf32, #tpu.memory_space<hbm>>
    %dma_wait3A_38 = arith.constant 0 : i32
    %dma_wait3A_39 = tpu.memref_slice %arg5[%dma_wait3A_34, %dma_wait3A_38] : memref<4x10240xf32, #tpu.memory_space<hbm>> -> memref<1x10240xf32, #tpu.memory_space<hbm>>
    %dma_wait3A_40 = tpu.memref_squeeze %dma_wait3A_39 : memref<1x10240xf32, #tpu.memory_space<hbm>> -> memref<10240xf32, #tpu.memory_space<hbm>>
    tpu.wait_dma2 semaphore(%arg16 : memref<!tpu.dma_semaphore, #tpu.memory_space<semaphore_mem>>) src(%dma_wait3A_40 : memref<10240xf32, #tpu.memory_space<hbm>>) dst(%arg12 : memref<10240xf32, #tpu.memory_space<vmem>>)
    %dma_wait3A_41 = arith.constant 1 : i32
    %dma_wait3A_42 = arith.constant 0 : i32
    %dma_wait3A_43 = tpu.memref_slice %arg5[%dma_wait3A_41, %dma_wait3A_42] : memref<4x10240xf32, #tpu.memory_space<hbm>> -> memref<1x10240xf32, #tpu.memory_space<hbm>>
    %dma_wait3A_44 = tpu.memref_squeeze %dma_wait3A_43 : memref<1x10240xf32, #tpu.memory_space<hbm>> -> memref<10240xf32, #tpu.memory_space<hbm>>
    %dma_wait3A_45 = arith.constant 0 : i32
    %dma_wait3A_46 = tpu.memref_slice %arg5[%dma_wait3A_41, %dma_wait3A_45] : memref<4x10240xf32, #tpu.memory_space<hbm>> -> memref<1x10240xf32, #tpu.memory_space<hbm>>
    %dma_wait3A_47 = tpu.memref_squeeze %dma_wait3A_46 : memref<1x10240xf32, #tpu.memory_space<hbm>> -> memref<10240xf32, #tpu.memory_space<hbm>>
    tpu.wait_dma2 semaphore(%arg16 : memref<!tpu.dma_semaphore, #tpu.memory_space<semaphore_mem>>) src(%dma_wait3A_47 : memref<10240xf32, #tpu.memory_space<hbm>>) dst(%arg13 : memref<10240xf32, #tpu.memory_space<vmem>>)
    %dma_wait3A_48 = arith.constant 2 : i32
    %dma_wait3A_49 = arith.constant 0 : i32
    %dma_wait3A_50 = tpu.memref_slice %arg5[%dma_wait3A_48, %dma_wait3A_49] : memref<4x10240xf32, #tpu.memory_space<hbm>> -> memref<1x16xf32, #tpu.memory_space<hbm>>
    %dma_wait3A_51 = tpu.memref_squeeze %dma_wait3A_50 : memref<1x16xf32, #tpu.memory_space<hbm>> -> memref<16xf32, #tpu.memory_space<hbm>>
    %dma_wait3A_52 = arith.constant 0 : i32
    %dma_wait3A_53 = tpu.memref_slice %arg5[%dma_wait3A_48, %dma_wait3A_52] : memref<4x10240xf32, #tpu.memory_space<hbm>> -> memref<1x16xf32, #tpu.memory_space<hbm>>
    %dma_wait3A_54 = tpu.memref_squeeze %dma_wait3A_53 : memref<1x16xf32, #tpu.memory_space<hbm>> -> memref<16xf32, #tpu.memory_space<hbm>>
    tpu.wait_dma2 semaphore(%arg16 : memref<!tpu.dma_semaphore, #tpu.memory_space<semaphore_mem>>) src(%dma_wait3A_54 : memref<16xf32, #tpu.memory_space<hbm>>) dst(%arg14 : memref<16xf32, #tpu.memory_space<vmem>>)
    %broadcast_in_dim3A = arith.constant -3.000000e+38 : f32
    %broadcast_in_dim3A_55 = vector.broadcast %broadcast_in_dim3A : f32 to vector<16xf32>
    %scan3A = arith.constant 0 : i32
    %scan3A_56 = arith.constant 625 : i32
    %scan3A_57 = arith.addi %scan3A, %scan3A_56 : i32
    %scan3A_58 = arith.constant 1 : i32
    %scan3A_59 = scf.for %scan3A_64 = %scan3A to %scan3A_57 step %scan3A_58 iter_args(%scan3A_65 = %broadcast_in_dim3A_55) -> (vector<16xf32>)  : i32 {
      %mul3A_66 = arith.constant 16 : i32
      %mul3A_67 = arith.muli %scan3A_64, %mul3A_66 : i32
      %multiple_of3A = tpu.assume_multiple %mul3A_67, 16 : i32
      %get3A = arith.index_cast %multiple_of3A : i32 to index
      %get3A_68 = tpu.vector_load %arg8[%get3A] {strides = array<i32>} : memref<10000xi32, #tpu.memory_space<vmem>>, vector<16xi32>,
      %get3A_69 = arith.index_cast %multiple_of3A : i32 to index
      %get3A_70 = tpu.vector_load %arg9[%get3A_69] {strides = array<i32>} : memref<10000xi32, #tpu.memory_space<vmem>>, vector<16xi32>,
      %get3A_71 = arith.index_cast %multiple_of3A : i32 to index
      %get3A_72 = tpu.vector_load %arg10[%get3A_71] {strides = array<i32>} : memref<10000xi32, #tpu.memory_space<vmem>>, vector<16xi32>,
      %gather3A = tpu.vector_load_idx %arg12[%get3A_68] : memref<10240xf32, #tpu.memory_space<vmem>>[vector<16xi32>], vector<16xf32>,
      %gather3A_73 = tpu.vector_load_idx %arg13[%get3A_70] : memref<10240xf32, #tpu.memory_space<vmem>>[vector<16xi32>], vector<16xf32>,
      %add3A_74 = arith.addf %gather3A, %gather3A_73 : vector<16xf32>
      %gather3A_75 = tpu.vector_load_idx %arg14[%get3A_72] : memref<16xf32, #tpu.memory_space<vmem>>[vector<16xi32>], vector<16xf32>,
      %add3A_76 = arith.addf %add3A_74, %gather3A_75 : vector<16xf32>
      %gt3A = arith.constant 0.000000e+00 : f32
      %gt3A_77 = vector.broadcast %gt3A : f32 to vector<16xf32>
      %gt3A_78 = arith.cmpf ogt, %add3A_76, %gt3A_77 : vector<16xf32>
      %mul3A_79 = arith.constant 2.000000e-01 : f32
      %mul3A_80 = vector.broadcast %mul3A_79 : f32 to vector<16xf32>
      %mul3A_81 = arith.mulf %mul3A_80, %add3A_76 : vector<16xf32>
      %select_n3A = arith.select %gt3A_78, %add3A_76, %mul3A_81 : vector<16xi1>, vector<16xf32>
      %swap3A_82 = arith.index_cast %multiple_of3A : i32 to index
      %swap3A_83 = tpu.vector_load %arg11[%swap3A_82] {strides = array<i32>} : memref<10000xf32, #tpu.memory_space<vmem>>, vector<16xf32>,
      tpu.vector_store %arg11[%swap3A_82], %select_n3A {strides = array<i32>} : memref<10000xf32, #tpu.memory_space<vmem>>, vector<16xf32>,
      %max3A = arith.maximumf %scan3A_65, %select_n3A : vector<16xf32>
      scf.yield %max3A : vector<16xf32>
    }
    %scan3A_60 = arith.constant 625 : i32
    %swap3A = arith.constant 0 : index
    %swap3A_61 = tpu.vector_load %arg15[%swap3A] {strides = array<i32>} : memref<16xf32, #tpu.memory_space<vmem>>, vector<16xf32>,
    tpu.vector_store %arg15[%swap3A], %scan3A_59 {strides = array<i32>} : memref<16xf32, #tpu.memory_space<vmem>>, vector<16xf32>,
    "tpu.region"() ({
      %run_scoped3A = tpu.sem_alloc : memref<!tpu.dma_semaphore, #tpu.memory_space<semaphore_mem>>
      %dma_start3A_64 = tpu.memref_slice %arg6[%mul3A_2] : memref<320000xf32, #tpu.memory_space<hbm>> -> memref<10000xf32, #tpu.memory_space<hbm>>
      %dma_start3A_65 = tpu.memref_slice %arg6[%mul3A_2] : memref<320000xf32, #tpu.memory_space<hbm>> -> memref<10000xf32, #tpu.memory_space<hbm>>
      tpu.enqueue_dma source(%arg11 : memref<10000xf32, #tpu.memory_space<vmem>>) target(%dma_start3A_65 : memref<10000xf32, #tpu.memory_space<hbm>>) target_semaphore(%run_scoped3A : memref<!tpu.dma_semaphore, #tpu.memory_space<semaphore_mem>>)
      %dma_wait3A_66 = tpu.memref_slice %arg6[%mul3A_2] : memref<320000xf32, #tpu.memory_space<hbm>> -> memref<10000xf32, #tpu.memory_space<hbm>>
      %dma_wait3A_67 = tpu.memref_slice %arg6[%mul3A_2] : memref<320000xf32, #tpu.memory_space<hbm>> -> memref<10000xf32, #tpu.memory_space<hbm>>
      tpu.wait_dma2 semaphore(%run_scoped3A : memref<!tpu.dma_semaphore, #tpu.memory_space<semaphore_mem>>) src(%arg11 : memref<10000xf32, #tpu.memory_space<vmem>>) dst(%dma_wait3A_67 : memref<10000xf32, #tpu.memory_space<hbm>>)
      tpu.yield
    }) : () -> ()
    %mul3A_62 = arith.constant 16 : i32
    %mul3A_63 = arith.muli %add3A, %mul3A_62 : i32
    "tpu.region"() ({
      %run_scoped3A = tpu.sem_alloc : memref<!tpu.dma_semaphore, #tpu.memory_space<semaphore_mem>>
      %dma_start3A_64 = tpu.memref_slice %arg7[%mul3A_63] : memref<512xf32, #tpu.memory_space<hbm>> -> memref<16xf32, #tpu.memory_space<hbm>>
      %dma_start3A_65 = tpu.memref_slice %arg7[%mul3A_63] : memref<512xf32, #tpu.memory_space<hbm>> -> memref<16xf32, #tpu.memory_space<hbm>>
      tpu.enqueue_dma source(%arg15 : memref<16xf32, #tpu.memory_space<vmem>>) target(%dma_start3A_65 : memref<16xf32, #tpu.memory_space<hbm>>) target_semaphore(%run_scoped3A : memref<!tpu.dma_semaphore, #tpu.memory_space<semaphore_mem>>)
      %dma_wait3A_66 = tpu.memref_slice %arg7[%mul3A_63] : memref<512xf32, #tpu.memory_space<hbm>> -> memref<16xf32, #tpu.memory_space<hbm>>
      %dma_wait3A_67 = tpu.memref_slice %arg7[%mul3A_63] : memref<512xf32, #tpu.memory_space<hbm>> -> memref<16xf32, #tpu.memory_space<hbm>>
      tpu.wait_dma2 semaphore(%run_scoped3A : memref<!tpu.dma_semaphore, #tpu.memory_space<semaphore_mem>>) src(%arg15 : memref<16xf32, #tpu.memory_space<vmem>>) dst(%dma_wait3A_67 : memref<16xf32, #tpu.memory_space<hbm>>)
      tpu.yield
    }) : () -> ()
    return
  }
}

#map = affine_map<(d0, d1) -> (0)>
#map1 = affine_map<(d0, d1) -> (0, 0)>
#map2 = affine_map<(d0, d1) -> (0, 0, 0)>
module attributes {stable_mosaic.version = 14 : i64} {
  func.func @_accum(%arg0: i32, %arg1: i32, %arg2: memref<320000xi32, #tpu.memory_space<hbm>>, %arg3: memref<320000xi32, #tpu.memory_space<hbm>>, %arg4: memref<320000xf32, #tpu.memory_space<hbm>>, %arg5: memref<512xf32, #tpu.memory_space<hbm>>, %arg6: memref<10000x128xf32, #tpu.memory_space<hbm>>, %arg7: memref<80x128xf32, #tpu.memory_space<hbm>>, %arg8: memref<1000xf32, #tpu.memory_space<hbm>>, %arg9: memref<2x10000x128xf32, #tpu.memory_space<hbm>>, %arg10: memref<20000xf32, #tpu.memory_space<hbm>>, %arg11: memref<80xi32, #tpu.memory_space<vmem>>, %arg12: memref<80xi32, #tpu.memory_space<vmem>>, %arg13: memref<80xi32, #tpu.memory_space<vmem>>, %arg14: memref<80xi32, #tpu.memory_space<vmem>>, %arg15: memref<80xi32, #tpu.memory_space<vmem>>, %arg16: memref<80xi32, #tpu.memory_space<vmem>>, %arg17: memref<80xi32, #tpu.memory_space<vmem>>, %arg18: memref<80xi32, #tpu.memory_space<vmem>>, %arg19: memref<80xf32, #tpu.memory_space<vmem>>, %arg20: memref<80xf32, #tpu.memory_space<vmem>>, %arg21: memref<80xf32, #tpu.memory_space<vmem>>, %arg22: memref<80xf32, #tpu.memory_space<vmem>>, %arg23: memref<80xf32, #tpu.memory_space<vmem>>, %arg24: memref<80xf32, #tpu.memory_space<vmem>>, %arg25: memref<80xf32, #tpu.memory_space<vmem>>, %arg26: memref<80xf32, #tpu.memory_space<vmem>>, %arg27: memref<80x128xf32, #tpu.memory_space<vmem>>, %arg28: memref<80x128xf32, #tpu.memory_space<vmem>>, %arg29: memref<80x128xf32, #tpu.memory_space<vmem>>, %arg30: memref<80x128xf32, #tpu.memory_space<vmem>>, %arg31: memref<1000xf32, #tpu.memory_space<vmem>>, %arg32: memref<512xf32, #tpu.memory_space<vmem>>, %arg33: memref<10000x128xf32, #tpu.memory_space<vmem_shared>>, %arg34: memref<10000xf32, #tpu.memory_space<vmem_shared>>, %arg35: memref<!tpu.dma_semaphore, #tpu.memory_space<semaphore_mem>>, %arg36: memref<!tpu.dma_semaphore, #tpu.memory_space<semaphore_mem>>, %arg37: memref<!tpu.dma_semaphore, #tpu.memory_space<semaphore_mem>>, %arg38: memref<!tpu.dma_semaphore, #tpu.memory_space<semaphore_mem>>, %arg39: memref<!tpu.dma_semaphore, #tpu.memory_space<semaphore_mem>>, %arg40: memref<!tpu.dma_semaphore, #tpu.memory_space<semaphore_mem>>, %arg41: memref<!tpu.dma_semaphore, #tpu.memory_space<semaphore_mem>>, %arg42: memref<!tpu.dma_semaphore, #tpu.memory_space<semaphore_mem>>, %arg43: memref<!tpu.dma_semaphore, #tpu.memory_space<semaphore_mem>>, %arg44: memref<!tpu.dma_semaphore, #tpu.memory_space<semaphore_mem>>, %arg45: memref<!tpu.dma_semaphore, #tpu.memory_space<semaphore_mem>>, %arg46: memref<!tpu.dma_semaphore, #tpu.memory_space<semaphore_mem>>, %arg47: memref<!tpu.dma_semaphore, #tpu.memory_space<semaphore_mem>>, %arg48: memref<!tpu.dma_semaphore, #tpu.memory_space<semaphore_mem>>, %arg49: memref<!tpu.dma_semaphore, #tpu.memory_space<semaphore_mem>>, %arg50: memref<!tpu.dma_semaphore, #tpu.memory_space<semaphore_mem>>) attributes {dimension_semantics = [#tpu.dimension_semantics<core_parallel>, #tpu.dimension_semantics<subcore_parallel>], iteration_bounds = array<i64: 2, 16>, scalar_prefetch = 0 : i64, scratch_operands = 40 : i64, tpu.core_type = #tpu.core_type<sc_vector_subcore>, window_params = [{transform_indices = #map}, {transform_indices = #map}, {transform_indices = #map}, {transform_indices = #map}, {transform_indices = #map1}, {transform_indices = #map1}, {transform_indices = #map}, {transform_indices = #map2}, {transform_indices = #map}]} {
    %mul3A = arith.constant 2 : i32
    %mul3A_0 = arith.muli %arg1, %mul3A : i32
    %add3A = arith.addi %mul3A_0, %arg0 : i32
    %mul3A_1 = arith.constant 10000 : i32
    %mul3A_2 = arith.muli %add3A, %mul3A_1 : i32
    "tpu.region"() ({
      %run_scoped3A = tpu.sem_alloc : memref<!tpu.dma_semaphore, #tpu.memory_space<semaphore_mem>>
      tpu.enqueue_dma source(%arg7 : memref<80x128xf32, #tpu.memory_space<hbm>>) target(%arg27 : memref<80x128xf32, #tpu.memory_space<vmem>>) target_semaphore(%run_scoped3A : memref<!tpu.dma_semaphore, #tpu.memory_space<semaphore_mem>>)
      tpu.wait_dma2 semaphore(%run_scoped3A : memref<!tpu.dma_semaphore, #tpu.memory_space<semaphore_mem>>) src(%arg7 : memref<80x128xf32, #tpu.memory_space<hbm>>) dst(%arg27 : memref<80x128xf32, #tpu.memory_space<vmem>>)
      tpu.yield
    }) : () -> ()
    %add3A_3 = arith.constant 0 : i32
    %add3A_4 = arith.addi %arg1, %add3A_3 : i32
    %lt3A = arith.constant 125 : i32
    %lt3A_5 = arith.cmpi slt, %add3A_4, %lt3A : i32
    %convert_element_type3A = arith.extui %lt3A_5 : i1 to i32
    %cond3A = arith.constant 0 : i32
    %cond3A_6 = arith.cmpi ne, %convert_element_type3A, %cond3A : i32
    scf.if %cond3A_6 {
      %mul3A_442 = arith.constant 80 : i32
      %mul3A_443 = arith.muli %add3A_4, %mul3A_442 : i32
      %dma_start3A_444 = arith.constant 0 : i32
      %dma_start3A_445 = tpu.memref_slice %arg33[%mul3A_443, %dma_start3A_444] : memref<10000x128xf32, #tpu.memory_space<vmem_shared>> -> memref<80x128xf32, #tpu.memory_space<vmem_shared>>
      %dma_start3A_446 = arith.constant 0 : i32
      %dma_start3A_447 = tpu.memref_slice %arg33[%mul3A_443, %dma_start3A_446] : memref<10000x128xf32, #tpu.memory_space<vmem_shared>> -> memref<80x128xf32, #tpu.memory_space<vmem_shared>>
      tpu.enqueue_dma source(%arg27 : memref<80x128xf32, #tpu.memory_space<vmem>>) target(%dma_start3A_447 : memref<80x128xf32, #tpu.memory_space<vmem_shared>>) target_semaphore(%arg43 : memref<!tpu.dma_semaphore, #tpu.memory_space<semaphore_mem>>)
    } else {
    }
    %add3A_7 = arith.constant 16 : i32
    %add3A_8 = arith.addi %arg1, %add3A_7 : i32
    %lt3A_9 = arith.constant 125 : i32
    %lt3A_10 = arith.cmpi slt, %add3A_8, %lt3A_9 : i32
    %convert_element_type3A_11 = arith.extui %lt3A_10 : i1 to i32
    %cond3A_12 = arith.constant 0 : i32
    %cond3A_13 = arith.cmpi ne, %convert_element_type3A_11, %cond3A_12 : i32
    scf.if %cond3A_13 {
      %mul3A_442 = arith.constant 80 : i32
      %mul3A_443 = arith.muli %add3A_8, %mul3A_442 : i32
      %dma_start3A_444 = arith.constant 0 : i32
      %dma_start3A_445 = tpu.memref_slice %arg33[%mul3A_443, %dma_start3A_444] : memref<10000x128xf32, #tpu.memory_space<vmem_shared>> -> memref<80x128xf32, #tpu.memory_space<vmem_shared>>
      %dma_start3A_446 = arith.constant 0 : i32
      %dma_start3A_447 = tpu.memref_slice %arg33[%mul3A_443, %dma_start3A_446] : memref<10000x128xf32, #tpu.memory_space<vmem_shared>> -> memref<80x128xf32, #tpu.memory_space<vmem_shared>>
      tpu.enqueue_dma source(%arg27 : memref<80x128xf32, #tpu.memory_space<vmem>>) target(%dma_start3A_447 : memref<80x128xf32, #tpu.memory_space<vmem_shared>>) target_semaphore(%arg44 : memref<!tpu.dma_semaphore, #tpu.memory_space<semaphore_mem>>)
    } else {
    }
    %add3A_14 = arith.constant 32 : i32
    %add3A_15 = arith.addi %arg1, %add3A_14 : i32
    %lt3A_16 = arith.constant 125 : i32
    %lt3A_17 = arith.cmpi slt, %add3A_15, %lt3A_16 : i32
    %convert_element_type3A_18 = arith.extui %lt3A_17 : i1 to i32
    %cond3A_19 = arith.constant 0 : i32
    %cond3A_20 = arith.cmpi ne, %convert_element_type3A_18, %cond3A_19 : i32
    scf.if %cond3A_20 {
      %mul3A_442 = arith.constant 80 : i32
      %mul3A_443 = arith.muli %add3A_15, %mul3A_442 : i32
      %dma_start3A_444 = arith.constant 0 : i32
      %dma_start3A_445 = tpu.memref_slice %arg33[%mul3A_443, %dma_start3A_444] : memref<10000x128xf32, #tpu.memory_space<vmem_shared>> -> memref<80x128xf32, #tpu.memory_space<vmem_shared>>
      %dma_start3A_446 = arith.constant 0 : i32
      %dma_start3A_447 = tpu.memref_slice %arg33[%mul3A_443, %dma_start3A_446] : memref<10000x128xf32, #tpu.memory_space<vmem_shared>> -> memref<80x128xf32, #tpu.memory_space<vmem_shared>>
      tpu.enqueue_dma source(%arg27 : memref<80x128xf32, #tpu.memory_space<vmem>>) target(%dma_start3A_447 : memref<80x128xf32, #tpu.memory_space<vmem_shared>>) target_semaphore(%arg45 : memref<!tpu.dma_semaphore, #tpu.memory_space<semaphore_mem>>)
    } else {
    }
    %add3A_21 = arith.constant 48 : i32
    %add3A_22 = arith.addi %arg1, %add3A_21 : i32
    %lt3A_23 = arith.constant 125 : i32
    %lt3A_24 = arith.cmpi slt, %add3A_22, %lt3A_23 : i32
    %convert_element_type3A_25 = arith.extui %lt3A_24 : i1 to i32
    %cond3A_26 = arith.constant 0 : i32
    %cond3A_27 = arith.cmpi ne, %convert_element_type3A_25, %cond3A_26 : i32
    scf.if %cond3A_27 {
      %mul3A_442 = arith.constant 80 : i32
      %mul3A_443 = arith.muli %add3A_22, %mul3A_442 : i32
      %dma_start3A_444 = arith.constant 0 : i32
      %dma_start3A_445 = tpu.memref_slice %arg33[%mul3A_443, %dma_start3A_444] : memref<10000x128xf32, #tpu.memory_space<vmem_shared>> -> memref<80x128xf32, #tpu.memory_space<vmem_shared>>
      %dma_start3A_446 = arith.constant 0 : i32
      %dma_start3A_447 = tpu.memref_slice %arg33[%mul3A_443, %dma_start3A_446] : memref<10000x128xf32, #tpu.memory_space<vmem_shared>> -> memref<80x128xf32, #tpu.memory_space<vmem_shared>>
      tpu.enqueue_dma source(%arg27 : memref<80x128xf32, #tpu.memory_space<vmem>>) target(%dma_start3A_447 : memref<80x128xf32, #tpu.memory_space<vmem_shared>>) target_semaphore(%arg46 : memref<!tpu.dma_semaphore, #tpu.memory_space<semaphore_mem>>)
    } else {
    }
    %add3A_28 = arith.constant 64 : i32
    %add3A_29 = arith.addi %arg1, %add3A_28 : i32
    %lt3A_30 = arith.constant 125 : i32
    %lt3A_31 = arith.cmpi slt, %add3A_29, %lt3A_30 : i32
    %convert_element_type3A_32 = arith.extui %lt3A_31 : i1 to i32
    %cond3A_33 = arith.constant 0 : i32
    %cond3A_34 = arith.cmpi ne, %convert_element_type3A_32, %cond3A_33 : i32
    scf.if %cond3A_34 {
      %mul3A_442 = arith.constant 80 : i32
      %mul3A_443 = arith.muli %add3A_29, %mul3A_442 : i32
      %dma_start3A_444 = arith.constant 0 : i32
      %dma_start3A_445 = tpu.memref_slice %arg33[%mul3A_443, %dma_start3A_444] : memref<10000x128xf32, #tpu.memory_space<vmem_shared>> -> memref<80x128xf32, #tpu.memory_space<vmem_shared>>
      %dma_start3A_446 = arith.constant 0 : i32
      %dma_start3A_447 = tpu.memref_slice %arg33[%mul3A_443, %dma_start3A_446] : memref<10000x128xf32, #tpu.memory_space<vmem_shared>> -> memref<80x128xf32, #tpu.memory_space<vmem_shared>>
      tpu.enqueue_dma source(%arg27 : memref<80x128xf32, #tpu.memory_space<vmem>>) target(%dma_start3A_447 : memref<80x128xf32, #tpu.memory_space<vmem_shared>>) target_semaphore(%arg43 : memref<!tpu.dma_semaphore, #tpu.memory_space<semaphore_mem>>)
    } else {
    }
    %add3A_35 = arith.constant 80 : i32
    %add3A_36 = arith.addi %arg1, %add3A_35 : i32
    %lt3A_37 = arith.constant 125 : i32
    %lt3A_38 = arith.cmpi slt, %add3A_36, %lt3A_37 : i32
    %convert_element_type3A_39 = arith.extui %lt3A_38 : i1 to i32
    %cond3A_40 = arith.constant 0 : i32
    %cond3A_41 = arith.cmpi ne, %convert_element_type3A_39, %cond3A_40 : i32
    scf.if %cond3A_41 {
      %mul3A_442 = arith.constant 80 : i32
      %mul3A_443 = arith.muli %add3A_36, %mul3A_442 : i32
      %dma_start3A_444 = arith.constant 0 : i32
      %dma_start3A_445 = tpu.memref_slice %arg33[%mul3A_443, %dma_start3A_444] : memref<10000x128xf32, #tpu.memory_space<vmem_shared>> -> memref<80x128xf32, #tpu.memory_space<vmem_shared>>
      %dma_start3A_446 = arith.constant 0 : i32
      %dma_start3A_447 = tpu.memref_slice %arg33[%mul3A_443, %dma_start3A_446] : memref<10000x128xf32, #tpu.memory_space<vmem_shared>> -> memref<80x128xf32, #tpu.memory_space<vmem_shared>>
      tpu.enqueue_dma source(%arg27 : memref<80x128xf32, #tpu.memory_space<vmem>>) target(%dma_start3A_447 : memref<80x128xf32, #tpu.memory_space<vmem_shared>>) target_semaphore(%arg44 : memref<!tpu.dma_semaphore, #tpu.memory_space<semaphore_mem>>)
    } else {
    }
    %add3A_42 = arith.constant 96 : i32
    %add3A_43 = arith.addi %arg1, %add3A_42 : i32
    %lt3A_44 = arith.constant 125 : i32
    %lt3A_45 = arith.cmpi slt, %add3A_43, %lt3A_44 : i32
    %convert_element_type3A_46 = arith.extui %lt3A_45 : i1 to i32
    %cond3A_47 = arith.constant 0 : i32
    %cond3A_48 = arith.cmpi ne, %convert_element_type3A_46, %cond3A_47 : i32
    scf.if %cond3A_48 {
      %mul3A_442 = arith.constant 80 : i32
      %mul3A_443 = arith.muli %add3A_43, %mul3A_442 : i32
      %dma_start3A_444 = arith.constant 0 : i32
      %dma_start3A_445 = tpu.memref_slice %arg33[%mul3A_443, %dma_start3A_444] : memref<10000x128xf32, #tpu.memory_space<vmem_shared>> -> memref<80x128xf32, #tpu.memory_space<vmem_shared>>
      %dma_start3A_446 = arith.constant 0 : i32
      %dma_start3A_447 = tpu.memref_slice %arg33[%mul3A_443, %dma_start3A_446] : memref<10000x128xf32, #tpu.memory_space<vmem_shared>> -> memref<80x128xf32, #tpu.memory_space<vmem_shared>>
      tpu.enqueue_dma source(%arg27 : memref<80x128xf32, #tpu.memory_space<vmem>>) target(%dma_start3A_447 : memref<80x128xf32, #tpu.memory_space<vmem_shared>>) target_semaphore(%arg45 : memref<!tpu.dma_semaphore, #tpu.memory_space<semaphore_mem>>)
    } else {
    }
    %add3A_49 = arith.constant 112 : i32
    %add3A_50 = arith.addi %arg1, %add3A_49 : i32
    %lt3A_51 = arith.constant 125 : i32
    %lt3A_52 = arith.cmpi slt, %add3A_50, %lt3A_51 : i32
    %convert_element_type3A_53 = arith.extui %lt3A_52 : i1 to i32
    %cond3A_54 = arith.constant 0 : i32
    %cond3A_55 = arith.cmpi ne, %convert_element_type3A_53, %cond3A_54 : i32
    scf.if %cond3A_55 {
      %mul3A_442 = arith.constant 80 : i32
      %mul3A_443 = arith.muli %add3A_50, %mul3A_442 : i32
      %dma_start3A_444 = arith.constant 0 : i32
      %dma_start3A_445 = tpu.memref_slice %arg33[%mul3A_443, %dma_start3A_444] : memref<10000x128xf32, #tpu.memory_space<vmem_shared>> -> memref<80x128xf32, #tpu.memory_space<vmem_shared>>
      %dma_start3A_446 = arith.constant 0 : i32
      %dma_start3A_447 = tpu.memref_slice %arg33[%mul3A_443, %dma_start3A_446] : memref<10000x128xf32, #tpu.memory_space<vmem_shared>> -> memref<80x128xf32, #tpu.memory_space<vmem_shared>>
      tpu.enqueue_dma source(%arg27 : memref<80x128xf32, #tpu.memory_space<vmem>>) target(%dma_start3A_447 : memref<80x128xf32, #tpu.memory_space<vmem_shared>>) target_semaphore(%arg46 : memref<!tpu.dma_semaphore, #tpu.memory_space<semaphore_mem>>)
    } else {
    }
    %add3A_56 = arith.constant 0 : i32
    %add3A_57 = arith.addi %arg1, %add3A_56 : i32
    %lt3A_58 = arith.constant 125 : i32
    %lt3A_59 = arith.cmpi slt, %add3A_57, %lt3A_58 : i32
    %convert_element_type3A_60 = arith.extui %lt3A_59 : i1 to i32
    %cond3A_61 = arith.constant 0 : i32
    %cond3A_62 = arith.cmpi ne, %convert_element_type3A_60, %cond3A_61 : i32
    scf.if %cond3A_62 {
      %mul3A_442 = arith.constant 80 : i32
      %mul3A_443 = arith.muli %add3A_57, %mul3A_442 : i32
      %dma_wait3A_444 = arith.constant 0 : i32
      %dma_wait3A_445 = tpu.memref_slice %arg33[%mul3A_443, %dma_wait3A_444] : memref<10000x128xf32, #tpu.memory_space<vmem_shared>> -> memref<80x128xf32, #tpu.memory_space<vmem_shared>>
      %dma_wait3A_446 = arith.constant 0 : i32
      %dma_wait3A_447 = tpu.memref_slice %arg33[%mul3A_443, %dma_wait3A_446] : memref<10000x128xf32, #tpu.memory_space<vmem_shared>> -> memref<80x128xf32, #tpu.memory_space<vmem_shared>>
      tpu.wait_dma2 semaphore(%arg43 : memref<!tpu.dma_semaphore, #tpu.memory_space<semaphore_mem>>) src(%arg27 : memref<80x128xf32, #tpu.memory_space<vmem>>) dst(%dma_wait3A_447 : memref<80x128xf32, #tpu.memory_space<vmem_shared>>)
    } else {
    }
    %add3A_63 = arith.constant 16 : i32
    %add3A_64 = arith.addi %arg1, %add3A_63 : i32
    %lt3A_65 = arith.constant 125 : i32
    %lt3A_66 = arith.cmpi slt, %add3A_64, %lt3A_65 : i32
    %convert_element_type3A_67 = arith.extui %lt3A_66 : i1 to i32
    %cond3A_68 = arith.constant 0 : i32
    %cond3A_69 = arith.cmpi ne, %convert_element_type3A_67, %cond3A_68 : i32
    scf.if %cond3A_69 {
      %mul3A_442 = arith.constant 80 : i32
      %mul3A_443 = arith.muli %add3A_64, %mul3A_442 : i32
      %dma_wait3A_444 = arith.constant 0 : i32
      %dma_wait3A_445 = tpu.memref_slice %arg33[%mul3A_443, %dma_wait3A_444] : memref<10000x128xf32, #tpu.memory_space<vmem_shared>> -> memref<80x128xf32, #tpu.memory_space<vmem_shared>>
      %dma_wait3A_446 = arith.constant 0 : i32
      %dma_wait3A_447 = tpu.memref_slice %arg33[%mul3A_443, %dma_wait3A_446] : memref<10000x128xf32, #tpu.memory_space<vmem_shared>> -> memref<80x128xf32, #tpu.memory_space<vmem_shared>>
      tpu.wait_dma2 semaphore(%arg44 : memref<!tpu.dma_semaphore, #tpu.memory_space<semaphore_mem>>) src(%arg27 : memref<80x128xf32, #tpu.memory_space<vmem>>) dst(%dma_wait3A_447 : memref<80x128xf32, #tpu.memory_space<vmem_shared>>)
    } else {
    }
    %add3A_70 = arith.constant 32 : i32
    %add3A_71 = arith.addi %arg1, %add3A_70 : i32
    %lt3A_72 = arith.constant 125 : i32
    %lt3A_73 = arith.cmpi slt, %add3A_71, %lt3A_72 : i32
    %convert_element_type3A_74 = arith.extui %lt3A_73 : i1 to i32
    %cond3A_75 = arith.constant 0 : i32
    %cond3A_76 = arith.cmpi ne, %convert_element_type3A_74, %cond3A_75 : i32
    scf.if %cond3A_76 {
      %mul3A_442 = arith.constant 80 : i32
      %mul3A_443 = arith.muli %add3A_71, %mul3A_442 : i32
      %dma_wait3A_444 = arith.constant 0 : i32
      %dma_wait3A_445 = tpu.memref_slice %arg33[%mul3A_443, %dma_wait3A_444] : memref<10000x128xf32, #tpu.memory_space<vmem_shared>> -> memref<80x128xf32, #tpu.memory_space<vmem_shared>>
      %dma_wait3A_446 = arith.constant 0 : i32
      %dma_wait3A_447 = tpu.memref_slice %arg33[%mul3A_443, %dma_wait3A_446] : memref<10000x128xf32, #tpu.memory_space<vmem_shared>> -> memref<80x128xf32, #tpu.memory_space<vmem_shared>>
      tpu.wait_dma2 semaphore(%arg45 : memref<!tpu.dma_semaphore, #tpu.memory_space<semaphore_mem>>) src(%arg27 : memref<80x128xf32, #tpu.memory_space<vmem>>) dst(%dma_wait3A_447 : memref<80x128xf32, #tpu.memory_space<vmem_shared>>)
    } else {
    }
    %add3A_77 = arith.constant 48 : i32
    %add3A_78 = arith.addi %arg1, %add3A_77 : i32
    %lt3A_79 = arith.constant 125 : i32
    %lt3A_80 = arith.cmpi slt, %add3A_78, %lt3A_79 : i32
    %convert_element_type3A_81 = arith.extui %lt3A_80 : i1 to i32
    %cond3A_82 = arith.constant 0 : i32
    %cond3A_83 = arith.cmpi ne, %convert_element_type3A_81, %cond3A_82 : i32
    scf.if %cond3A_83 {
      %mul3A_442 = arith.constant 80 : i32
      %mul3A_443 = arith.muli %add3A_78, %mul3A_442 : i32
      %dma_wait3A_444 = arith.constant 0 : i32
      %dma_wait3A_445 = tpu.memref_slice %arg33[%mul3A_443, %dma_wait3A_444] : memref<10000x128xf32, #tpu.memory_space<vmem_shared>> -> memref<80x128xf32, #tpu.memory_space<vmem_shared>>
      %dma_wait3A_446 = arith.constant 0 : i32
      %dma_wait3A_447 = tpu.memref_slice %arg33[%mul3A_443, %dma_wait3A_446] : memref<10000x128xf32, #tpu.memory_space<vmem_shared>> -> memref<80x128xf32, #tpu.memory_space<vmem_shared>>
      tpu.wait_dma2 semaphore(%arg46 : memref<!tpu.dma_semaphore, #tpu.memory_space<semaphore_mem>>) src(%arg27 : memref<80x128xf32, #tpu.memory_space<vmem>>) dst(%dma_wait3A_447 : memref<80x128xf32, #tpu.memory_space<vmem_shared>>)
    } else {
    }
    %add3A_84 = arith.constant 64 : i32
    %add3A_85 = arith.addi %arg1, %add3A_84 : i32
    %lt3A_86 = arith.constant 125 : i32
    %lt3A_87 = arith.cmpi slt, %add3A_85, %lt3A_86 : i32
    %convert_element_type3A_88 = arith.extui %lt3A_87 : i1 to i32
    %cond3A_89 = arith.constant 0 : i32
    %cond3A_90 = arith.cmpi ne, %convert_element_type3A_88, %cond3A_89 : i32
    scf.if %cond3A_90 {
      %mul3A_442 = arith.constant 80 : i32
      %mul3A_443 = arith.muli %add3A_85, %mul3A_442 : i32
      %dma_wait3A_444 = arith.constant 0 : i32
      %dma_wait3A_445 = tpu.memref_slice %arg33[%mul3A_443, %dma_wait3A_444] : memref<10000x128xf32, #tpu.memory_space<vmem_shared>> -> memref<80x128xf32, #tpu.memory_space<vmem_shared>>
      %dma_wait3A_446 = arith.constant 0 : i32
      %dma_wait3A_447 = tpu.memref_slice %arg33[%mul3A_443, %dma_wait3A_446] : memref<10000x128xf32, #tpu.memory_space<vmem_shared>> -> memref<80x128xf32, #tpu.memory_space<vmem_shared>>
      tpu.wait_dma2 semaphore(%arg43 : memref<!tpu.dma_semaphore, #tpu.memory_space<semaphore_mem>>) src(%arg27 : memref<80x128xf32, #tpu.memory_space<vmem>>) dst(%dma_wait3A_447 : memref<80x128xf32, #tpu.memory_space<vmem_shared>>)
    } else {
    }
    %add3A_91 = arith.constant 80 : i32
    %add3A_92 = arith.addi %arg1, %add3A_91 : i32
    %lt3A_93 = arith.constant 125 : i32
    %lt3A_94 = arith.cmpi slt, %add3A_92, %lt3A_93 : i32
    %convert_element_type3A_95 = arith.extui %lt3A_94 : i1 to i32
    %cond3A_96 = arith.constant 0 : i32
    %cond3A_97 = arith.cmpi ne, %convert_element_type3A_95, %cond3A_96 : i32
    scf.if %cond3A_97 {
      %mul3A_442 = arith.constant 80 : i32
      %mul3A_443 = arith.muli %add3A_92, %mul3A_442 : i32
      %dma_wait3A_444 = arith.constant 0 : i32
      %dma_wait3A_445 = tpu.memref_slice %arg33[%mul3A_443, %dma_wait3A_444] : memref<10000x128xf32, #tpu.memory_space<vmem_shared>> -> memref<80x128xf32, #tpu.memory_space<vmem_shared>>
      %dma_wait3A_446 = arith.constant 0 : i32
      %dma_wait3A_447 = tpu.memref_slice %arg33[%mul3A_443, %dma_wait3A_446] : memref<10000x128xf32, #tpu.memory_space<vmem_shared>> -> memref<80x128xf32, #tpu.memory_space<vmem_shared>>
      tpu.wait_dma2 semaphore(%arg44 : memref<!tpu.dma_semaphore, #tpu.memory_space<semaphore_mem>>) src(%arg27 : memref<80x128xf32, #tpu.memory_space<vmem>>) dst(%dma_wait3A_447 : memref<80x128xf32, #tpu.memory_space<vmem_shared>>)
    } else {
    }
    %add3A_98 = arith.constant 96 : i32
    %add3A_99 = arith.addi %arg1, %add3A_98 : i32
    %lt3A_100 = arith.constant 125 : i32
    %lt3A_101 = arith.cmpi slt, %add3A_99, %lt3A_100 : i32
    %convert_element_type3A_102 = arith.extui %lt3A_101 : i1 to i32
    %cond3A_103 = arith.constant 0 : i32
    %cond3A_104 = arith.cmpi ne, %convert_element_type3A_102, %cond3A_103 : i32
    scf.if %cond3A_104 {
      %mul3A_442 = arith.constant 80 : i32
      %mul3A_443 = arith.muli %add3A_99, %mul3A_442 : i32
      %dma_wait3A_444 = arith.constant 0 : i32
      %dma_wait3A_445 = tpu.memref_slice %arg33[%mul3A_443, %dma_wait3A_444] : memref<10000x128xf32, #tpu.memory_space<vmem_shared>> -> memref<80x128xf32, #tpu.memory_space<vmem_shared>>
      %dma_wait3A_446 = arith.constant 0 : i32
      %dma_wait3A_447 = tpu.memref_slice %arg33[%mul3A_443, %dma_wait3A_446] : memref<10000x128xf32, #tpu.memory_space<vmem_shared>> -> memref<80x128xf32, #tpu.memory_space<vmem_shared>>
      tpu.wait_dma2 semaphore(%arg45 : memref<!tpu.dma_semaphore, #tpu.memory_space<semaphore_mem>>) src(%arg27 : memref<80x128xf32, #tpu.memory_space<vmem>>) dst(%dma_wait3A_447 : memref<80x128xf32, #tpu.memory_space<vmem_shared>>)
    } else {
    }
    %add3A_105 = arith.constant 112 : i32
    %add3A_106 = arith.addi %arg1, %add3A_105 : i32
    %lt3A_107 = arith.constant 125 : i32
    %lt3A_108 = arith.cmpi slt, %add3A_106, %lt3A_107 : i32
    %convert_element_type3A_109 = arith.extui %lt3A_108 : i1 to i32
    %cond3A_110 = arith.constant 0 : i32
    %cond3A_111 = arith.cmpi ne, %convert_element_type3A_109, %cond3A_110 : i32
    scf.if %cond3A_111 {
      %mul3A_442 = arith.constant 80 : i32
      %mul3A_443 = arith.muli %add3A_106, %mul3A_442 : i32
      %dma_wait3A_444 = arith.constant 0 : i32
      %dma_wait3A_445 = tpu.memref_slice %arg33[%mul3A_443, %dma_wait3A_444] : memref<10000x128xf32, #tpu.memory_space<vmem_shared>> -> memref<80x128xf32, #tpu.memory_space<vmem_shared>>
      %dma_wait3A_446 = arith.constant 0 : i32
      %dma_wait3A_447 = tpu.memref_slice %arg33[%mul3A_443, %dma_wait3A_446] : memref<10000x128xf32, #tpu.memory_space<vmem_shared>> -> memref<80x128xf32, #tpu.memory_space<vmem_shared>>
      tpu.wait_dma2 semaphore(%arg46 : memref<!tpu.dma_semaphore, #tpu.memory_space<semaphore_mem>>) src(%arg27 : memref<80x128xf32, #tpu.memory_space<vmem>>) dst(%dma_wait3A_447 : memref<80x128xf32, #tpu.memory_space<vmem_shared>>)
    } else {
    }
    %lt3A_112 = arith.constant 10 : i32
    %lt3A_113 = arith.cmpi slt, %arg1, %lt3A_112 : i32
    %convert_element_type3A_114 = arith.extui %lt3A_113 : i1 to i32
    %cond3A_115 = arith.constant 0 : i32
    %cond3A_116 = arith.cmpi ne, %convert_element_type3A_114, %cond3A_115 : i32
    scf.if %cond3A_116 {
      "tpu.region"() ({
        %run_scoped3A = tpu.sem_alloc : memref<!tpu.dma_semaphore, #tpu.memory_space<semaphore_mem>>
        tpu.enqueue_dma source(%arg8 : memref<1000xf32, #tpu.memory_space<hbm>>) target(%arg31 : memref<1000xf32, #tpu.memory_space<vmem>>) target_semaphore(%run_scoped3A : memref<!tpu.dma_semaphore, #tpu.memory_space<semaphore_mem>>)
        tpu.wait_dma2 semaphore(%run_scoped3A : memref<!tpu.dma_semaphore, #tpu.memory_space<semaphore_mem>>) src(%arg8 : memref<1000xf32, #tpu.memory_space<hbm>>) dst(%arg31 : memref<1000xf32, #tpu.memory_space<vmem>>)
        tpu.yield
      }) : () -> ()
      %mul3A_442 = arith.constant 1000 : i32
      %mul3A_443 = arith.muli %arg1, %mul3A_442 : i32
      "tpu.region"() ({
        %run_scoped3A = tpu.sem_alloc : memref<!tpu.dma_semaphore, #tpu.memory_space<semaphore_mem>>
        %dma_start3A_444 = tpu.memref_slice %arg34[%mul3A_443] : memref<10000xf32, #tpu.memory_space<vmem_shared>> -> memref<1000xf32, #tpu.memory_space<vmem_shared>>
        %dma_start3A_445 = tpu.memref_slice %arg34[%mul3A_443] : memref<10000xf32, #tpu.memory_space<vmem_shared>> -> memref<1000xf32, #tpu.memory_space<vmem_shared>>
        tpu.enqueue_dma source(%arg31 : memref<1000xf32, #tpu.memory_space<vmem>>) target(%dma_start3A_445 : memref<1000xf32, #tpu.memory_space<vmem_shared>>) target_semaphore(%run_scoped3A : memref<!tpu.dma_semaphore, #tpu.memory_space<semaphore_mem>>)
        %dma_wait3A_446 = tpu.memref_slice %arg34[%mul3A_443] : memref<10000xf32, #tpu.memory_space<vmem_shared>> -> memref<1000xf32, #tpu.memory_space<vmem_shared>>
        %dma_wait3A_447 = tpu.memref_slice %arg34[%mul3A_443] : memref<10000xf32, #tpu.memory_space<vmem_shared>> -> memref<1000xf32, #tpu.memory_space<vmem_shared>>
        tpu.wait_dma2 semaphore(%run_scoped3A : memref<!tpu.dma_semaphore, #tpu.memory_space<semaphore_mem>>) src(%arg31 : memref<1000xf32, #tpu.memory_space<vmem>>) dst(%dma_wait3A_447 : memref<1000xf32, #tpu.memory_space<vmem_shared>>)
        tpu.yield
      }) : () -> ()
    } else {
    }
    %barrier3A = arith.constant 0 : index
    tpu.barrier barrier_id(%barrier3A)
    "tpu.region"() ({
      %run_scoped3A = tpu.sem_alloc : memref<!tpu.dma_semaphore, #tpu.memory_space<semaphore_mem>>
      tpu.enqueue_dma source(%arg5 : memref<512xf32, #tpu.memory_space<hbm>>) target(%arg32 : memref<512xf32, #tpu.memory_space<vmem>>) target_semaphore(%run_scoped3A : memref<!tpu.dma_semaphore, #tpu.memory_space<semaphore_mem>>)
      tpu.wait_dma2 semaphore(%run_scoped3A : memref<!tpu.dma_semaphore, #tpu.memory_space<semaphore_mem>>) src(%arg5 : memref<512xf32, #tpu.memory_space<hbm>>) dst(%arg32 : memref<512xf32, #tpu.memory_space<vmem>>)
      tpu.yield
    }) : () -> ()
    %get3A = arith.constant 0 : index
    %get3A_117 = tpu.vector_load %arg32[%get3A] {strides = array<i32>} : memref<512xf32, #tpu.memory_space<vmem>>, vector<16xf32>,
    %get3A_118 = arith.constant 16 : index
    %get3A_119 = tpu.vector_load %arg32[%get3A_118] {strides = array<i32>} : memref<512xf32, #tpu.memory_space<vmem>>, vector<16xf32>,
    %max3A = arith.maximumf %get3A_117, %get3A_119 : vector<16xf32>
    %get3A_120 = arith.constant 32 : index
    %get3A_121 = tpu.vector_load %arg32[%get3A_120] {strides = array<i32>} : memref<512xf32, #tpu.memory_space<vmem>>, vector<16xf32>,
    %max3A_122 = arith.maximumf %max3A, %get3A_121 : vector<16xf32>
    %get3A_123 = arith.constant 48 : index
    %get3A_124 = tpu.vector_load %arg32[%get3A_123] {strides = array<i32>} : memref<512xf32, #tpu.memory_space<vmem>>, vector<16xf32>,
    %max3A_125 = arith.maximumf %max3A_122, %get3A_124 : vector<16xf32>
    %get3A_126 = arith.constant 64 : index
    %get3A_127 = tpu.vector_load %arg32[%get3A_126] {strides = array<i32>} : memref<512xf32, #tpu.memory_space<vmem>>, vector<16xf32>,
    %max3A_128 = arith.maximumf %max3A_125, %get3A_127 : vector<16xf32>
    %get3A_129 = arith.constant 80 : index
    %get3A_130 = tpu.vector_load %arg32[%get3A_129] {strides = array<i32>} : memref<512xf32, #tpu.memory_space<vmem>>, vector<16xf32>,
    %max3A_131 = arith.maximumf %max3A_128, %get3A_130 : vector<16xf32>
    %get3A_132 = arith.constant 96 : index
    %get3A_133 = tpu.vector_load %arg32[%get3A_132] {strides = array<i32>} : memref<512xf32, #tpu.memory_space<vmem>>, vector<16xf32>,
    %max3A_134 = arith.maximumf %max3A_131, %get3A_133 : vector<16xf32>
    %get3A_135 = arith.constant 112 : index
    %get3A_136 = tpu.vector_load %arg32[%get3A_135] {strides = array<i32>} : memref<512xf32, #tpu.memory_space<vmem>>, vector<16xf32>,
    %max3A_137 = arith.maximumf %max3A_134, %get3A_136 : vector<16xf32>
    %get3A_138 = arith.constant 128 : index
    %get3A_139 = tpu.vector_load %arg32[%get3A_138] {strides = array<i32>} : memref<512xf32, #tpu.memory_space<vmem>>, vector<16xf32>,
    %max3A_140 = arith.maximumf %max3A_137, %get3A_139 : vector<16xf32>
    %get3A_141 = arith.constant 144 : index
    %get3A_142 = tpu.vector_load %arg32[%get3A_141] {strides = array<i32>} : memref<512xf32, #tpu.memory_space<vmem>>, vector<16xf32>,
    %max3A_143 = arith.maximumf %max3A_140, %get3A_142 : vector<16xf32>
    %get3A_144 = arith.constant 160 : index
    %get3A_145 = tpu.vector_load %arg32[%get3A_144] {strides = array<i32>} : memref<512xf32, #tpu.memory_space<vmem>>, vector<16xf32>,
    %max3A_146 = arith.maximumf %max3A_143, %get3A_145 : vector<16xf32>
    %get3A_147 = arith.constant 176 : index
    %get3A_148 = tpu.vector_load %arg32[%get3A_147] {strides = array<i32>} : memref<512xf32, #tpu.memory_space<vmem>>, vector<16xf32>,
    %max3A_149 = arith.maximumf %max3A_146, %get3A_148 : vector<16xf32>
    %get3A_150 = arith.constant 192 : index
    %get3A_151 = tpu.vector_load %arg32[%get3A_150] {strides = array<i32>} : memref<512xf32, #tpu.memory_space<vmem>>, vector<16xf32>,
    %max3A_152 = arith.maximumf %max3A_149, %get3A_151 : vector<16xf32>
    %get3A_153 = arith.constant 208 : index
    %get3A_154 = tpu.vector_load %arg32[%get3A_153] {strides = array<i32>} : memref<512xf32, #tpu.memory_space<vmem>>, vector<16xf32>,
    %max3A_155 = arith.maximumf %max3A_152, %get3A_154 : vector<16xf32>
    %get3A_156 = arith.constant 224 : index
    %get3A_157 = tpu.vector_load %arg32[%get3A_156] {strides = array<i32>} : memref<512xf32, #tpu.memory_space<vmem>>, vector<16xf32>,
    %max3A_158 = arith.maximumf %max3A_155, %get3A_157 : vector<16xf32>
    %get3A_159 = arith.constant 240 : index
    %get3A_160 = tpu.vector_load %arg32[%get3A_159] {strides = array<i32>} : memref<512xf32, #tpu.memory_space<vmem>>, vector<16xf32>,
    %max3A_161 = arith.maximumf %max3A_158, %get3A_160 : vector<16xf32>
    %get3A_162 = arith.constant 256 : index
    %get3A_163 = tpu.vector_load %arg32[%get3A_162] {strides = array<i32>} : memref<512xf32, #tpu.memory_space<vmem>>, vector<16xf32>,
    %max3A_164 = arith.maximumf %max3A_161, %get3A_163 : vector<16xf32>
    %get3A_165 = arith.constant 272 : index
    %get3A_166 = tpu.vector_load %arg32[%get3A_165] {strides = array<i32>} : memref<512xf32, #tpu.memory_space<vmem>>, vector<16xf32>,
    %max3A_167 = arith.maximumf %max3A_164, %get3A_166 : vector<16xf32>
    %get3A_168 = arith.constant 288 : index
    %get3A_169 = tpu.vector_load %arg32[%get3A_168] {strides = array<i32>} : memref<512xf32, #tpu.memory_space<vmem>>, vector<16xf32>,
    %max3A_170 = arith.maximumf %max3A_167, %get3A_169 : vector<16xf32>
    %get3A_171 = arith.constant 304 : index
    %get3A_172 = tpu.vector_load %arg32[%get3A_171] {strides = array<i32>} : memref<512xf32, #tpu.memory_space<vmem>>, vector<16xf32>,
    %max3A_173 = arith.maximumf %max3A_170, %get3A_172 : vector<16xf32>
    %get3A_174 = arith.constant 320 : index
    %get3A_175 = tpu.vector_load %arg32[%get3A_174] {strides = array<i32>} : memref<512xf32, #tpu.memory_space<vmem>>, vector<16xf32>,
    %max3A_176 = arith.maximumf %max3A_173, %get3A_175 : vector<16xf32>
    %get3A_177 = arith.constant 336 : index
    %get3A_178 = tpu.vector_load %arg32[%get3A_177] {strides = array<i32>} : memref<512xf32, #tpu.memory_space<vmem>>, vector<16xf32>,
    %max3A_179 = arith.maximumf %max3A_176, %get3A_178 : vector<16xf32>
    %get3A_180 = arith.constant 352 : index
    %get3A_181 = tpu.vector_load %arg32[%get3A_180] {strides = array<i32>} : memref<512xf32, #tpu.memory_space<vmem>>, vector<16xf32>,
    %max3A_182 = arith.maximumf %max3A_179, %get3A_181 : vector<16xf32>
    %get3A_183 = arith.constant 368 : index
    %get3A_184 = tpu.vector_load %arg32[%get3A_183] {strides = array<i32>} : memref<512xf32, #tpu.memory_space<vmem>>, vector<16xf32>,
    %max3A_185 = arith.maximumf %max3A_182, %get3A_184 : vector<16xf32>
    %get3A_186 = arith.constant 384 : index
    %get3A_187 = tpu.vector_load %arg32[%get3A_186] {strides = array<i32>} : memref<512xf32, #tpu.memory_space<vmem>>, vector<16xf32>,
    %max3A_188 = arith.maximumf %max3A_185, %get3A_187 : vector<16xf32>
    %get3A_189 = arith.constant 400 : index
    %get3A_190 = tpu.vector_load %arg32[%get3A_189] {strides = array<i32>} : memref<512xf32, #tpu.memory_space<vmem>>, vector<16xf32>,
    %max3A_191 = arith.maximumf %max3A_188, %get3A_190 : vector<16xf32>
    %get3A_192 = arith.constant 416 : index
    %get3A_193 = tpu.vector_load %arg32[%get3A_192] {strides = array<i32>} : memref<512xf32, #tpu.memory_space<vmem>>, vector<16xf32>,
    %max3A_194 = arith.maximumf %max3A_191, %get3A_193 : vector<16xf32>
    %get3A_195 = arith.constant 432 : index
    %get3A_196 = tpu.vector_load %arg32[%get3A_195] {strides = array<i32>} : memref<512xf32, #tpu.memory_space<vmem>>, vector<16xf32>,
    %max3A_197 = arith.maximumf %max3A_194, %get3A_196 : vector<16xf32>
    %get3A_198 = arith.constant 448 : index
    %get3A_199 = tpu.vector_load %arg32[%get3A_198] {strides = array<i32>} : memref<512xf32, #tpu.memory_space<vmem>>, vector<16xf32>,
    %max3A_200 = arith.maximumf %max3A_197, %get3A_199 : vector<16xf32>
    %get3A_201 = arith.constant 464 : index
    %get3A_202 = tpu.vector_load %arg32[%get3A_201] {strides = array<i32>} : memref<512xf32, #tpu.memory_space<vmem>>, vector<16xf32>,
    %max3A_203 = arith.maximumf %max3A_200, %get3A_202 : vector<16xf32>
    %get3A_204 = arith.constant 480 : index
    %get3A_205 = tpu.vector_load %arg32[%get3A_204] {strides = array<i32>} : memref<512xf32, #tpu.memory_space<vmem>>, vector<16xf32>,
    %max3A_206 = arith.maximumf %max3A_203, %get3A_205 : vector<16xf32>
    %get3A_207 = arith.constant 496 : index
    %get3A_208 = tpu.vector_load %arg32[%get3A_207] {strides = array<i32>} : memref<512xf32, #tpu.memory_space<vmem>>, vector<16xf32>,
    %max3A_209 = arith.maximumf %max3A_206, %get3A_208 : vector<16xf32>
    %reduce_max3A = arith.constant true
    %reduce_max3A_210 = vector.broadcast %reduce_max3A : i1 to vector<16xi1>
    %reduce_max3A_211 = tpu.scan <max>, %max3A_209 masked %reduce_max3A_210 : vector<16xf32>, vector<16xi1> -> vector<16xf32>
    %reduce_max3A_212 = vector.extract %reduce_max3A_211[15] : f32 from vector<16xf32>
    %iota3A = tpu.iota {dimensions = array<i32: 0>} : vector<16xi32>
    %add3A_213 = arith.constant 0 : i32
    %add3A_214 = arith.addi %mul3A_2, %add3A_213 : i32
    %multiple_of3A = tpu.assume_multiple %add3A_214, 16 : i32
    %dma_start3A = tpu.memref_slice %arg2[%multiple_of3A] : memref<320000xi32, #tpu.memory_space<hbm>> -> memref<80xi32, #tpu.memory_space<hbm>>
    %dma_start3A_215 = tpu.memref_slice %arg2[%multiple_of3A] : memref<320000xi32, #tpu.memory_space<hbm>> -> memref<80xi32, #tpu.memory_space<hbm>>
    tpu.enqueue_dma source(%dma_start3A_215 : memref<80xi32, #tpu.memory_space<hbm>>) target(%arg11 : memref<80xi32, #tpu.memory_space<vmem>>) target_semaphore(%arg35 : memref<!tpu.dma_semaphore, #tpu.memory_space<semaphore_mem>>)
    %dma_start3A_216 = tpu.memref_slice %arg3[%multiple_of3A] : memref<320000xi32, #tpu.memory_space<hbm>> -> memref<80xi32, #tpu.memory_space<hbm>>
    %dma_start3A_217 = tpu.memref_slice %arg3[%multiple_of3A] : memref<320000xi32, #tpu.memory_space<hbm>> -> memref<80xi32, #tpu.memory_space<hbm>>
    tpu.enqueue_dma source(%dma_start3A_217 : memref<80xi32, #tpu.memory_space<hbm>>) target(%arg15 : memref<80xi32, #tpu.memory_space<vmem>>) target_semaphore(%arg35 : memref<!tpu.dma_semaphore, #tpu.memory_space<semaphore_mem>>)
    %dma_start3A_218 = tpu.memref_slice %arg4[%multiple_of3A] : memref<320000xf32, #tpu.memory_space<hbm>> -> memref<80xf32, #tpu.memory_space<hbm>>
    %dma_start3A_219 = tpu.memref_slice %arg4[%multiple_of3A] : memref<320000xf32, #tpu.memory_space<hbm>> -> memref<80xf32, #tpu.memory_space<hbm>>
    tpu.enqueue_dma source(%dma_start3A_219 : memref<80xf32, #tpu.memory_space<hbm>>) target(%arg19 : memref<80xf32, #tpu.memory_space<vmem>>) target_semaphore(%arg35 : memref<!tpu.dma_semaphore, #tpu.memory_space<semaphore_mem>>)
    %add3A_220 = arith.constant 80 : i32
    %add3A_221 = arith.addi %mul3A_2, %add3A_220 : i32
    %multiple_of3A_222 = tpu.assume_multiple %add3A_221, 16 : i32
    %dma_start3A_223 = tpu.memref_slice %arg2[%multiple_of3A_222] : memref<320000xi32, #tpu.memory_space<hbm>> -> memref<80xi32, #tpu.memory_space<hbm>>
    %dma_start3A_224 = tpu.memref_slice %arg2[%multiple_of3A_222] : memref<320000xi32, #tpu.memory_space<hbm>> -> memref<80xi32, #tpu.memory_space<hbm>>
    tpu.enqueue_dma source(%dma_start3A_224 : memref<80xi32, #tpu.memory_space<hbm>>) target(%arg12 : memref<80xi32, #tpu.memory_space<vmem>>) target_semaphore(%arg36 : memref<!tpu.dma_semaphore, #tpu.memory_space<semaphore_mem>>)
    %dma_start3A_225 = tpu.memref_slice %arg3[%multiple_of3A_222] : memref<320000xi32, #tpu.memory_space<hbm>> -> memref<80xi32, #tpu.memory_space<hbm>>
    %dma_start3A_226 = tpu.memref_slice %arg3[%multiple_of3A_222] : memref<320000xi32, #tpu.memory_space<hbm>> -> memref<80xi32, #tpu.memory_space<hbm>>
    tpu.enqueue_dma source(%dma_start3A_226 : memref<80xi32, #tpu.memory_space<hbm>>) target(%arg16 : memref<80xi32, #tpu.memory_space<vmem>>) target_semaphore(%arg36 : memref<!tpu.dma_semaphore, #tpu.memory_space<semaphore_mem>>)
    %dma_start3A_227 = tpu.memref_slice %arg4[%multiple_of3A_222] : memref<320000xf32, #tpu.memory_space<hbm>> -> memref<80xf32, #tpu.memory_space<hbm>>
    %dma_start3A_228 = tpu.memref_slice %arg4[%multiple_of3A_222] : memref<320000xf32, #tpu.memory_space<hbm>> -> memref<80xf32, #tpu.memory_space<hbm>>
    tpu.enqueue_dma source(%dma_start3A_228 : memref<80xf32, #tpu.memory_space<hbm>>) target(%arg20 : memref<80xf32, #tpu.memory_space<vmem>>) target_semaphore(%arg36 : memref<!tpu.dma_semaphore, #tpu.memory_space<semaphore_mem>>)
    %add3A_229 = arith.constant 0 : i32
    %add3A_230 = arith.addi %mul3A_2, %add3A_229 : i32
    %multiple_of3A_231 = tpu.assume_multiple %add3A_230, 16 : i32
    %dma_wait3A = tpu.memref_slice %arg2[%multiple_of3A_231] : memref<320000xi32, #tpu.memory_space<hbm>> -> memref<80xi32, #tpu.memory_space<hbm>>
    %dma_wait3A_232 = tpu.memref_slice %arg2[%multiple_of3A_231] : memref<320000xi32, #tpu.memory_space<hbm>> -> memref<80xi32, #tpu.memory_space<hbm>>
    tpu.wait_dma2 semaphore(%arg35 : memref<!tpu.dma_semaphore, #tpu.memory_space<semaphore_mem>>) src(%dma_wait3A_232 : memref<80xi32, #tpu.memory_space<hbm>>) dst(%arg11 : memref<80xi32, #tpu.memory_space<vmem>>)
    %dma_wait3A_233 = tpu.memref_slice %arg3[%multiple_of3A_231] : memref<320000xi32, #tpu.memory_space<hbm>> -> memref<80xi32, #tpu.memory_space<hbm>>
    %dma_wait3A_234 = tpu.memref_slice %arg3[%multiple_of3A_231] : memref<320000xi32, #tpu.memory_space<hbm>> -> memref<80xi32, #tpu.memory_space<hbm>>
    tpu.wait_dma2 semaphore(%arg35 : memref<!tpu.dma_semaphore, #tpu.memory_space<semaphore_mem>>) src(%dma_wait3A_234 : memref<80xi32, #tpu.memory_space<hbm>>) dst(%arg15 : memref<80xi32, #tpu.memory_space<vmem>>)
    %dma_wait3A_235 = tpu.memref_slice %arg4[%multiple_of3A_231] : memref<320000xf32, #tpu.memory_space<hbm>> -> memref<80xf32, #tpu.memory_space<hbm>>
    %dma_wait3A_236 = tpu.memref_slice %arg4[%multiple_of3A_231] : memref<320000xf32, #tpu.memory_space<hbm>> -> memref<80xf32, #tpu.memory_space<hbm>>
    tpu.wait_dma2 semaphore(%arg35 : memref<!tpu.dma_semaphore, #tpu.memory_space<semaphore_mem>>) src(%dma_wait3A_236 : memref<80xf32, #tpu.memory_space<hbm>>) dst(%arg19 : memref<80xf32, #tpu.memory_space<vmem>>)
    %dma_start3A_237 = arith.constant 0 : i32
    %dma_start3A_238 = arith.constant 0 : i32
    %dma_start3A_239 = tpu.memref_slice %arg6[%dma_start3A_237, %dma_start3A_238] : memref<10000x128xf32, #tpu.memory_space<hbm>> -> memref<10000x128xf32, #tpu.memory_space<hbm>>
    tpu.enqueue_indirect_dma source(%dma_start3A_239 : memref<10000x128xf32, #tpu.memory_space<hbm>>) target(%arg27 : memref<80x128xf32, #tpu.memory_space<vmem>>) offsets(%arg15 : memref<80xi32, #tpu.memory_space<vmem>>) semaphore(%arg39 : memref<!tpu.dma_semaphore, #tpu.memory_space<semaphore_mem>>)
    %scan3A = arith.constant 0 : i32
    %scan3A_240 = arith.constant 0 : i32
    %scan3A_241 = arith.constant 31 : i32
    %scan3A_242 = arith.addi %scan3A_240, %scan3A_241 : i32
    %scan3A_243 = arith.constant 1 : i32
    scf.for %scan3A_442 = %scan3A_240 to %scan3A_242 step %scan3A_243  : i32 {
      %mul3A_443 = arith.constant 4 : i32
      %mul3A_444 = arith.muli %scan3A_442, %mul3A_443 : i32
      %ge3A_445 = arith.constant 2 : i32
      %ge3A_446 = arith.cmpi sge, %mul3A_444, %ge3A_445 : i32
      %convert_element_type3A_447 = arith.extui %ge3A_446 : i1 to i32
      %cond3A_448 = arith.constant 0 : i32
      %cond3A_449 = arith.cmpi ne, %convert_element_type3A_447, %cond3A_448 : i32
      scf.if %cond3A_449 {
        %dma_wait3A_722 = arith.constant 0 : i32
        %dma_wait3A_723 = arith.constant 0 : i32
        %dma_wait3A_724 = tpu.memref_slice %arg33[%dma_wait3A_722, %dma_wait3A_723] : memref<10000x128xf32, #tpu.memory_space<vmem_shared>> -> memref<10000x128xf32, #tpu.memory_space<vmem_shared>>
        tpu.wait_indirect_dma semaphore(%arg45 : memref<!tpu.dma_semaphore, #tpu.memory_space<semaphore_mem>>) src(%arg29 : memref<80x128xf32, #tpu.memory_space<vmem>>) dst(%dma_wait3A_724 : memref<10000x128xf32, #tpu.memory_space<vmem_shared>>)
        %dma_wait3A_725 = arith.constant 0 : i32
        %dma_wait3A_726 = tpu.memref_slice %arg34[%dma_wait3A_725] : memref<10000xf32, #tpu.memory_space<vmem_shared>> -> memref<10000xf32, #tpu.memory_space<vmem_shared>>
        tpu.wait_indirect_dma semaphore(%arg49 : memref<!tpu.dma_semaphore, #tpu.memory_space<semaphore_mem>>) src(%arg25 : memref<80xf32, #tpu.memory_space<vmem>>) dst(%dma_wait3A_726 : memref<10000xf32, #tpu.memory_space<vmem_shared>>)
      } else {
      }
      %add3A_450 = arith.constant 2 : i32
      %add3A_451 = arith.addi %mul3A_444, %add3A_450 : i32
      %le3A = arith.constant 124 : i32
      %le3A_452 = arith.cmpi sle, %add3A_451, %le3A : i32
      %convert_element_type3A_453 = arith.extui %le3A_452 : i1 to i32
      %cond3A_454 = arith.constant 0 : i32
      %cond3A_455 = arith.cmpi ne, %convert_element_type3A_453, %cond3A_454 : i32
      scf.if %cond3A_455 {
        %add3A_722 = arith.constant 2 : i32
        %add3A_723 = arith.addi %mul3A_444, %add3A_722 : i32
        %mul3A_724 = arith.constant 80 : i32
        %mul3A_725 = arith.muli %add3A_723, %mul3A_724 : i32
        %add3A_726 = arith.addi %mul3A_2, %mul3A_725 : i32
        %multiple_of3A_727 = tpu.assume_multiple %add3A_726, 16 : i32
        %dma_start3A_728 = tpu.memref_slice %arg2[%multiple_of3A_727] : memref<320000xi32, #tpu.memory_space<hbm>> -> memref<80xi32, #tpu.memory_space<hbm>>
        %dma_start3A_729 = tpu.memref_slice %arg2[%multiple_of3A_727] : memref<320000xi32, #tpu.memory_space<hbm>> -> memref<80xi32, #tpu.memory_space<hbm>>
        tpu.enqueue_dma source(%dma_start3A_729 : memref<80xi32, #tpu.memory_space<hbm>>) target(%arg13 : memref<80xi32, #tpu.memory_space<vmem>>) target_semaphore(%arg37 : memref<!tpu.dma_semaphore, #tpu.memory_space<semaphore_mem>>)
        %dma_start3A_730 = tpu.memref_slice %arg3[%multiple_of3A_727] : memref<320000xi32, #tpu.memory_space<hbm>> -> memref<80xi32, #tpu.memory_space<hbm>>
        %dma_start3A_731 = tpu.memref_slice %arg3[%multiple_of3A_727] : memref<320000xi32, #tpu.memory_space<hbm>> -> memref<80xi32, #tpu.memory_space<hbm>>
        tpu.enqueue_dma source(%dma_start3A_731 : memref<80xi32, #tpu.memory_space<hbm>>) target(%arg17 : memref<80xi32, #tpu.memory_space<vmem>>) target_semaphore(%arg37 : memref<!tpu.dma_semaphore, #tpu.memory_space<semaphore_mem>>)
        %dma_start3A_732 = tpu.memref_slice %arg4[%multiple_of3A_727] : memref<320000xf32, #tpu.memory_space<hbm>> -> memref<80xf32, #tpu.memory_space<hbm>>
        %dma_start3A_733 = tpu.memref_slice %arg4[%multiple_of3A_727] : memref<320000xf32, #tpu.memory_space<hbm>> -> memref<80xf32, #tpu.memory_space<hbm>>
        tpu.enqueue_dma source(%dma_start3A_733 : memref<80xf32, #tpu.memory_space<hbm>>) target(%arg21 : memref<80xf32, #tpu.memory_space<vmem>>) target_semaphore(%arg37 : memref<!tpu.dma_semaphore, #tpu.memory_space<semaphore_mem>>)
      } else {
      }
      %add3A_456 = arith.constant 1 : i32
      %add3A_457 = arith.addi %mul3A_444, %add3A_456 : i32
      %le3A_458 = arith.constant 124 : i32
      %le3A_459 = arith.cmpi sle, %add3A_457, %le3A_458 : i32
      %convert_element_type3A_460 = arith.extui %le3A_459 : i1 to i32
      %cond3A_461 = arith.constant 0 : i32
      %cond3A_462 = arith.cmpi ne, %convert_element_type3A_460, %cond3A_461 : i32
      scf.if %cond3A_462 {
        %add3A_722 = arith.constant 1 : i32
        %add3A_723 = arith.addi %mul3A_444, %add3A_722 : i32
        %mul3A_724 = arith.constant 80 : i32
        %mul3A_725 = arith.muli %add3A_723, %mul3A_724 : i32
        %add3A_726 = arith.addi %mul3A_2, %mul3A_725 : i32
        %multiple_of3A_727 = tpu.assume_multiple %add3A_726, 16 : i32
        %dma_wait3A_728 = tpu.memref_slice %arg2[%multiple_of3A_727] : memref<320000xi32, #tpu.memory_space<hbm>> -> memref<80xi32, #tpu.memory_space<hbm>>
        %dma_wait3A_729 = tpu.memref_slice %arg2[%multiple_of3A_727] : memref<320000xi32, #tpu.memory_space<hbm>> -> memref<80xi32, #tpu.memory_space<hbm>>
        tpu.wait_dma2 semaphore(%arg36 : memref<!tpu.dma_semaphore, #tpu.memory_space<semaphore_mem>>) src(%dma_wait3A_729 : memref<80xi32, #tpu.memory_space<hbm>>) dst(%arg12 : memref<80xi32, #tpu.memory_space<vmem>>)
        %dma_wait3A_730 = tpu.memref_slice %arg3[%multiple_of3A_727] : memref<320000xi32, #tpu.memory_space<hbm>> -> memref<80xi32, #tpu.memory_space<hbm>>
        %dma_wait3A_731 = tpu.memref_slice %arg3[%multiple_of3A_727] : memref<320000xi32, #tpu.memory_space<hbm>> -> memref<80xi32, #tpu.memory_space<hbm>>
        tpu.wait_dma2 semaphore(%arg36 : memref<!tpu.dma_semaphore, #tpu.memory_space<semaphore_mem>>) src(%dma_wait3A_731 : memref<80xi32, #tpu.memory_space<hbm>>) dst(%arg16 : memref<80xi32, #tpu.memory_space<vmem>>)
        %dma_wait3A_732 = tpu.memref_slice %arg4[%multiple_of3A_727] : memref<320000xf32, #tpu.memory_space<hbm>> -> memref<80xf32, #tpu.memory_space<hbm>>
        %dma_wait3A_733 = tpu.memref_slice %arg4[%multiple_of3A_727] : memref<320000xf32, #tpu.memory_space<hbm>> -> memref<80xf32, #tpu.memory_space<hbm>>
        tpu.wait_dma2 semaphore(%arg36 : memref<!tpu.dma_semaphore, #tpu.memory_space<semaphore_mem>>) src(%dma_wait3A_733 : memref<80xf32, #tpu.memory_space<hbm>>) dst(%arg20 : memref<80xf32, #tpu.memory_space<vmem>>)
        %dma_start3A_734 = arith.constant 0 : i32
        %dma_start3A_735 = arith.constant 0 : i32
        %dma_start3A_736 = tpu.memref_slice %arg6[%dma_start3A_734, %dma_start3A_735] : memref<10000x128xf32, #tpu.memory_space<hbm>> -> memref<10000x128xf32, #tpu.memory_space<hbm>>
        tpu.enqueue_indirect_dma source(%dma_start3A_736 : memref<10000x128xf32, #tpu.memory_space<hbm>>) target(%arg28 : memref<80x128xf32, #tpu.memory_space<vmem>>) offsets(%arg16 : memref<80xi32, #tpu.memory_space<vmem>>) semaphore(%arg40 : memref<!tpu.dma_semaphore, #tpu.memory_space<semaphore_mem>>)
      } else {
      }
      %dma_wait3A_463 = arith.constant 0 : i32
      %dma_wait3A_464 = arith.constant 0 : i32
      %dma_wait3A_465 = tpu.memref_slice %arg6[%dma_wait3A_463, %dma_wait3A_464] : memref<10000x128xf32, #tpu.memory_space<hbm>> -> memref<10000x128xf32, #tpu.memory_space<hbm>>
      tpu.wait_indirect_dma semaphore(%arg39 : memref<!tpu.dma_semaphore, #tpu.memory_space<semaphore_mem>>) src(%dma_wait3A_465 : memref<10000x128xf32, #tpu.memory_space<hbm>>) dst(%arg27 : memref<80x128xf32, #tpu.memory_space<vmem>>)
      %get3A_466 = arith.constant 0 : index
      %get3A_467 = tpu.vector_load %arg19[%get3A_466] {strides = array<i32>} : memref<80xf32, #tpu.memory_space<vmem>>, vector<16xf32>,
      %sub3A_468 = vector.broadcast %reduce_max3A_212 : f32 to vector<16xf32>
      %sub3A_469 = arith.subf %get3A_467, %sub3A_468 : vector<16xf32>
      %exp3A_470 = math.exp %sub3A_469 : vector<16xf32>
      %swap3A_471 = arith.constant 0 : index
      %swap3A_472 = tpu.vector_load %arg23[%swap3A_471] {strides = array<i32>} : memref<80xf32, #tpu.memory_space<vmem>>, vector<16xf32>,
      tpu.vector_store %arg23[%swap3A_471], %exp3A_470 {strides = array<i32>} : memref<80xf32, #tpu.memory_space<vmem>>, vector<16xf32>,
      %get3A_473 = arith.constant 16 : index
      %get3A_474 = tpu.vector_load %arg19[%get3A_473] {strides = array<i32>} : memref<80xf32, #tpu.memory_space<vmem>>, vector<16xf32>,
      %sub3A_475 = vector.broadcast %reduce_max3A_212 : f32 to vector<16xf32>
      %sub3A_476 = arith.subf %get3A_474, %sub3A_475 : vector<16xf32>
      %exp3A_477 = math.exp %sub3A_476 : vector<16xf32>
      %swap3A_478 = arith.constant 16 : index
      %swap3A_479 = tpu.vector_load %arg23[%swap3A_478] {strides = array<i32>} : memref<80xf32, #tpu.memory_space<vmem>>, vector<16xf32>,
      tpu.vector_store %arg23[%swap3A_478], %exp3A_477 {strides = array<i32>} : memref<80xf32, #tpu.memory_space<vmem>>, vector<16xf32>,
      %get3A_480 = arith.constant 32 : index
      %get3A_481 = tpu.vector_load %arg19[%get3A_480] {strides = array<i32>} : memref<80xf32, #tpu.memory_space<vmem>>, vector<16xf32>,
      %sub3A_482 = vector.broadcast %reduce_max3A_212 : f32 to vector<16xf32>
      %sub3A_483 = arith.subf %get3A_481, %sub3A_482 : vector<16xf32>
      %exp3A_484 = math.exp %sub3A_483 : vector<16xf32>
      %swap3A_485 = arith.constant 32 : index
      %swap3A_486 = tpu.vector_load %arg23[%swap3A_485] {strides = array<i32>} : memref<80xf32, #tpu.memory_space<vmem>>, vector<16xf32>,
      tpu.vector_store %arg23[%swap3A_485], %exp3A_484 {strides = array<i32>} : memref<80xf32, #tpu.memory_space<vmem>>, vector<16xf32>,
      %get3A_487 = arith.constant 48 : index
      %get3A_488 = tpu.vector_load %arg19[%get3A_487] {strides = array<i32>} : memref<80xf32, #tpu.memory_space<vmem>>, vector<16xf32>,
      %sub3A_489 = vector.broadcast %reduce_max3A_212 : f32 to vector<16xf32>
      %sub3A_490 = arith.subf %get3A_488, %sub3A_489 : vector<16xf32>
      %exp3A_491 = math.exp %sub3A_490 : vector<16xf32>
      %swap3A_492 = arith.constant 48 : index
      %swap3A_493 = tpu.vector_load %arg23[%swap3A_492] {strides = array<i32>} : memref<80xf32, #tpu.memory_space<vmem>>, vector<16xf32>,
      tpu.vector_store %arg23[%swap3A_492], %exp3A_491 {strides = array<i32>} : memref<80xf32, #tpu.memory_space<vmem>>, vector<16xf32>,
      %get3A_494 = arith.constant 64 : index
      %get3A_495 = tpu.vector_load %arg19[%get3A_494] {strides = array<i32>} : memref<80xf32, #tpu.memory_space<vmem>>, vector<16xf32>,
      %sub3A_496 = vector.broadcast %reduce_max3A_212 : f32 to vector<16xf32>
      %sub3A_497 = arith.subf %get3A_495, %sub3A_496 : vector<16xf32>
      %exp3A_498 = math.exp %sub3A_497 : vector<16xf32>
      %swap3A_499 = arith.constant 64 : index
      %swap3A_500 = tpu.vector_load %arg23[%swap3A_499] {strides = array<i32>} : memref<80xf32, #tpu.memory_space<vmem>>, vector<16xf32>,
      tpu.vector_store %arg23[%swap3A_499], %exp3A_498 {strides = array<i32>} : memref<80xf32, #tpu.memory_space<vmem>>, vector<16xf32>,
      %scan3A_501 = arith.constant 0 : i32
      %scan3A_502 = arith.constant 0 : i32
      %scan3A_503 = arith.constant 20 : i32
      %scan3A_504 = arith.addi %scan3A_502, %scan3A_503 : i32
      %scan3A_505 = arith.constant 1 : i32
      scf.for %scan3A_722 = %scan3A_502 to %scan3A_504 step %scan3A_505  : i32 {
        %mul3A_723 = arith.constant 4 : i32
        %mul3A_724 = arith.muli %mul3A_723, %scan3A_722 : i32
        %add3A_725 = arith.constant 0 : i32
        %add3A_726 = arith.addi %mul3A_724, %add3A_725 : i32
        %broadcast_in_dim3A = vector.broadcast %add3A_726 : i32 to vector<16xi32>
        %gather3A = tpu.vector_load_idx %arg23[%broadcast_in_dim3A] : memref<80xf32, #tpu.memory_space<vmem>>[vector<16xi32>], vector<16xf32>,
        %add3A_727 = arith.constant 1 : i32
        %add3A_728 = arith.addi %mul3A_724, %add3A_727 : i32
        %broadcast_in_dim3A_729 = vector.broadcast %add3A_728 : i32 to vector<16xi32>
        %gather3A_730 = tpu.vector_load_idx %arg23[%broadcast_in_dim3A_729] : memref<80xf32, #tpu.memory_space<vmem>>[vector<16xi32>], vector<16xf32>,
        %add3A_731 = arith.constant 2 : i32
        %add3A_732 = arith.addi %mul3A_724, %add3A_731 : i32
        %broadcast_in_dim3A_733 = vector.broadcast %add3A_732 : i32 to vector<16xi32>
        %gather3A_734 = tpu.vector_load_idx %arg23[%broadcast_in_dim3A_733] : memref<80xf32, #tpu.memory_space<vmem>>[vector<16xi32>], vector<16xf32>,
        %add3A_735 = arith.constant 3 : i32
        %add3A_736 = arith.addi %mul3A_724, %add3A_735 : i32
        %broadcast_in_dim3A_737 = vector.broadcast %add3A_736 : i32 to vector<16xi32>
        %gather3A_738 = tpu.vector_load_idx %arg23[%broadcast_in_dim3A_737] : memref<80xf32, #tpu.memory_space<vmem>>[vector<16xi32>], vector<16xf32>,
        %add3A_739 = arith.constant 0 : i32
        %add3A_740 = arith.addi %mul3A_724, %add3A_739 : i32
        %add3A_741 = arith.constant 1 : i32
        %add3A_742 = arith.addi %mul3A_724, %add3A_741 : i32
        %add3A_743 = arith.constant 2 : i32
        %add3A_744 = arith.addi %mul3A_724, %add3A_743 : i32
        %add3A_745 = arith.constant 3 : i32
        %add3A_746 = arith.addi %mul3A_724, %add3A_745 : i32
        %get3A_747 = arith.constant 0 : i32
        %get3A_748 = tpu.memref_slice %arg27[%add3A_740, %get3A_747] : memref<80x128xf32, #tpu.memory_space<vmem>> -> memref<1x128xf32, #tpu.memory_space<vmem>>
        %get3A_749 = tpu.memref_squeeze %get3A_748 : memref<1x128xf32, #tpu.memory_space<vmem>> -> memref<128xf32, #tpu.memory_space<vmem>>
        %get3A_750 = arith.constant 0 : index
        %get3A_751 = tpu.vector_load %get3A_749[%get3A_750] {strides = array<i32>} : memref<128xf32, #tpu.memory_space<vmem>>, vector<16xf32>,
        %mul3A_752 = arith.mulf %get3A_751, %gather3A : vector<16xf32>
        %swap3A_753 = arith.constant 0 : i32
        %swap3A_754 = tpu.memref_slice %arg27[%add3A_740, %swap3A_753] : memref<80x128xf32, #tpu.memory_space<vmem>> -> memref<1x128xf32, #tpu.memory_space<vmem>>
        %swap3A_755 = tpu.memref_squeeze %swap3A_754 : memref<1x128xf32, #tpu.memory_space<vmem>> -> memref<128xf32, #tpu.memory_space<vmem>>
        %swap3A_756 = arith.constant 0 : index
        %swap3A_757 = tpu.vector_load %swap3A_755[%swap3A_756] {strides = array<i32>} : memref<128xf32, #tpu.memory_space<vmem>>, vector<16xf32>,
        tpu.vector_store %swap3A_755[%swap3A_756], %mul3A_752 {strides = array<i32>} : memref<128xf32, #tpu.memory_space<vmem>>, vector<16xf32>,
        %get3A_758 = arith.constant 0 : i32
        %get3A_759 = tpu.memref_slice %arg27[%add3A_742, %get3A_758] : memref<80x128xf32, #tpu.memory_space<vmem>> -> memref<1x128xf32, #tpu.memory_space<vmem>>
        %get3A_760 = tpu.memref_squeeze %get3A_759 : memref<1x128xf32, #tpu.memory_space<vmem>> -> memref<128xf32, #tpu.memory_space<vmem>>
        %get3A_761 = arith.constant 0 : index
        %get3A_762 = tpu.vector_load %get3A_760[%get3A_761] {strides = array<i32>} : memref<128xf32, #tpu.memory_space<vmem>>, vector<16xf32>,
        %mul3A_763 = arith.mulf %get3A_762, %gather3A_730 : vector<16xf32>
        %swap3A_764 = arith.constant 0 : i32
        %swap3A_765 = tpu.memref_slice %arg27[%add3A_742, %swap3A_764] : memref<80x128xf32, #tpu.memory_space<vmem>> -> memref<1x128xf32, #tpu.memory_space<vmem>>
        %swap3A_766 = tpu.memref_squeeze %swap3A_765 : memref<1x128xf32, #tpu.memory_space<vmem>> -> memref<128xf32, #tpu.memory_space<vmem>>
        %swap3A_767 = arith.constant 0 : index
        %swap3A_768 = tpu.vector_load %swap3A_766[%swap3A_767] {strides = array<i32>} : memref<128xf32, #tpu.memory_space<vmem>>, vector<16xf32>,
        tpu.vector_store %swap3A_766[%swap3A_767], %mul3A_763 {strides = array<i32>} : memref<128xf32, #tpu.memory_space<vmem>>, vector<16xf32>,
        %get3A_769 = arith.constant 0 : i32
        %get3A_770 = tpu.memref_slice %arg27[%add3A_744, %get3A_769] : memref<80x128xf32, #tpu.memory_space<vmem>> -> memref<1x128xf32, #tpu.memory_space<vmem>>
        %get3A_771 = tpu.memref_squeeze %get3A_770 : memref<1x128xf32, #tpu.memory_space<vmem>> -> memref<128xf32, #tpu.memory_space<vmem>>
        %get3A_772 = arith.constant 0 : index
        %get3A_773 = tpu.vector_load %get3A_771[%get3A_772] {strides = array<i32>} : memref<128xf32, #tpu.memory_space<vmem>>, vector<16xf32>,
        %mul3A_774 = arith.mulf %get3A_773, %gather3A_734 : vector<16xf32>
        %swap3A_775 = arith.constant 0 : i32
        %swap3A_776 = tpu.memref_slice %arg27[%add3A_744, %swap3A_775] : memref<80x128xf32, #tpu.memory_space<vmem>> -> memref<1x128xf32, #tpu.memory_space<vmem>>
        %swap3A_777 = tpu.memref_squeeze %swap3A_776 : memref<1x128xf32, #tpu.memory_space<vmem>> -> memref<128xf32, #tpu.memory_space<vmem>>
        %swap3A_778 = arith.constant 0 : index
        %swap3A_779 = tpu.vector_load %swap3A_777[%swap3A_778] {strides = array<i32>} : memref<128xf32, #tpu.memory_space<vmem>>, vector<16xf32>,
        tpu.vector_store %swap3A_777[%swap3A_778], %mul3A_774 {strides = array<i32>} : memref<128xf32, #tpu.memory_space<vmem>>, vector<16xf32>,
        %get3A_780 = arith.constant 0 : i32
        %get3A_781 = tpu.memref_slice %arg27[%add3A_746, %get3A_780] : memref<80x128xf32, #tpu.memory_space<vmem>> -> memref<1x128xf32, #tpu.memory_space<vmem>>
        %get3A_782 = tpu.memref_squeeze %get3A_781 : memref<1x128xf32, #tpu.memory_space<vmem>> -> memref<128xf32, #tpu.memory_space<vmem>>
        %get3A_783 = arith.constant 0 : index
        %get3A_784 = tpu.vector_load %get3A_782[%get3A_783] {strides = array<i32>} : memref<128xf32, #tpu.memory_space<vmem>>, vector<16xf32>,
        %mul3A_785 = arith.mulf %get3A_784, %gather3A_738 : vector<16xf32>
        %swap3A_786 = arith.constant 0 : i32
        %swap3A_787 = tpu.memref_slice %arg27[%add3A_746, %swap3A_786] : memref<80x128xf32, #tpu.memory_space<vmem>> -> memref<1x128xf32, #tpu.memory_space<vmem>>
        %swap3A_788 = tpu.memref_squeeze %swap3A_787 : memref<1x128xf32, #tpu.memory_space<vmem>> -> memref<128xf32, #tpu.memory_space<vmem>>
        %swap3A_789 = arith.constant 0 : index
        %swap3A_790 = tpu.vector_load %swap3A_788[%swap3A_789] {strides = array<i32>} : memref<128xf32, #tpu.memory_space<vmem>>, vector<16xf32>,
        tpu.vector_store %swap3A_788[%swap3A_789], %mul3A_785 {strides = array<i32>} : memref<128xf32, #tpu.memory_space<vmem>>, vector<16xf32>,
        %get3A_791 = arith.constant 0 : i32
        %get3A_792 = tpu.memref_slice %arg27[%add3A_740, %get3A_791] : memref<80x128xf32, #tpu.memory_space<vmem>> -> memref<1x128xf32, #tpu.memory_space<vmem>>
        %get3A_793 = tpu.memref_squeeze %get3A_792 : memref<1x128xf32, #tpu.memory_space<vmem>> -> memref<128xf32, #tpu.memory_space<vmem>>
        %get3A_794 = arith.constant 16 : index
        %get3A_795 = tpu.vector_load %get3A_793[%get3A_794] {strides = array<i32>} : memref<128xf32, #tpu.memory_space<vmem>>, vector<16xf32>,
        %mul3A_796 = arith.mulf %get3A_795, %gather3A : vector<16xf32>
        %swap3A_797 = arith.constant 0 : i32
        %swap3A_798 = tpu.memref_slice %arg27[%add3A_740, %swap3A_797] : memref<80x128xf32, #tpu.memory_space<vmem>> -> memref<1x128xf32, #tpu.memory_space<vmem>>
        %swap3A_799 = tpu.memref_squeeze %swap3A_798 : memref<1x128xf32, #tpu.memory_space<vmem>> -> memref<128xf32, #tpu.memory_space<vmem>>
        %swap3A_800 = arith.constant 16 : index
        %swap3A_801 = tpu.vector_load %swap3A_799[%swap3A_800] {strides = array<i32>} : memref<128xf32, #tpu.memory_space<vmem>>, vector<16xf32>,
        tpu.vector_store %swap3A_799[%swap3A_800], %mul3A_796 {strides = array<i32>} : memref<128xf32, #tpu.memory_space<vmem>>, vector<16xf32>,
        %get3A_802 = arith.constant 0 : i32
        %get3A_803 = tpu.memref_slice %arg27[%add3A_742, %get3A_802] : memref<80x128xf32, #tpu.memory_space<vmem>> -> memref<1x128xf32, #tpu.memory_space<vmem>>
        %get3A_804 = tpu.memref_squeeze %get3A_803 : memref<1x128xf32, #tpu.memory_space<vmem>> -> memref<128xf32, #tpu.memory_space<vmem>>
        %get3A_805 = arith.constant 16 : index
        %get3A_806 = tpu.vector_load %get3A_804[%get3A_805] {strides = array<i32>} : memref<128xf32, #tpu.memory_space<vmem>>, vector<16xf32>,
        %mul3A_807 = arith.mulf %get3A_806, %gather3A_730 : vector<16xf32>
        %swap3A_808 = arith.constant 0 : i32
        %swap3A_809 = tpu.memref_slice %arg27[%add3A_742, %swap3A_808] : memref<80x128xf32, #tpu.memory_space<vmem>> -> memref<1x128xf32, #tpu.memory_space<vmem>>
        %swap3A_810 = tpu.memref_squeeze %swap3A_809 : memref<1x128xf32, #tpu.memory_space<vmem>> -> memref<128xf32, #tpu.memory_space<vmem>>
        %swap3A_811 = arith.constant 16 : index
        %swap3A_812 = tpu.vector_load %swap3A_810[%swap3A_811] {strides = array<i32>} : memref<128xf32, #tpu.memory_space<vmem>>, vector<16xf32>,
        tpu.vector_store %swap3A_810[%swap3A_811], %mul3A_807 {strides = array<i32>} : memref<128xf32, #tpu.memory_space<vmem>>, vector<16xf32>,
        %get3A_813 = arith.constant 0 : i32
        %get3A_814 = tpu.memref_slice %arg27[%add3A_744, %get3A_813] : memref<80x128xf32, #tpu.memory_space<vmem>> -> memref<1x128xf32, #tpu.memory_space<vmem>>
        %get3A_815 = tpu.memref_squeeze %get3A_814 : memref<1x128xf32, #tpu.memory_space<vmem>> -> memref<128xf32, #tpu.memory_space<vmem>>
        %get3A_816 = arith.constant 16 : index
        %get3A_817 = tpu.vector_load %get3A_815[%get3A_816] {strides = array<i32>} : memref<128xf32, #tpu.memory_space<vmem>>, vector<16xf32>,
        %mul3A_818 = arith.mulf %get3A_817, %gather3A_734 : vector<16xf32>
        %swap3A_819 = arith.constant 0 : i32
        %swap3A_820 = tpu.memref_slice %arg27[%add3A_744, %swap3A_819] : memref<80x128xf32, #tpu.memory_space<vmem>> -> memref<1x128xf32, #tpu.memory_space<vmem>>
        %swap3A_821 = tpu.memref_squeeze %swap3A_820 : memref<1x128xf32, #tpu.memory_space<vmem>> -> memref<128xf32, #tpu.memory_space<vmem>>
        %swap3A_822 = arith.constant 16 : index
        %swap3A_823 = tpu.vector_load %swap3A_821[%swap3A_822] {strides = array<i32>} : memref<128xf32, #tpu.memory_space<vmem>>, vector<16xf32>,
        tpu.vector_store %swap3A_821[%swap3A_822], %mul3A_818 {strides = array<i32>} : memref<128xf32, #tpu.memory_space<vmem>>, vector<16xf32>,
        %get3A_824 = arith.constant 0 : i32
        %get3A_825 = tpu.memref_slice %arg27[%add3A_746, %get3A_824] : memref<80x128xf32, #tpu.memory_space<vmem>> -> memref<1x128xf32, #tpu.memory_space<vmem>>
        %get3A_826 = tpu.memref_squeeze %get3A_825 : memref<1x128xf32, #tpu.memory_space<vmem>> -> memref<128xf32, #tpu.memory_space<vmem>>
        %get3A_827 = arith.constant 16 : index
        %get3A_828 = tpu.vector_load %get3A_826[%get3A_827] {strides = array<i32>} : memref<128xf32, #tpu.memory_space<vmem>>, vector<16xf32>,
        %mul3A_829 = arith.mulf %get3A_828, %gather3A_738 : vector<16xf32>
        %swap3A_830 = arith.constant 0 : i32
        %swap3A_831 = tpu.memref_slice %arg27[%add3A_746, %swap3A_830] : memref<80x128xf32, #tpu.memory_space<vmem>> -> memref<1x128xf32, #tpu.memory_space<vmem>>
        %swap3A_832 = tpu.memref_squeeze %swap3A_831 : memref<1x128xf32, #tpu.memory_space<vmem>> -> memref<128xf32, #tpu.memory_space<vmem>>
        %swap3A_833 = arith.constant 16 : index
        %swap3A_834 = tpu.vector_load %swap3A_832[%swap3A_833] {strides = array<i32>} : memref<128xf32, #tpu.memory_space<vmem>>, vector<16xf32>,
        tpu.vector_store %swap3A_832[%swap3A_833], %mul3A_829 {strides = array<i32>} : memref<128xf32, #tpu.memory_space<vmem>>, vector<16xf32>,
        %get3A_835 = arith.constant 0 : i32
        %get3A_836 = tpu.memref_slice %arg27[%add3A_740, %get3A_835] : memref<80x128xf32, #tpu.memory_space<vmem>> -> memref<1x128xf32, #tpu.memory_space<vmem>>
        %get3A_837 = tpu.memref_squeeze %get3A_836 : memref<1x128xf32, #tpu.memory_space<vmem>> -> memref<128xf32, #tpu.memory_space<vmem>>
        %get3A_838 = arith.constant 32 : index
        %get3A_839 = tpu.vector_load %get3A_837[%get3A_838] {strides = array<i32>} : memref<128xf32, #tpu.memory_space<vmem>>, vector<16xf32>,
        %mul3A_840 = arith.mulf %get3A_839, %gather3A : vector<16xf32>
        %swap3A_841 = arith.constant 0 : i32
        %swap3A_842 = tpu.memref_slice %arg27[%add3A_740, %swap3A_841] : memref<80x128xf32, #tpu.memory_space<vmem>> -> memref<1x128xf32, #tpu.memory_space<vmem>>
        %swap3A_843 = tpu.memref_squeeze %swap3A_842 : memref<1x128xf32, #tpu.memory_space<vmem>> -> memref<128xf32, #tpu.memory_space<vmem>>
        %swap3A_844 = arith.constant 32 : index
        %swap3A_845 = tpu.vector_load %swap3A_843[%swap3A_844] {strides = array<i32>} : memref<128xf32, #tpu.memory_space<vmem>>, vector<16xf32>,
        tpu.vector_store %swap3A_843[%swap3A_844], %mul3A_840 {strides = array<i32>} : memref<128xf32, #tpu.memory_space<vmem>>, vector<16xf32>,
        %get3A_846 = arith.constant 0 : i32
        %get3A_847 = tpu.memref_slice %arg27[%add3A_742, %get3A_846] : memref<80x128xf32, #tpu.memory_space<vmem>> -> memref<1x128xf32, #tpu.memory_space<vmem>>
        %get3A_848 = tpu.memref_squeeze %get3A_847 : memref<1x128xf32, #tpu.memory_space<vmem>> -> memref<128xf32, #tpu.memory_space<vmem>>
        %get3A_849 = arith.constant 32 : index
        %get3A_850 = tpu.vector_load %get3A_848[%get3A_849] {strides = array<i32>} : memref<128xf32, #tpu.memory_space<vmem>>, vector<16xf32>,
        %mul3A_851 = arith.mulf %get3A_850, %gather3A_730 : vector<16xf32>
        %swap3A_852 = arith.constant 0 : i32
        %swap3A_853 = tpu.memref_slice %arg27[%add3A_742, %swap3A_852] : memref<80x128xf32, #tpu.memory_space<vmem>> -> memref<1x128xf32, #tpu.memory_space<vmem>>
        %swap3A_854 = tpu.memref_squeeze %swap3A_853 : memref<1x128xf32, #tpu.memory_space<vmem>> -> memref<128xf32, #tpu.memory_space<vmem>>
        %swap3A_855 = arith.constant 32 : index
        %swap3A_856 = tpu.vector_load %swap3A_854[%swap3A_855] {strides = array<i32>} : memref<128xf32, #tpu.memory_space<vmem>>, vector<16xf32>,
        tpu.vector_store %swap3A_854[%swap3A_855], %mul3A_851 {strides = array<i32>} : memref<128xf32, #tpu.memory_space<vmem>>, vector<16xf32>,
        %get3A_857 = arith.constant 0 : i32
        %get3A_858 = tpu.memref_slice %arg27[%add3A_744, %get3A_857] : memref<80x128xf32, #tpu.memory_space<vmem>> -> memref<1x128xf32, #tpu.memory_space<vmem>>
        %get3A_859 = tpu.memref_squeeze %get3A_858 : memref<1x128xf32, #tpu.memory_space<vmem>> -> memref<128xf32, #tpu.memory_space<vmem>>
        %get3A_860 = arith.constant 32 : index
        %get3A_861 = tpu.vector_load %get3A_859[%get3A_860] {strides = array<i32>} : memref<128xf32, #tpu.memory_space<vmem>>, vector<16xf32>,
        %mul3A_862 = arith.mulf %get3A_861, %gather3A_734 : vector<16xf32>
        %swap3A_863 = arith.constant 0 : i32
        %swap3A_864 = tpu.memref_slice %arg27[%add3A_744, %swap3A_863] : memref<80x128xf32, #tpu.memory_space<vmem>> -> memref<1x128xf32, #tpu.memory_space<vmem>>
        %swap3A_865 = tpu.memref_squeeze %swap3A_864 : memref<1x128xf32, #tpu.memory_space<vmem>> -> memref<128xf32, #tpu.memory_space<vmem>>
        %swap3A_866 = arith.constant 32 : index
        %swap3A_867 = tpu.vector_load %swap3A_865[%swap3A_866] {strides = array<i32>} : memref<128xf32, #tpu.memory_space<vmem>>, vector<16xf32>,
        tpu.vector_store %swap3A_865[%swap3A_866], %mul3A_862 {strides = array<i32>} : memref<128xf32, #tpu.memory_space<vmem>>, vector<16xf32>,
        %get3A_868 = arith.constant 0 : i32
        %get3A_869 = tpu.memref_slice %arg27[%add3A_746, %get3A_868] : memref<80x128xf32, #tpu.memory_space<vmem>> -> memref<1x128xf32, #tpu.memory_space<vmem>>
        %get3A_870 = tpu.memref_squeeze %get3A_869 : memref<1x128xf32, #tpu.memory_space<vmem>> -> memref<128xf32, #tpu.memory_space<vmem>>
        %get3A_871 = arith.constant 32 : index
        %get3A_872 = tpu.vector_load %get3A_870[%get3A_871] {strides = array<i32>} : memref<128xf32, #tpu.memory_space<vmem>>, vector<16xf32>,
        %mul3A_873 = arith.mulf %get3A_872, %gather3A_738 : vector<16xf32>
        %swap3A_874 = arith.constant 0 : i32
        %swap3A_875 = tpu.memref_slice %arg27[%add3A_746, %swap3A_874] : memref<80x128xf32, #tpu.memory_space<vmem>> -> memref<1x128xf32, #tpu.memory_space<vmem>>
        %swap3A_876 = tpu.memref_squeeze %swap3A_875 : memref<1x128xf32, #tpu.memory_space<vmem>> -> memref<128xf32, #tpu.memory_space<vmem>>
        %swap3A_877 = arith.constant 32 : index
        %swap3A_878 = tpu.vector_load %swap3A_876[%swap3A_877] {strides = array<i32>} : memref<128xf32, #tpu.memory_space<vmem>>, vector<16xf32>,
        tpu.vector_store %swap3A_876[%swap3A_877], %mul3A_873 {strides = array<i32>} : memref<128xf32, #tpu.memory_space<vmem>>, vector<16xf32>,
        %get3A_879 = arith.constant 0 : i32
        %get3A_880 = tpu.memref_slice %arg27[%add3A_740, %get3A_879] : memref<80x128xf32, #tpu.memory_space<vmem>> -> memref<1x128xf32, #tpu.memory_space<vmem>>
        %get3A_881 = tpu.memref_squeeze %get3A_880 : memref<1x128xf32, #tpu.memory_space<vmem>> -> memref<128xf32, #tpu.memory_space<vmem>>
        %get3A_882 = arith.constant 48 : index
        %get3A_883 = tpu.vector_load %get3A_881[%get3A_882] {strides = array<i32>} : memref<128xf32, #tpu.memory_space<vmem>>, vector<16xf32>,
        %mul3A_884 = arith.mulf %get3A_883, %gather3A : vector<16xf32>
        %swap3A_885 = arith.constant 0 : i32
        %swap3A_886 = tpu.memref_slice %arg27[%add3A_740, %swap3A_885] : memref<80x128xf32, #tpu.memory_space<vmem>> -> memref<1x128xf32, #tpu.memory_space<vmem>>
        %swap3A_887 = tpu.memref_squeeze %swap3A_886 : memref<1x128xf32, #tpu.memory_space<vmem>> -> memref<128xf32, #tpu.memory_space<vmem>>
        %swap3A_888 = arith.constant 48 : index
        %swap3A_889 = tpu.vector_load %swap3A_887[%swap3A_888] {strides = array<i32>} : memref<128xf32, #tpu.memory_space<vmem>>, vector<16xf32>,
        tpu.vector_store %swap3A_887[%swap3A_888], %mul3A_884 {strides = array<i32>} : memref<128xf32, #tpu.memory_space<vmem>>, vector<16xf32>,
        %get3A_890 = arith.constant 0 : i32
        %get3A_891 = tpu.memref_slice %arg27[%add3A_742, %get3A_890] : memref<80x128xf32, #tpu.memory_space<vmem>> -> memref<1x128xf32, #tpu.memory_space<vmem>>
        %get3A_892 = tpu.memref_squeeze %get3A_891 : memref<1x128xf32, #tpu.memory_space<vmem>> -> memref<128xf32, #tpu.memory_space<vmem>>
        %get3A_893 = arith.constant 48 : index
        %get3A_894 = tpu.vector_load %get3A_892[%get3A_893] {strides = array<i32>} : memref<128xf32, #tpu.memory_space<vmem>>, vector<16xf32>,
        %mul3A_895 = arith.mulf %get3A_894, %gather3A_730 : vector<16xf32>
        %swap3A_896 = arith.constant 0 : i32
        %swap3A_897 = tpu.memref_slice %arg27[%add3A_742, %swap3A_896] : memref<80x128xf32, #tpu.memory_space<vmem>> -> memref<1x128xf32, #tpu.memory_space<vmem>>
        %swap3A_898 = tpu.memref_squeeze %swap3A_897 : memref<1x128xf32, #tpu.memory_space<vmem>> -> memref<128xf32, #tpu.memory_space<vmem>>
        %swap3A_899 = arith.constant 48 : index
        %swap3A_900 = tpu.vector_load %swap3A_898[%swap3A_899] {strides = array<i32>} : memref<128xf32, #tpu.memory_space<vmem>>, vector<16xf32>,
        tpu.vector_store %swap3A_898[%swap3A_899], %mul3A_895 {strides = array<i32>} : memref<128xf32, #tpu.memory_space<vmem>>, vector<16xf32>,
        %get3A_901 = arith.constant 0 : i32
        %get3A_902 = tpu.memref_slice %arg27[%add3A_744, %get3A_901] : memref<80x128xf32, #tpu.memory_space<vmem>> -> memref<1x128xf32, #tpu.memory_space<vmem>>
        %get3A_903 = tpu.memref_squeeze %get3A_902 : memref<1x128xf32, #tpu.memory_space<vmem>> -> memref<128xf32, #tpu.memory_space<vmem>>
        %get3A_904 = arith.constant 48 : index
        %get3A_905 = tpu.vector_load %get3A_903[%get3A_904] {strides = array<i32>} : memref<128xf32, #tpu.memory_space<vmem>>, vector<16xf32>,
        %mul3A_906 = arith.mulf %get3A_905, %gather3A_734 : vector<16xf32>
        %swap3A_907 = arith.constant 0 : i32
        %swap3A_908 = tpu.memref_slice %arg27[%add3A_744, %swap3A_907] : memref<80x128xf32, #tpu.memory_space<vmem>> -> memref<1x128xf32, #tpu.memory_space<vmem>>
        %swap3A_909 = tpu.memref_squeeze %swap3A_908 : memref<1x128xf32, #tpu.memory_space<vmem>> -> memref<128xf32, #tpu.memory_space<vmem>>
        %swap3A_910 = arith.constant 48 : index
        %swap3A_911 = tpu.vector_load %swap3A_909[%swap3A_910] {strides = array<i32>} : memref<128xf32, #tpu.memory_space<vmem>>, vector<16xf32>,
        tpu.vector_store %swap3A_909[%swap3A_910], %mul3A_906 {strides = array<i32>} : memref<128xf32, #tpu.memory_space<vmem>>, vector<16xf32>,
        %get3A_912 = arith.constant 0 : i32
        %get3A_913 = tpu.memref_slice %arg27[%add3A_746, %get3A_912] : memref<80x128xf32, #tpu.memory_space<vmem>> -> memref<1x128xf32, #tpu.memory_space<vmem>>
        %get3A_914 = tpu.memref_squeeze %get3A_913 : memref<1x128xf32, #tpu.memory_space<vmem>> -> memref<128xf32, #tpu.memory_space<vmem>>
        %get3A_915 = arith.constant 48 : index
        %get3A_916 = tpu.vector_load %get3A_914[%get3A_915] {strides = array<i32>} : memref<128xf32, #tpu.memory_space<vmem>>, vector<16xf32>,
        %mul3A_917 = arith.mulf %get3A_916, %gather3A_738 : vector<16xf32>
        %swap3A_918 = arith.constant 0 : i32
        %swap3A_919 = tpu.memref_slice %arg27[%add3A_746, %swap3A_918] : memref<80x128xf32, #tpu.memory_space<vmem>> -> memref<1x128xf32, #tpu.memory_space<vmem>>
        %swap3A_920 = tpu.memref_squeeze %swap3A_919 : memref<1x128xf32, #tpu.memory_space<vmem>> -> memref<128xf32, #tpu.memory_space<vmem>>
        %swap3A_921 = arith.constant 48 : index
        %swap3A_922 = tpu.vector_load %swap3A_920[%swap3A_921] {strides = array<i32>} : memref<128xf32, #tpu.memory_space<vmem>>, vector<16xf32>,
        tpu.vector_store %swap3A_920[%swap3A_921], %mul3A_917 {strides = array<i32>} : memref<128xf32, #tpu.memory_space<vmem>>, vector<16xf32>,
        %get3A_923 = arith.constant 0 : i32
        %get3A_924 = tpu.memref_slice %arg27[%add3A_740, %get3A_923] : memref<80x128xf32, #tpu.memory_space<vmem>> -> memref<1x128xf32, #tpu.memory_space<vmem>>
        %get3A_925 = tpu.memref_squeeze %get3A_924 : memref<1x128xf32, #tpu.memory_space<vmem>> -> memref<128xf32, #tpu.memory_space<vmem>>
        %get3A_926 = arith.constant 64 : index
        %get3A_927 = tpu.vector_load %get3A_925[%get3A_926] {strides = array<i32>} : memref<128xf32, #tpu.memory_space<vmem>>, vector<16xf32>,
        %mul3A_928 = arith.mulf %get3A_927, %gather3A : vector<16xf32>
        %swap3A_929 = arith.constant 0 : i32
        %swap3A_930 = tpu.memref_slice %arg27[%add3A_740, %swap3A_929] : memref<80x128xf32, #tpu.memory_space<vmem>> -> memref<1x128xf32, #tpu.memory_space<vmem>>
        %swap3A_931 = tpu.memref_squeeze %swap3A_930 : memref<1x128xf32, #tpu.memory_space<vmem>> -> memref<128xf32, #tpu.memory_space<vmem>>
        %swap3A_932 = arith.constant 64 : index
        %swap3A_933 = tpu.vector_load %swap3A_931[%swap3A_932] {strides = array<i32>} : memref<128xf32, #tpu.memory_space<vmem>>, vector<16xf32>,
        tpu.vector_store %swap3A_931[%swap3A_932], %mul3A_928 {strides = array<i32>} : memref<128xf32, #tpu.memory_space<vmem>>, vector<16xf32>,
        %get3A_934 = arith.constant 0 : i32
        %get3A_935 = tpu.memref_slice %arg27[%add3A_742, %get3A_934] : memref<80x128xf32, #tpu.memory_space<vmem>> -> memref<1x128xf32, #tpu.memory_space<vmem>>
        %get3A_936 = tpu.memref_squeeze %get3A_935 : memref<1x128xf32, #tpu.memory_space<vmem>> -> memref<128xf32, #tpu.memory_space<vmem>>
        %get3A_937 = arith.constant 64 : index
        %get3A_938 = tpu.vector_load %get3A_936[%get3A_937] {strides = array<i32>} : memref<128xf32, #tpu.memory_space<vmem>>, vector<16xf32>,
        %mul3A_939 = arith.mulf %get3A_938, %gather3A_730 : vector<16xf32>
        %swap3A_940 = arith.constant 0 : i32
        %swap3A_941 = tpu.memref_slice %arg27[%add3A_742, %swap3A_940] : memref<80x128xf32, #tpu.memory_space<vmem>> -> memref<1x128xf32, #tpu.memory_space<vmem>>
        %swap3A_942 = tpu.memref_squeeze %swap3A_941 : memref<1x128xf32, #tpu.memory_space<vmem>> -> memref<128xf32, #tpu.memory_space<vmem>>
        %swap3A_943 = arith.constant 64 : index
        %swap3A_944 = tpu.vector_load %swap3A_942[%swap3A_943] {strides = array<i32>} : memref<128xf32, #tpu.memory_space<vmem>>, vector<16xf32>,
        tpu.vector_store %swap3A_942[%swap3A_943], %mul3A_939 {strides = array<i32>} : memref<128xf32, #tpu.memory_space<vmem>>, vector<16xf32>,
        %get3A_945 = arith.constant 0 : i32
        %get3A_946 = tpu.memref_slice %arg27[%add3A_744, %get3A_945] : memref<80x128xf32, #tpu.memory_space<vmem>> -> memref<1x128xf32, #tpu.memory_space<vmem>>
        %get3A_947 = tpu.memref_squeeze %get3A_946 : memref<1x128xf32, #tpu.memory_space<vmem>> -> memref<128xf32, #tpu.memory_space<vmem>>
        %get3A_948 = arith.constant 64 : index
        %get3A_949 = tpu.vector_load %get3A_947[%get3A_948] {strides = array<i32>} : memref<128xf32, #tpu.memory_space<vmem>>, vector<16xf32>,
        %mul3A_950 = arith.mulf %get3A_949, %gather3A_734 : vector<16xf32>
        %swap3A_951 = arith.constant 0 : i32
        %swap3A_952 = tpu.memref_slice %arg27[%add3A_744, %swap3A_951] : memref<80x128xf32, #tpu.memory_space<vmem>> -> memref<1x128xf32, #tpu.memory_space<vmem>>
        %swap3A_953 = tpu.memref_squeeze %swap3A_952 : memref<1x128xf32, #tpu.memory_space<vmem>> -> memref<128xf32, #tpu.memory_space<vmem>>
        %swap3A_954 = arith.constant 64 : index
        %swap3A_955 = tpu.vector_load %swap3A_953[%swap3A_954] {strides = array<i32>} : memref<128xf32, #tpu.memory_space<vmem>>, vector<16xf32>,
        tpu.vector_store %swap3A_953[%swap3A_954], %mul3A_950 {strides = array<i32>} : memref<128xf32, #tpu.memory_space<vmem>>, vector<16xf32>,
        %get3A_956 = arith.constant 0 : i32
        %get3A_957 = tpu.memref_slice %arg27[%add3A_746, %get3A_956] : memref<80x128xf32, #tpu.memory_space<vmem>> -> memref<1x128xf32, #tpu.memory_space<vmem>>
        %get3A_958 = tpu.memref_squeeze %get3A_957 : memref<1x128xf32, #tpu.memory_space<vmem>> -> memref<128xf32, #tpu.memory_space<vmem>>
        %get3A_959 = arith.constant 64 : index
        %get3A_960 = tpu.vector_load %get3A_958[%get3A_959] {strides = array<i32>} : memref<128xf32, #tpu.memory_space<vmem>>, vector<16xf32>,
        %mul3A_961 = arith.mulf %get3A_960, %gather3A_738 : vector<16xf32>
        %swap3A_962 = arith.constant 0 : i32
        %swap3A_963 = tpu.memref_slice %arg27[%add3A_746, %swap3A_962] : memref<80x128xf32, #tpu.memory_space<vmem>> -> memref<1x128xf32, #tpu.memory_space<vmem>>
        %swap3A_964 = tpu.memref_squeeze %swap3A_963 : memref<1x128xf32, #tpu.memory_space<vmem>> -> memref<128xf32, #tpu.memory_space<vmem>>
        %swap3A_965 = arith.constant 64 : index
        %swap3A_966 = tpu.vector_load %swap3A_964[%swap3A_965] {strides = array<i32>} : memref<128xf32, #tpu.memory_space<vmem>>, vector<16xf32>,
        tpu.vector_store %swap3A_964[%swap3A_965], %mul3A_961 {strides = array<i32>} : memref<128xf32, #tpu.memory_space<vmem>>, vector<16xf32>,
        %get3A_967 = arith.constant 0 : i32
        %get3A_968 = tpu.memref_slice %arg27[%add3A_740, %get3A_967] : memref<80x128xf32, #tpu.memory_space<vmem>> -> memref<1x128xf32, #tpu.memory_space<vmem>>
        %get3A_969 = tpu.memref_squeeze %get3A_968 : memref<1x128xf32, #tpu.memory_space<vmem>> -> memref<128xf32, #tpu.memory_space<vmem>>
        %get3A_970 = arith.constant 80 : index
        %get3A_971 = tpu.vector_load %get3A_969[%get3A_970] {strides = array<i32>} : memref<128xf32, #tpu.memory_space<vmem>>, vector<16xf32>,
        %mul3A_972 = arith.mulf %get3A_971, %gather3A : vector<16xf32>
        %swap3A_973 = arith.constant 0 : i32
        %swap3A_974 = tpu.memref_slice %arg27[%add3A_740, %swap3A_973] : memref<80x128xf32, #tpu.memory_space<vmem>> -> memref<1x128xf32, #tpu.memory_space<vmem>>
        %swap3A_975 = tpu.memref_squeeze %swap3A_974 : memref<1x128xf32, #tpu.memory_space<vmem>> -> memref<128xf32, #tpu.memory_space<vmem>>
        %swap3A_976 = arith.constant 80 : index
        %swap3A_977 = tpu.vector_load %swap3A_975[%swap3A_976] {strides = array<i32>} : memref<128xf32, #tpu.memory_space<vmem>>, vector<16xf32>,
        tpu.vector_store %swap3A_975[%swap3A_976], %mul3A_972 {strides = array<i32>} : memref<128xf32, #tpu.memory_space<vmem>>, vector<16xf32>,
        %get3A_978 = arith.constant 0 : i32
        %get3A_979 = tpu.memref_slice %arg27[%add3A_742, %get3A_978] : memref<80x128xf32, #tpu.memory_space<vmem>> -> memref<1x128xf32, #tpu.memory_space<vmem>>
        %get3A_980 = tpu.memref_squeeze %get3A_979 : memref<1x128xf32, #tpu.memory_space<vmem>> -> memref<128xf32, #tpu.memory_space<vmem>>
        %get3A_981 = arith.constant 80 : index
        %get3A_982 = tpu.vector_load %get3A_980[%get3A_981] {strides = array<i32>} : memref<128xf32, #tpu.memory_space<vmem>>, vector<16xf32>,
        %mul3A_983 = arith.mulf %get3A_982, %gather3A_730 : vector<16xf32>
        %swap3A_984 = arith.constant 0 : i32
        %swap3A_985 = tpu.memref_slice %arg27[%add3A_742, %swap3A_984] : memref<80x128xf32, #tpu.memory_space<vmem>> -> memref<1x128xf32, #tpu.memory_space<vmem>>
        %swap3A_986 = tpu.memref_squeeze %swap3A_985 : memref<1x128xf32, #tpu.memory_space<vmem>> -> memref<128xf32, #tpu.memory_space<vmem>>
        %swap3A_987 = arith.constant 80 : index
        %swap3A_988 = tpu.vector_load %swap3A_986[%swap3A_987] {strides = array<i32>} : memref<128xf32, #tpu.memory_space<vmem>>, vector<16xf32>,
        tpu.vector_store %swap3A_986[%swap3A_987], %mul3A_983 {strides = array<i32>} : memref<128xf32, #tpu.memory_space<vmem>>, vector<16xf32>,
        %get3A_989 = arith.constant 0 : i32
        %get3A_990 = tpu.memref_slice %arg27[%add3A_744, %get3A_989] : memref<80x128xf32, #tpu.memory_space<vmem>> -> memref<1x128xf32, #tpu.memory_space<vmem>>
        %get3A_991 = tpu.memref_squeeze %get3A_990 : memref<1x128xf32, #tpu.memory_space<vmem>> -> memref<128xf32, #tpu.memory_space<vmem>>
        %get3A_992 = arith.constant 80 : index
        %get3A_993 = tpu.vector_load %get3A_991[%get3A_992] {strides = array<i32>} : memref<128xf32, #tpu.memory_space<vmem>>, vector<16xf32>,
        %mul3A_994 = arith.mulf %get3A_993, %gather3A_734 : vector<16xf32>
        %swap3A_995 = arith.constant 0 : i32
        %swap3A_996 = tpu.memref_slice %arg27[%add3A_744, %swap3A_995] : memref<80x128xf32, #tpu.memory_space<vmem>> -> memref<1x128xf32, #tpu.memory_space<vmem>>
        %swap3A_997 = tpu.memref_squeeze %swap3A_996 : memref<1x128xf32, #tpu.memory_space<vmem>> -> memref<128xf32, #tpu.memory_space<vmem>>
        %swap3A_998 = arith.constant 80 : index
        %swap3A_999 = tpu.vector_load %swap3A_997[%swap3A_998] {strides = array<i32>} : memref<128xf32, #tpu.memory_space<vmem>>, vector<16xf32>,
        tpu.vector_store %swap3A_997[%swap3A_998], %mul3A_994 {strides = array<i32>} : memref<128xf32, #tpu.memory_space<vmem>>, vector<16xf32>,
        %get3A_1000 = arith.constant 0 : i32
        %get3A_1001 = tpu.memref_slice %arg27[%add3A_746, %get3A_1000] : memref<80x128xf32, #tpu.memory_space<vmem>> -> memref<1x128xf32, #tpu.memory_space<vmem>>
        %get3A_1002 = tpu.memref_squeeze %get3A_1001 : memref<1x128xf32, #tpu.memory_space<vmem>> -> memref<128xf32, #tpu.memory_space<vmem>>
        %get3A_1003 = arith.constant 80 : index
        %get3A_1004 = tpu.vector_load %get3A_1002[%get3A_1003] {strides = array<i32>} : memref<128xf32, #tpu.memory_space<vmem>>, vector<16xf32>,
        %mul3A_1005 = arith.mulf %get3A_1004, %gather3A_738 : vector<16xf32>
        %swap3A_1006 = arith.constant 0 : i32
        %swap3A_1007 = tpu.memref_slice %arg27[%add3A_746, %swap3A_1006] : memref<80x128xf32, #tpu.memory_space<vmem>> -> memref<1x128xf32, #tpu.memory_space<vmem>>
        %swap3A_1008 = tpu.memref_squeeze %swap3A_1007 : memref<1x128xf32, #tpu.memory_space<vmem>> -> memref<128xf32, #tpu.memory_space<vmem>>
        %swap3A_1009 = arith.constant 80 : index
        %swap3A_1010 = tpu.vector_load %swap3A_1008[%swap3A_1009] {strides = array<i32>} : memref<128xf32, #tpu.memory_space<vmem>>, vector<16xf32>,
        tpu.vector_store %swap3A_1008[%swap3A_1009], %mul3A_1005 {strides = array<i32>} : memref<128xf32, #tpu.memory_space<vmem>>, vector<16xf32>,
        %get3A_1011 = arith.constant 0 : i32
        %get3A_1012 = tpu.memref_slice %arg27[%add3A_740, %get3A_1011] : memref<80x128xf32, #tpu.memory_space<vmem>> -> memref<1x128xf32, #tpu.memory_space<vmem>>
        %get3A_1013 = tpu.memref_squeeze %get3A_1012 : memref<1x128xf32, #tpu.memory_space<vmem>> -> memref<128xf32, #tpu.memory_space<vmem>>
        %get3A_1014 = arith.constant 96 : index
        %get3A_1015 = tpu.vector_load %get3A_1013[%get3A_1014] {strides = array<i32>} : memref<128xf32, #tpu.memory_space<vmem>>, vector<16xf32>,
        %mul3A_1016 = arith.mulf %get3A_1015, %gather3A : vector<16xf32>
        %swap3A_1017 = arith.constant 0 : i32
        %swap3A_1018 = tpu.memref_slice %arg27[%add3A_740, %swap3A_1017] : memref<80x128xf32, #tpu.memory_space<vmem>> -> memref<1x128xf32, #tpu.memory_space<vmem>>
        %swap3A_1019 = tpu.memref_squeeze %swap3A_1018 : memref<1x128xf32, #tpu.memory_space<vmem>> -> memref<128xf32, #tpu.memory_space<vmem>>
        %swap3A_1020 = arith.constant 96 : index
        %swap3A_1021 = tpu.vector_load %swap3A_1019[%swap3A_1020] {strides = array<i32>} : memref<128xf32, #tpu.memory_space<vmem>>, vector<16xf32>,
        tpu.vector_store %swap3A_1019[%swap3A_1020], %mul3A_1016 {strides = array<i32>} : memref<128xf32, #tpu.memory_space<vmem>>, vector<16xf32>,
        %get3A_1022 = arith.constant 0 : i32
        %get3A_1023 = tpu.memref_slice %arg27[%add3A_742, %get3A_1022] : memref<80x128xf32, #tpu.memory_space<vmem>> -> memref<1x128xf32, #tpu.memory_space<vmem>>
        %get3A_1024 = tpu.memref_squeeze %get3A_1023 : memref<1x128xf32, #tpu.memory_space<vmem>> -> memref<128xf32, #tpu.memory_space<vmem>>
        %get3A_1025 = arith.constant 96 : index
        %get3A_1026 = tpu.vector_load %get3A_1024[%get3A_1025] {strides = array<i32>} : memref<128xf32, #tpu.memory_space<vmem>>, vector<16xf32>,
        %mul3A_1027 = arith.mulf %get3A_1026, %gather3A_730 : vector<16xf32>
        %swap3A_1028 = arith.constant 0 : i32
        %swap3A_1029 = tpu.memref_slice %arg27[%add3A_742, %swap3A_1028] : memref<80x128xf32, #tpu.memory_space<vmem>> -> memref<1x128xf32, #tpu.memory_space<vmem>>
        %swap3A_1030 = tpu.memref_squeeze %swap3A_1029 : memref<1x128xf32, #tpu.memory_space<vmem>> -> memref<128xf32, #tpu.memory_space<vmem>>
        %swap3A_1031 = arith.constant 96 : index
        %swap3A_1032 = tpu.vector_load %swap3A_1030[%swap3A_1031] {strides = array<i32>} : memref<128xf32, #tpu.memory_space<vmem>>, vector<16xf32>,
        tpu.vector_store %swap3A_1030[%swap3A_1031], %mul3A_1027 {strides = array<i32>} : memref<128xf32, #tpu.memory_space<vmem>>, vector<16xf32>,
        %get3A_1033 = arith.constant 0 : i32
        %get3A_1034 = tpu.memref_slice %arg27[%add3A_744, %get3A_1033] : memref<80x128xf32, #tpu.memory_space<vmem>> -> memref<1x128xf32, #tpu.memory_space<vmem>>
        %get3A_1035 = tpu.memref_squeeze %get3A_1034 : memref<1x128xf32, #tpu.memory_space<vmem>> -> memref<128xf32, #tpu.memory_space<vmem>>
        %get3A_1036 = arith.constant 96 : index
        %get3A_1037 = tpu.vector_load %get3A_1035[%get3A_1036] {strides = array<i32>} : memref<128xf32, #tpu.memory_space<vmem>>, vector<16xf32>,
        %mul3A_1038 = arith.mulf %get3A_1037, %gather3A_734 : vector<16xf32>
        %swap3A_1039 = arith.constant 0 : i32
        %swap3A_1040 = tpu.memref_slice %arg27[%add3A_744, %swap3A_1039] : memref<80x128xf32, #tpu.memory_space<vmem>> -> memref<1x128xf32, #tpu.memory_space<vmem>>
        %swap3A_1041 = tpu.memref_squeeze %swap3A_1040 : memref<1x128xf32, #tpu.memory_space<vmem>> -> memref<128xf32, #tpu.memory_space<vmem>>
        %swap3A_1042 = arith.constant 96 : index
        %swap3A_1043 = tpu.vector_load %swap3A_1041[%swap3A_1042] {strides = array<i32>} : memref<128xf32, #tpu.memory_space<vmem>>, vector<16xf32>,
        tpu.vector_store %swap3A_1041[%swap3A_1042], %mul3A_1038 {strides = array<i32>} : memref<128xf32, #tpu.memory_space<vmem>>, vector<16xf32>,
        %get3A_1044 = arith.constant 0 : i32
        %get3A_1045 = tpu.memref_slice %arg27[%add3A_746, %get3A_1044] : memref<80x128xf32, #tpu.memory_space<vmem>> -> memref<1x128xf32, #tpu.memory_space<vmem>>
        %get3A_1046 = tpu.memref_squeeze %get3A_1045 : memref<1x128xf32, #tpu.memory_space<vmem>> -> memref<128xf32, #tpu.memory_space<vmem>>
        %get3A_1047 = arith.constant 96 : index
        %get3A_1048 = tpu.vector_load %get3A_1046[%get3A_1047] {strides = array<i32>} : memref<128xf32, #tpu.memory_space<vmem>>, vector<16xf32>,
        %mul3A_1049 = arith.mulf %get3A_1048, %gather3A_738 : vector<16xf32>
        %swap3A_1050 = arith.constant 0 : i32
        %swap3A_1051 = tpu.memref_slice %arg27[%add3A_746, %swap3A_1050] : memref<80x128xf32, #tpu.memory_space<vmem>> -> memref<1x128xf32, #tpu.memory_space<vmem>>
        %swap3A_1052 = tpu.memref_squeeze %swap3A_1051 : memref<1x128xf32, #tpu.memory_space<vmem>> -> memref<128xf32, #tpu.memory_space<vmem>>
        %swap3A_1053 = arith.constant 96 : index
        %swap3A_1054 = tpu.vector_load %swap3A_1052[%swap3A_1053] {strides = array<i32>} : memref<128xf32, #tpu.memory_space<vmem>>, vector<16xf32>,
        tpu.vector_store %swap3A_1052[%swap3A_1053], %mul3A_1049 {strides = array<i32>} : memref<128xf32, #tpu.memory_space<vmem>>, vector<16xf32>,
        %get3A_1055 = arith.constant 0 : i32
        %get3A_1056 = tpu.memref_slice %arg27[%add3A_740, %get3A_1055] : memref<80x128xf32, #tpu.memory_space<vmem>> -> memref<1x128xf32, #tpu.memory_space<vmem>>
        %get3A_1057 = tpu.memref_squeeze %get3A_1056 : memref<1x128xf32, #tpu.memory_space<vmem>> -> memref<128xf32, #tpu.memory_space<vmem>>
        %get3A_1058 = arith.constant 112 : index
        %get3A_1059 = tpu.vector_load %get3A_1057[%get3A_1058] {strides = array<i32>} : memref<128xf32, #tpu.memory_space<vmem>>, vector<16xf32>,
        %mul3A_1060 = arith.mulf %get3A_1059, %gather3A : vector<16xf32>
        %swap3A_1061 = arith.constant 0 : i32
        %swap3A_1062 = tpu.memref_slice %arg27[%add3A_740, %swap3A_1061] : memref<80x128xf32, #tpu.memory_space<vmem>> -> memref<1x128xf32, #tpu.memory_space<vmem>>
        %swap3A_1063 = tpu.memref_squeeze %swap3A_1062 : memref<1x128xf32, #tpu.memory_space<vmem>> -> memref<128xf32, #tpu.memory_space<vmem>>
        %swap3A_1064 = arith.constant 112 : index
        %swap3A_1065 = tpu.vector_load %swap3A_1063[%swap3A_1064] {strides = array<i32>} : memref<128xf32, #tpu.memory_space<vmem>>, vector<16xf32>,
        tpu.vector_store %swap3A_1063[%swap3A_1064], %mul3A_1060 {strides = array<i32>} : memref<128xf32, #tpu.memory_space<vmem>>, vector<16xf32>,
        %get3A_1066 = arith.constant 0 : i32
        %get3A_1067 = tpu.memref_slice %arg27[%add3A_742, %get3A_1066] : memref<80x128xf32, #tpu.memory_space<vmem>> -> memref<1x128xf32, #tpu.memory_space<vmem>>
        %get3A_1068 = tpu.memref_squeeze %get3A_1067 : memref<1x128xf32, #tpu.memory_space<vmem>> -> memref<128xf32, #tpu.memory_space<vmem>>
        %get3A_1069 = arith.constant 112 : index
        %get3A_1070 = tpu.vector_load %get3A_1068[%get3A_1069] {strides = array<i32>} : memref<128xf32, #tpu.memory_space<vmem>>, vector<16xf32>,
        %mul3A_1071 = arith.mulf %get3A_1070, %gather3A_730 : vector<16xf32>
        %swap3A_1072 = arith.constant 0 : i32
        %swap3A_1073 = tpu.memref_slice %arg27[%add3A_742, %swap3A_1072] : memref<80x128xf32, #tpu.memory_space<vmem>> -> memref<1x128xf32, #tpu.memory_space<vmem>>
        %swap3A_1074 = tpu.memref_squeeze %swap3A_1073 : memref<1x128xf32, #tpu.memory_space<vmem>> -> memref<128xf32, #tpu.memory_space<vmem>>
        %swap3A_1075 = arith.constant 112 : index
        %swap3A_1076 = tpu.vector_load %swap3A_1074[%swap3A_1075] {strides = array<i32>} : memref<128xf32, #tpu.memory_space<vmem>>, vector<16xf32>,
        tpu.vector_store %swap3A_1074[%swap3A_1075], %mul3A_1071 {strides = array<i32>} : memref<128xf32, #tpu.memory_space<vmem>>, vector<16xf32>,
        %get3A_1077 = arith.constant 0 : i32
        %get3A_1078 = tpu.memref_slice %arg27[%add3A_744, %get3A_1077] : memref<80x128xf32, #tpu.memory_space<vmem>> -> memref<1x128xf32, #tpu.memory_space<vmem>>
        %get3A_1079 = tpu.memref_squeeze %get3A_1078 : memref<1x128xf32, #tpu.memory_space<vmem>> -> memref<128xf32, #tpu.memory_space<vmem>>
        %get3A_1080 = arith.constant 112 : index
        %get3A_1081 = tpu.vector_load %get3A_1079[%get3A_1080] {strides = array<i32>} : memref<128xf32, #tpu.memory_space<vmem>>, vector<16xf32>,
        %mul3A_1082 = arith.mulf %get3A_1081, %gather3A_734 : vector<16xf32>
        %swap3A_1083 = arith.constant 0 : i32
        %swap3A_1084 = tpu.memref_slice %arg27[%add3A_744, %swap3A_1083] : memref<80x128xf32, #tpu.memory_space<vmem>> -> memref<1x128xf32, #tpu.memory_space<vmem>>
        %swap3A_1085 = tpu.memref_squeeze %swap3A_1084 : memref<1x128xf32, #tpu.memory_space<vmem>> -> memref<128xf32, #tpu.memory_space<vmem>>
        %swap3A_1086 = arith.constant 112 : index
        %swap3A_1087 = tpu.vector_load %swap3A_1085[%swap3A_1086] {strides = array<i32>} : memref<128xf32, #tpu.memory_space<vmem>>, vector<16xf32>,
        tpu.vector_store %swap3A_1085[%swap3A_1086], %mul3A_1082 {strides = array<i32>} : memref<128xf32, #tpu.memory_space<vmem>>, vector<16xf32>,
        %get3A_1088 = arith.constant 0 : i32
        %get3A_1089 = tpu.memref_slice %arg27[%add3A_746, %get3A_1088] : memref<80x128xf32, #tpu.memory_space<vmem>> -> memref<1x128xf32, #tpu.memory_space<vmem>>
        %get3A_1090 = tpu.memref_squeeze %get3A_1089 : memref<1x128xf32, #tpu.memory_space<vmem>> -> memref<128xf32, #tpu.memory_space<vmem>>
        %get3A_1091 = arith.constant 112 : index
        %get3A_1092 = tpu.vector_load %get3A_1090[%get3A_1091] {strides = array<i32>} : memref<128xf32, #tpu.memory_space<vmem>>, vector<16xf32>,
        %mul3A_1093 = arith.mulf %get3A_1092, %gather3A_738 : vector<16xf32>
        %swap3A_1094 = arith.constant 0 : i32
        %swap3A_1095 = tpu.memref_slice %arg27[%add3A_746, %swap3A_1094] : memref<80x128xf32, #tpu.memory_space<vmem>> -> memref<1x128xf32, #tpu.memory_space<vmem>>
        %swap3A_1096 = tpu.memref_squeeze %swap3A_1095 : memref<1x128xf32, #tpu.memory_space<vmem>> -> memref<128xf32, #tpu.memory_space<vmem>>
        %swap3A_1097 = arith.constant 112 : index
        %swap3A_1098 = tpu.vector_load %swap3A_1096[%swap3A_1097] {strides = array<i32>} : memref<128xf32, #tpu.memory_space<vmem>>, vector<16xf32>,
        tpu.vector_store %swap3A_1096[%swap3A_1097], %mul3A_1093 {strides = array<i32>} : memref<128xf32, #tpu.memory_space<vmem>>, vector<16xf32>,
      }
      %scan3A_506 = arith.constant 20 : i32
      %dma_start3A_507 = arith.constant 0 : i32
      %dma_start3A_508 = arith.constant 0 : i32
      %dma_start3A_509 = tpu.memref_slice %arg33[%dma_start3A_507, %dma_start3A_508] : memref<10000x128xf32, #tpu.memory_space<vmem_shared>> -> memref<10000x128xf32, #tpu.memory_space<vmem_shared>>
      tpu.enqueue_indirect_dma source(%arg27 : memref<80x128xf32, #tpu.memory_space<vmem>>) target(%dma_start3A_509 : memref<10000x128xf32, #tpu.memory_space<vmem_shared>>) offsets(%arg11 : memref<80xi32, #tpu.memory_space<vmem>>) semaphore(%arg43 : memref<!tpu.dma_semaphore, #tpu.memory_space<semaphore_mem>>) {add = true}
      %dma_start3A_510 = arith.constant 0 : i32
      %dma_start3A_511 = tpu.memref_slice %arg34[%dma_start3A_510] : memref<10000xf32, #tpu.memory_space<vmem_shared>> -> memref<10000xf32, #tpu.memory_space<vmem_shared>>
      tpu.enqueue_indirect_dma source(%arg23 : memref<80xf32, #tpu.memory_space<vmem>>) target(%dma_start3A_511 : memref<10000xf32, #tpu.memory_space<vmem_shared>>) offsets(%arg11 : memref<80xi32, #tpu.memory_space<vmem>>) semaphore(%arg47 : memref<!tpu.dma_semaphore, #tpu.memory_space<semaphore_mem>>) {add = true}
      %add3A_512 = arith.constant 1 : i32
      %add3A_513 = arith.addi %mul3A_444, %add3A_512 : i32
      %ge3A_514 = arith.constant 2 : i32
      %ge3A_515 = arith.cmpi sge, %add3A_513, %ge3A_514 : i32
      %convert_element_type3A_516 = arith.extui %ge3A_515 : i1 to i32
      %cond3A_517 = arith.constant 0 : i32
      %cond3A_518 = arith.cmpi ne, %convert_element_type3A_516, %cond3A_517 : i32
      scf.if %cond3A_518 {
        %dma_wait3A_722 = arith.constant 0 : i32
        %dma_wait3A_723 = arith.constant 0 : i32
        %dma_wait3A_724 = tpu.memref_slice %arg33[%dma_wait3A_722, %dma_wait3A_723] : memref<10000x128xf32, #tpu.memory_space<vmem_shared>> -> memref<10000x128xf32, #tpu.memory_space<vmem_shared>>
        tpu.wait_indirect_dma semaphore(%arg46 : memref<!tpu.dma_semaphore, #tpu.memory_space<semaphore_mem>>) src(%arg30 : memref<80x128xf32, #tpu.memory_space<vmem>>) dst(%dma_wait3A_724 : memref<10000x128xf32, #tpu.memory_space<vmem_shared>>)
        %dma_wait3A_725 = arith.constant 0 : i32
        %dma_wait3A_726 = tpu.memref_slice %arg34[%dma_wait3A_725] : memref<10000xf32, #tpu.memory_space<vmem_shared>> -> memref<10000xf32, #tpu.memory_space<vmem_shared>>
        tpu.wait_indirect_dma semaphore(%arg50 : memref<!tpu.dma_semaphore, #tpu.memory_space<semaphore_mem>>) src(%arg26 : memref<80xf32, #tpu.memory_space<vmem>>) dst(%dma_wait3A_726 : memref<10000xf32, #tpu.memory_space<vmem_shared>>)
      } else {
      }
      %add3A_519 = arith.constant 2 : i32
      %add3A_520 = arith.addi %add3A_513, %add3A_519 : i32
      %le3A_521 = arith.constant 124 : i32
      %le3A_522 = arith.cmpi sle, %add3A_520, %le3A_521 : i32
      %convert_element_type3A_523 = arith.extui %le3A_522 : i1 to i32
      %cond3A_524 = arith.constant 0 : i32
      %cond3A_525 = arith.cmpi ne, %convert_element_type3A_523, %cond3A_524 : i32
      scf.if %cond3A_525 {
        %add3A_722 = arith.constant 2 : i32
        %add3A_723 = arith.addi %add3A_513, %add3A_722 : i32
        %mul3A_724 = arith.constant 80 : i32
        %mul3A_725 = arith.muli %add3A_723, %mul3A_724 : i32
        %add3A_726 = arith.addi %mul3A_2, %mul3A_725 : i32
        %multiple_of3A_727 = tpu.assume_multiple %add3A_726, 16 : i32
        %dma_start3A_728 = tpu.memref_slice %arg2[%multiple_of3A_727] : memref<320000xi32, #tpu.memory_space<hbm>> -> memref<80xi32, #tpu.memory_space<hbm>>
        %dma_start3A_729 = tpu.memref_slice %arg2[%multiple_of3A_727] : memref<320000xi32, #tpu.memory_space<hbm>> -> memref<80xi32, #tpu.memory_space<hbm>>
        tpu.enqueue_dma source(%dma_start3A_729 : memref<80xi32, #tpu.memory_space<hbm>>) target(%arg14 : memref<80xi32, #tpu.memory_space<vmem>>) target_semaphore(%arg38 : memref<!tpu.dma_semaphore, #tpu.memory_space<semaphore_mem>>)
        %dma_start3A_730 = tpu.memref_slice %arg3[%multiple_of3A_727] : memref<320000xi32, #tpu.memory_space<hbm>> -> memref<80xi32, #tpu.memory_space<hbm>>
        %dma_start3A_731 = tpu.memref_slice %arg3[%multiple_of3A_727] : memref<320000xi32, #tpu.memory_space<hbm>> -> memref<80xi32, #tpu.memory_space<hbm>>
        tpu.enqueue_dma source(%dma_start3A_731 : memref<80xi32, #tpu.memory_space<hbm>>) target(%arg18 : memref<80xi32, #tpu.memory_space<vmem>>) target_semaphore(%arg38 : memref<!tpu.dma_semaphore, #tpu.memory_space<semaphore_mem>>)
        %dma_start3A_732 = tpu.memref_slice %arg4[%multiple_of3A_727] : memref<320000xf32, #tpu.memory_space<hbm>> -> memref<80xf32, #tpu.memory_space<hbm>>
        %dma_start3A_733 = tpu.memref_slice %arg4[%multiple_of3A_727] : memref<320000xf32, #tpu.memory_space<hbm>> -> memref<80xf32, #tpu.memory_space<hbm>>
        tpu.enqueue_dma source(%dma_start3A_733 : memref<80xf32, #tpu.memory_space<hbm>>) target(%arg22 : memref<80xf32, #tpu.memory_space<vmem>>) target_semaphore(%arg38 : memref<!tpu.dma_semaphore, #tpu.memory_space<semaphore_mem>>)
      } else {
      }
      %add3A_526 = arith.constant 1 : i32
      %add3A_527 = arith.addi %add3A_513, %add3A_526 : i32
      %le3A_528 = arith.constant 124 : i32
      %le3A_529 = arith.cmpi sle, %add3A_527, %le3A_528 : i32
      %convert_element_type3A_530 = arith.extui %le3A_529 : i1 to i32
      %cond3A_531 = arith.constant 0 : i32
      %cond3A_532 = arith.cmpi ne, %convert_element_type3A_530, %cond3A_531 : i32
      scf.if %cond3A_532 {
        %add3A_722 = arith.constant 1 : i32
        %add3A_723 = arith.addi %add3A_513, %add3A_722 : i32
        %mul3A_724 = arith.constant 80 : i32
        %mul3A_725 = arith.muli %add3A_723, %mul3A_724 : i32
        %add3A_726 = arith.addi %mul3A_2, %mul3A_725 : i32
        %multiple_of3A_727 = tpu.assume_multiple %add3A_726, 16 : i32
        %dma_wait3A_728 = tpu.memref_slice %arg2[%multiple_of3A_727] : memref<320000xi32, #tpu.memory_space<hbm>> -> memref<80xi32, #tpu.memory_space<hbm>>
        %dma_wait3A_729 = tpu.memref_slice %arg2[%multiple_of3A_727] : memref<320000xi32, #tpu.memory_space<hbm>> -> memref<80xi32, #tpu.memory_space<hbm>>
        tpu.wait_dma2 semaphore(%arg37 : memref<!tpu.dma_semaphore, #tpu.memory_space<semaphore_mem>>) src(%dma_wait3A_729 : memref<80xi32, #tpu.memory_space<hbm>>) dst(%arg13 : memref<80xi32, #tpu.memory_space<vmem>>)
        %dma_wait3A_730 = tpu.memref_slice %arg3[%multiple_of3A_727] : memref<320000xi32, #tpu.memory_space<hbm>> -> memref<80xi32, #tpu.memory_space<hbm>>
        %dma_wait3A_731 = tpu.memref_slice %arg3[%multiple_of3A_727] : memref<320000xi32, #tpu.memory_space<hbm>> -> memref<80xi32, #tpu.memory_space<hbm>>
        tpu.wait_dma2 semaphore(%arg37 : memref<!tpu.dma_semaphore, #tpu.memory_space<semaphore_mem>>) src(%dma_wait3A_731 : memref<80xi32, #tpu.memory_space<hbm>>) dst(%arg17 : memref<80xi32, #tpu.memory_space<vmem>>)
        %dma_wait3A_732 = tpu.memref_slice %arg4[%multiple_of3A_727] : memref<320000xf32, #tpu.memory_space<hbm>> -> memref<80xf32, #tpu.memory_space<hbm>>
        %dma_wait3A_733 = tpu.memref_slice %arg4[%multiple_of3A_727] : memref<320000xf32, #tpu.memory_space<hbm>> -> memref<80xf32, #tpu.memory_space<hbm>>
        tpu.wait_dma2 semaphore(%arg37 : memref<!tpu.dma_semaphore, #tpu.memory_space<semaphore_mem>>) src(%dma_wait3A_733 : memref<80xf32, #tpu.memory_space<hbm>>) dst(%arg21 : memref<80xf32, #tpu.memory_space<vmem>>)
        %dma_start3A_734 = arith.constant 0 : i32
        %dma_start3A_735 = arith.constant 0 : i32
        %dma_start3A_736 = tpu.memref_slice %arg6[%dma_start3A_734, %dma_start3A_735] : memref<10000x128xf32, #tpu.memory_space<hbm>> -> memref<10000x128xf32, #tpu.memory_space<hbm>>
        tpu.enqueue_indirect_dma source(%dma_start3A_736 : memref<10000x128xf32, #tpu.memory_space<hbm>>) target(%arg29 : memref<80x128xf32, #tpu.memory_space<vmem>>) offsets(%arg17 : memref<80xi32, #tpu.memory_space<vmem>>) semaphore(%arg41 : memref<!tpu.dma_semaphore, #tpu.memory_space<semaphore_mem>>)
      } else {
      }
      %dma_wait3A_533 = arith.constant 0 : i32
      %dma_wait3A_534 = arith.constant 0 : i32
      %dma_wait3A_535 = tpu.memref_slice %arg6[%dma_wait3A_533, %dma_wait3A_534] : memref<10000x128xf32, #tpu.memory_space<hbm>> -> memref<10000x128xf32, #tpu.memory_space<hbm>>
      tpu.wait_indirect_dma semaphore(%arg40 : memref<!tpu.dma_semaphore, #tpu.memory_space<semaphore_mem>>) src(%dma_wait3A_535 : memref<10000x128xf32, #tpu.memory_space<hbm>>) dst(%arg28 : memref<80x128xf32, #tpu.memory_space<vmem>>)
      %get3A_536 = arith.constant 0 : index
      %get3A_537 = tpu.vector_load %arg20[%get3A_536] {strides = array<i32>} : memref<80xf32, #tpu.memory_space<vmem>>, vector<16xf32>,
      %sub3A_538 = vector.broadcast %reduce_max3A_212 : f32 to vector<16xf32>
      %sub3A_539 = arith.subf %get3A_537, %sub3A_538 : vector<16xf32>
      %exp3A_540 = math.exp %sub3A_539 : vector<16xf32>
      %swap3A_541 = arith.constant 0 : index
      %swap3A_542 = tpu.vector_load %arg24[%swap3A_541] {strides = array<i32>} : memref<80xf32, #tpu.memory_space<vmem>>, vector<16xf32>,
      tpu.vector_store %arg24[%swap3A_541], %exp3A_540 {strides = array<i32>} : memref<80xf32, #tpu.memory_space<vmem>>, vector<16xf32>,
      %get3A_543 = arith.constant 16 : index
      %get3A_544 = tpu.vector_load %arg20[%get3A_543] {strides = array<i32>} : memref<80xf32, #tpu.memory_space<vmem>>, vector<16xf32>,
      %sub3A_545 = vector.broadcast %reduce_max3A_212 : f32 to vector<16xf32>
      %sub3A_546 = arith.subf %get3A_544, %sub3A_545 : vector<16xf32>
      %exp3A_547 = math.exp %sub3A_546 : vector<16xf32>
      %swap3A_548 = arith.constant 16 : index
      %swap3A_549 = tpu.vector_load %arg24[%swap3A_548] {strides = array<i32>} : memref<80xf32, #tpu.memory_space<vmem>>, vector<16xf32>,
      tpu.vector_store %arg24[%swap3A_548], %exp3A_547 {strides = array<i32>} : memref<80xf32, #tpu.memory_space<vmem>>, vector<16xf32>,
      %get3A_550 = arith.constant 32 : index
      %get3A_551 = tpu.vector_load %arg20[%get3A_550] {strides = array<i32>} : memref<80xf32, #tpu.memory_space<vmem>>, vector<16xf32>,
      %sub3A_552 = vector.broadcast %reduce_max3A_212 : f32 to vector<16xf32>
      %sub3A_553 = arith.subf %get3A_551, %sub3A_552 : vector<16xf32>
      %exp3A_554 = math.exp %sub3A_553 : vector<16xf32>
      %swap3A_555 = arith.constant 32 : index
      %swap3A_556 = tpu.vector_load %arg24[%swap3A_555] {strides = array<i32>} : memref<80xf32, #tpu.memory_space<vmem>>, vector<16xf32>,
      tpu.vector_store %arg24[%swap3A_555], %exp3A_554 {strides = array<i32>} : memref<80xf32, #tpu.memory_space<vmem>>, vector<16xf32>,
      %get3A_557 = arith.constant 48 : index
      %get3A_558 = tpu.vector_load %arg20[%get3A_557] {strides = array<i32>} : memref<80xf32, #tpu.memory_space<vmem>>, vector<16xf32>,
      %sub3A_559 = vector.broadcast %reduce_max3A_212 : f32 to vector<16xf32>
      %sub3A_560 = arith.subf %get3A_558, %sub3A_559 : vector<16xf32>
      %exp3A_561 = math.exp %sub3A_560 : vector<16xf32>
      %swap3A_562 = arith.constant 48 : index
      %swap3A_563 = tpu.vector_load %arg24[%swap3A_562] {strides = array<i32>} : memref<80xf32, #tpu.memory_space<vmem>>, vector<16xf32>,
      tpu.vector_store %arg24[%swap3A_562], %exp3A_561 {strides = array<i32>} : memref<80xf32, #tpu.memory_space<vmem>>, vector<16xf32>,
      %get3A_564 = arith.constant 64 : index
      %get3A_565 = tpu.vector_load %arg20[%get3A_564] {strides = array<i32>} : memref<80xf32, #tpu.memory_space<vmem>>, vector<16xf32>,
      %sub3A_566 = vector.broadcast %reduce_max3A_212 : f32 to vector<16xf32>
      %sub3A_567 = arith.subf %get3A_565, %sub3A_566 : vector<16xf32>
      %exp3A_568 = math.exp %sub3A_567 : vector<16xf32>
      %swap3A_569 = arith.constant 64 : index
      %swap3A_570 = tpu.vector_load %arg24[%swap3A_569] {strides = array<i32>} : memref<80xf32, #tpu.memory_space<vmem>>, vector<16xf32>,
      tpu.vector_store %arg24[%swap3A_569], %exp3A_568 {strides = array<i32>} : memref<80xf32, #tpu.memory_space<vmem>>, vector<16xf32>,
      %scan3A_571 = arith.constant 0 : i32
      %scan3A_572 = arith.constant 0 : i32
      %scan3A_573 = arith.constant 20 : i32
      %scan3A_574 = arith.addi %scan3A_572, %scan3A_573 : i32
      %scan3A_575 = arith.constant 1 : i32
      scf.for %scan3A_722 = %scan3A_572 to %scan3A_574 step %scan3A_575  : i32 {
        %mul3A_723 = arith.constant 4 : i32
        %mul3A_724 = arith.muli %mul3A_723, %scan3A_722 : i32
        %add3A_725 = arith.constant 0 : i32
        %add3A_726 = arith.addi %mul3A_724, %add3A_725 : i32
        %broadcast_in_dim3A = vector.broadcast %add3A_726 : i32 to vector<16xi32>
        %gather3A = tpu.vector_load_idx %arg24[%broadcast_in_dim3A] : memref<80xf32, #tpu.memory_space<vmem>>[vector<16xi32>], vector<16xf32>,
        %add3A_727 = arith.constant 1 : i32
        %add3A_728 = arith.addi %mul3A_724, %add3A_727 : i32
        %broadcast_in_dim3A_729 = vector.broadcast %add3A_728 : i32 to vector<16xi32>
        %gather3A_730 = tpu.vector_load_idx %arg24[%broadcast_in_dim3A_729] : memref<80xf32, #tpu.memory_space<vmem>>[vector<16xi32>], vector<16xf32>,
        %add3A_731 = arith.constant 2 : i32
        %add3A_732 = arith.addi %mul3A_724, %add3A_731 : i32
        %broadcast_in_dim3A_733 = vector.broadcast %add3A_732 : i32 to vector<16xi32>
        %gather3A_734 = tpu.vector_load_idx %arg24[%broadcast_in_dim3A_733] : memref<80xf32, #tpu.memory_space<vmem>>[vector<16xi32>], vector<16xf32>,
        %add3A_735 = arith.constant 3 : i32
        %add3A_736 = arith.addi %mul3A_724, %add3A_735 : i32
        %broadcast_in_dim3A_737 = vector.broadcast %add3A_736 : i32 to vector<16xi32>
        %gather3A_738 = tpu.vector_load_idx %arg24[%broadcast_in_dim3A_737] : memref<80xf32, #tpu.memory_space<vmem>>[vector<16xi32>], vector<16xf32>,
        %add3A_739 = arith.constant 0 : i32
        %add3A_740 = arith.addi %mul3A_724, %add3A_739 : i32
        %add3A_741 = arith.constant 1 : i32
        %add3A_742 = arith.addi %mul3A_724, %add3A_741 : i32
        %add3A_743 = arith.constant 2 : i32
        %add3A_744 = arith.addi %mul3A_724, %add3A_743 : i32
        %add3A_745 = arith.constant 3 : i32
        %add3A_746 = arith.addi %mul3A_724, %add3A_745 : i32
        %get3A_747 = arith.constant 0 : i32
        %get3A_748 = tpu.memref_slice %arg28[%add3A_740, %get3A_747] : memref<80x128xf32, #tpu.memory_space<vmem>> -> memref<1x128xf32, #tpu.memory_space<vmem>>
        %get3A_749 = tpu.memref_squeeze %get3A_748 : memref<1x128xf32, #tpu.memory_space<vmem>> -> memref<128xf32, #tpu.memory_space<vmem>>
        %get3A_750 = arith.constant 0 : index
        %get3A_751 = tpu.vector_load %get3A_749[%get3A_750] {strides = array<i32>} : memref<128xf32, #tpu.memory_space<vmem>>, vector<16xf32>,
        %mul3A_752 = arith.mulf %get3A_751, %gather3A : vector<16xf32>
        %swap3A_753 = arith.constant 0 : i32
        %swap3A_754 = tpu.memref_slice %arg28[%add3A_740, %swap3A_753] : memref<80x128xf32, #tpu.memory_space<vmem>> -> memref<1x128xf32, #tpu.memory_space<vmem>>
        %swap3A_755 = tpu.memref_squeeze %swap3A_754 : memref<1x128xf32, #tpu.memory_space<vmem>> -> memref<128xf32, #tpu.memory_space<vmem>>
        %swap3A_756 = arith.constant 0 : index
        %swap3A_757 = tpu.vector_load %swap3A_755[%swap3A_756] {strides = array<i32>} : memref<128xf32, #tpu.memory_space<vmem>>, vector<16xf32>,
        tpu.vector_store %swap3A_755[%swap3A_756], %mul3A_752 {strides = array<i32>} : memref<128xf32, #tpu.memory_space<vmem>>, vector<16xf32>,
        %get3A_758 = arith.constant 0 : i32
        %get3A_759 = tpu.memref_slice %arg28[%add3A_742, %get3A_758] : memref<80x128xf32, #tpu.memory_space<vmem>> -> memref<1x128xf32, #tpu.memory_space<vmem>>
        %get3A_760 = tpu.memref_squeeze %get3A_759 : memref<1x128xf32, #tpu.memory_space<vmem>> -> memref<128xf32, #tpu.memory_space<vmem>>
        %get3A_761 = arith.constant 0 : index
        %get3A_762 = tpu.vector_load %get3A_760[%get3A_761] {strides = array<i32>} : memref<128xf32, #tpu.memory_space<vmem>>, vector<16xf32>,
        %mul3A_763 = arith.mulf %get3A_762, %gather3A_730 : vector<16xf32>
        %swap3A_764 = arith.constant 0 : i32
        %swap3A_765 = tpu.memref_slice %arg28[%add3A_742, %swap3A_764] : memref<80x128xf32, #tpu.memory_space<vmem>> -> memref<1x128xf32, #tpu.memory_space<vmem>>
        %swap3A_766 = tpu.memref_squeeze %swap3A_765 : memref<1x128xf32, #tpu.memory_space<vmem>> -> memref<128xf32, #tpu.memory_space<vmem>>
        %swap3A_767 = arith.constant 0 : index
        %swap3A_768 = tpu.vector_load %swap3A_766[%swap3A_767] {strides = array<i32>} : memref<128xf32, #tpu.memory_space<vmem>>, vector<16xf32>,
        tpu.vector_store %swap3A_766[%swap3A_767], %mul3A_763 {strides = array<i32>} : memref<128xf32, #tpu.memory_space<vmem>>, vector<16xf32>,
        %get3A_769 = arith.constant 0 : i32
        %get3A_770 = tpu.memref_slice %arg28[%add3A_744, %get3A_769] : memref<80x128xf32, #tpu.memory_space<vmem>> -> memref<1x128xf32, #tpu.memory_space<vmem>>
        %get3A_771 = tpu.memref_squeeze %get3A_770 : memref<1x128xf32, #tpu.memory_space<vmem>> -> memref<128xf32, #tpu.memory_space<vmem>>
        %get3A_772 = arith.constant 0 : index
        %get3A_773 = tpu.vector_load %get3A_771[%get3A_772] {strides = array<i32>} : memref<128xf32, #tpu.memory_space<vmem>>, vector<16xf32>,
        %mul3A_774 = arith.mulf %get3A_773, %gather3A_734 : vector<16xf32>
        %swap3A_775 = arith.constant 0 : i32
        %swap3A_776 = tpu.memref_slice %arg28[%add3A_744, %swap3A_775] : memref<80x128xf32, #tpu.memory_space<vmem>> -> memref<1x128xf32, #tpu.memory_space<vmem>>
        %swap3A_777 = tpu.memref_squeeze %swap3A_776 : memref<1x128xf32, #tpu.memory_space<vmem>> -> memref<128xf32, #tpu.memory_space<vmem>>
        %swap3A_778 = arith.constant 0 : index
        %swap3A_779 = tpu.vector_load %swap3A_777[%swap3A_778] {strides = array<i32>} : memref<128xf32, #tpu.memory_space<vmem>>, vector<16xf32>,
        tpu.vector_store %swap3A_777[%swap3A_778], %mul3A_774 {strides = array<i32>} : memref<128xf32, #tpu.memory_space<vmem>>, vector<16xf32>,
        %get3A_780 = arith.constant 0 : i32
        %get3A_781 = tpu.memref_slice %arg28[%add3A_746, %get3A_780] : memref<80x128xf32, #tpu.memory_space<vmem>> -> memref<1x128xf32, #tpu.memory_space<vmem>>
        %get3A_782 = tpu.memref_squeeze %get3A_781 : memref<1x128xf32, #tpu.memory_space<vmem>> -> memref<128xf32, #tpu.memory_space<vmem>>
        %get3A_783 = arith.constant 0 : index
        %get3A_784 = tpu.vector_load %get3A_782[%get3A_783] {strides = array<i32>} : memref<128xf32, #tpu.memory_space<vmem>>, vector<16xf32>,
        %mul3A_785 = arith.mulf %get3A_784, %gather3A_738 : vector<16xf32>
        %swap3A_786 = arith.constant 0 : i32
        %swap3A_787 = tpu.memref_slice %arg28[%add3A_746, %swap3A_786] : memref<80x128xf32, #tpu.memory_space<vmem>> -> memref<1x128xf32, #tpu.memory_space<vmem>>
        %swap3A_788 = tpu.memref_squeeze %swap3A_787 : memref<1x128xf32, #tpu.memory_space<vmem>> -> memref<128xf32, #tpu.memory_space<vmem>>
        %swap3A_789 = arith.constant 0 : index
        %swap3A_790 = tpu.vector_load %swap3A_788[%swap3A_789] {strides = array<i32>} : memref<128xf32, #tpu.memory_space<vmem>>, vector<16xf32>,
        tpu.vector_store %swap3A_788[%swap3A_789], %mul3A_785 {strides = array<i32>} : memref<128xf32, #tpu.memory_space<vmem>>, vector<16xf32>,
        %get3A_791 = arith.constant 0 : i32
        %get3A_792 = tpu.memref_slice %arg28[%add3A_740, %get3A_791] : memref<80x128xf32, #tpu.memory_space<vmem>> -> memref<1x128xf32, #tpu.memory_space<vmem>>
        %get3A_793 = tpu.memref_squeeze %get3A_792 : memref<1x128xf32, #tpu.memory_space<vmem>> -> memref<128xf32, #tpu.memory_space<vmem>>
        %get3A_794 = arith.constant 16 : index
        %get3A_795 = tpu.vector_load %get3A_793[%get3A_794] {strides = array<i32>} : memref<128xf32, #tpu.memory_space<vmem>>, vector<16xf32>,
        %mul3A_796 = arith.mulf %get3A_795, %gather3A : vector<16xf32>
        %swap3A_797 = arith.constant 0 : i32
        %swap3A_798 = tpu.memref_slice %arg28[%add3A_740, %swap3A_797] : memref<80x128xf32, #tpu.memory_space<vmem>> -> memref<1x128xf32, #tpu.memory_space<vmem>>
        %swap3A_799 = tpu.memref_squeeze %swap3A_798 : memref<1x128xf32, #tpu.memory_space<vmem>> -> memref<128xf32, #tpu.memory_space<vmem>>
        %swap3A_800 = arith.constant 16 : index
        %swap3A_801 = tpu.vector_load %swap3A_799[%swap3A_800] {strides = array<i32>} : memref<128xf32, #tpu.memory_space<vmem>>, vector<16xf32>,
        tpu.vector_store %swap3A_799[%swap3A_800], %mul3A_796 {strides = array<i32>} : memref<128xf32, #tpu.memory_space<vmem>>, vector<16xf32>,
        %get3A_802 = arith.constant 0 : i32
        %get3A_803 = tpu.memref_slice %arg28[%add3A_742, %get3A_802] : memref<80x128xf32, #tpu.memory_space<vmem>> -> memref<1x128xf32, #tpu.memory_space<vmem>>
        %get3A_804 = tpu.memref_squeeze %get3A_803 : memref<1x128xf32, #tpu.memory_space<vmem>> -> memref<128xf32, #tpu.memory_space<vmem>>
        %get3A_805 = arith.constant 16 : index
        %get3A_806 = tpu.vector_load %get3A_804[%get3A_805] {strides = array<i32>} : memref<128xf32, #tpu.memory_space<vmem>>, vector<16xf32>,
        %mul3A_807 = arith.mulf %get3A_806, %gather3A_730 : vector<16xf32>
        %swap3A_808 = arith.constant 0 : i32
        %swap3A_809 = tpu.memref_slice %arg28[%add3A_742, %swap3A_808] : memref<80x128xf32, #tpu.memory_space<vmem>> -> memref<1x128xf32, #tpu.memory_space<vmem>>
        %swap3A_810 = tpu.memref_squeeze %swap3A_809 : memref<1x128xf32, #tpu.memory_space<vmem>> -> memref<128xf32, #tpu.memory_space<vmem>>
        %swap3A_811 = arith.constant 16 : index
        %swap3A_812 = tpu.vector_load %swap3A_810[%swap3A_811] {strides = array<i32>} : memref<128xf32, #tpu.memory_space<vmem>>, vector<16xf32>,
        tpu.vector_store %swap3A_810[%swap3A_811], %mul3A_807 {strides = array<i32>} : memref<128xf32, #tpu.memory_space<vmem>>, vector<16xf32>,
        %get3A_813 = arith.constant 0 : i32
        %get3A_814 = tpu.memref_slice %arg28[%add3A_744, %get3A_813] : memref<80x128xf32, #tpu.memory_space<vmem>> -> memref<1x128xf32, #tpu.memory_space<vmem>>
        %get3A_815 = tpu.memref_squeeze %get3A_814 : memref<1x128xf32, #tpu.memory_space<vmem>> -> memref<128xf32, #tpu.memory_space<vmem>>
        %get3A_816 = arith.constant 16 : index
        %get3A_817 = tpu.vector_load %get3A_815[%get3A_816] {strides = array<i32>} : memref<128xf32, #tpu.memory_space<vmem>>, vector<16xf32>,
        %mul3A_818 = arith.mulf %get3A_817, %gather3A_734 : vector<16xf32>
        %swap3A_819 = arith.constant 0 : i32
        %swap3A_820 = tpu.memref_slice %arg28[%add3A_744, %swap3A_819] : memref<80x128xf32, #tpu.memory_space<vmem>> -> memref<1x128xf32, #tpu.memory_space<vmem>>
        %swap3A_821 = tpu.memref_squeeze %swap3A_820 : memref<1x128xf32, #tpu.memory_space<vmem>> -> memref<128xf32, #tpu.memory_space<vmem>>
        %swap3A_822 = arith.constant 16 : index
        %swap3A_823 = tpu.vector_load %swap3A_821[%swap3A_822] {strides = array<i32>} : memref<128xf32, #tpu.memory_space<vmem>>, vector<16xf32>,
        tpu.vector_store %swap3A_821[%swap3A_822], %mul3A_818 {strides = array<i32>} : memref<128xf32, #tpu.memory_space<vmem>>, vector<16xf32>,
        %get3A_824 = arith.constant 0 : i32
        %get3A_825 = tpu.memref_slice %arg28[%add3A_746, %get3A_824] : memref<80x128xf32, #tpu.memory_space<vmem>> -> memref<1x128xf32, #tpu.memory_space<vmem>>
        %get3A_826 = tpu.memref_squeeze %get3A_825 : memref<1x128xf32, #tpu.memory_space<vmem>> -> memref<128xf32, #tpu.memory_space<vmem>>
        %get3A_827 = arith.constant 16 : index
        %get3A_828 = tpu.vector_load %get3A_826[%get3A_827] {strides = array<i32>} : memref<128xf32, #tpu.memory_space<vmem>>, vector<16xf32>,
        %mul3A_829 = arith.mulf %get3A_828, %gather3A_738 : vector<16xf32>
        %swap3A_830 = arith.constant 0 : i32
        %swap3A_831 = tpu.memref_slice %arg28[%add3A_746, %swap3A_830] : memref<80x128xf32, #tpu.memory_space<vmem>> -> memref<1x128xf32, #tpu.memory_space<vmem>>
        %swap3A_832 = tpu.memref_squeeze %swap3A_831 : memref<1x128xf32, #tpu.memory_space<vmem>> -> memref<128xf32, #tpu.memory_space<vmem>>
        %swap3A_833 = arith.constant 16 : index
        %swap3A_834 = tpu.vector_load %swap3A_832[%swap3A_833] {strides = array<i32>} : memref<128xf32, #tpu.memory_space<vmem>>, vector<16xf32>,
        tpu.vector_store %swap3A_832[%swap3A_833], %mul3A_829 {strides = array<i32>} : memref<128xf32, #tpu.memory_space<vmem>>, vector<16xf32>,
        %get3A_835 = arith.constant 0 : i32
        %get3A_836 = tpu.memref_slice %arg28[%add3A_740, %get3A_835] : memref<80x128xf32, #tpu.memory_space<vmem>> -> memref<1x128xf32, #tpu.memory_space<vmem>>
        %get3A_837 = tpu.memref_squeeze %get3A_836 : memref<1x128xf32, #tpu.memory_space<vmem>> -> memref<128xf32, #tpu.memory_space<vmem>>
        %get3A_838 = arith.constant 32 : index
        %get3A_839 = tpu.vector_load %get3A_837[%get3A_838] {strides = array<i32>} : memref<128xf32, #tpu.memory_space<vmem>>, vector<16xf32>,
        %mul3A_840 = arith.mulf %get3A_839, %gather3A : vector<16xf32>
        %swap3A_841 = arith.constant 0 : i32
        %swap3A_842 = tpu.memref_slice %arg28[%add3A_740, %swap3A_841] : memref<80x128xf32, #tpu.memory_space<vmem>> -> memref<1x128xf32, #tpu.memory_space<vmem>>
        %swap3A_843 = tpu.memref_squeeze %swap3A_842 : memref<1x128xf32, #tpu.memory_space<vmem>> -> memref<128xf32, #tpu.memory_space<vmem>>
        %swap3A_844 = arith.constant 32 : index
        %swap3A_845 = tpu.vector_load %swap3A_843[%swap3A_844] {strides = array<i32>} : memref<128xf32, #tpu.memory_space<vmem>>, vector<16xf32>,
        tpu.vector_store %swap3A_843[%swap3A_844], %mul3A_840 {strides = array<i32>} : memref<128xf32, #tpu.memory_space<vmem>>, vector<16xf32>,
        %get3A_846 = arith.constant 0 : i32
        %get3A_847 = tpu.memref_slice %arg28[%add3A_742, %get3A_846] : memref<80x128xf32, #tpu.memory_space<vmem>> -> memref<1x128xf32, #tpu.memory_space<vmem>>
        %get3A_848 = tpu.memref_squeeze %get3A_847 : memref<1x128xf32, #tpu.memory_space<vmem>> -> memref<128xf32, #tpu.memory_space<vmem>>
        %get3A_849 = arith.constant 32 : index
        %get3A_850 = tpu.vector_load %get3A_848[%get3A_849] {strides = array<i32>} : memref<128xf32, #tpu.memory_space<vmem>>, vector<16xf32>,
        %mul3A_851 = arith.mulf %get3A_850, %gather3A_730 : vector<16xf32>
        %swap3A_852 = arith.constant 0 : i32
        %swap3A_853 = tpu.memref_slice %arg28[%add3A_742, %swap3A_852] : memref<80x128xf32, #tpu.memory_space<vmem>> -> memref<1x128xf32, #tpu.memory_space<vmem>>
        %swap3A_854 = tpu.memref_squeeze %swap3A_853 : memref<1x128xf32, #tpu.memory_space<vmem>> -> memref<128xf32, #tpu.memory_space<vmem>>
        %swap3A_855 = arith.constant 32 : index
        %swap3A_856 = tpu.vector_load %swap3A_854[%swap3A_855] {strides = array<i32>} : memref<128xf32, #tpu.memory_space<vmem>>, vector<16xf32>,
        tpu.vector_store %swap3A_854[%swap3A_855], %mul3A_851 {strides = array<i32>} : memref<128xf32, #tpu.memory_space<vmem>>, vector<16xf32>,
        %get3A_857 = arith.constant 0 : i32
        %get3A_858 = tpu.memref_slice %arg28[%add3A_744, %get3A_857] : memref<80x128xf32, #tpu.memory_space<vmem>> -> memref<1x128xf32, #tpu.memory_space<vmem>>
        %get3A_859 = tpu.memref_squeeze %get3A_858 : memref<1x128xf32, #tpu.memory_space<vmem>> -> memref<128xf32, #tpu.memory_space<vmem>>
        %get3A_860 = arith.constant 32 : index
        %get3A_861 = tpu.vector_load %get3A_859[%get3A_860] {strides = array<i32>} : memref<128xf32, #tpu.memory_space<vmem>>, vector<16xf32>,
        %mul3A_862 = arith.mulf %get3A_861, %gather3A_734 : vector<16xf32>
        %swap3A_863 = arith.constant 0 : i32
        %swap3A_864 = tpu.memref_slice %arg28[%add3A_744, %swap3A_863] : memref<80x128xf32, #tpu.memory_space<vmem>> -> memref<1x128xf32, #tpu.memory_space<vmem>>
        %swap3A_865 = tpu.memref_squeeze %swap3A_864 : memref<1x128xf32, #tpu.memory_space<vmem>> -> memref<128xf32, #tpu.memory_space<vmem>>
        %swap3A_866 = arith.constant 32 : index
        %swap3A_867 = tpu.vector_load %swap3A_865[%swap3A_866] {strides = array<i32>} : memref<128xf32, #tpu.memory_space<vmem>>, vector<16xf32>,
        tpu.vector_store %swap3A_865[%swap3A_866], %mul3A_862 {strides = array<i32>} : memref<128xf32, #tpu.memory_space<vmem>>, vector<16xf32>,
        %get3A_868 = arith.constant 0 : i32
        %get3A_869 = tpu.memref_slice %arg28[%add3A_746, %get3A_868] : memref<80x128xf32, #tpu.memory_space<vmem>> -> memref<1x128xf32, #tpu.memory_space<vmem>>
        %get3A_870 = tpu.memref_squeeze %get3A_869 : memref<1x128xf32, #tpu.memory_space<vmem>> -> memref<128xf32, #tpu.memory_space<vmem>>
        %get3A_871 = arith.constant 32 : index
        %get3A_872 = tpu.vector_load %get3A_870[%get3A_871] {strides = array<i32>} : memref<128xf32, #tpu.memory_space<vmem>>, vector<16xf32>,
        %mul3A_873 = arith.mulf %get3A_872, %gather3A_738 : vector<16xf32>
        %swap3A_874 = arith.constant 0 : i32
        %swap3A_875 = tpu.memref_slice %arg28[%add3A_746, %swap3A_874] : memref<80x128xf32, #tpu.memory_space<vmem>> -> memref<1x128xf32, #tpu.memory_space<vmem>>
        %swap3A_876 = tpu.memref_squeeze %swap3A_875 : memref<1x128xf32, #tpu.memory_space<vmem>> -> memref<128xf32, #tpu.memory_space<vmem>>
        %swap3A_877 = arith.constant 32 : index
        %swap3A_878 = tpu.vector_load %swap3A_876[%swap3A_877] {strides = array<i32>} : memref<128xf32, #tpu.memory_space<vmem>>, vector<16xf32>,
        tpu.vector_store %swap3A_876[%swap3A_877], %mul3A_873 {strides = array<i32>} : memref<128xf32, #tpu.memory_space<vmem>>, vector<16xf32>,
        %get3A_879 = arith.constant 0 : i32
        %get3A_880 = tpu.memref_slice %arg28[%add3A_740, %get3A_879] : memref<80x128xf32, #tpu.memory_space<vmem>> -> memref<1x128xf32, #tpu.memory_space<vmem>>
        %get3A_881 = tpu.memref_squeeze %get3A_880 : memref<1x128xf32, #tpu.memory_space<vmem>> -> memref<128xf32, #tpu.memory_space<vmem>>
        %get3A_882 = arith.constant 48 : index
        %get3A_883 = tpu.vector_load %get3A_881[%get3A_882] {strides = array<i32>} : memref<128xf32, #tpu.memory_space<vmem>>, vector<16xf32>,
        %mul3A_884 = arith.mulf %get3A_883, %gather3A : vector<16xf32>
        %swap3A_885 = arith.constant 0 : i32
        %swap3A_886 = tpu.memref_slice %arg28[%add3A_740, %swap3A_885] : memref<80x128xf32, #tpu.memory_space<vmem>> -> memref<1x128xf32, #tpu.memory_space<vmem>>
        %swap3A_887 = tpu.memref_squeeze %swap3A_886 : memref<1x128xf32, #tpu.memory_space<vmem>> -> memref<128xf32, #tpu.memory_space<vmem>>
        %swap3A_888 = arith.constant 48 : index
        %swap3A_889 = tpu.vector_load %swap3A_887[%swap3A_888] {strides = array<i32>} : memref<128xf32, #tpu.memory_space<vmem>>, vector<16xf32>,
        tpu.vector_store %swap3A_887[%swap3A_888], %mul3A_884 {strides = array<i32>} : memref<128xf32, #tpu.memory_space<vmem>>, vector<16xf32>,
        %get3A_890 = arith.constant 0 : i32
        %get3A_891 = tpu.memref_slice %arg28[%add3A_742, %get3A_890] : memref<80x128xf32, #tpu.memory_space<vmem>> -> memref<1x128xf32, #tpu.memory_space<vmem>>
        %get3A_892 = tpu.memref_squeeze %get3A_891 : memref<1x128xf32, #tpu.memory_space<vmem>> -> memref<128xf32, #tpu.memory_space<vmem>>
        %get3A_893 = arith.constant 48 : index
        %get3A_894 = tpu.vector_load %get3A_892[%get3A_893] {strides = array<i32>} : memref<128xf32, #tpu.memory_space<vmem>>, vector<16xf32>,
        %mul3A_895 = arith.mulf %get3A_894, %gather3A_730 : vector<16xf32>
        %swap3A_896 = arith.constant 0 : i32
        %swap3A_897 = tpu.memref_slice %arg28[%add3A_742, %swap3A_896] : memref<80x128xf32, #tpu.memory_space<vmem>> -> memref<1x128xf32, #tpu.memory_space<vmem>>
        %swap3A_898 = tpu.memref_squeeze %swap3A_897 : memref<1x128xf32, #tpu.memory_space<vmem>> -> memref<128xf32, #tpu.memory_space<vmem>>
        %swap3A_899 = arith.constant 48 : index
        %swap3A_900 = tpu.vector_load %swap3A_898[%swap3A_899] {strides = array<i32>} : memref<128xf32, #tpu.memory_space<vmem>>, vector<16xf32>,
        tpu.vector_store %swap3A_898[%swap3A_899], %mul3A_895 {strides = array<i32>} : memref<128xf32, #tpu.memory_space<vmem>>, vector<16xf32>,
        %get3A_901 = arith.constant 0 : i32
        %get3A_902 = tpu.memref_slice %arg28[%add3A_744, %get3A_901] : memref<80x128xf32, #tpu.memory_space<vmem>> -> memref<1x128xf32, #tpu.memory_space<vmem>>
        %get3A_903 = tpu.memref_squeeze %get3A_902 : memref<1x128xf32, #tpu.memory_space<vmem>> -> memref<128xf32, #tpu.memory_space<vmem>>
        %get3A_904 = arith.constant 48 : index
        %get3A_905 = tpu.vector_load %get3A_903[%get3A_904] {strides = array<i32>} : memref<128xf32, #tpu.memory_space<vmem>>, vector<16xf32>,
        %mul3A_906 = arith.mulf %get3A_905, %gather3A_734 : vector<16xf32>
        %swap3A_907 = arith.constant 0 : i32
        %swap3A_908 = tpu.memref_slice %arg28[%add3A_744, %swap3A_907] : memref<80x128xf32, #tpu.memory_space<vmem>> -> memref<1x128xf32, #tpu.memory_space<vmem>>
        %swap3A_909 = tpu.memref_squeeze %swap3A_908 : memref<1x128xf32, #tpu.memory_space<vmem>> -> memref<128xf32, #tpu.memory_space<vmem>>
        %swap3A_910 = arith.constant 48 : index
        %swap3A_911 = tpu.vector_load %swap3A_909[%swap3A_910] {strides = array<i32>} : memref<128xf32, #tpu.memory_space<vmem>>, vector<16xf32>,
        tpu.vector_store %swap3A_909[%swap3A_910], %mul3A_906 {strides = array<i32>} : memref<128xf32, #tpu.memory_space<vmem>>, vector<16xf32>,
        %get3A_912 = arith.constant 0 : i32
        %get3A_913 = tpu.memref_slice %arg28[%add3A_746, %get3A_912] : memref<80x128xf32, #tpu.memory_space<vmem>> -> memref<1x128xf32, #tpu.memory_space<vmem>>
        %get3A_914 = tpu.memref_squeeze %get3A_913 : memref<1x128xf32, #tpu.memory_space<vmem>> -> memref<128xf32, #tpu.memory_space<vmem>>
        %get3A_915 = arith.constant 48 : index
        %get3A_916 = tpu.vector_load %get3A_914[%get3A_915] {strides = array<i32>} : memref<128xf32, #tpu.memory_space<vmem>>, vector<16xf32>,
        %mul3A_917 = arith.mulf %get3A_916, %gather3A_738 : vector<16xf32>
        %swap3A_918 = arith.constant 0 : i32
        %swap3A_919 = tpu.memref_slice %arg28[%add3A_746, %swap3A_918] : memref<80x128xf32, #tpu.memory_space<vmem>> -> memref<1x128xf32, #tpu.memory_space<vmem>>
        %swap3A_920 = tpu.memref_squeeze %swap3A_919 : memref<1x128xf32, #tpu.memory_space<vmem>> -> memref<128xf32, #tpu.memory_space<vmem>>
        %swap3A_921 = arith.constant 48 : index
        %swap3A_922 = tpu.vector_load %swap3A_920[%swap3A_921] {strides = array<i32>} : memref<128xf32, #tpu.memory_space<vmem>>, vector<16xf32>,
        tpu.vector_store %swap3A_920[%swap3A_921], %mul3A_917 {strides = array<i32>} : memref<128xf32, #tpu.memory_space<vmem>>, vector<16xf32>,
        %get3A_923 = arith.constant 0 : i32
        %get3A_924 = tpu.memref_slice %arg28[%add3A_740, %get3A_923] : memref<80x128xf32, #tpu.memory_space<vmem>> -> memref<1x128xf32, #tpu.memory_space<vmem>>
        %get3A_925 = tpu.memref_squeeze %get3A_924 : memref<1x128xf32, #tpu.memory_space<vmem>> -> memref<128xf32, #tpu.memory_space<vmem>>
        %get3A_926 = arith.constant 64 : index
        %get3A_927 = tpu.vector_load %get3A_925[%get3A_926] {strides = array<i32>} : memref<128xf32, #tpu.memory_space<vmem>>, vector<16xf32>,
        %mul3A_928 = arith.mulf %get3A_927, %gather3A : vector<16xf32>
        %swap3A_929 = arith.constant 0 : i32
        %swap3A_930 = tpu.memref_slice %arg28[%add3A_740, %swap3A_929] : memref<80x128xf32, #tpu.memory_space<vmem>> -> memref<1x128xf32, #tpu.memory_space<vmem>>
        %swap3A_931 = tpu.memref_squeeze %swap3A_930 : memref<1x128xf32, #tpu.memory_space<vmem>> -> memref<128xf32, #tpu.memory_space<vmem>>
        %swap3A_932 = arith.constant 64 : index
        %swap3A_933 = tpu.vector_load %swap3A_931[%swap3A_932] {strides = array<i32>} : memref<128xf32, #tpu.memory_space<vmem>>, vector<16xf32>,
        tpu.vector_store %swap3A_931[%swap3A_932], %mul3A_928 {strides = array<i32>} : memref<128xf32, #tpu.memory_space<vmem>>, vector<16xf32>,
        %get3A_934 = arith.constant 0 : i32
        %get3A_935 = tpu.memref_slice %arg28[%add3A_742, %get3A_934] : memref<80x128xf32, #tpu.memory_space<vmem>> -> memref<1x128xf32, #tpu.memory_space<vmem>>
        %get3A_936 = tpu.memref_squeeze %get3A_935 : memref<1x128xf32, #tpu.memory_space<vmem>> -> memref<128xf32, #tpu.memory_space<vmem>>
        %get3A_937 = arith.constant 64 : index
        %get3A_938 = tpu.vector_load %get3A_936[%get3A_937] {strides = array<i32>} : memref<128xf32, #tpu.memory_space<vmem>>, vector<16xf32>,
        %mul3A_939 = arith.mulf %get3A_938, %gather3A_730 : vector<16xf32>
        %swap3A_940 = arith.constant 0 : i32
        %swap3A_941 = tpu.memref_slice %arg28[%add3A_742, %swap3A_940] : memref<80x128xf32, #tpu.memory_space<vmem>> -> memref<1x128xf32, #tpu.memory_space<vmem>>
        %swap3A_942 = tpu.memref_squeeze %swap3A_941 : memref<1x128xf32, #tpu.memory_space<vmem>> -> memref<128xf32, #tpu.memory_space<vmem>>
        %swap3A_943 = arith.constant 64 : index
        %swap3A_944 = tpu.vector_load %swap3A_942[%swap3A_943] {strides = array<i32>} : memref<128xf32, #tpu.memory_space<vmem>>, vector<16xf32>,
        tpu.vector_store %swap3A_942[%swap3A_943], %mul3A_939 {strides = array<i32>} : memref<128xf32, #tpu.memory_space<vmem>>, vector<16xf32>,
        %get3A_945 = arith.constant 0 : i32
        %get3A_946 = tpu.memref_slice %arg28[%add3A_744, %get3A_945] : memref<80x128xf32, #tpu.memory_space<vmem>> -> memref<1x128xf32, #tpu.memory_space<vmem>>
        %get3A_947 = tpu.memref_squeeze %get3A_946 : memref<1x128xf32, #tpu.memory_space<vmem>> -> memref<128xf32, #tpu.memory_space<vmem>>
        %get3A_948 = arith.constant 64 : index
        %get3A_949 = tpu.vector_load %get3A_947[%get3A_948] {strides = array<i32>} : memref<128xf32, #tpu.memory_space<vmem>>, vector<16xf32>,
        %mul3A_950 = arith.mulf %get3A_949, %gather3A_734 : vector<16xf32>
        %swap3A_951 = arith.constant 0 : i32
        %swap3A_952 = tpu.memref_slice %arg28[%add3A_744, %swap3A_951] : memref<80x128xf32, #tpu.memory_space<vmem>> -> memref<1x128xf32, #tpu.memory_space<vmem>>
        %swap3A_953 = tpu.memref_squeeze %swap3A_952 : memref<1x128xf32, #tpu.memory_space<vmem>> -> memref<128xf32, #tpu.memory_space<vmem>>
        %swap3A_954 = arith.constant 64 : index
        %swap3A_955 = tpu.vector_load %swap3A_953[%swap3A_954] {strides = array<i32>} : memref<128xf32, #tpu.memory_space<vmem>>, vector<16xf32>,
        tpu.vector_store %swap3A_953[%swap3A_954], %mul3A_950 {strides = array<i32>} : memref<128xf32, #tpu.memory_space<vmem>>, vector<16xf32>,
        %get3A_956 = arith.constant 0 : i32
        %get3A_957 = tpu.memref_slice %arg28[%add3A_746, %get3A_956] : memref<80x128xf32, #tpu.memory_space<vmem>> -> memref<1x128xf32, #tpu.memory_space<vmem>>
        %get3A_958 = tpu.memref_squeeze %get3A_957 : memref<1x128xf32, #tpu.memory_space<vmem>> -> memref<128xf32, #tpu.memory_space<vmem>>
        %get3A_959 = arith.constant 64 : index
        %get3A_960 = tpu.vector_load %get3A_958[%get3A_959] {strides = array<i32>} : memref<128xf32, #tpu.memory_space<vmem>>, vector<16xf32>,
        %mul3A_961 = arith.mulf %get3A_960, %gather3A_738 : vector<16xf32>
        %swap3A_962 = arith.constant 0 : i32
        %swap3A_963 = tpu.memref_slice %arg28[%add3A_746, %swap3A_962] : memref<80x128xf32, #tpu.memory_space<vmem>> -> memref<1x128xf32, #tpu.memory_space<vmem>>
        %swap3A_964 = tpu.memref_squeeze %swap3A_963 : memref<1x128xf32, #tpu.memory_space<vmem>> -> memref<128xf32, #tpu.memory_space<vmem>>
        %swap3A_965 = arith.constant 64 : index
        %swap3A_966 = tpu.vector_load %swap3A_964[%swap3A_965] {strides = array<i32>} : memref<128xf32, #tpu.memory_space<vmem>>, vector<16xf32>,
        tpu.vector_store %swap3A_964[%swap3A_965], %mul3A_961 {strides = array<i32>} : memref<128xf32, #tpu.memory_space<vmem>>, vector<16xf32>,
        %get3A_967 = arith.constant 0 : i32
        %get3A_968 = tpu.memref_slice %arg28[%add3A_740, %get3A_967] : memref<80x128xf32, #tpu.memory_space<vmem>> -> memref<1x128xf32, #tpu.memory_space<vmem>>
        %get3A_969 = tpu.memref_squeeze %get3A_968 : memref<1x128xf32, #tpu.memory_space<vmem>> -> memref<128xf32, #tpu.memory_space<vmem>>
        %get3A_970 = arith.constant 80 : index
        %get3A_971 = tpu.vector_load %get3A_969[%get3A_970] {strides = array<i32>} : memref<128xf32, #tpu.memory_space<vmem>>, vector<16xf32>,
        %mul3A_972 = arith.mulf %get3A_971, %gather3A : vector<16xf32>
        %swap3A_973 = arith.constant 0 : i32
        %swap3A_974 = tpu.memref_slice %arg28[%add3A_740, %swap3A_973] : memref<80x128xf32, #tpu.memory_space<vmem>> -> memref<1x128xf32, #tpu.memory_space<vmem>>
        %swap3A_975 = tpu.memref_squeeze %swap3A_974 : memref<1x128xf32, #tpu.memory_space<vmem>> -> memref<128xf32, #tpu.memory_space<vmem>>
        %swap3A_976 = arith.constant 80 : index
        %swap3A_977 = tpu.vector_load %swap3A_975[%swap3A_976] {strides = array<i32>} : memref<128xf32, #tpu.memory_space<vmem>>, vector<16xf32>,
        tpu.vector_store %swap3A_975[%swap3A_976], %mul3A_972 {strides = array<i32>} : memref<128xf32, #tpu.memory_space<vmem>>, vector<16xf32>,
        %get3A_978 = arith.constant 0 : i32
        %get3A_979 = tpu.memref_slice %arg28[%add3A_742, %get3A_978] : memref<80x128xf32, #tpu.memory_space<vmem>> -> memref<1x128xf32, #tpu.memory_space<vmem>>
        %get3A_980 = tpu.memref_squeeze %get3A_979 : memref<1x128xf32, #tpu.memory_space<vmem>> -> memref<128xf32, #tpu.memory_space<vmem>>
        %get3A_981 = arith.constant 80 : index
        %get3A_982 = tpu.vector_load %get3A_980[%get3A_981] {strides = array<i32>} : memref<128xf32, #tpu.memory_space<vmem>>, vector<16xf32>,
        %mul3A_983 = arith.mulf %get3A_982, %gather3A_730 : vector<16xf32>
        %swap3A_984 = arith.constant 0 : i32
        %swap3A_985 = tpu.memref_slice %arg28[%add3A_742, %swap3A_984] : memref<80x128xf32, #tpu.memory_space<vmem>> -> memref<1x128xf32, #tpu.memory_space<vmem>>
        %swap3A_986 = tpu.memref_squeeze %swap3A_985 : memref<1x128xf32, #tpu.memory_space<vmem>> -> memref<128xf32, #tpu.memory_space<vmem>>
        %swap3A_987 = arith.constant 80 : index
        %swap3A_988 = tpu.vector_load %swap3A_986[%swap3A_987] {strides = array<i32>} : memref<128xf32, #tpu.memory_space<vmem>>, vector<16xf32>,
        tpu.vector_store %swap3A_986[%swap3A_987], %mul3A_983 {strides = array<i32>} : memref<128xf32, #tpu.memory_space<vmem>>, vector<16xf32>,
        %get3A_989 = arith.constant 0 : i32
        %get3A_990 = tpu.memref_slice %arg28[%add3A_744, %get3A_989] : memref<80x128xf32, #tpu.memory_space<vmem>> -> memref<1x128xf32, #tpu.memory_space<vmem>>
        %get3A_991 = tpu.memref_squeeze %get3A_990 : memref<1x128xf32, #tpu.memory_space<vmem>> -> memref<128xf32, #tpu.memory_space<vmem>>
        %get3A_992 = arith.constant 80 : index
        %get3A_993 = tpu.vector_load %get3A_991[%get3A_992] {strides = array<i32>} : memref<128xf32, #tpu.memory_space<vmem>>, vector<16xf32>,
        %mul3A_994 = arith.mulf %get3A_993, %gather3A_734 : vector<16xf32>
        %swap3A_995 = arith.constant 0 : i32
        %swap3A_996 = tpu.memref_slice %arg28[%add3A_744, %swap3A_995] : memref<80x128xf32, #tpu.memory_space<vmem>> -> memref<1x128xf32, #tpu.memory_space<vmem>>
        %swap3A_997 = tpu.memref_squeeze %swap3A_996 : memref<1x128xf32, #tpu.memory_space<vmem>> -> memref<128xf32, #tpu.memory_space<vmem>>
        %swap3A_998 = arith.constant 80 : index
        %swap3A_999 = tpu.vector_load %swap3A_997[%swap3A_998] {strides = array<i32>} : memref<128xf32, #tpu.memory_space<vmem>>, vector<16xf32>,
        tpu.vector_store %swap3A_997[%swap3A_998], %mul3A_994 {strides = array<i32>} : memref<128xf32, #tpu.memory_space<vmem>>, vector<16xf32>,
        %get3A_1000 = arith.constant 0 : i32
        %get3A_1001 = tpu.memref_slice %arg28[%add3A_746, %get3A_1000] : memref<80x128xf32, #tpu.memory_space<vmem>> -> memref<1x128xf32, #tpu.memory_space<vmem>>
        %get3A_1002 = tpu.memref_squeeze %get3A_1001 : memref<1x128xf32, #tpu.memory_space<vmem>> -> memref<128xf32, #tpu.memory_space<vmem>>
        %get3A_1003 = arith.constant 80 : index
        %get3A_1004 = tpu.vector_load %get3A_1002[%get3A_1003] {strides = array<i32>} : memref<128xf32, #tpu.memory_space<vmem>>, vector<16xf32>,
        %mul3A_1005 = arith.mulf %get3A_1004, %gather3A_738 : vector<16xf32>
        %swap3A_1006 = arith.constant 0 : i32
        %swap3A_1007 = tpu.memref_slice %arg28[%add3A_746, %swap3A_1006] : memref<80x128xf32, #tpu.memory_space<vmem>> -> memref<1x128xf32, #tpu.memory_space<vmem>>
        %swap3A_1008 = tpu.memref_squeeze %swap3A_1007 : memref<1x128xf32, #tpu.memory_space<vmem>> -> memref<128xf32, #tpu.memory_space<vmem>>
        %swap3A_1009 = arith.constant 80 : index
        %swap3A_1010 = tpu.vector_load %swap3A_1008[%swap3A_1009] {strides = array<i32>} : memref<128xf32, #tpu.memory_space<vmem>>, vector<16xf32>,
        tpu.vector_store %swap3A_1008[%swap3A_1009], %mul3A_1005 {strides = array<i32>} : memref<128xf32, #tpu.memory_space<vmem>>, vector<16xf32>,
        %get3A_1011 = arith.constant 0 : i32
        %get3A_1012 = tpu.memref_slice %arg28[%add3A_740, %get3A_1011] : memref<80x128xf32, #tpu.memory_space<vmem>> -> memref<1x128xf32, #tpu.memory_space<vmem>>
        %get3A_1013 = tpu.memref_squeeze %get3A_1012 : memref<1x128xf32, #tpu.memory_space<vmem>> -> memref<128xf32, #tpu.memory_space<vmem>>
        %get3A_1014 = arith.constant 96 : index
        %get3A_1015 = tpu.vector_load %get3A_1013[%get3A_1014] {strides = array<i32>} : memref<128xf32, #tpu.memory_space<vmem>>, vector<16xf32>,
        %mul3A_1016 = arith.mulf %get3A_1015, %gather3A : vector<16xf32>
        %swap3A_1017 = arith.constant 0 : i32
        %swap3A_1018 = tpu.memref_slice %arg28[%add3A_740, %swap3A_1017] : memref<80x128xf32, #tpu.memory_space<vmem>> -> memref<1x128xf32, #tpu.memory_space<vmem>>
        %swap3A_1019 = tpu.memref_squeeze %swap3A_1018 : memref<1x128xf32, #tpu.memory_space<vmem>> -> memref<128xf32, #tpu.memory_space<vmem>>
        %swap3A_1020 = arith.constant 96 : index
        %swap3A_1021 = tpu.vector_load %swap3A_1019[%swap3A_1020] {strides = array<i32>} : memref<128xf32, #tpu.memory_space<vmem>>, vector<16xf32>,
        tpu.vector_store %swap3A_1019[%swap3A_1020], %mul3A_1016 {strides = array<i32>} : memref<128xf32, #tpu.memory_space<vmem>>, vector<16xf32>,
        %get3A_1022 = arith.constant 0 : i32
        %get3A_1023 = tpu.memref_slice %arg28[%add3A_742, %get3A_1022] : memref<80x128xf32, #tpu.memory_space<vmem>> -> memref<1x128xf32, #tpu.memory_space<vmem>>
        %get3A_1024 = tpu.memref_squeeze %get3A_1023 : memref<1x128xf32, #tpu.memory_space<vmem>> -> memref<128xf32, #tpu.memory_space<vmem>>
        %get3A_1025 = arith.constant 96 : index
        %get3A_1026 = tpu.vector_load %get3A_1024[%get3A_1025] {strides = array<i32>} : memref<128xf32, #tpu.memory_space<vmem>>, vector<16xf32>,
        %mul3A_1027 = arith.mulf %get3A_1026, %gather3A_730 : vector<16xf32>
        %swap3A_1028 = arith.constant 0 : i32
        %swap3A_1029 = tpu.memref_slice %arg28[%add3A_742, %swap3A_1028] : memref<80x128xf32, #tpu.memory_space<vmem>> -> memref<1x128xf32, #tpu.memory_space<vmem>>
        %swap3A_1030 = tpu.memref_squeeze %swap3A_1029 : memref<1x128xf32, #tpu.memory_space<vmem>> -> memref<128xf32, #tpu.memory_space<vmem>>
        %swap3A_1031 = arith.constant 96 : index
        %swap3A_1032 = tpu.vector_load %swap3A_1030[%swap3A_1031] {strides = array<i32>} : memref<128xf32, #tpu.memory_space<vmem>>, vector<16xf32>,
        tpu.vector_store %swap3A_1030[%swap3A_1031], %mul3A_1027 {strides = array<i32>} : memref<128xf32, #tpu.memory_space<vmem>>, vector<16xf32>,
        %get3A_1033 = arith.constant 0 : i32
        %get3A_1034 = tpu.memref_slice %arg28[%add3A_744, %get3A_1033] : memref<80x128xf32, #tpu.memory_space<vmem>> -> memref<1x128xf32, #tpu.memory_space<vmem>>
        %get3A_1035 = tpu.memref_squeeze %get3A_1034 : memref<1x128xf32, #tpu.memory_space<vmem>> -> memref<128xf32, #tpu.memory_space<vmem>>
        %get3A_1036 = arith.constant 96 : index
        %get3A_1037 = tpu.vector_load %get3A_1035[%get3A_1036] {strides = array<i32>} : memref<128xf32, #tpu.memory_space<vmem>>, vector<16xf32>,
        %mul3A_1038 = arith.mulf %get3A_1037, %gather3A_734 : vector<16xf32>
        %swap3A_1039 = arith.constant 0 : i32
        %swap3A_1040 = tpu.memref_slice %arg28[%add3A_744, %swap3A_1039] : memref<80x128xf32, #tpu.memory_space<vmem>> -> memref<1x128xf32, #tpu.memory_space<vmem>>
        %swap3A_1041 = tpu.memref_squeeze %swap3A_1040 : memref<1x128xf32, #tpu.memory_space<vmem>> -> memref<128xf32, #tpu.memory_space<vmem>>
        %swap3A_1042 = arith.constant 96 : index
        %swap3A_1043 = tpu.vector_load %swap3A_1041[%swap3A_1042] {strides = array<i32>} : memref<128xf32, #tpu.memory_space<vmem>>, vector<16xf32>,
        tpu.vector_store %swap3A_1041[%swap3A_1042], %mul3A_1038 {strides = array<i32>} : memref<128xf32, #tpu.memory_space<vmem>>, vector<16xf32>,
        %get3A_1044 = arith.constant 0 : i32
        %get3A_1045 = tpu.memref_slice %arg28[%add3A_746, %get3A_1044] : memref<80x128xf32, #tpu.memory_space<vmem>> -> memref<1x128xf32, #tpu.memory_space<vmem>>
        %get3A_1046 = tpu.memref_squeeze %get3A_1045 : memref<1x128xf32, #tpu.memory_space<vmem>> -> memref<128xf32, #tpu.memory_space<vmem>>
        %get3A_1047 = arith.constant 96 : index
        %get3A_1048 = tpu.vector_load %get3A_1046[%get3A_1047] {strides = array<i32>} : memref<128xf32, #tpu.memory_space<vmem>>, vector<16xf32>,
        %mul3A_1049 = arith.mulf %get3A_1048, %gather3A_738 : vector<16xf32>
        %swap3A_1050 = arith.constant 0 : i32
        %swap3A_1051 = tpu.memref_slice %arg28[%add3A_746, %swap3A_1050] : memref<80x128xf32, #tpu.memory_space<vmem>> -> memref<1x128xf32, #tpu.memory_space<vmem>>
        %swap3A_1052 = tpu.memref_squeeze %swap3A_1051 : memref<1x128xf32, #tpu.memory_space<vmem>> -> memref<128xf32, #tpu.memory_space<vmem>>
        %swap3A_1053 = arith.constant 96 : index
        %swap3A_1054 = tpu.vector_load %swap3A_1052[%swap3A_1053] {strides = array<i32>} : memref<128xf32, #tpu.memory_space<vmem>>, vector<16xf32>,
        tpu.vector_store %swap3A_1052[%swap3A_1053], %mul3A_1049 {strides = array<i32>} : memref<128xf32, #tpu.memory_space<vmem>>, vector<16xf32>,
        %get3A_1055 = arith.constant 0 : i32
        %get3A_1056 = tpu.memref_slice %arg28[%add3A_740, %get3A_1055] : memref<80x128xf32, #tpu.memory_space<vmem>> -> memref<1x128xf32, #tpu.memory_space<vmem>>
        %get3A_1057 = tpu.memref_squeeze %get3A_1056 : memref<1x128xf32, #tpu.memory_space<vmem>> -> memref<128xf32, #tpu.memory_space<vmem>>
        %get3A_1058 = arith.constant 112 : index
        %get3A_1059 = tpu.vector_load %get3A_1057[%get3A_1058] {strides = array<i32>} : memref<128xf32, #tpu.memory_space<vmem>>, vector<16xf32>,
        %mul3A_1060 = arith.mulf %get3A_1059, %gather3A : vector<16xf32>
        %swap3A_1061 = arith.constant 0 : i32
        %swap3A_1062 = tpu.memref_slice %arg28[%add3A_740, %swap3A_1061] : memref<80x128xf32, #tpu.memory_space<vmem>> -> memref<1x128xf32, #tpu.memory_space<vmem>>
        %swap3A_1063 = tpu.memref_squeeze %swap3A_1062 : memref<1x128xf32, #tpu.memory_space<vmem>> -> memref<128xf32, #tpu.memory_space<vmem>>
        %swap3A_1064 = arith.constant 112 : index
        %swap3A_1065 = tpu.vector_load %swap3A_1063[%swap3A_1064] {strides = array<i32>} : memref<128xf32, #tpu.memory_space<vmem>>, vector<16xf32>,
        tpu.vector_store %swap3A_1063[%swap3A_1064], %mul3A_1060 {strides = array<i32>} : memref<128xf32, #tpu.memory_space<vmem>>, vector<16xf32>,
        %get3A_1066 = arith.constant 0 : i32
        %get3A_1067 = tpu.memref_slice %arg28[%add3A_742, %get3A_1066] : memref<80x128xf32, #tpu.memory_space<vmem>> -> memref<1x128xf32, #tpu.memory_space<vmem>>
        %get3A_1068 = tpu.memref_squeeze %get3A_1067 : memref<1x128xf32, #tpu.memory_space<vmem>> -> memref<128xf32, #tpu.memory_space<vmem>>
        %get3A_1069 = arith.constant 112 : index
        %get3A_1070 = tpu.vector_load %get3A_1068[%get3A_1069] {strides = array<i32>} : memref<128xf32, #tpu.memory_space<vmem>>, vector<16xf32>,
        %mul3A_1071 = arith.mulf %get3A_1070, %gather3A_730 : vector<16xf32>
        %swap3A_1072 = arith.constant 0 : i32
        %swap3A_1073 = tpu.memref_slice %arg28[%add3A_742, %swap3A_1072] : memref<80x128xf32, #tpu.memory_space<vmem>> -> memref<1x128xf32, #tpu.memory_space<vmem>>
        %swap3A_1074 = tpu.memref_squeeze %swap3A_1073 : memref<1x128xf32, #tpu.memory_space<vmem>> -> memref<128xf32, #tpu.memory_space<vmem>>
        %swap3A_1075 = arith.constant 112 : index
        %swap3A_1076 = tpu.vector_load %swap3A_1074[%swap3A_1075] {strides = array<i32>} : memref<128xf32, #tpu.memory_space<vmem>>, vector<16xf32>,
        tpu.vector_store %swap3A_1074[%swap3A_1075], %mul3A_1071 {strides = array<i32>} : memref<128xf32, #tpu.memory_space<vmem>>, vector<16xf32>,
        %get3A_1077 = arith.constant 0 : i32
        %get3A_1078 = tpu.memref_slice %arg28[%add3A_744, %get3A_1077] : memref<80x128xf32, #tpu.memory_space<vmem>> -> memref<1x128xf32, #tpu.memory_space<vmem>>
        %get3A_1079 = tpu.memref_squeeze %get3A_1078 : memref<1x128xf32, #tpu.memory_space<vmem>> -> memref<128xf32, #tpu.memory_space<vmem>>
        %get3A_1080 = arith.constant 112 : index
        %get3A_1081 = tpu.vector_load %get3A_1079[%get3A_1080] {strides = array<i32>} : memref<128xf32, #tpu.memory_space<vmem>>, vector<16xf32>,
        %mul3A_1082 = arith.mulf %get3A_1081, %gather3A_734 : vector<16xf32>
        %swap3A_1083 = arith.constant 0 : i32
        %swap3A_1084 = tpu.memref_slice %arg28[%add3A_744, %swap3A_1083] : memref<80x128xf32, #tpu.memory_space<vmem>> -> memref<1x128xf32, #tpu.memory_space<vmem>>
        %swap3A_1085 = tpu.memref_squeeze %swap3A_1084 : memref<1x128xf32, #tpu.memory_space<vmem>> -> memref<128xf32, #tpu.memory_space<vmem>>
        %swap3A_1086 = arith.constant 112 : index
        %swap3A_1087 = tpu.vector_load %swap3A_1085[%swap3A_1086] {strides = array<i32>} : memref<128xf32, #tpu.memory_space<vmem>>, vector<16xf32>,
        tpu.vector_store %swap3A_1085[%swap3A_1086], %mul3A_1082 {strides = array<i32>} : memref<128xf32, #tpu.memory_space<vmem>>, vector<16xf32>,
        %get3A_1088 = arith.constant 0 : i32
        %get3A_1089 = tpu.memref_slice %arg28[%add3A_746, %get3A_1088] : memref<80x128xf32, #tpu.memory_space<vmem>> -> memref<1x128xf32, #tpu.memory_space<vmem>>
        %get3A_1090 = tpu.memref_squeeze %get3A_1089 : memref<1x128xf32, #tpu.memory_space<vmem>> -> memref<128xf32, #tpu.memory_space<vmem>>
        %get3A_1091 = arith.constant 112 : index
        %get3A_1092 = tpu.vector_load %get3A_1090[%get3A_1091] {strides = array<i32>} : memref<128xf32, #tpu.memory_space<vmem>>, vector<16xf32>,
        %mul3A_1093 = arith.mulf %get3A_1092, %gather3A_738 : vector<16xf32>
        %swap3A_1094 = arith.constant 0 : i32
        %swap3A_1095 = tpu.memref_slice %arg28[%add3A_746, %swap3A_1094] : memref<80x128xf32, #tpu.memory_space<vmem>> -> memref<1x128xf32, #tpu.memory_space<vmem>>
        %swap3A_1096 = tpu.memref_squeeze %swap3A_1095 : memref<1x128xf32, #tpu.memory_space<vmem>> -> memref<128xf32, #tpu.memory_space<vmem>>
        %swap3A_1097 = arith.constant 112 : index
        %swap3A_1098 = tpu.vector_load %swap3A_1096[%swap3A_1097] {strides = array<i32>} : memref<128xf32, #tpu.memory_space<vmem>>, vector<16xf32>,
        tpu.vector_store %swap3A_1096[%swap3A_1097], %mul3A_1093 {strides = array<i32>} : memref<128xf32, #tpu.memory_space<vmem>>, vector<16xf32>,
      }
      %scan3A_576 = arith.constant 20 : i32
      %dma_start3A_577 = arith.constant 0 : i32
      %dma_start3A_578 = arith.constant 0 : i32
      %dma_start3A_579 = tpu.memref_slice %arg33[%dma_start3A_577, %dma_start3A_578] : memref<10000x128xf32, #tpu.memory_space<vmem_shared>> -> memref<10000x128xf32, #tpu.memory_space<vmem_shared>>
      tpu.enqueue_indirect_dma source(%arg28 : memref<80x128xf32, #tpu.memory_space<vmem>>) target(%dma_start3A_579 : memref<10000x128xf32, #tpu.memory_space<vmem_shared>>) offsets(%arg12 : memref<80xi32, #tpu.memory_space<vmem>>) semaphore(%arg44 : memref<!tpu.dma_semaphore, #tpu.memory_space<semaphore_mem>>) {add = true}
      %dma_start3A_580 = arith.constant 0 : i32
      %dma_start3A_581 = tpu.memref_slice %arg34[%dma_start3A_580] : memref<10000xf32, #tpu.memory_space<vmem_shared>> -> memref<10000xf32, #tpu.memory_space<vmem_shared>>
      tpu.enqueue_indirect_dma source(%arg24 : memref<80xf32, #tpu.memory_space<vmem>>) target(%dma_start3A_581 : memref<10000xf32, #tpu.memory_space<vmem_shared>>) offsets(%arg12 : memref<80xi32, #tpu.memory_space<vmem>>) semaphore(%arg48 : memref<!tpu.dma_semaphore, #tpu.memory_space<semaphore_mem>>) {add = true}
      %add3A_582 = arith.constant 2 : i32
      %add3A_583 = arith.addi %mul3A_444, %add3A_582 : i32
      %ge3A_584 = arith.constant 2 : i32
      %ge3A_585 = arith.cmpi sge, %add3A_583, %ge3A_584 : i32
      %convert_element_type3A_586 = arith.extui %ge3A_585 : i1 to i32
      %cond3A_587 = arith.constant 0 : i32
      %cond3A_588 = arith.cmpi ne, %convert_element_type3A_586, %cond3A_587 : i32
      scf.if %cond3A_588 {
        %dma_wait3A_722 = arith.constant 0 : i32
        %dma_wait3A_723 = arith.constant 0 : i32
        %dma_wait3A_724 = tpu.memref_slice %arg33[%dma_wait3A_722, %dma_wait3A_723] : memref<10000x128xf32, #tpu.memory_space<vmem_shared>> -> memref<10000x128xf32, #tpu.memory_space<vmem_shared>>
        tpu.wait_indirect_dma semaphore(%arg43 : memref<!tpu.dma_semaphore, #tpu.memory_space<semaphore_mem>>) src(%arg27 : memref<80x128xf32, #tpu.memory_space<vmem>>) dst(%dma_wait3A_724 : memref<10000x128xf32, #tpu.memory_space<vmem_shared>>)
        %dma_wait3A_725 = arith.constant 0 : i32
        %dma_wait3A_726 = tpu.memref_slice %arg34[%dma_wait3A_725] : memref<10000xf32, #tpu.memory_space<vmem_shared>> -> memref<10000xf32, #tpu.memory_space<vmem_shared>>
        tpu.wait_indirect_dma semaphore(%arg47 : memref<!tpu.dma_semaphore, #tpu.memory_space<semaphore_mem>>) src(%arg23 : memref<80xf32, #tpu.memory_space<vmem>>) dst(%dma_wait3A_726 : memref<10000xf32, #tpu.memory_space<vmem_shared>>)
      } else {
      }
      %add3A_589 = arith.constant 2 : i32
      %add3A_590 = arith.addi %add3A_583, %add3A_589 : i32
      %le3A_591 = arith.constant 124 : i32
      %le3A_592 = arith.cmpi sle, %add3A_590, %le3A_591 : i32
      %convert_element_type3A_593 = arith.extui %le3A_592 : i1 to i32
      %cond3A_594 = arith.constant 0 : i32
      %cond3A_595 = arith.cmpi ne, %convert_element_type3A_593, %cond3A_594 : i32
      scf.if %cond3A_595 {
        %add3A_722 = arith.constant 2 : i32
        %add3A_723 = arith.addi %add3A_583, %add3A_722 : i32
        %mul3A_724 = arith.constant 80 : i32
        %mul3A_725 = arith.muli %add3A_723, %mul3A_724 : i32
        %add3A_726 = arith.addi %mul3A_2, %mul3A_725 : i32
        %multiple_of3A_727 = tpu.assume_multiple %add3A_726, 16 : i32
        %dma_start3A_728 = tpu.memref_slice %arg2[%multiple_of3A_727] : memref<320000xi32, #tpu.memory_space<hbm>> -> memref<80xi32, #tpu.memory_space<hbm>>
        %dma_start3A_729 = tpu.memref_slice %arg2[%multiple_of3A_727] : memref<320000xi32, #tpu.memory_space<hbm>> -> memref<80xi32, #tpu.memory_space<hbm>>
        tpu.enqueue_dma source(%dma_start3A_729 : memref<80xi32, #tpu.memory_space<hbm>>) target(%arg11 : memref<80xi32, #tpu.memory_space<vmem>>) target_semaphore(%arg35 : memref<!tpu.dma_semaphore, #tpu.memory_space<semaphore_mem>>)
        %dma_start3A_730 = tpu.memref_slice %arg3[%multiple_of3A_727] : memref<320000xi32, #tpu.memory_space<hbm>> -> memref<80xi32, #tpu.memory_space<hbm>>
        %dma_start3A_731 = tpu.memref_slice %arg3[%multiple_of3A_727] : memref<320000xi32, #tpu.memory_space<hbm>> -> memref<80xi32, #tpu.memory_space<hbm>>
        tpu.enqueue_dma source(%dma_start3A_731 : memref<80xi32, #tpu.memory_space<hbm>>) target(%arg15 : memref<80xi32, #tpu.memory_space<vmem>>) target_semaphore(%arg35 : memref<!tpu.dma_semaphore, #tpu.memory_space<semaphore_mem>>)
        %dma_start3A_732 = tpu.memref_slice %arg4[%multiple_of3A_727] : memref<320000xf32, #tpu.memory_space<hbm>> -> memref<80xf32, #tpu.memory_space<hbm>>
        %dma_start3A_733 = tpu.memref_slice %arg4[%multiple_of3A_727] : memref<320000xf32, #tpu.memory_space<hbm>> -> memref<80xf32, #tpu.memory_space<hbm>>
        tpu.enqueue_dma source(%dma_start3A_733 : memref<80xf32, #tpu.memory_space<hbm>>) target(%arg19 : memref<80xf32, #tpu.memory_space<vmem>>) target_semaphore(%arg35 : memref<!tpu.dma_semaphore, #tpu.memory_space<semaphore_mem>>)
      } else {
      }
      %add3A_596 = arith.constant 1 : i32
      %add3A_597 = arith.addi %add3A_583, %add3A_596 : i32
      %le3A_598 = arith.constant 124 : i32
      %le3A_599 = arith.cmpi sle, %add3A_597, %le3A_598 : i32
      %convert_element_type3A_600 = arith.extui %le3A_599 : i1 to i32
      %cond3A_601 = arith.constant 0 : i32
      %cond3A_602 = arith.cmpi ne, %convert_element_type3A_600, %cond3A_601 : i32
      scf.if %cond3A_602 {
        %add3A_722 = arith.constant 1 : i32
        %add3A_723 = arith.addi %add3A_583, %add3A_722 : i32
        %mul3A_724 = arith.constant 80 : i32
        %mul3A_725 = arith.muli %add3A_723, %mul3A_724 : i32
        %add3A_726 = arith.addi %mul3A_2, %mul3A_725 : i32
        %multiple_of3A_727 = tpu.assume_multiple %add3A_726, 16 : i32
        %dma_wait3A_728 = tpu.memref_slice %arg2[%multiple_of3A_727] : memref<320000xi32, #tpu.memory_space<hbm>> -> memref<80xi32, #tpu.memory_space<hbm>>
        %dma_wait3A_729 = tpu.memref_slice %arg2[%multiple_of3A_727] : memref<320000xi32, #tpu.memory_space<hbm>> -> memref<80xi32, #tpu.memory_space<hbm>>
        tpu.wait_dma2 semaphore(%arg38 : memref<!tpu.dma_semaphore, #tpu.memory_space<semaphore_mem>>) src(%dma_wait3A_729 : memref<80xi32, #tpu.memory_space<hbm>>) dst(%arg14 : memref<80xi32, #tpu.memory_space<vmem>>)
        %dma_wait3A_730 = tpu.memref_slice %arg3[%multiple_of3A_727] : memref<320000xi32, #tpu.memory_space<hbm>> -> memref<80xi32, #tpu.memory_space<hbm>>
        %dma_wait3A_731 = tpu.memref_slice %arg3[%multiple_of3A_727] : memref<320000xi32, #tpu.memory_space<hbm>> -> memref<80xi32, #tpu.memory_space<hbm>>
        tpu.wait_dma2 semaphore(%arg38 : memref<!tpu.dma_semaphore, #tpu.memory_space<semaphore_mem>>) src(%dma_wait3A_731 : memref<80xi32, #tpu.memory_space<hbm>>) dst(%arg18 : memref<80xi32, #tpu.memory_space<vmem>>)
        %dma_wait3A_732 = tpu.memref_slice %arg4[%multiple_of3A_727] : memref<320000xf32, #tpu.memory_space<hbm>> -> memref<80xf32, #tpu.memory_space<hbm>>
        %dma_wait3A_733 = tpu.memref_slice %arg4[%multiple_of3A_727] : memref<320000xf32, #tpu.memory_space<hbm>> -> memref<80xf32, #tpu.memory_space<hbm>>
        tpu.wait_dma2 semaphore(%arg38 : memref<!tpu.dma_semaphore, #tpu.memory_space<semaphore_mem>>) src(%dma_wait3A_733 : memref<80xf32, #tpu.memory_space<hbm>>) dst(%arg22 : memref<80xf32, #tpu.memory_space<vmem>>)
        %dma_start3A_734 = arith.constant 0 : i32
        %dma_start3A_735 = arith.constant 0 : i32
        %dma_start3A_736 = tpu.memref_slice %arg6[%dma_start3A_734, %dma_start3A_735] : memref<10000x128xf32, #tpu.memory_space<hbm>> -> memref<10000x128xf32, #tpu.memory_space<hbm>>
        tpu.enqueue_indirect_dma source(%dma_start3A_736 : memref<10000x128xf32, #tpu.memory_space<hbm>>) target(%arg30 : memref<80x128xf32, #tpu.memory_space<vmem>>) offsets(%arg18 : memref<80xi32, #tpu.memory_space<vmem>>) semaphore(%arg42 : memref<!tpu.dma_semaphore, #tpu.memory_space<semaphore_mem>>)
      } else {
      }
      %dma_wait3A_603 = arith.constant 0 : i32
      %dma_wait3A_604 = arith.constant 0 : i32
      %dma_wait3A_605 = tpu.memref_slice %arg6[%dma_wait3A_603, %dma_wait3A_604] : memref<10000x128xf32, #tpu.memory_space<hbm>> -> memref<10000x128xf32, #tpu.memory_space<hbm>>
      tpu.wait_indirect_dma semaphore(%arg41 : memref<!tpu.dma_semaphore, #tpu.memory_space<semaphore_mem>>) src(%dma_wait3A_605 : memref<10000x128xf32, #tpu.memory_space<hbm>>) dst(%arg29 : memref<80x128xf32, #tpu.memory_space<vmem>>)
      %get3A_606 = arith.constant 0 : index
      %get3A_607 = tpu.vector_load %arg21[%get3A_606] {strides = array<i32>} : memref<80xf32, #tpu.memory_space<vmem>>, vector<16xf32>,
      %sub3A_608 = vector.broadcast %reduce_max3A_212 : f32 to vector<16xf32>
      %sub3A_609 = arith.subf %get3A_607, %sub3A_608 : vector<16xf32>
      %exp3A_610 = math.exp %sub3A_609 : vector<16xf32>
      %swap3A_611 = arith.constant 0 : index
      %swap3A_612 = tpu.vector_load %arg25[%swap3A_611] {strides = array<i32>} : memref<80xf32, #tpu.memory_space<vmem>>, vector<16xf32>,
      tpu.vector_store %arg25[%swap3A_611], %exp3A_610 {strides = array<i32>} : memref<80xf32, #tpu.memory_space<vmem>>, vector<16xf32>,
      %get3A_613 = arith.constant 16 : index
      %get3A_614 = tpu.vector_load %arg21[%get3A_613] {strides = array<i32>} : memref<80xf32, #tpu.memory_space<vmem>>, vector<16xf32>,
      %sub3A_615 = vector.broadcast %reduce_max3A_212 : f32 to vector<16xf32>
      %sub3A_616 = arith.subf %get3A_614, %sub3A_615 : vector<16xf32>
      %exp3A_617 = math.exp %sub3A_616 : vector<16xf32>
      %swap3A_618 = arith.constant 16 : index
      %swap3A_619 = tpu.vector_load %arg25[%swap3A_618] {strides = array<i32>} : memref<80xf32, #tpu.memory_space<vmem>>, vector<16xf32>,
      tpu.vector_store %arg25[%swap3A_618], %exp3A_617 {strides = array<i32>} : memref<80xf32, #tpu.memory_space<vmem>>, vector<16xf32>,
      %get3A_620 = arith.constant 32 : index
      %get3A_621 = tpu.vector_load %arg21[%get3A_620] {strides = array<i32>} : memref<80xf32, #tpu.memory_space<vmem>>, vector<16xf32>,
      %sub3A_622 = vector.broadcast %reduce_max3A_212 : f32 to vector<16xf32>
      %sub3A_623 = arith.subf %get3A_621, %sub3A_622 : vector<16xf32>
      %exp3A_624 = math.exp %sub3A_623 : vector<16xf32>
      %swap3A_625 = arith.constant 32 : index
      %swap3A_626 = tpu.vector_load %arg25[%swap3A_625] {strides = array<i32>} : memref<80xf32, #tpu.memory_space<vmem>>, vector<16xf32>,
      tpu.vector_store %arg25[%swap3A_625], %exp3A_624 {strides = array<i32>} : memref<80xf32, #tpu.memory_space<vmem>>, vector<16xf32>,
      %get3A_627 = arith.constant 48 : index
      %get3A_628 = tpu.vector_load %arg21[%get3A_627] {strides = array<i32>} : memref<80xf32, #tpu.memory_space<vmem>>, vector<16xf32>,
      %sub3A_629 = vector.broadcast %reduce_max3A_212 : f32 to vector<16xf32>
      %sub3A_630 = arith.subf %get3A_628, %sub3A_629 : vector<16xf32>
      %exp3A_631 = math.exp %sub3A_630 : vector<16xf32>
      %swap3A_632 = arith.constant 48 : index
      %swap3A_633 = tpu.vector_load %arg25[%swap3A_632] {strides = array<i32>} : memref<80xf32, #tpu.memory_space<vmem>>, vector<16xf32>,
      tpu.vector_store %arg25[%swap3A_632], %exp3A_631 {strides = array<i32>} : memref<80xf32, #tpu.memory_space<vmem>>, vector<16xf32>,
      %get3A_634 = arith.constant 64 : index
      %get3A_635 = tpu.vector_load %arg21[%get3A_634] {strides = array<i32>} : memref<80xf32, #tpu.memory_space<vmem>>, vector<16xf32>,
      %sub3A_636 = vector.broadcast %reduce_max3A_212 : f32 to vector<16xf32>
      %sub3A_637 = arith.subf %get3A_635, %sub3A_636 : vector<16xf32>
      %exp3A_638 = math.exp %sub3A_637 : vector<16xf32>
      %swap3A_639 = arith.constant 64 : index
      %swap3A_640 = tpu.vector_load %arg25[%swap3A_639] {strides = array<i32>} : memref<80xf32, #tpu.memory_space<vmem>>, vector<16xf32>,
      tpu.vector_store %arg25[%swap3A_639], %exp3A_638 {strides = array<i32>} : memref<80xf32, #tpu.memory_space<vmem>>, vector<16xf32>,
      %scan3A_641 = arith.constant 0 : i32
      %scan3A_642 = arith.constant 0 : i32
      %scan3A_643 = arith.constant 20 : i32
      %scan3A_644 = arith.addi %scan3A_642, %scan3A_643 : i32
      %scan3A_645 = arith.constant 1 : i32
      scf.for %scan3A_722 = %scan3A_642 to %scan3A_644 step %scan3A_645  : i32 {
        %mul3A_723 = arith.constant 4 : i32
        %mul3A_724 = arith.muli %mul3A_723, %scan3A_722 : i32
        %add3A_725 = arith.constant 0 : i32
        %add3A_726 = arith.addi %mul3A_724, %add3A_725 : i32
        %broadcast_in_dim3A = vector.broadcast %add3A_726 : i32 to vector<16xi32>
        %gather3A = tpu.vector_load_idx %arg25[%broadcast_in_dim3A] : memref<80xf32, #tpu.memory_space<vmem>>[vector<16xi32>], vector<16xf32>,
        %add3A_727 = arith.constant 1 : i32
        %add3A_728 = arith.addi %mul3A_724, %add3A_727 : i32
        %broadcast_in_dim3A_729 = vector.broadcast %add3A_728 : i32 to vector<16xi32>
        %gather3A_730 = tpu.vector_load_idx %arg25[%broadcast_in_dim3A_729] : memref<80xf32, #tpu.memory_space<vmem>>[vector<16xi32>], vector<16xf32>,
        %add3A_731 = arith.constant 2 : i32
        %add3A_732 = arith.addi %mul3A_724, %add3A_731 : i32
        %broadcast_in_dim3A_733 = vector.broadcast %add3A_732 : i32 to vector<16xi32>
        %gather3A_734 = tpu.vector_load_idx %arg25[%broadcast_in_dim3A_733] : memref<80xf32, #tpu.memory_space<vmem>>[vector<16xi32>], vector<16xf32>,
        %add3A_735 = arith.constant 3 : i32
        %add3A_736 = arith.addi %mul3A_724, %add3A_735 : i32
        %broadcast_in_dim3A_737 = vector.broadcast %add3A_736 : i32 to vector<16xi32>
        %gather3A_738 = tpu.vector_load_idx %arg25[%broadcast_in_dim3A_737] : memref<80xf32, #tpu.memory_space<vmem>>[vector<16xi32>], vector<16xf32>,
        %add3A_739 = arith.constant 0 : i32
        %add3A_740 = arith.addi %mul3A_724, %add3A_739 : i32
        %add3A_741 = arith.constant 1 : i32
        %add3A_742 = arith.addi %mul3A_724, %add3A_741 : i32
        %add3A_743 = arith.constant 2 : i32
        %add3A_744 = arith.addi %mul3A_724, %add3A_743 : i32
        %add3A_745 = arith.constant 3 : i32
        %add3A_746 = arith.addi %mul3A_724, %add3A_745 : i32
        %get3A_747 = arith.constant 0 : i32
        %get3A_748 = tpu.memref_slice %arg29[%add3A_740, %get3A_747] : memref<80x128xf32, #tpu.memory_space<vmem>> -> memref<1x128xf32, #tpu.memory_space<vmem>>
        %get3A_749 = tpu.memref_squeeze %get3A_748 : memref<1x128xf32, #tpu.memory_space<vmem>> -> memref<128xf32, #tpu.memory_space<vmem>>
        %get3A_750 = arith.constant 0 : index
        %get3A_751 = tpu.vector_load %get3A_749[%get3A_750] {strides = array<i32>} : memref<128xf32, #tpu.memory_space<vmem>>, vector<16xf32>,
        %mul3A_752 = arith.mulf %get3A_751, %gather3A : vector<16xf32>
        %swap3A_753 = arith.constant 0 : i32
        %swap3A_754 = tpu.memref_slice %arg29[%add3A_740, %swap3A_753] : memref<80x128xf32, #tpu.memory_space<vmem>> -> memref<1x128xf32, #tpu.memory_space<vmem>>
        %swap3A_755 = tpu.memref_squeeze %swap3A_754 : memref<1x128xf32, #tpu.memory_space<vmem>> -> memref<128xf32, #tpu.memory_space<vmem>>
        %swap3A_756 = arith.constant 0 : index
        %swap3A_757 = tpu.vector_load %swap3A_755[%swap3A_756] {strides = array<i32>} : memref<128xf32, #tpu.memory_space<vmem>>, vector<16xf32>,
        tpu.vector_store %swap3A_755[%swap3A_756], %mul3A_752 {strides = array<i32>} : memref<128xf32, #tpu.memory_space<vmem>>, vector<16xf32>,
        %get3A_758 = arith.constant 0 : i32
        %get3A_759 = tpu.memref_slice %arg29[%add3A_742, %get3A_758] : memref<80x128xf32, #tpu.memory_space<vmem>> -> memref<1x128xf32, #tpu.memory_space<vmem>>
        %get3A_760 = tpu.memref_squeeze %get3A_759 : memref<1x128xf32, #tpu.memory_space<vmem>> -> memref<128xf32, #tpu.memory_space<vmem>>
        %get3A_761 = arith.constant 0 : index
        %get3A_762 = tpu.vector_load %get3A_760[%get3A_761] {strides = array<i32>} : memref<128xf32, #tpu.memory_space<vmem>>, vector<16xf32>,
        %mul3A_763 = arith.mulf %get3A_762, %gather3A_730 : vector<16xf32>
        %swap3A_764 = arith.constant 0 : i32
        %swap3A_765 = tpu.memref_slice %arg29[%add3A_742, %swap3A_764] : memref<80x128xf32, #tpu.memory_space<vmem>> -> memref<1x128xf32, #tpu.memory_space<vmem>>
        %swap3A_766 = tpu.memref_squeeze %swap3A_765 : memref<1x128xf32, #tpu.memory_space<vmem>> -> memref<128xf32, #tpu.memory_space<vmem>>
        %swap3A_767 = arith.constant 0 : index
        %swap3A_768 = tpu.vector_load %swap3A_766[%swap3A_767] {strides = array<i32>} : memref<128xf32, #tpu.memory_space<vmem>>, vector<16xf32>,
        tpu.vector_store %swap3A_766[%swap3A_767], %mul3A_763 {strides = array<i32>} : memref<128xf32, #tpu.memory_space<vmem>>, vector<16xf32>,
        %get3A_769 = arith.constant 0 : i32
        %get3A_770 = tpu.memref_slice %arg29[%add3A_744, %get3A_769] : memref<80x128xf32, #tpu.memory_space<vmem>> -> memref<1x128xf32, #tpu.memory_space<vmem>>
        %get3A_771 = tpu.memref_squeeze %get3A_770 : memref<1x128xf32, #tpu.memory_space<vmem>> -> memref<128xf32, #tpu.memory_space<vmem>>
        %get3A_772 = arith.constant 0 : index
        %get3A_773 = tpu.vector_load %get3A_771[%get3A_772] {strides = array<i32>} : memref<128xf32, #tpu.memory_space<vmem>>, vector<16xf32>,
        %mul3A_774 = arith.mulf %get3A_773, %gather3A_734 : vector<16xf32>
        %swap3A_775 = arith.constant 0 : i32
        %swap3A_776 = tpu.memref_slice %arg29[%add3A_744, %swap3A_775] : memref<80x128xf32, #tpu.memory_space<vmem>> -> memref<1x128xf32, #tpu.memory_space<vmem>>
        %swap3A_777 = tpu.memref_squeeze %swap3A_776 : memref<1x128xf32, #tpu.memory_space<vmem>> -> memref<128xf32, #tpu.memory_space<vmem>>
        %swap3A_778 = arith.constant 0 : index
        %swap3A_779 = tpu.vector_load %swap3A_777[%swap3A_778] {strides = array<i32>} : memref<128xf32, #tpu.memory_space<vmem>>, vector<16xf32>,
        tpu.vector_store %swap3A_777[%swap3A_778], %mul3A_774 {strides = array<i32>} : memref<128xf32, #tpu.memory_space<vmem>>, vector<16xf32>,
        %get3A_780 = arith.constant 0 : i32
        %get3A_781 = tpu.memref_slice %arg29[%add3A_746, %get3A_780] : memref<80x128xf32, #tpu.memory_space<vmem>> -> memref<1x128xf32, #tpu.memory_space<vmem>>
        %get3A_782 = tpu.memref_squeeze %get3A_781 : memref<1x128xf32, #tpu.memory_space<vmem>> -> memref<128xf32, #tpu.memory_space<vmem>>
        %get3A_783 = arith.constant 0 : index
        %get3A_784 = tpu.vector_load %get3A_782[%get3A_783] {strides = array<i32>} : memref<128xf32, #tpu.memory_space<vmem>>, vector<16xf32>,
        %mul3A_785 = arith.mulf %get3A_784, %gather3A_738 : vector<16xf32>
        %swap3A_786 = arith.constant 0 : i32
        %swap3A_787 = tpu.memref_slice %arg29[%add3A_746, %swap3A_786] : memref<80x128xf32, #tpu.memory_space<vmem>> -> memref<1x128xf32, #tpu.memory_space<vmem>>
        %swap3A_788 = tpu.memref_squeeze %swap3A_787 : memref<1x128xf32, #tpu.memory_space<vmem>> -> memref<128xf32, #tpu.memory_space<vmem>>
        %swap3A_789 = arith.constant 0 : index
        %swap3A_790 = tpu.vector_load %swap3A_788[%swap3A_789] {strides = array<i32>} : memref<128xf32, #tpu.memory_space<vmem>>, vector<16xf32>,
        tpu.vector_store %swap3A_788[%swap3A_789], %mul3A_785 {strides = array<i32>} : memref<128xf32, #tpu.memory_space<vmem>>, vector<16xf32>,
        %get3A_791 = arith.constant 0 : i32
        %get3A_792 = tpu.memref_slice %arg29[%add3A_740, %get3A_791] : memref<80x128xf32, #tpu.memory_space<vmem>> -> memref<1x128xf32, #tpu.memory_space<vmem>>
        %get3A_793 = tpu.memref_squeeze %get3A_792 : memref<1x128xf32, #tpu.memory_space<vmem>> -> memref<128xf32, #tpu.memory_space<vmem>>
        %get3A_794 = arith.constant 16 : index
        %get3A_795 = tpu.vector_load %get3A_793[%get3A_794] {strides = array<i32>} : memref<128xf32, #tpu.memory_space<vmem>>, vector<16xf32>,
        %mul3A_796 = arith.mulf %get3A_795, %gather3A : vector<16xf32>
        %swap3A_797 = arith.constant 0 : i32
        %swap3A_798 = tpu.memref_slice %arg29[%add3A_740, %swap3A_797] : memref<80x128xf32, #tpu.memory_space<vmem>> -> memref<1x128xf32, #tpu.memory_space<vmem>>
        %swap3A_799 = tpu.memref_squeeze %swap3A_798 : memref<1x128xf32, #tpu.memory_space<vmem>> -> memref<128xf32, #tpu.memory_space<vmem>>
        %swap3A_800 = arith.constant 16 : index
        %swap3A_801 = tpu.vector_load %swap3A_799[%swap3A_800] {strides = array<i32>} : memref<128xf32, #tpu.memory_space<vmem>>, vector<16xf32>,
        tpu.vector_store %swap3A_799[%swap3A_800], %mul3A_796 {strides = array<i32>} : memref<128xf32, #tpu.memory_space<vmem>>, vector<16xf32>,
        %get3A_802 = arith.constant 0 : i32
        %get3A_803 = tpu.memref_slice %arg29[%add3A_742, %get3A_802] : memref<80x128xf32, #tpu.memory_space<vmem>> -> memref<1x128xf32, #tpu.memory_space<vmem>>
        %get3A_804 = tpu.memref_squeeze %get3A_803 : memref<1x128xf32, #tpu.memory_space<vmem>> -> memref<128xf32, #tpu.memory_space<vmem>>
        %get3A_805 = arith.constant 16 : index
        %get3A_806 = tpu.vector_load %get3A_804[%get3A_805] {strides = array<i32>} : memref<128xf32, #tpu.memory_space<vmem>>, vector<16xf32>,
        %mul3A_807 = arith.mulf %get3A_806, %gather3A_730 : vector<16xf32>
        %swap3A_808 = arith.constant 0 : i32
        %swap3A_809 = tpu.memref_slice %arg29[%add3A_742, %swap3A_808] : memref<80x128xf32, #tpu.memory_space<vmem>> -> memref<1x128xf32, #tpu.memory_space<vmem>>
        %swap3A_810 = tpu.memref_squeeze %swap3A_809 : memref<1x128xf32, #tpu.memory_space<vmem>> -> memref<128xf32, #tpu.memory_space<vmem>>
        %swap3A_811 = arith.constant 16 : index
        %swap3A_812 = tpu.vector_load %swap3A_810[%swap3A_811] {strides = array<i32>} : memref<128xf32, #tpu.memory_space<vmem>>, vector<16xf32>,
        tpu.vector_store %swap3A_810[%swap3A_811], %mul3A_807 {strides = array<i32>} : memref<128xf32, #tpu.memory_space<vmem>>, vector<16xf32>,
        %get3A_813 = arith.constant 0 : i32
        %get3A_814 = tpu.memref_slice %arg29[%add3A_744, %get3A_813] : memref<80x128xf32, #tpu.memory_space<vmem>> -> memref<1x128xf32, #tpu.memory_space<vmem>>
        %get3A_815 = tpu.memref_squeeze %get3A_814 : memref<1x128xf32, #tpu.memory_space<vmem>> -> memref<128xf32, #tpu.memory_space<vmem>>
        %get3A_816 = arith.constant 16 : index
        %get3A_817 = tpu.vector_load %get3A_815[%get3A_816] {strides = array<i32>} : memref<128xf32, #tpu.memory_space<vmem>>, vector<16xf32>,
        %mul3A_818 = arith.mulf %get3A_817, %gather3A_734 : vector<16xf32>
        %swap3A_819 = arith.constant 0 : i32
        %swap3A_820 = tpu.memref_slice %arg29[%add3A_744, %swap3A_819] : memref<80x128xf32, #tpu.memory_space<vmem>> -> memref<1x128xf32, #tpu.memory_space<vmem>>
        %swap3A_821 = tpu.memref_squeeze %swap3A_820 : memref<1x128xf32, #tpu.memory_space<vmem>> -> memref<128xf32, #tpu.memory_space<vmem>>
        %swap3A_822 = arith.constant 16 : index
        %swap3A_823 = tpu.vector_load %swap3A_821[%swap3A_822] {strides = array<i32>} : memref<128xf32, #tpu.memory_space<vmem>>, vector<16xf32>,
        tpu.vector_store %swap3A_821[%swap3A_822], %mul3A_818 {strides = array<i32>} : memref<128xf32, #tpu.memory_space<vmem>>, vector<16xf32>,
        %get3A_824 = arith.constant 0 : i32
        %get3A_825 = tpu.memref_slice %arg29[%add3A_746, %get3A_824] : memref<80x128xf32, #tpu.memory_space<vmem>> -> memref<1x128xf32, #tpu.memory_space<vmem>>
        %get3A_826 = tpu.memref_squeeze %get3A_825 : memref<1x128xf32, #tpu.memory_space<vmem>> -> memref<128xf32, #tpu.memory_space<vmem>>
        %get3A_827 = arith.constant 16 : index
        %get3A_828 = tpu.vector_load %get3A_826[%get3A_827] {strides = array<i32>} : memref<128xf32, #tpu.memory_space<vmem>>, vector<16xf32>,
        %mul3A_829 = arith.mulf %get3A_828, %gather3A_738 : vector<16xf32>
        %swap3A_830 = arith.constant 0 : i32
        %swap3A_831 = tpu.memref_slice %arg29[%add3A_746, %swap3A_830] : memref<80x128xf32, #tpu.memory_space<vmem>> -> memref<1x128xf32, #tpu.memory_space<vmem>>
        %swap3A_832 = tpu.memref_squeeze %swap3A_831 : memref<1x128xf32, #tpu.memory_space<vmem>> -> memref<128xf32, #tpu.memory_space<vmem>>
        %swap3A_833 = arith.constant 16 : index
        %swap3A_834 = tpu.vector_load %swap3A_832[%swap3A_833] {strides = array<i32>} : memref<128xf32, #tpu.memory_space<vmem>>, vector<16xf32>,
        tpu.vector_store %swap3A_832[%swap3A_833], %mul3A_829 {strides = array<i32>} : memref<128xf32, #tpu.memory_space<vmem>>, vector<16xf32>,
        %get3A_835 = arith.constant 0 : i32
        %get3A_836 = tpu.memref_slice %arg29[%add3A_740, %get3A_835] : memref<80x128xf32, #tpu.memory_space<vmem>> -> memref<1x128xf32, #tpu.memory_space<vmem>>
        %get3A_837 = tpu.memref_squeeze %get3A_836 : memref<1x128xf32, #tpu.memory_space<vmem>> -> memref<128xf32, #tpu.memory_space<vmem>>
        %get3A_838 = arith.constant 32 : index
        %get3A_839 = tpu.vector_load %get3A_837[%get3A_838] {strides = array<i32>} : memref<128xf32, #tpu.memory_space<vmem>>, vector<16xf32>,
        %mul3A_840 = arith.mulf %get3A_839, %gather3A : vector<16xf32>
        %swap3A_841 = arith.constant 0 : i32
        %swap3A_842 = tpu.memref_slice %arg29[%add3A_740, %swap3A_841] : memref<80x128xf32, #tpu.memory_space<vmem>> -> memref<1x128xf32, #tpu.memory_space<vmem>>
        %swap3A_843 = tpu.memref_squeeze %swap3A_842 : memref<1x128xf32, #tpu.memory_space<vmem>> -> memref<128xf32, #tpu.memory_space<vmem>>
        %swap3A_844 = arith.constant 32 : index
        %swap3A_845 = tpu.vector_load %swap3A_843[%swap3A_844] {strides = array<i32>} : memref<128xf32, #tpu.memory_space<vmem>>, vector<16xf32>,
        tpu.vector_store %swap3A_843[%swap3A_844], %mul3A_840 {strides = array<i32>} : memref<128xf32, #tpu.memory_space<vmem>>, vector<16xf32>,
        %get3A_846 = arith.constant 0 : i32
        %get3A_847 = tpu.memref_slice %arg29[%add3A_742, %get3A_846] : memref<80x128xf32, #tpu.memory_space<vmem>> -> memref<1x128xf32, #tpu.memory_space<vmem>>
        %get3A_848 = tpu.memref_squeeze %get3A_847 : memref<1x128xf32, #tpu.memory_space<vmem>> -> memref<128xf32, #tpu.memory_space<vmem>>
        %get3A_849 = arith.constant 32 : index
        %get3A_850 = tpu.vector_load %get3A_848[%get3A_849] {strides = array<i32>} : memref<128xf32, #tpu.memory_space<vmem>>, vector<16xf32>,
        %mul3A_851 = arith.mulf %get3A_850, %gather3A_730 : vector<16xf32>
        %swap3A_852 = arith.constant 0 : i32
        %swap3A_853 = tpu.memref_slice %arg29[%add3A_742, %swap3A_852] : memref<80x128xf32, #tpu.memory_space<vmem>> -> memref<1x128xf32, #tpu.memory_space<vmem>>
        %swap3A_854 = tpu.memref_squeeze %swap3A_853 : memref<1x128xf32, #tpu.memory_space<vmem>> -> memref<128xf32, #tpu.memory_space<vmem>>
        %swap3A_855 = arith.constant 32 : index
        %swap3A_856 = tpu.vector_load %swap3A_854[%swap3A_855] {strides = array<i32>} : memref<128xf32, #tpu.memory_space<vmem>>, vector<16xf32>,
        tpu.vector_store %swap3A_854[%swap3A_855], %mul3A_851 {strides = array<i32>} : memref<128xf32, #tpu.memory_space<vmem>>, vector<16xf32>,
        %get3A_857 = arith.constant 0 : i32
        %get3A_858 = tpu.memref_slice %arg29[%add3A_744, %get3A_857] : memref<80x128xf32, #tpu.memory_space<vmem>> -> memref<1x128xf32, #tpu.memory_space<vmem>>
        %get3A_859 = tpu.memref_squeeze %get3A_858 : memref<1x128xf32, #tpu.memory_space<vmem>> -> memref<128xf32, #tpu.memory_space<vmem>>
        %get3A_860 = arith.constant 32 : index
        %get3A_861 = tpu.vector_load %get3A_859[%get3A_860] {strides = array<i32>} : memref<128xf32, #tpu.memory_space<vmem>>, vector<16xf32>,
        %mul3A_862 = arith.mulf %get3A_861, %gather3A_734 : vector<16xf32>
        %swap3A_863 = arith.constant 0 : i32
        %swap3A_864 = tpu.memref_slice %arg29[%add3A_744, %swap3A_863] : memref<80x128xf32, #tpu.memory_space<vmem>> -> memref<1x128xf32, #tpu.memory_space<vmem>>
        %swap3A_865 = tpu.memref_squeeze %swap3A_864 : memref<1x128xf32, #tpu.memory_space<vmem>> -> memref<128xf32, #tpu.memory_space<vmem>>
        %swap3A_866 = arith.constant 32 : index
        %swap3A_867 = tpu.vector_load %swap3A_865[%swap3A_866] {strides = array<i32>} : memref<128xf32, #tpu.memory_space<vmem>>, vector<16xf32>,
        tpu.vector_store %swap3A_865[%swap3A_866], %mul3A_862 {strides = array<i32>} : memref<128xf32, #tpu.memory_space<vmem>>, vector<16xf32>,
        %get3A_868 = arith.constant 0 : i32
        %get3A_869 = tpu.memref_slice %arg29[%add3A_746, %get3A_868] : memref<80x128xf32, #tpu.memory_space<vmem>> -> memref<1x128xf32, #tpu.memory_space<vmem>>
        %get3A_870 = tpu.memref_squeeze %get3A_869 : memref<1x128xf32, #tpu.memory_space<vmem>> -> memref<128xf32, #tpu.memory_space<vmem>>
        %get3A_871 = arith.constant 32 : index
        %get3A_872 = tpu.vector_load %get3A_870[%get3A_871] {strides = array<i32>} : memref<128xf32, #tpu.memory_space<vmem>>, vector<16xf32>,
        %mul3A_873 = arith.mulf %get3A_872, %gather3A_738 : vector<16xf32>
        %swap3A_874 = arith.constant 0 : i32
        %swap3A_875 = tpu.memref_slice %arg29[%add3A_746, %swap3A_874] : memref<80x128xf32, #tpu.memory_space<vmem>> -> memref<1x128xf32, #tpu.memory_space<vmem>>
        %swap3A_876 = tpu.memref_squeeze %swap3A_875 : memref<1x128xf32, #tpu.memory_space<vmem>> -> memref<128xf32, #tpu.memory_space<vmem>>
        %swap3A_877 = arith.constant 32 : index
        %swap3A_878 = tpu.vector_load %swap3A_876[%swap3A_877] {strides = array<i32>} : memref<128xf32, #tpu.memory_space<vmem>>, vector<16xf32>,
        tpu.vector_store %swap3A_876[%swap3A_877], %mul3A_873 {strides = array<i32>} : memref<128xf32, #tpu.memory_space<vmem>>, vector<16xf32>,
        %get3A_879 = arith.constant 0 : i32
        %get3A_880 = tpu.memref_slice %arg29[%add3A_740, %get3A_879] : memref<80x128xf32, #tpu.memory_space<vmem>> -> memref<1x128xf32, #tpu.memory_space<vmem>>
        %get3A_881 = tpu.memref_squeeze %get3A_880 : memref<1x128xf32, #tpu.memory_space<vmem>> -> memref<128xf32, #tpu.memory_space<vmem>>
        %get3A_882 = arith.constant 48 : index
        %get3A_883 = tpu.vector_load %get3A_881[%get3A_882] {strides = array<i32>} : memref<128xf32, #tpu.memory_space<vmem>>, vector<16xf32>,
        %mul3A_884 = arith.mulf %get3A_883, %gather3A : vector<16xf32>
        %swap3A_885 = arith.constant 0 : i32
        %swap3A_886 = tpu.memref_slice %arg29[%add3A_740, %swap3A_885] : memref<80x128xf32, #tpu.memory_space<vmem>> -> memref<1x128xf32, #tpu.memory_space<vmem>>
        %swap3A_887 = tpu.memref_squeeze %swap3A_886 : memref<1x128xf32, #tpu.memory_space<vmem>> -> memref<128xf32, #tpu.memory_space<vmem>>
        %swap3A_888 = arith.constant 48 : index
        %swap3A_889 = tpu.vector_load %swap3A_887[%swap3A_888] {strides = array<i32>} : memref<128xf32, #tpu.memory_space<vmem>>, vector<16xf32>,
        tpu.vector_store %swap3A_887[%swap3A_888], %mul3A_884 {strides = array<i32>} : memref<128xf32, #tpu.memory_space<vmem>>, vector<16xf32>,
        %get3A_890 = arith.constant 0 : i32
        %get3A_891 = tpu.memref_slice %arg29[%add3A_742, %get3A_890] : memref<80x128xf32, #tpu.memory_space<vmem>> -> memref<1x128xf32, #tpu.memory_space<vmem>>
        %get3A_892 = tpu.memref_squeeze %get3A_891 : memref<1x128xf32, #tpu.memory_space<vmem>> -> memref<128xf32, #tpu.memory_space<vmem>>
        %get3A_893 = arith.constant 48 : index
        %get3A_894 = tpu.vector_load %get3A_892[%get3A_893] {strides = array<i32>} : memref<128xf32, #tpu.memory_space<vmem>>, vector<16xf32>,
        %mul3A_895 = arith.mulf %get3A_894, %gather3A_730 : vector<16xf32>
        %swap3A_896 = arith.constant 0 : i32
        %swap3A_897 = tpu.memref_slice %arg29[%add3A_742, %swap3A_896] : memref<80x128xf32, #tpu.memory_space<vmem>> -> memref<1x128xf32, #tpu.memory_space<vmem>>
        %swap3A_898 = tpu.memref_squeeze %swap3A_897 : memref<1x128xf32, #tpu.memory_space<vmem>> -> memref<128xf32, #tpu.memory_space<vmem>>
        %swap3A_899 = arith.constant 48 : index
        %swap3A_900 = tpu.vector_load %swap3A_898[%swap3A_899] {strides = array<i32>} : memref<128xf32, #tpu.memory_space<vmem>>, vector<16xf32>,
        tpu.vector_store %swap3A_898[%swap3A_899], %mul3A_895 {strides = array<i32>} : memref<128xf32, #tpu.memory_space<vmem>>, vector<16xf32>,
        %get3A_901 = arith.constant 0 : i32
        %get3A_902 = tpu.memref_slice %arg29[%add3A_744, %get3A_901] : memref<80x128xf32, #tpu.memory_space<vmem>> -> memref<1x128xf32, #tpu.memory_space<vmem>>
        %get3A_903 = tpu.memref_squeeze %get3A_902 : memref<1x128xf32, #tpu.memory_space<vmem>> -> memref<128xf32, #tpu.memory_space<vmem>>
        %get3A_904 = arith.constant 48 : index
        %get3A_905 = tpu.vector_load %get3A_903[%get3A_904] {strides = array<i32>} : memref<128xf32, #tpu.memory_space<vmem>>, vector<16xf32>,
        %mul3A_906 = arith.mulf %get3A_905, %gather3A_734 : vector<16xf32>
        %swap3A_907 = arith.constant 0 : i32
        %swap3A_908 = tpu.memref_slice %arg29[%add3A_744, %swap3A_907] : memref<80x128xf32, #tpu.memory_space<vmem>> -> memref<1x128xf32, #tpu.memory_space<vmem>>
        %swap3A_909 = tpu.memref_squeeze %swap3A_908 : memref<1x128xf32, #tpu.memory_space<vmem>> -> memref<128xf32, #tpu.memory_space<vmem>>
        %swap3A_910 = arith.constant 48 : index
        %swap3A_911 = tpu.vector_load %swap3A_909[%swap3A_910] {strides = array<i32>} : memref<128xf32, #tpu.memory_space<vmem>>, vector<16xf32>,
        tpu.vector_store %swap3A_909[%swap3A_910], %mul3A_906 {strides = array<i32>} : memref<128xf32, #tpu.memory_space<vmem>>, vector<16xf32>,
        %get3A_912 = arith.constant 0 : i32
        %get3A_913 = tpu.memref_slice %arg29[%add3A_746, %get3A_912] : memref<80x128xf32, #tpu.memory_space<vmem>> -> memref<1x128xf32, #tpu.memory_space<vmem>>
        %get3A_914 = tpu.memref_squeeze %get3A_913 : memref<1x128xf32, #tpu.memory_space<vmem>> -> memref<128xf32, #tpu.memory_space<vmem>>
        %get3A_915 = arith.constant 48 : index
        %get3A_916 = tpu.vector_load %get3A_914[%get3A_915] {strides = array<i32>} : memref<128xf32, #tpu.memory_space<vmem>>, vector<16xf32>,
        %mul3A_917 = arith.mulf %get3A_916, %gather3A_738 : vector<16xf32>
        %swap3A_918 = arith.constant 0 : i32
        %swap3A_919 = tpu.memref_slice %arg29[%add3A_746, %swap3A_918] : memref<80x128xf32, #tpu.memory_space<vmem>> -> memref<1x128xf32, #tpu.memory_space<vmem>>
        %swap3A_920 = tpu.memref_squeeze %swap3A_919 : memref<1x128xf32, #tpu.memory_space<vmem>> -> memref<128xf32, #tpu.memory_space<vmem>>
        %swap3A_921 = arith.constant 48 : index
        %swap3A_922 = tpu.vector_load %swap3A_920[%swap3A_921] {strides = array<i32>} : memref<128xf32, #tpu.memory_space<vmem>>, vector<16xf32>,
        tpu.vector_store %swap3A_920[%swap3A_921], %mul3A_917 {strides = array<i32>} : memref<128xf32, #tpu.memory_space<vmem>>, vector<16xf32>,
        %get3A_923 = arith.constant 0 : i32
        %get3A_924 = tpu.memref_slice %arg29[%add3A_740, %get3A_923] : memref<80x128xf32, #tpu.memory_space<vmem>> -> memref<1x128xf32, #tpu.memory_space<vmem>>
        %get3A_925 = tpu.memref_squeeze %get3A_924 : memref<1x128xf32, #tpu.memory_space<vmem>> -> memref<128xf32, #tpu.memory_space<vmem>>
        %get3A_926 = arith.constant 64 : index
        %get3A_927 = tpu.vector_load %get3A_925[%get3A_926] {strides = array<i32>} : memref<128xf32, #tpu.memory_space<vmem>>, vector<16xf32>,
        %mul3A_928 = arith.mulf %get3A_927, %gather3A : vector<16xf32>
        %swap3A_929 = arith.constant 0 : i32
        %swap3A_930 = tpu.memref_slice %arg29[%add3A_740, %swap3A_929] : memref<80x128xf32, #tpu.memory_space<vmem>> -> memref<1x128xf32, #tpu.memory_space<vmem>>
        %swap3A_931 = tpu.memref_squeeze %swap3A_930 : memref<1x128xf32, #tpu.memory_space<vmem>> -> memref<128xf32, #tpu.memory_space<vmem>>
        %swap3A_932 = arith.constant 64 : index
        %swap3A_933 = tpu.vector_load %swap3A_931[%swap3A_932] {strides = array<i32>} : memref<128xf32, #tpu.memory_space<vmem>>, vector<16xf32>,
        tpu.vector_store %swap3A_931[%swap3A_932], %mul3A_928 {strides = array<i32>} : memref<128xf32, #tpu.memory_space<vmem>>, vector<16xf32>,
        %get3A_934 = arith.constant 0 : i32
        %get3A_935 = tpu.memref_slice %arg29[%add3A_742, %get3A_934] : memref<80x128xf32, #tpu.memory_space<vmem>> -> memref<1x128xf32, #tpu.memory_space<vmem>>
        %get3A_936 = tpu.memref_squeeze %get3A_935 : memref<1x128xf32, #tpu.memory_space<vmem>> -> memref<128xf32, #tpu.memory_space<vmem>>
        %get3A_937 = arith.constant 64 : index
        %get3A_938 = tpu.vector_load %get3A_936[%get3A_937] {strides = array<i32>} : memref<128xf32, #tpu.memory_space<vmem>>, vector<16xf32>,
        %mul3A_939 = arith.mulf %get3A_938, %gather3A_730 : vector<16xf32>
        %swap3A_940 = arith.constant 0 : i32
        %swap3A_941 = tpu.memref_slice %arg29[%add3A_742, %swap3A_940] : memref<80x128xf32, #tpu.memory_space<vmem>> -> memref<1x128xf32, #tpu.memory_space<vmem>>
        %swap3A_942 = tpu.memref_squeeze %swap3A_941 : memref<1x128xf32, #tpu.memory_space<vmem>> -> memref<128xf32, #tpu.memory_space<vmem>>
        %swap3A_943 = arith.constant 64 : index
        %swap3A_944 = tpu.vector_load %swap3A_942[%swap3A_943] {strides = array<i32>} : memref<128xf32, #tpu.memory_space<vmem>>, vector<16xf32>,
        tpu.vector_store %swap3A_942[%swap3A_943], %mul3A_939 {strides = array<i32>} : memref<128xf32, #tpu.memory_space<vmem>>, vector<16xf32>,
        %get3A_945 = arith.constant 0 : i32
        %get3A_946 = tpu.memref_slice %arg29[%add3A_744, %get3A_945] : memref<80x128xf32, #tpu.memory_space<vmem>> -> memref<1x128xf32, #tpu.memory_space<vmem>>
        %get3A_947 = tpu.memref_squeeze %get3A_946 : memref<1x128xf32, #tpu.memory_space<vmem>> -> memref<128xf32, #tpu.memory_space<vmem>>
        %get3A_948 = arith.constant 64 : index
        %get3A_949 = tpu.vector_load %get3A_947[%get3A_948] {strides = array<i32>} : memref<128xf32, #tpu.memory_space<vmem>>, vector<16xf32>,
        %mul3A_950 = arith.mulf %get3A_949, %gather3A_734 : vector<16xf32>
        %swap3A_951 = arith.constant 0 : i32
        %swap3A_952 = tpu.memref_slice %arg29[%add3A_744, %swap3A_951] : memref<80x128xf32, #tpu.memory_space<vmem>> -> memref<1x128xf32, #tpu.memory_space<vmem>>
        %swap3A_953 = tpu.memref_squeeze %swap3A_952 : memref<1x128xf32, #tpu.memory_space<vmem>> -> memref<128xf32, #tpu.memory_space<vmem>>
        %swap3A_954 = arith.constant 64 : index
        %swap3A_955 = tpu.vector_load %swap3A_953[%swap3A_954] {strides = array<i32>} : memref<128xf32, #tpu.memory_space<vmem>>, vector<16xf32>,
        tpu.vector_store %swap3A_953[%swap3A_954], %mul3A_950 {strides = array<i32>} : memref<128xf32, #tpu.memory_space<vmem>>, vector<16xf32>,
        %get3A_956 = arith.constant 0 : i32
        %get3A_957 = tpu.memref_slice %arg29[%add3A_746, %get3A_956] : memref<80x128xf32, #tpu.memory_space<vmem>> -> memref<1x128xf32, #tpu.memory_space<vmem>>
        %get3A_958 = tpu.memref_squeeze %get3A_957 : memref<1x128xf32, #tpu.memory_space<vmem>> -> memref<128xf32, #tpu.memory_space<vmem>>
        %get3A_959 = arith.constant 64 : index
        %get3A_960 = tpu.vector_load %get3A_958[%get3A_959] {strides = array<i32>} : memref<128xf32, #tpu.memory_space<vmem>>, vector<16xf32>,
        %mul3A_961 = arith.mulf %get3A_960, %gather3A_738 : vector<16xf32>
        %swap3A_962 = arith.constant 0 : i32
        %swap3A_963 = tpu.memref_slice %arg29[%add3A_746, %swap3A_962] : memref<80x128xf32, #tpu.memory_space<vmem>> -> memref<1x128xf32, #tpu.memory_space<vmem>>
        %swap3A_964 = tpu.memref_squeeze %swap3A_963 : memref<1x128xf32, #tpu.memory_space<vmem>> -> memref<128xf32, #tpu.memory_space<vmem>>
        %swap3A_965 = arith.constant 64 : index
        %swap3A_966 = tpu.vector_load %swap3A_964[%swap3A_965] {strides = array<i32>} : memref<128xf32, #tpu.memory_space<vmem>>, vector<16xf32>,
        tpu.vector_store %swap3A_964[%swap3A_965], %mul3A_961 {strides = array<i32>} : memref<128xf32, #tpu.memory_space<vmem>>, vector<16xf32>,
        %get3A_967 = arith.constant 0 : i32
        %get3A_968 = tpu.memref_slice %arg29[%add3A_740, %get3A_967] : memref<80x128xf32, #tpu.memory_space<vmem>> -> memref<1x128xf32, #tpu.memory_space<vmem>>
        %get3A_969 = tpu.memref_squeeze %get3A_968 : memref<1x128xf32, #tpu.memory_space<vmem>> -> memref<128xf32, #tpu.memory_space<vmem>>
        %get3A_970 = arith.constant 80 : index
        %get3A_971 = tpu.vector_load %get3A_969[%get3A_970] {strides = array<i32>} : memref<128xf32, #tpu.memory_space<vmem>>, vector<16xf32>,
        %mul3A_972 = arith.mulf %get3A_971, %gather3A : vector<16xf32>
        %swap3A_973 = arith.constant 0 : i32
        %swap3A_974 = tpu.memref_slice %arg29[%add3A_740, %swap3A_973] : memref<80x128xf32, #tpu.memory_space<vmem>> -> memref<1x128xf32, #tpu.memory_space<vmem>>
        %swap3A_975 = tpu.memref_squeeze %swap3A_974 : memref<1x128xf32, #tpu.memory_space<vmem>> -> memref<128xf32, #tpu.memory_space<vmem>>
        %swap3A_976 = arith.constant 80 : index
        %swap3A_977 = tpu.vector_load %swap3A_975[%swap3A_976] {strides = array<i32>} : memref<128xf32, #tpu.memory_space<vmem>>, vector<16xf32>,
        tpu.vector_store %swap3A_975[%swap3A_976], %mul3A_972 {strides = array<i32>} : memref<128xf32, #tpu.memory_space<vmem>>, vector<16xf32>,
        %get3A_978 = arith.constant 0 : i32
        %get3A_979 = tpu.memref_slice %arg29[%add3A_742, %get3A_978] : memref<80x128xf32, #tpu.memory_space<vmem>> -> memref<1x128xf32, #tpu.memory_space<vmem>>
        %get3A_980 = tpu.memref_squeeze %get3A_979 : memref<1x128xf32, #tpu.memory_space<vmem>> -> memref<128xf32, #tpu.memory_space<vmem>>
        %get3A_981 = arith.constant 80 : index
        %get3A_982 = tpu.vector_load %get3A_980[%get3A_981] {strides = array<i32>} : memref<128xf32, #tpu.memory_space<vmem>>, vector<16xf32>,
        %mul3A_983 = arith.mulf %get3A_982, %gather3A_730 : vector<16xf32>
        %swap3A_984 = arith.constant 0 : i32
        %swap3A_985 = tpu.memref_slice %arg29[%add3A_742, %swap3A_984] : memref<80x128xf32, #tpu.memory_space<vmem>> -> memref<1x128xf32, #tpu.memory_space<vmem>>
        %swap3A_986 = tpu.memref_squeeze %swap3A_985 : memref<1x128xf32, #tpu.memory_space<vmem>> -> memref<128xf32, #tpu.memory_space<vmem>>
        %swap3A_987 = arith.constant 80 : index
        %swap3A_988 = tpu.vector_load %swap3A_986[%swap3A_987] {strides = array<i32>} : memref<128xf32, #tpu.memory_space<vmem>>, vector<16xf32>,
        tpu.vector_store %swap3A_986[%swap3A_987], %mul3A_983 {strides = array<i32>} : memref<128xf32, #tpu.memory_space<vmem>>, vector<16xf32>,
        %get3A_989 = arith.constant 0 : i32
        %get3A_990 = tpu.memref_slice %arg29[%add3A_744, %get3A_989] : memref<80x128xf32, #tpu.memory_space<vmem>> -> memref<1x128xf32, #tpu.memory_space<vmem>>
        %get3A_991 = tpu.memref_squeeze %get3A_990 : memref<1x128xf32, #tpu.memory_space<vmem>> -> memref<128xf32, #tpu.memory_space<vmem>>
        %get3A_992 = arith.constant 80 : index
        %get3A_993 = tpu.vector_load %get3A_991[%get3A_992] {strides = array<i32>} : memref<128xf32, #tpu.memory_space<vmem>>, vector<16xf32>,
        %mul3A_994 = arith.mulf %get3A_993, %gather3A_734 : vector<16xf32>
        %swap3A_995 = arith.constant 0 : i32
        %swap3A_996 = tpu.memref_slice %arg29[%add3A_744, %swap3A_995] : memref<80x128xf32, #tpu.memory_space<vmem>> -> memref<1x128xf32, #tpu.memory_space<vmem>>
        %swap3A_997 = tpu.memref_squeeze %swap3A_996 : memref<1x128xf32, #tpu.memory_space<vmem>> -> memref<128xf32, #tpu.memory_space<vmem>>
        %swap3A_998 = arith.constant 80 : index
        %swap3A_999 = tpu.vector_load %swap3A_997[%swap3A_998] {strides = array<i32>} : memref<128xf32, #tpu.memory_space<vmem>>, vector<16xf32>,
        tpu.vector_store %swap3A_997[%swap3A_998], %mul3A_994 {strides = array<i32>} : memref<128xf32, #tpu.memory_space<vmem>>, vector<16xf32>,
        %get3A_1000 = arith.constant 0 : i32
        %get3A_1001 = tpu.memref_slice %arg29[%add3A_746, %get3A_1000] : memref<80x128xf32, #tpu.memory_space<vmem>> -> memref<1x128xf32, #tpu.memory_space<vmem>>
        %get3A_1002 = tpu.memref_squeeze %get3A_1001 : memref<1x128xf32, #tpu.memory_space<vmem>> -> memref<128xf32, #tpu.memory_space<vmem>>
        %get3A_1003 = arith.constant 80 : index
        %get3A_1004 = tpu.vector_load %get3A_1002[%get3A_1003] {strides = array<i32>} : memref<128xf32, #tpu.memory_space<vmem>>, vector<16xf32>,
        %mul3A_1005 = arith.mulf %get3A_1004, %gather3A_738 : vector<16xf32>
        %swap3A_1006 = arith.constant 0 : i32
        %swap3A_1007 = tpu.memref_slice %arg29[%add3A_746, %swap3A_1006] : memref<80x128xf32, #tpu.memory_space<vmem>> -> memref<1x128xf32, #tpu.memory_space<vmem>>
        %swap3A_1008 = tpu.memref_squeeze %swap3A_1007 : memref<1x128xf32, #tpu.memory_space<vmem>> -> memref<128xf32, #tpu.memory_space<vmem>>
        %swap3A_1009 = arith.constant 80 : index
        %swap3A_1010 = tpu.vector_load %swap3A_1008[%swap3A_1009] {strides = array<i32>} : memref<128xf32, #tpu.memory_space<vmem>>, vector<16xf32>,
        tpu.vector_store %swap3A_1008[%swap3A_1009], %mul3A_1005 {strides = array<i32>} : memref<128xf32, #tpu.memory_space<vmem>>, vector<16xf32>,
        %get3A_1011 = arith.constant 0 : i32
        %get3A_1012 = tpu.memref_slice %arg29[%add3A_740, %get3A_1011] : memref<80x128xf32, #tpu.memory_space<vmem>> -> memref<1x128xf32, #tpu.memory_space<vmem>>
        %get3A_1013 = tpu.memref_squeeze %get3A_1012 : memref<1x128xf32, #tpu.memory_space<vmem>> -> memref<128xf32, #tpu.memory_space<vmem>>
        %get3A_1014 = arith.constant 96 : index
        %get3A_1015 = tpu.vector_load %get3A_1013[%get3A_1014] {strides = array<i32>} : memref<128xf32, #tpu.memory_space<vmem>>, vector<16xf32>,
        %mul3A_1016 = arith.mulf %get3A_1015, %gather3A : vector<16xf32>
        %swap3A_1017 = arith.constant 0 : i32
        %swap3A_1018 = tpu.memref_slice %arg29[%add3A_740, %swap3A_1017] : memref<80x128xf32, #tpu.memory_space<vmem>> -> memref<1x128xf32, #tpu.memory_space<vmem>>
        %swap3A_1019 = tpu.memref_squeeze %swap3A_1018 : memref<1x128xf32, #tpu.memory_space<vmem>> -> memref<128xf32, #tpu.memory_space<vmem>>
        %swap3A_1020 = arith.constant 96 : index
        %swap3A_1021 = tpu.vector_load %swap3A_1019[%swap3A_1020] {strides = array<i32>} : memref<128xf32, #tpu.memory_space<vmem>>, vector<16xf32>,
        tpu.vector_store %swap3A_1019[%swap3A_1020], %mul3A_1016 {strides = array<i32>} : memref<128xf32, #tpu.memory_space<vmem>>, vector<16xf32>,
        %get3A_1022 = arith.constant 0 : i32
        %get3A_1023 = tpu.memref_slice %arg29[%add3A_742, %get3A_1022] : memref<80x128xf32, #tpu.memory_space<vmem>> -> memref<1x128xf32, #tpu.memory_space<vmem>>
        %get3A_1024 = tpu.memref_squeeze %get3A_1023 : memref<1x128xf32, #tpu.memory_space<vmem>> -> memref<128xf32, #tpu.memory_space<vmem>>
        %get3A_1025 = arith.constant 96 : index
        %get3A_1026 = tpu.vector_load %get3A_1024[%get3A_1025] {strides = array<i32>} : memref<128xf32, #tpu.memory_space<vmem>>, vector<16xf32>,
        %mul3A_1027 = arith.mulf %get3A_1026, %gather3A_730 : vector<16xf32>
        %swap3A_1028 = arith.constant 0 : i32
        %swap3A_1029 = tpu.memref_slice %arg29[%add3A_742, %swap3A_1028] : memref<80x128xf32, #tpu.memory_space<vmem>> -> memref<1x128xf32, #tpu.memory_space<vmem>>
        %swap3A_1030 = tpu.memref_squeeze %swap3A_1029 : memref<1x128xf32, #tpu.memory_space<vmem>> -> memref<128xf32, #tpu.memory_space<vmem>>
        %swap3A_1031 = arith.constant 96 : index
        %swap3A_1032 = tpu.vector_load %swap3A_1030[%swap3A_1031] {strides = array<i32>} : memref<128xf32, #tpu.memory_space<vmem>>, vector<16xf32>,
        tpu.vector_store %swap3A_1030[%swap3A_1031], %mul3A_1027 {strides = array<i32>} : memref<128xf32, #tpu.memory_space<vmem>>, vector<16xf32>,
        %get3A_1033 = arith.constant 0 : i32
        %get3A_1034 = tpu.memref_slice %arg29[%add3A_744, %get3A_1033] : memref<80x128xf32, #tpu.memory_space<vmem>> -> memref<1x128xf32, #tpu.memory_space<vmem>>
        %get3A_1035 = tpu.memref_squeeze %get3A_1034 : memref<1x128xf32, #tpu.memory_space<vmem>> -> memref<128xf32, #tpu.memory_space<vmem>>
        %get3A_1036 = arith.constant 96 : index
        %get3A_1037 = tpu.vector_load %get3A_1035[%get3A_1036] {strides = array<i32>} : memref<128xf32, #tpu.memory_space<vmem>>, vector<16xf32>,
        %mul3A_1038 = arith.mulf %get3A_1037, %gather3A_734 : vector<16xf32>
        %swap3A_1039 = arith.constant 0 : i32
        %swap3A_1040 = tpu.memref_slice %arg29[%add3A_744, %swap3A_1039] : memref<80x128xf32, #tpu.memory_space<vmem>> -> memref<1x128xf32, #tpu.memory_space<vmem>>
        %swap3A_1041 = tpu.memref_squeeze %swap3A_1040 : memref<1x128xf32, #tpu.memory_space<vmem>> -> memref<128xf32, #tpu.memory_space<vmem>>
        %swap3A_1042 = arith.constant 96 : index
        %swap3A_1043 = tpu.vector_load %swap3A_1041[%swap3A_1042] {strides = array<i32>} : memref<128xf32, #tpu.memory_space<vmem>>, vector<16xf32>,
        tpu.vector_store %swap3A_1041[%swap3A_1042], %mul3A_1038 {strides = array<i32>} : memref<128xf32, #tpu.memory_space<vmem>>, vector<16xf32>,
        %get3A_1044 = arith.constant 0 : i32
        %get3A_1045 = tpu.memref_slice %arg29[%add3A_746, %get3A_1044] : memref<80x128xf32, #tpu.memory_space<vmem>> -> memref<1x128xf32, #tpu.memory_space<vmem>>
        %get3A_1046 = tpu.memref_squeeze %get3A_1045 : memref<1x128xf32, #tpu.memory_space<vmem>> -> memref<128xf32, #tpu.memory_space<vmem>>
        %get3A_1047 = arith.constant 96 : index
        %get3A_1048 = tpu.vector_load %get3A_1046[%get3A_1047] {strides = array<i32>} : memref<128xf32, #tpu.memory_space<vmem>>, vector<16xf32>,
        %mul3A_1049 = arith.mulf %get3A_1048, %gather3A_738 : vector<16xf32>
        %swap3A_1050 = arith.constant 0 : i32
        %swap3A_1051 = tpu.memref_slice %arg29[%add3A_746, %swap3A_1050] : memref<80x128xf32, #tpu.memory_space<vmem>> -> memref<1x128xf32, #tpu.memory_space<vmem>>
        %swap3A_1052 = tpu.memref_squeeze %swap3A_1051 : memref<1x128xf32, #tpu.memory_space<vmem>> -> memref<128xf32, #tpu.memory_space<vmem>>
        %swap3A_1053 = arith.constant 96 : index
        %swap3A_1054 = tpu.vector_load %swap3A_1052[%swap3A_1053] {strides = array<i32>} : memref<128xf32, #tpu.memory_space<vmem>>, vector<16xf32>,
        tpu.vector_store %swap3A_1052[%swap3A_1053], %mul3A_1049 {strides = array<i32>} : memref<128xf32, #tpu.memory_space<vmem>>, vector<16xf32>,
        %get3A_1055 = arith.constant 0 : i32
        %get3A_1056 = tpu.memref_slice %arg29[%add3A_740, %get3A_1055] : memref<80x128xf32, #tpu.memory_space<vmem>> -> memref<1x128xf32, #tpu.memory_space<vmem>>
        %get3A_1057 = tpu.memref_squeeze %get3A_1056 : memref<1x128xf32, #tpu.memory_space<vmem>> -> memref<128xf32, #tpu.memory_space<vmem>>
        %get3A_1058 = arith.constant 112 : index
        %get3A_1059 = tpu.vector_load %get3A_1057[%get3A_1058] {strides = array<i32>} : memref<128xf32, #tpu.memory_space<vmem>>, vector<16xf32>,
        %mul3A_1060 = arith.mulf %get3A_1059, %gather3A : vector<16xf32>
        %swap3A_1061 = arith.constant 0 : i32
        %swap3A_1062 = tpu.memref_slice %arg29[%add3A_740, %swap3A_1061] : memref<80x128xf32, #tpu.memory_space<vmem>> -> memref<1x128xf32, #tpu.memory_space<vmem>>
        %swap3A_1063 = tpu.memref_squeeze %swap3A_1062 : memref<1x128xf32, #tpu.memory_space<vmem>> -> memref<128xf32, #tpu.memory_space<vmem>>
        %swap3A_1064 = arith.constant 112 : index
        %swap3A_1065 = tpu.vector_load %swap3A_1063[%swap3A_1064] {strides = array<i32>} : memref<128xf32, #tpu.memory_space<vmem>>, vector<16xf32>,
        tpu.vector_store %swap3A_1063[%swap3A_1064], %mul3A_1060 {strides = array<i32>} : memref<128xf32, #tpu.memory_space<vmem>>, vector<16xf32>,
        %get3A_1066 = arith.constant 0 : i32
        %get3A_1067 = tpu.memref_slice %arg29[%add3A_742, %get3A_1066] : memref<80x128xf32, #tpu.memory_space<vmem>> -> memref<1x128xf32, #tpu.memory_space<vmem>>
        %get3A_1068 = tpu.memref_squeeze %get3A_1067 : memref<1x128xf32, #tpu.memory_space<vmem>> -> memref<128xf32, #tpu.memory_space<vmem>>
        %get3A_1069 = arith.constant 112 : index
        %get3A_1070 = tpu.vector_load %get3A_1068[%get3A_1069] {strides = array<i32>} : memref<128xf32, #tpu.memory_space<vmem>>, vector<16xf32>,
        %mul3A_1071 = arith.mulf %get3A_1070, %gather3A_730 : vector<16xf32>
        %swap3A_1072 = arith.constant 0 : i32
        %swap3A_1073 = tpu.memref_slice %arg29[%add3A_742, %swap3A_1072] : memref<80x128xf32, #tpu.memory_space<vmem>> -> memref<1x128xf32, #tpu.memory_space<vmem>>
        %swap3A_1074 = tpu.memref_squeeze %swap3A_1073 : memref<1x128xf32, #tpu.memory_space<vmem>> -> memref<128xf32, #tpu.memory_space<vmem>>
        %swap3A_1075 = arith.constant 112 : index
        %swap3A_1076 = tpu.vector_load %swap3A_1074[%swap3A_1075] {strides = array<i32>} : memref<128xf32, #tpu.memory_space<vmem>>, vector<16xf32>,
        tpu.vector_store %swap3A_1074[%swap3A_1075], %mul3A_1071 {strides = array<i32>} : memref<128xf32, #tpu.memory_space<vmem>>, vector<16xf32>,
        %get3A_1077 = arith.constant 0 : i32
        %get3A_1078 = tpu.memref_slice %arg29[%add3A_744, %get3A_1077] : memref<80x128xf32, #tpu.memory_space<vmem>> -> memref<1x128xf32, #tpu.memory_space<vmem>>
        %get3A_1079 = tpu.memref_squeeze %get3A_1078 : memref<1x128xf32, #tpu.memory_space<vmem>> -> memref<128xf32, #tpu.memory_space<vmem>>
        %get3A_1080 = arith.constant 112 : index
        %get3A_1081 = tpu.vector_load %get3A_1079[%get3A_1080] {strides = array<i32>} : memref<128xf32, #tpu.memory_space<vmem>>, vector<16xf32>,
        %mul3A_1082 = arith.mulf %get3A_1081, %gather3A_734 : vector<16xf32>
        %swap3A_1083 = arith.constant 0 : i32
        %swap3A_1084 = tpu.memref_slice %arg29[%add3A_744, %swap3A_1083] : memref<80x128xf32, #tpu.memory_space<vmem>> -> memref<1x128xf32, #tpu.memory_space<vmem>>
        %swap3A_1085 = tpu.memref_squeeze %swap3A_1084 : memref<1x128xf32, #tpu.memory_space<vmem>> -> memref<128xf32, #tpu.memory_space<vmem>>
        %swap3A_1086 = arith.constant 112 : index
        %swap3A_1087 = tpu.vector_load %swap3A_1085[%swap3A_1086] {strides = array<i32>} : memref<128xf32, #tpu.memory_space<vmem>>, vector<16xf32>,
        tpu.vector_store %swap3A_1085[%swap3A_1086], %mul3A_1082 {strides = array<i32>} : memref<128xf32, #tpu.memory_space<vmem>>, vector<16xf32>,
        %get3A_1088 = arith.constant 0 : i32
        %get3A_1089 = tpu.memref_slice %arg29[%add3A_746, %get3A_1088] : memref<80x128xf32, #tpu.memory_space<vmem>> -> memref<1x128xf32, #tpu.memory_space<vmem>>
        %get3A_1090 = tpu.memref_squeeze %get3A_1089 : memref<1x128xf32, #tpu.memory_space<vmem>> -> memref<128xf32, #tpu.memory_space<vmem>>
        %get3A_1091 = arith.constant 112 : index
        %get3A_1092 = tpu.vector_load %get3A_1090[%get3A_1091] {strides = array<i32>} : memref<128xf32, #tpu.memory_space<vmem>>, vector<16xf32>,
        %mul3A_1093 = arith.mulf %get3A_1092, %gather3A_738 : vector<16xf32>
        %swap3A_1094 = arith.constant 0 : i32
        %swap3A_1095 = tpu.memref_slice %arg29[%add3A_746, %swap3A_1094] : memref<80x128xf32, #tpu.memory_space<vmem>> -> memref<1x128xf32, #tpu.memory_space<vmem>>
        %swap3A_1096 = tpu.memref_squeeze %swap3A_1095 : memref<1x128xf32, #tpu.memory_space<vmem>> -> memref<128xf32, #tpu.memory_space<vmem>>
        %swap3A_1097 = arith.constant 112 : index
        %swap3A_1098 = tpu.vector_load %swap3A_1096[%swap3A_1097] {strides = array<i32>} : memref<128xf32, #tpu.memory_space<vmem>>, vector<16xf32>,
        tpu.vector_store %swap3A_1096[%swap3A_1097], %mul3A_1093 {strides = array<i32>} : memref<128xf32, #tpu.memory_space<vmem>>, vector<16xf32>,
      }
      %scan3A_646 = arith.constant 20 : i32
      %dma_start3A_647 = arith.constant 0 : i32
      %dma_start3A_648 = arith.constant 0 : i32
      %dma_start3A_649 = tpu.memref_slice %arg33[%dma_start3A_647, %dma_start3A_648] : memref<10000x128xf32, #tpu.memory_space<vmem_shared>> -> memref<10000x128xf32, #tpu.memory_space<vmem_shared>>
      tpu.enqueue_indirect_dma source(%arg29 : memref<80x128xf32, #tpu.memory_space<vmem>>) target(%dma_start3A_649 : memref<10000x128xf32, #tpu.memory_space<vmem_shared>>) offsets(%arg13 : memref<80xi32, #tpu.memory_space<vmem>>) semaphore(%arg45 : memref<!tpu.dma_semaphore, #tpu.memory_space<semaphore_mem>>) {add = true}
      %dma_start3A_650 = arith.constant 0 : i32
      %dma_start3A_651 = tpu.memref_slice %arg34[%dma_start3A_650] : memref<10000xf32, #tpu.memory_space<vmem_shared>> -> memref<10000xf32, #tpu.memory_space<vmem_shared>>
      tpu.enqueue_indirect_dma source(%arg25 : memref<80xf32, #tpu.memory_space<vmem>>) target(%dma_start3A_651 : memref<10000xf32, #tpu.memory_space<vmem_shared>>) offsets(%arg13 : memref<80xi32, #tpu.memory_space<vmem>>) semaphore(%arg49 : memref<!tpu.dma_semaphore, #tpu.memory_space<semaphore_mem>>) {add = true}
      %add3A_652 = arith.constant 3 : i32
      %add3A_653 = arith.addi %mul3A_444, %add3A_652 : i32
      %ge3A_654 = arith.constant 2 : i32
      %ge3A_655 = arith.cmpi sge, %add3A_653, %ge3A_654 : i32
      %convert_element_type3A_656 = arith.extui %ge3A_655 : i1 to i32
      %cond3A_657 = arith.constant 0 : i32
      %cond3A_658 = arith.cmpi ne, %convert_element_type3A_656, %cond3A_657 : i32
      scf.if %cond3A_658 {
        %dma_wait3A_722 = arith.constant 0 : i32
        %dma_wait3A_723 = arith.constant 0 : i32
        %dma_wait3A_724 = tpu.memref_slice %arg33[%dma_wait3A_722, %dma_wait3A_723] : memref<10000x128xf32, #tpu.memory_space<vmem_shared>> -> memref<10000x128xf32, #tpu.memory_space<vmem_shared>>
        tpu.wait_indirect_dma semaphore(%arg44 : memref<!tpu.dma_semaphore, #tpu.memory_space<semaphore_mem>>) src(%arg28 : memref<80x128xf32, #tpu.memory_space<vmem>>) dst(%dma_wait3A_724 : memref<10000x128xf32, #tpu.memory_space<vmem_shared>>)
        %dma_wait3A_725 = arith.constant 0 : i32
        %dma_wait3A_726 = tpu.memref_slice %arg34[%dma_wait3A_725] : memref<10000xf32, #tpu.memory_space<vmem_shared>> -> memref<10000xf32, #tpu.memory_space<vmem_shared>>
        tpu.wait_indirect_dma semaphore(%arg48 : memref<!tpu.dma_semaphore, #tpu.memory_space<semaphore_mem>>) src(%arg24 : memref<80xf32, #tpu.memory_space<vmem>>) dst(%dma_wait3A_726 : memref<10000xf32, #tpu.memory_space<vmem_shared>>)
      } else {
      }
      %add3A_659 = arith.constant 2 : i32
      %add3A_660 = arith.addi %add3A_653, %add3A_659 : i32
      %le3A_661 = arith.constant 124 : i32
      %le3A_662 = arith.cmpi sle, %add3A_660, %le3A_661 : i32
      %convert_element_type3A_663 = arith.extui %le3A_662 : i1 to i32
      %cond3A_664 = arith.constant 0 : i32
      %cond3A_665 = arith.cmpi ne, %convert_element_type3A_663, %cond3A_664 : i32
      scf.if %cond3A_665 {
        %add3A_722 = arith.constant 2 : i32
        %add3A_723 = arith.addi %add3A_653, %add3A_722 : i32
        %mul3A_724 = arith.constant 80 : i32
        %mul3A_725 = arith.muli %add3A_723, %mul3A_724 : i32
        %add3A_726 = arith.addi %mul3A_2, %mul3A_725 : i32
        %multiple_of3A_727 = tpu.assume_multiple %add3A_726, 16 : i32
        %dma_start3A_728 = tpu.memref_slice %arg2[%multiple_of3A_727] : memref<320000xi32, #tpu.memory_space<hbm>> -> memref<80xi32, #tpu.memory_space<hbm>>
        %dma_start3A_729 = tpu.memref_slice %arg2[%multiple_of3A_727] : memref<320000xi32, #tpu.memory_space<hbm>> -> memref<80xi32, #tpu.memory_space<hbm>>
        tpu.enqueue_dma source(%dma_start3A_729 : memref<80xi32, #tpu.memory_space<hbm>>) target(%arg12 : memref<80xi32, #tpu.memory_space<vmem>>) target_semaphore(%arg36 : memref<!tpu.dma_semaphore, #tpu.memory_space<semaphore_mem>>)
        %dma_start3A_730 = tpu.memref_slice %arg3[%multiple_of3A_727] : memref<320000xi32, #tpu.memory_space<hbm>> -> memref<80xi32, #tpu.memory_space<hbm>>
        %dma_start3A_731 = tpu.memref_slice %arg3[%multiple_of3A_727] : memref<320000xi32, #tpu.memory_space<hbm>> -> memref<80xi32, #tpu.memory_space<hbm>>
        tpu.enqueue_dma source(%dma_start3A_731 : memref<80xi32, #tpu.memory_space<hbm>>) target(%arg16 : memref<80xi32, #tpu.memory_space<vmem>>) target_semaphore(%arg36 : memref<!tpu.dma_semaphore, #tpu.memory_space<semaphore_mem>>)
        %dma_start3A_732 = tpu.memref_slice %arg4[%multiple_of3A_727] : memref<320000xf32, #tpu.memory_space<hbm>> -> memref<80xf32, #tpu.memory_space<hbm>>
        %dma_start3A_733 = tpu.memref_slice %arg4[%multiple_of3A_727] : memref<320000xf32, #tpu.memory_space<hbm>> -> memref<80xf32, #tpu.memory_space<hbm>>
        tpu.enqueue_dma source(%dma_start3A_733 : memref<80xf32, #tpu.memory_space<hbm>>) target(%arg20 : memref<80xf32, #tpu.memory_space<vmem>>) target_semaphore(%arg36 : memref<!tpu.dma_semaphore, #tpu.memory_space<semaphore_mem>>)
      } else {
      }
      %add3A_666 = arith.constant 1 : i32
      %add3A_667 = arith.addi %add3A_653, %add3A_666 : i32
      %le3A_668 = arith.constant 124 : i32
      %le3A_669 = arith.cmpi sle, %add3A_667, %le3A_668 : i32
      %convert_element_type3A_670 = arith.extui %le3A_669 : i1 to i32
      %cond3A_671 = arith.constant 0 : i32
      %cond3A_672 = arith.cmpi ne, %convert_element_type3A_670, %cond3A_671 : i32
      scf.if %cond3A_672 {
        %add3A_722 = arith.constant 1 : i32
        %add3A_723 = arith.addi %add3A_653, %add3A_722 : i32
        %mul3A_724 = arith.constant 80 : i32
        %mul3A_725 = arith.muli %add3A_723, %mul3A_724 : i32
        %add3A_726 = arith.addi %mul3A_2, %mul3A_725 : i32
        %multiple_of3A_727 = tpu.assume_multiple %add3A_726, 16 : i32
        %dma_wait3A_728 = tpu.memref_slice %arg2[%multiple_of3A_727] : memref<320000xi32, #tpu.memory_space<hbm>> -> memref<80xi32, #tpu.memory_space<hbm>>
        %dma_wait3A_729 = tpu.memref_slice %arg2[%multiple_of3A_727] : memref<320000xi32, #tpu.memory_space<hbm>> -> memref<80xi32, #tpu.memory_space<hbm>>
        tpu.wait_dma2 semaphore(%arg35 : memref<!tpu.dma_semaphore, #tpu.memory_space<semaphore_mem>>) src(%dma_wait3A_729 : memref<80xi32, #tpu.memory_space<hbm>>) dst(%arg11 : memref<80xi32, #tpu.memory_space<vmem>>)
        %dma_wait3A_730 = tpu.memref_slice %arg3[%multiple_of3A_727] : memref<320000xi32, #tpu.memory_space<hbm>> -> memref<80xi32, #tpu.memory_space<hbm>>
        %dma_wait3A_731 = tpu.memref_slice %arg3[%multiple_of3A_727] : memref<320000xi32, #tpu.memory_space<hbm>> -> memref<80xi32, #tpu.memory_space<hbm>>
        tpu.wait_dma2 semaphore(%arg35 : memref<!tpu.dma_semaphore, #tpu.memory_space<semaphore_mem>>) src(%dma_wait3A_731 : memref<80xi32, #tpu.memory_space<hbm>>) dst(%arg15 : memref<80xi32, #tpu.memory_space<vmem>>)
        %dma_wait3A_732 = tpu.memref_slice %arg4[%multiple_of3A_727] : memref<320000xf32, #tpu.memory_space<hbm>> -> memref<80xf32, #tpu.memory_space<hbm>>
        %dma_wait3A_733 = tpu.memref_slice %arg4[%multiple_of3A_727] : memref<320000xf32, #tpu.memory_space<hbm>> -> memref<80xf32, #tpu.memory_space<hbm>>
        tpu.wait_dma2 semaphore(%arg35 : memref<!tpu.dma_semaphore, #tpu.memory_space<semaphore_mem>>) src(%dma_wait3A_733 : memref<80xf32, #tpu.memory_space<hbm>>) dst(%arg19 : memref<80xf32, #tpu.memory_space<vmem>>)
        %dma_start3A_734 = arith.constant 0 : i32
        %dma_start3A_735 = arith.constant 0 : i32
        %dma_start3A_736 = tpu.memref_slice %arg6[%dma_start3A_734, %dma_start3A_735] : memref<10000x128xf32, #tpu.memory_space<hbm>> -> memref<10000x128xf32, #tpu.memory_space<hbm>>
        tpu.enqueue_indirect_dma source(%dma_start3A_736 : memref<10000x128xf32, #tpu.memory_space<hbm>>) target(%arg27 : memref<80x128xf32, #tpu.memory_space<vmem>>) offsets(%arg15 : memref<80xi32, #tpu.memory_space<vmem>>) semaphore(%arg39 : memref<!tpu.dma_semaphore, #tpu.memory_space<semaphore_mem>>)
      } else {
      }
      %dma_wait3A_673 = arith.constant 0 : i32
      %dma_wait3A_674 = arith.constant 0 : i32
      %dma_wait3A_675 = tpu.memref_slice %arg6[%dma_wait3A_673, %dma_wait3A_674] : memref<10000x128xf32, #tpu.memory_space<hbm>> -> memref<10000x128xf32, #tpu.memory_space<hbm>>
      tpu.wait_indirect_dma semaphore(%arg42 : memref<!tpu.dma_semaphore, #tpu.memory_space<semaphore_mem>>) src(%dma_wait3A_675 : memref<10000x128xf32, #tpu.memory_space<hbm>>) dst(%arg30 : memref<80x128xf32, #tpu.memory_space<vmem>>)
      %get3A_676 = arith.constant 0 : index
      %get3A_677 = tpu.vector_load %arg22[%get3A_676] {strides = array<i32>} : memref<80xf32, #tpu.memory_space<vmem>>, vector<16xf32>,
      %sub3A_678 = vector.broadcast %reduce_max3A_212 : f32 to vector<16xf32>
      %sub3A_679 = arith.subf %get3A_677, %sub3A_678 : vector<16xf32>
      %exp3A_680 = math.exp %sub3A_679 : vector<16xf32>
      %swap3A_681 = arith.constant 0 : index
      %swap3A_682 = tpu.vector_load %arg26[%swap3A_681] {strides = array<i32>} : memref<80xf32, #tpu.memory_space<vmem>>, vector<16xf32>,
      tpu.vector_store %arg26[%swap3A_681], %exp3A_680 {strides = array<i32>} : memref<80xf32, #tpu.memory_space<vmem>>, vector<16xf32>,
      %get3A_683 = arith.constant 16 : index
      %get3A_684 = tpu.vector_load %arg22[%get3A_683] {strides = array<i32>} : memref<80xf32, #tpu.memory_space<vmem>>, vector<16xf32>,
      %sub3A_685 = vector.broadcast %reduce_max3A_212 : f32 to vector<16xf32>
      %sub3A_686 = arith.subf %get3A_684, %sub3A_685 : vector<16xf32>
      %exp3A_687 = math.exp %sub3A_686 : vector<16xf32>
      %swap3A_688 = arith.constant 16 : index
      %swap3A_689 = tpu.vector_load %arg26[%swap3A_688] {strides = array<i32>} : memref<80xf32, #tpu.memory_space<vmem>>, vector<16xf32>,
      tpu.vector_store %arg26[%swap3A_688], %exp3A_687 {strides = array<i32>} : memref<80xf32, #tpu.memory_space<vmem>>, vector<16xf32>,
      %get3A_690 = arith.constant 32 : index
      %get3A_691 = tpu.vector_load %arg22[%get3A_690] {strides = array<i32>} : memref<80xf32, #tpu.memory_space<vmem>>, vector<16xf32>,
      %sub3A_692 = vector.broadcast %reduce_max3A_212 : f32 to vector<16xf32>
      %sub3A_693 = arith.subf %get3A_691, %sub3A_692 : vector<16xf32>
      %exp3A_694 = math.exp %sub3A_693 : vector<16xf32>
      %swap3A_695 = arith.constant 32 : index
      %swap3A_696 = tpu.vector_load %arg26[%swap3A_695] {strides = array<i32>} : memref<80xf32, #tpu.memory_space<vmem>>, vector<16xf32>,
      tpu.vector_store %arg26[%swap3A_695], %exp3A_694 {strides = array<i32>} : memref<80xf32, #tpu.memory_space<vmem>>, vector<16xf32>,
      %get3A_697 = arith.constant 48 : index
      %get3A_698 = tpu.vector_load %arg22[%get3A_697] {strides = array<i32>} : memref<80xf32, #tpu.memory_space<vmem>>, vector<16xf32>,
      %sub3A_699 = vector.broadcast %reduce_max3A_212 : f32 to vector<16xf32>
      %sub3A_700 = arith.subf %get3A_698, %sub3A_699 : vector<16xf32>
      %exp3A_701 = math.exp %sub3A_700 : vector<16xf32>
      %swap3A_702 = arith.constant 48 : index
      %swap3A_703 = tpu.vector_load %arg26[%swap3A_702] {strides = array<i32>} : memref<80xf32, #tpu.memory_space<vmem>>, vector<16xf32>,
      tpu.vector_store %arg26[%swap3A_702], %exp3A_701 {strides = array<i32>} : memref<80xf32, #tpu.memory_space<vmem>>, vector<16xf32>,
      %get3A_704 = arith.constant 64 : index
      %get3A_705 = tpu.vector_load %arg22[%get3A_704] {strides = array<i32>} : memref<80xf32, #tpu.memory_space<vmem>>, vector<16xf32>,
      %sub3A_706 = vector.broadcast %reduce_max3A_212 : f32 to vector<16xf32>
      %sub3A_707 = arith.subf %get3A_705, %sub3A_706 : vector<16xf32>
      %exp3A_708 = math.exp %sub3A_707 : vector<16xf32>
      %swap3A_709 = arith.constant 64 : index
      %swap3A_710 = tpu.vector_load %arg26[%swap3A_709] {strides = array<i32>} : memref<80xf32, #tpu.memory_space<vmem>>, vector<16xf32>,
      tpu.vector_store %arg26[%swap3A_709], %exp3A_708 {strides = array<i32>} : memref<80xf32, #tpu.memory_space<vmem>>, vector<16xf32>,
      %scan3A_711 = arith.constant 0 : i32
      %scan3A_712 = arith.constant 0 : i32
      %scan3A_713 = arith.constant 20 : i32
      %scan3A_714 = arith.addi %scan3A_712, %scan3A_713 : i32
      %scan3A_715 = arith.constant 1 : i32
      scf.for %scan3A_722 = %scan3A_712 to %scan3A_714 step %scan3A_715  : i32 {
        %mul3A_723 = arith.constant 4 : i32
        %mul3A_724 = arith.muli %mul3A_723, %scan3A_722 : i32
        %add3A_725 = arith.constant 0 : i32
        %add3A_726 = arith.addi %mul3A_724, %add3A_725 : i32
        %broadcast_in_dim3A = vector.broadcast %add3A_726 : i32 to vector<16xi32>
        %gather3A = tpu.vector_load_idx %arg26[%broadcast_in_dim3A] : memref<80xf32, #tpu.memory_space<vmem>>[vector<16xi32>], vector<16xf32>,
        %add3A_727 = arith.constant 1 : i32
        %add3A_728 = arith.addi %mul3A_724, %add3A_727 : i32
        %broadcast_in_dim3A_729 = vector.broadcast %add3A_728 : i32 to vector<16xi32>
        %gather3A_730 = tpu.vector_load_idx %arg26[%broadcast_in_dim3A_729] : memref<80xf32, #tpu.memory_space<vmem>>[vector<16xi32>], vector<16xf32>,
        %add3A_731 = arith.constant 2 : i32
        %add3A_732 = arith.addi %mul3A_724, %add3A_731 : i32
        %broadcast_in_dim3A_733 = vector.broadcast %add3A_732 : i32 to vector<16xi32>
        %gather3A_734 = tpu.vector_load_idx %arg26[%broadcast_in_dim3A_733] : memref<80xf32, #tpu.memory_space<vmem>>[vector<16xi32>], vector<16xf32>,
        %add3A_735 = arith.constant 3 : i32
        %add3A_736 = arith.addi %mul3A_724, %add3A_735 : i32
        %broadcast_in_dim3A_737 = vector.broadcast %add3A_736 : i32 to vector<16xi32>
        %gather3A_738 = tpu.vector_load_idx %arg26[%broadcast_in_dim3A_737] : memref<80xf32, #tpu.memory_space<vmem>>[vector<16xi32>], vector<16xf32>,
        %add3A_739 = arith.constant 0 : i32
        %add3A_740 = arith.addi %mul3A_724, %add3A_739 : i32
        %add3A_741 = arith.constant 1 : i32
        %add3A_742 = arith.addi %mul3A_724, %add3A_741 : i32
        %add3A_743 = arith.constant 2 : i32
        %add3A_744 = arith.addi %mul3A_724, %add3A_743 : i32
        %add3A_745 = arith.constant 3 : i32
        %add3A_746 = arith.addi %mul3A_724, %add3A_745 : i32
        %get3A_747 = arith.constant 0 : i32
        %get3A_748 = tpu.memref_slice %arg30[%add3A_740, %get3A_747] : memref<80x128xf32, #tpu.memory_space<vmem>> -> memref<1x128xf32, #tpu.memory_space<vmem>>
        %get3A_749 = tpu.memref_squeeze %get3A_748 : memref<1x128xf32, #tpu.memory_space<vmem>> -> memref<128xf32, #tpu.memory_space<vmem>>
        %get3A_750 = arith.constant 0 : index
        %get3A_751 = tpu.vector_load %get3A_749[%get3A_750] {strides = array<i32>} : memref<128xf32, #tpu.memory_space<vmem>>, vector<16xf32>,
        %mul3A_752 = arith.mulf %get3A_751, %gather3A : vector<16xf32>
        %swap3A_753 = arith.constant 0 : i32
        %swap3A_754 = tpu.memref_slice %arg30[%add3A_740, %swap3A_753] : memref<80x128xf32, #tpu.memory_space<vmem>> -> memref<1x128xf32, #tpu.memory_space<vmem>>
        %swap3A_755 = tpu.memref_squeeze %swap3A_754 : memref<1x128xf32, #tpu.memory_space<vmem>> -> memref<128xf32, #tpu.memory_space<vmem>>
        %swap3A_756 = arith.constant 0 : index
        %swap3A_757 = tpu.vector_load %swap3A_755[%swap3A_756] {strides = array<i32>} : memref<128xf32, #tpu.memory_space<vmem>>, vector<16xf32>,
        tpu.vector_store %swap3A_755[%swap3A_756], %mul3A_752 {strides = array<i32>} : memref<128xf32, #tpu.memory_space<vmem>>, vector<16xf32>,
        %get3A_758 = arith.constant 0 : i32
        %get3A_759 = tpu.memref_slice %arg30[%add3A_742, %get3A_758] : memref<80x128xf32, #tpu.memory_space<vmem>> -> memref<1x128xf32, #tpu.memory_space<vmem>>
        %get3A_760 = tpu.memref_squeeze %get3A_759 : memref<1x128xf32, #tpu.memory_space<vmem>> -> memref<128xf32, #tpu.memory_space<vmem>>
        %get3A_761 = arith.constant 0 : index
        %get3A_762 = tpu.vector_load %get3A_760[%get3A_761] {strides = array<i32>} : memref<128xf32, #tpu.memory_space<vmem>>, vector<16xf32>,
        %mul3A_763 = arith.mulf %get3A_762, %gather3A_730 : vector<16xf32>
        %swap3A_764 = arith.constant 0 : i32
        %swap3A_765 = tpu.memref_slice %arg30[%add3A_742, %swap3A_764] : memref<80x128xf32, #tpu.memory_space<vmem>> -> memref<1x128xf32, #tpu.memory_space<vmem>>
        %swap3A_766 = tpu.memref_squeeze %swap3A_765 : memref<1x128xf32, #tpu.memory_space<vmem>> -> memref<128xf32, #tpu.memory_space<vmem>>
        %swap3A_767 = arith.constant 0 : index
        %swap3A_768 = tpu.vector_load %swap3A_766[%swap3A_767] {strides = array<i32>} : memref<128xf32, #tpu.memory_space<vmem>>, vector<16xf32>,
        tpu.vector_store %swap3A_766[%swap3A_767], %mul3A_763 {strides = array<i32>} : memref<128xf32, #tpu.memory_space<vmem>>, vector<16xf32>,
        %get3A_769 = arith.constant 0 : i32
        %get3A_770 = tpu.memref_slice %arg30[%add3A_744, %get3A_769] : memref<80x128xf32, #tpu.memory_space<vmem>> -> memref<1x128xf32, #tpu.memory_space<vmem>>
        %get3A_771 = tpu.memref_squeeze %get3A_770 : memref<1x128xf32, #tpu.memory_space<vmem>> -> memref<128xf32, #tpu.memory_space<vmem>>
        %get3A_772 = arith.constant 0 : index
        %get3A_773 = tpu.vector_load %get3A_771[%get3A_772] {strides = array<i32>} : memref<128xf32, #tpu.memory_space<vmem>>, vector<16xf32>,
        %mul3A_774 = arith.mulf %get3A_773, %gather3A_734 : vector<16xf32>
        %swap3A_775 = arith.constant 0 : i32
        %swap3A_776 = tpu.memref_slice %arg30[%add3A_744, %swap3A_775] : memref<80x128xf32, #tpu.memory_space<vmem>> -> memref<1x128xf32, #tpu.memory_space<vmem>>
        %swap3A_777 = tpu.memref_squeeze %swap3A_776 : memref<1x128xf32, #tpu.memory_space<vmem>> -> memref<128xf32, #tpu.memory_space<vmem>>
        %swap3A_778 = arith.constant 0 : index
        %swap3A_779 = tpu.vector_load %swap3A_777[%swap3A_778] {strides = array<i32>} : memref<128xf32, #tpu.memory_space<vmem>>, vector<16xf32>,
        tpu.vector_store %swap3A_777[%swap3A_778], %mul3A_774 {strides = array<i32>} : memref<128xf32, #tpu.memory_space<vmem>>, vector<16xf32>,
        %get3A_780 = arith.constant 0 : i32
        %get3A_781 = tpu.memref_slice %arg30[%add3A_746, %get3A_780] : memref<80x128xf32, #tpu.memory_space<vmem>> -> memref<1x128xf32, #tpu.memory_space<vmem>>
        %get3A_782 = tpu.memref_squeeze %get3A_781 : memref<1x128xf32, #tpu.memory_space<vmem>> -> memref<128xf32, #tpu.memory_space<vmem>>
        %get3A_783 = arith.constant 0 : index
        %get3A_784 = tpu.vector_load %get3A_782[%get3A_783] {strides = array<i32>} : memref<128xf32, #tpu.memory_space<vmem>>, vector<16xf32>,
        %mul3A_785 = arith.mulf %get3A_784, %gather3A_738 : vector<16xf32>
        %swap3A_786 = arith.constant 0 : i32
        %swap3A_787 = tpu.memref_slice %arg30[%add3A_746, %swap3A_786] : memref<80x128xf32, #tpu.memory_space<vmem>> -> memref<1x128xf32, #tpu.memory_space<vmem>>
        %swap3A_788 = tpu.memref_squeeze %swap3A_787 : memref<1x128xf32, #tpu.memory_space<vmem>> -> memref<128xf32, #tpu.memory_space<vmem>>
        %swap3A_789 = arith.constant 0 : index
        %swap3A_790 = tpu.vector_load %swap3A_788[%swap3A_789] {strides = array<i32>} : memref<128xf32, #tpu.memory_space<vmem>>, vector<16xf32>,
        tpu.vector_store %swap3A_788[%swap3A_789], %mul3A_785 {strides = array<i32>} : memref<128xf32, #tpu.memory_space<vmem>>, vector<16xf32>,
        %get3A_791 = arith.constant 0 : i32
        %get3A_792 = tpu.memref_slice %arg30[%add3A_740, %get3A_791] : memref<80x128xf32, #tpu.memory_space<vmem>> -> memref<1x128xf32, #tpu.memory_space<vmem>>
        %get3A_793 = tpu.memref_squeeze %get3A_792 : memref<1x128xf32, #tpu.memory_space<vmem>> -> memref<128xf32, #tpu.memory_space<vmem>>
        %get3A_794 = arith.constant 16 : index
        %get3A_795 = tpu.vector_load %get3A_793[%get3A_794] {strides = array<i32>} : memref<128xf32, #tpu.memory_space<vmem>>, vector<16xf32>,
        %mul3A_796 = arith.mulf %get3A_795, %gather3A : vector<16xf32>
        %swap3A_797 = arith.constant 0 : i32
        %swap3A_798 = tpu.memref_slice %arg30[%add3A_740, %swap3A_797] : memref<80x128xf32, #tpu.memory_space<vmem>> -> memref<1x128xf32, #tpu.memory_space<vmem>>
        %swap3A_799 = tpu.memref_squeeze %swap3A_798 : memref<1x128xf32, #tpu.memory_space<vmem>> -> memref<128xf32, #tpu.memory_space<vmem>>
        %swap3A_800 = arith.constant 16 : index
        %swap3A_801 = tpu.vector_load %swap3A_799[%swap3A_800] {strides = array<i32>} : memref<128xf32, #tpu.memory_space<vmem>>, vector<16xf32>,
        tpu.vector_store %swap3A_799[%swap3A_800], %mul3A_796 {strides = array<i32>} : memref<128xf32, #tpu.memory_space<vmem>>, vector<16xf32>,
        %get3A_802 = arith.constant 0 : i32
        %get3A_803 = tpu.memref_slice %arg30[%add3A_742, %get3A_802] : memref<80x128xf32, #tpu.memory_space<vmem>> -> memref<1x128xf32, #tpu.memory_space<vmem>>
        %get3A_804 = tpu.memref_squeeze %get3A_803 : memref<1x128xf32, #tpu.memory_space<vmem>> -> memref<128xf32, #tpu.memory_space<vmem>>
        %get3A_805 = arith.constant 16 : index
        %get3A_806 = tpu.vector_load %get3A_804[%get3A_805] {strides = array<i32>} : memref<128xf32, #tpu.memory_space<vmem>>, vector<16xf32>,
        %mul3A_807 = arith.mulf %get3A_806, %gather3A_730 : vector<16xf32>
        %swap3A_808 = arith.constant 0 : i32
        %swap3A_809 = tpu.memref_slice %arg30[%add3A_742, %swap3A_808] : memref<80x128xf32, #tpu.memory_space<vmem>> -> memref<1x128xf32, #tpu.memory_space<vmem>>
        %swap3A_810 = tpu.memref_squeeze %swap3A_809 : memref<1x128xf32, #tpu.memory_space<vmem>> -> memref<128xf32, #tpu.memory_space<vmem>>
        %swap3A_811 = arith.constant 16 : index
        %swap3A_812 = tpu.vector_load %swap3A_810[%swap3A_811] {strides = array<i32>} : memref<128xf32, #tpu.memory_space<vmem>>, vector<16xf32>,
        tpu.vector_store %swap3A_810[%swap3A_811], %mul3A_807 {strides = array<i32>} : memref<128xf32, #tpu.memory_space<vmem>>, vector<16xf32>,
        %get3A_813 = arith.constant 0 : i32
        %get3A_814 = tpu.memref_slice %arg30[%add3A_744, %get3A_813] : memref<80x128xf32, #tpu.memory_space<vmem>> -> memref<1x128xf32, #tpu.memory_space<vmem>>
        %get3A_815 = tpu.memref_squeeze %get3A_814 : memref<1x128xf32, #tpu.memory_space<vmem>> -> memref<128xf32, #tpu.memory_space<vmem>>
        %get3A_816 = arith.constant 16 : index
        %get3A_817 = tpu.vector_load %get3A_815[%get3A_816] {strides = array<i32>} : memref<128xf32, #tpu.memory_space<vmem>>, vector<16xf32>,
        %mul3A_818 = arith.mulf %get3A_817, %gather3A_734 : vector<16xf32>
        %swap3A_819 = arith.constant 0 : i32
        %swap3A_820 = tpu.memref_slice %arg30[%add3A_744, %swap3A_819] : memref<80x128xf32, #tpu.memory_space<vmem>> -> memref<1x128xf32, #tpu.memory_space<vmem>>
        %swap3A_821 = tpu.memref_squeeze %swap3A_820 : memref<1x128xf32, #tpu.memory_space<vmem>> -> memref<128xf32, #tpu.memory_space<vmem>>
        %swap3A_822 = arith.constant 16 : index
        %swap3A_823 = tpu.vector_load %swap3A_821[%swap3A_822] {strides = array<i32>} : memref<128xf32, #tpu.memory_space<vmem>>, vector<16xf32>,
        tpu.vector_store %swap3A_821[%swap3A_822], %mul3A_818 {strides = array<i32>} : memref<128xf32, #tpu.memory_space<vmem>>, vector<16xf32>,
        %get3A_824 = arith.constant 0 : i32
        %get3A_825 = tpu.memref_slice %arg30[%add3A_746, %get3A_824] : memref<80x128xf32, #tpu.memory_space<vmem>> -> memref<1x128xf32, #tpu.memory_space<vmem>>
        %get3A_826 = tpu.memref_squeeze %get3A_825 : memref<1x128xf32, #tpu.memory_space<vmem>> -> memref<128xf32, #tpu.memory_space<vmem>>
        %get3A_827 = arith.constant 16 : index
        %get3A_828 = tpu.vector_load %get3A_826[%get3A_827] {strides = array<i32>} : memref<128xf32, #tpu.memory_space<vmem>>, vector<16xf32>,
        %mul3A_829 = arith.mulf %get3A_828, %gather3A_738 : vector<16xf32>
        %swap3A_830 = arith.constant 0 : i32
        %swap3A_831 = tpu.memref_slice %arg30[%add3A_746, %swap3A_830] : memref<80x128xf32, #tpu.memory_space<vmem>> -> memref<1x128xf32, #tpu.memory_space<vmem>>
        %swap3A_832 = tpu.memref_squeeze %swap3A_831 : memref<1x128xf32, #tpu.memory_space<vmem>> -> memref<128xf32, #tpu.memory_space<vmem>>
        %swap3A_833 = arith.constant 16 : index
        %swap3A_834 = tpu.vector_load %swap3A_832[%swap3A_833] {strides = array<i32>} : memref<128xf32, #tpu.memory_space<vmem>>, vector<16xf32>,
        tpu.vector_store %swap3A_832[%swap3A_833], %mul3A_829 {strides = array<i32>} : memref<128xf32, #tpu.memory_space<vmem>>, vector<16xf32>,
        %get3A_835 = arith.constant 0 : i32
        %get3A_836 = tpu.memref_slice %arg30[%add3A_740, %get3A_835] : memref<80x128xf32, #tpu.memory_space<vmem>> -> memref<1x128xf32, #tpu.memory_space<vmem>>
        %get3A_837 = tpu.memref_squeeze %get3A_836 : memref<1x128xf32, #tpu.memory_space<vmem>> -> memref<128xf32, #tpu.memory_space<vmem>>
        %get3A_838 = arith.constant 32 : index
        %get3A_839 = tpu.vector_load %get3A_837[%get3A_838] {strides = array<i32>} : memref<128xf32, #tpu.memory_space<vmem>>, vector<16xf32>,
        %mul3A_840 = arith.mulf %get3A_839, %gather3A : vector<16xf32>
        %swap3A_841 = arith.constant 0 : i32
        %swap3A_842 = tpu.memref_slice %arg30[%add3A_740, %swap3A_841] : memref<80x128xf32, #tpu.memory_space<vmem>> -> memref<1x128xf32, #tpu.memory_space<vmem>>
        %swap3A_843 = tpu.memref_squeeze %swap3A_842 : memref<1x128xf32, #tpu.memory_space<vmem>> -> memref<128xf32, #tpu.memory_space<vmem>>
        %swap3A_844 = arith.constant 32 : index
        %swap3A_845 = tpu.vector_load %swap3A_843[%swap3A_844] {strides = array<i32>} : memref<128xf32, #tpu.memory_space<vmem>>, vector<16xf32>,
        tpu.vector_store %swap3A_843[%swap3A_844], %mul3A_840 {strides = array<i32>} : memref<128xf32, #tpu.memory_space<vmem>>, vector<16xf32>,
        %get3A_846 = arith.constant 0 : i32
        %get3A_847 = tpu.memref_slice %arg30[%add3A_742, %get3A_846] : memref<80x128xf32, #tpu.memory_space<vmem>> -> memref<1x128xf32, #tpu.memory_space<vmem>>
        %get3A_848 = tpu.memref_squeeze %get3A_847 : memref<1x128xf32, #tpu.memory_space<vmem>> -> memref<128xf32, #tpu.memory_space<vmem>>
        %get3A_849 = arith.constant 32 : index
        %get3A_850 = tpu.vector_load %get3A_848[%get3A_849] {strides = array<i32>} : memref<128xf32, #tpu.memory_space<vmem>>, vector<16xf32>,
        %mul3A_851 = arith.mulf %get3A_850, %gather3A_730 : vector<16xf32>
        %swap3A_852 = arith.constant 0 : i32
        %swap3A_853 = tpu.memref_slice %arg30[%add3A_742, %swap3A_852] : memref<80x128xf32, #tpu.memory_space<vmem>> -> memref<1x128xf32, #tpu.memory_space<vmem>>
        %swap3A_854 = tpu.memref_squeeze %swap3A_853 : memref<1x128xf32, #tpu.memory_space<vmem>> -> memref<128xf32, #tpu.memory_space<vmem>>
        %swap3A_855 = arith.constant 32 : index
        %swap3A_856 = tpu.vector_load %swap3A_854[%swap3A_855] {strides = array<i32>} : memref<128xf32, #tpu.memory_space<vmem>>, vector<16xf32>,
        tpu.vector_store %swap3A_854[%swap3A_855], %mul3A_851 {strides = array<i32>} : memref<128xf32, #tpu.memory_space<vmem>>, vector<16xf32>,
        %get3A_857 = arith.constant 0 : i32
        %get3A_858 = tpu.memref_slice %arg30[%add3A_744, %get3A_857] : memref<80x128xf32, #tpu.memory_space<vmem>> -> memref<1x128xf32, #tpu.memory_space<vmem>>
        %get3A_859 = tpu.memref_squeeze %get3A_858 : memref<1x128xf32, #tpu.memory_space<vmem>> -> memref<128xf32, #tpu.memory_space<vmem>>
        %get3A_860 = arith.constant 32 : index
        %get3A_861 = tpu.vector_load %get3A_859[%get3A_860] {strides = array<i32>} : memref<128xf32, #tpu.memory_space<vmem>>, vector<16xf32>,
        %mul3A_862 = arith.mulf %get3A_861, %gather3A_734 : vector<16xf32>
        %swap3A_863 = arith.constant 0 : i32
        %swap3A_864 = tpu.memref_slice %arg30[%add3A_744, %swap3A_863] : memref<80x128xf32, #tpu.memory_space<vmem>> -> memref<1x128xf32, #tpu.memory_space<vmem>>
        %swap3A_865 = tpu.memref_squeeze %swap3A_864 : memref<1x128xf32, #tpu.memory_space<vmem>> -> memref<128xf32, #tpu.memory_space<vmem>>
        %swap3A_866 = arith.constant 32 : index
        %swap3A_867 = tpu.vector_load %swap3A_865[%swap3A_866] {strides = array<i32>} : memref<128xf32, #tpu.memory_space<vmem>>, vector<16xf32>,
        tpu.vector_store %swap3A_865[%swap3A_866], %mul3A_862 {strides = array<i32>} : memref<128xf32, #tpu.memory_space<vmem>>, vector<16xf32>,
        %get3A_868 = arith.constant 0 : i32
        %get3A_869 = tpu.memref_slice %arg30[%add3A_746, %get3A_868] : memref<80x128xf32, #tpu.memory_space<vmem>> -> memref<1x128xf32, #tpu.memory_space<vmem>>
        %get3A_870 = tpu.memref_squeeze %get3A_869 : memref<1x128xf32, #tpu.memory_space<vmem>> -> memref<128xf32, #tpu.memory_space<vmem>>
        %get3A_871 = arith.constant 32 : index
        %get3A_872 = tpu.vector_load %get3A_870[%get3A_871] {strides = array<i32>} : memref<128xf32, #tpu.memory_space<vmem>>, vector<16xf32>,
        %mul3A_873 = arith.mulf %get3A_872, %gather3A_738 : vector<16xf32>
        %swap3A_874 = arith.constant 0 : i32
        %swap3A_875 = tpu.memref_slice %arg30[%add3A_746, %swap3A_874] : memref<80x128xf32, #tpu.memory_space<vmem>> -> memref<1x128xf32, #tpu.memory_space<vmem>>
        %swap3A_876 = tpu.memref_squeeze %swap3A_875 : memref<1x128xf32, #tpu.memory_space<vmem>> -> memref<128xf32, #tpu.memory_space<vmem>>
        %swap3A_877 = arith.constant 32 : index
        %swap3A_878 = tpu.vector_load %swap3A_876[%swap3A_877] {strides = array<i32>} : memref<128xf32, #tpu.memory_space<vmem>>, vector<16xf32>,
        tpu.vector_store %swap3A_876[%swap3A_877], %mul3A_873 {strides = array<i32>} : memref<128xf32, #tpu.memory_space<vmem>>, vector<16xf32>,
        %get3A_879 = arith.constant 0 : i32
        %get3A_880 = tpu.memref_slice %arg30[%add3A_740, %get3A_879] : memref<80x128xf32, #tpu.memory_space<vmem>> -> memref<1x128xf32, #tpu.memory_space<vmem>>
        %get3A_881 = tpu.memref_squeeze %get3A_880 : memref<1x128xf32, #tpu.memory_space<vmem>> -> memref<128xf32, #tpu.memory_space<vmem>>
        %get3A_882 = arith.constant 48 : index
        %get3A_883 = tpu.vector_load %get3A_881[%get3A_882] {strides = array<i32>} : memref<128xf32, #tpu.memory_space<vmem>>, vector<16xf32>,
        %mul3A_884 = arith.mulf %get3A_883, %gather3A : vector<16xf32>
        %swap3A_885 = arith.constant 0 : i32
        %swap3A_886 = tpu.memref_slice %arg30[%add3A_740, %swap3A_885] : memref<80x128xf32, #tpu.memory_space<vmem>> -> memref<1x128xf32, #tpu.memory_space<vmem>>
        %swap3A_887 = tpu.memref_squeeze %swap3A_886 : memref<1x128xf32, #tpu.memory_space<vmem>> -> memref<128xf32, #tpu.memory_space<vmem>>
        %swap3A_888 = arith.constant 48 : index
        %swap3A_889 = tpu.vector_load %swap3A_887[%swap3A_888] {strides = array<i32>} : memref<128xf32, #tpu.memory_space<vmem>>, vector<16xf32>,
        tpu.vector_store %swap3A_887[%swap3A_888], %mul3A_884 {strides = array<i32>} : memref<128xf32, #tpu.memory_space<vmem>>, vector<16xf32>,
        %get3A_890 = arith.constant 0 : i32
        %get3A_891 = tpu.memref_slice %arg30[%add3A_742, %get3A_890] : memref<80x128xf32, #tpu.memory_space<vmem>> -> memref<1x128xf32, #tpu.memory_space<vmem>>
        %get3A_892 = tpu.memref_squeeze %get3A_891 : memref<1x128xf32, #tpu.memory_space<vmem>> -> memref<128xf32, #tpu.memory_space<vmem>>
        %get3A_893 = arith.constant 48 : index
        %get3A_894 = tpu.vector_load %get3A_892[%get3A_893] {strides = array<i32>} : memref<128xf32, #tpu.memory_space<vmem>>, vector<16xf32>,
        %mul3A_895 = arith.mulf %get3A_894, %gather3A_730 : vector<16xf32>
        %swap3A_896 = arith.constant 0 : i32
        %swap3A_897 = tpu.memref_slice %arg30[%add3A_742, %swap3A_896] : memref<80x128xf32, #tpu.memory_space<vmem>> -> memref<1x128xf32, #tpu.memory_space<vmem>>
        %swap3A_898 = tpu.memref_squeeze %swap3A_897 : memref<1x128xf32, #tpu.memory_space<vmem>> -> memref<128xf32, #tpu.memory_space<vmem>>
        %swap3A_899 = arith.constant 48 : index
        %swap3A_900 = tpu.vector_load %swap3A_898[%swap3A_899] {strides = array<i32>} : memref<128xf32, #tpu.memory_space<vmem>>, vector<16xf32>,
        tpu.vector_store %swap3A_898[%swap3A_899], %mul3A_895 {strides = array<i32>} : memref<128xf32, #tpu.memory_space<vmem>>, vector<16xf32>,
        %get3A_901 = arith.constant 0 : i32
        %get3A_902 = tpu.memref_slice %arg30[%add3A_744, %get3A_901] : memref<80x128xf32, #tpu.memory_space<vmem>> -> memref<1x128xf32, #tpu.memory_space<vmem>>
        %get3A_903 = tpu.memref_squeeze %get3A_902 : memref<1x128xf32, #tpu.memory_space<vmem>> -> memref<128xf32, #tpu.memory_space<vmem>>
        %get3A_904 = arith.constant 48 : index
        %get3A_905 = tpu.vector_load %get3A_903[%get3A_904] {strides = array<i32>} : memref<128xf32, #tpu.memory_space<vmem>>, vector<16xf32>,
        %mul3A_906 = arith.mulf %get3A_905, %gather3A_734 : vector<16xf32>
        %swap3A_907 = arith.constant 0 : i32
        %swap3A_908 = tpu.memref_slice %arg30[%add3A_744, %swap3A_907] : memref<80x128xf32, #tpu.memory_space<vmem>> -> memref<1x128xf32, #tpu.memory_space<vmem>>
        %swap3A_909 = tpu.memref_squeeze %swap3A_908 : memref<1x128xf32, #tpu.memory_space<vmem>> -> memref<128xf32, #tpu.memory_space<vmem>>
        %swap3A_910 = arith.constant 48 : index
        %swap3A_911 = tpu.vector_load %swap3A_909[%swap3A_910] {strides = array<i32>} : memref<128xf32, #tpu.memory_space<vmem>>, vector<16xf32>,
        tpu.vector_store %swap3A_909[%swap3A_910], %mul3A_906 {strides = array<i32>} : memref<128xf32, #tpu.memory_space<vmem>>, vector<16xf32>,
        %get3A_912 = arith.constant 0 : i32
        %get3A_913 = tpu.memref_slice %arg30[%add3A_746, %get3A_912] : memref<80x128xf32, #tpu.memory_space<vmem>> -> memref<1x128xf32, #tpu.memory_space<vmem>>
        %get3A_914 = tpu.memref_squeeze %get3A_913 : memref<1x128xf32, #tpu.memory_space<vmem>> -> memref<128xf32, #tpu.memory_space<vmem>>
        %get3A_915 = arith.constant 48 : index
        %get3A_916 = tpu.vector_load %get3A_914[%get3A_915] {strides = array<i32>} : memref<128xf32, #tpu.memory_space<vmem>>, vector<16xf32>,
        %mul3A_917 = arith.mulf %get3A_916, %gather3A_738 : vector<16xf32>
        %swap3A_918 = arith.constant 0 : i32
        %swap3A_919 = tpu.memref_slice %arg30[%add3A_746, %swap3A_918] : memref<80x128xf32, #tpu.memory_space<vmem>> -> memref<1x128xf32, #tpu.memory_space<vmem>>
        %swap3A_920 = tpu.memref_squeeze %swap3A_919 : memref<1x128xf32, #tpu.memory_space<vmem>> -> memref<128xf32, #tpu.memory_space<vmem>>
        %swap3A_921 = arith.constant 48 : index
        %swap3A_922 = tpu.vector_load %swap3A_920[%swap3A_921] {strides = array<i32>} : memref<128xf32, #tpu.memory_space<vmem>>, vector<16xf32>,
        tpu.vector_store %swap3A_920[%swap3A_921], %mul3A_917 {strides = array<i32>} : memref<128xf32, #tpu.memory_space<vmem>>, vector<16xf32>,
        %get3A_923 = arith.constant 0 : i32
        %get3A_924 = tpu.memref_slice %arg30[%add3A_740, %get3A_923] : memref<80x128xf32, #tpu.memory_space<vmem>> -> memref<1x128xf32, #tpu.memory_space<vmem>>
        %get3A_925 = tpu.memref_squeeze %get3A_924 : memref<1x128xf32, #tpu.memory_space<vmem>> -> memref<128xf32, #tpu.memory_space<vmem>>
        %get3A_926 = arith.constant 64 : index
        %get3A_927 = tpu.vector_load %get3A_925[%get3A_926] {strides = array<i32>} : memref<128xf32, #tpu.memory_space<vmem>>, vector<16xf32>,
        %mul3A_928 = arith.mulf %get3A_927, %gather3A : vector<16xf32>
        %swap3A_929 = arith.constant 0 : i32
        %swap3A_930 = tpu.memref_slice %arg30[%add3A_740, %swap3A_929] : memref<80x128xf32, #tpu.memory_space<vmem>> -> memref<1x128xf32, #tpu.memory_space<vmem>>
        %swap3A_931 = tpu.memref_squeeze %swap3A_930 : memref<1x128xf32, #tpu.memory_space<vmem>> -> memref<128xf32, #tpu.memory_space<vmem>>
        %swap3A_932 = arith.constant 64 : index
        %swap3A_933 = tpu.vector_load %swap3A_931[%swap3A_932] {strides = array<i32>} : memref<128xf32, #tpu.memory_space<vmem>>, vector<16xf32>,
        tpu.vector_store %swap3A_931[%swap3A_932], %mul3A_928 {strides = array<i32>} : memref<128xf32, #tpu.memory_space<vmem>>, vector<16xf32>,
        %get3A_934 = arith.constant 0 : i32
        %get3A_935 = tpu.memref_slice %arg30[%add3A_742, %get3A_934] : memref<80x128xf32, #tpu.memory_space<vmem>> -> memref<1x128xf32, #tpu.memory_space<vmem>>
        %get3A_936 = tpu.memref_squeeze %get3A_935 : memref<1x128xf32, #tpu.memory_space<vmem>> -> memref<128xf32, #tpu.memory_space<vmem>>
        %get3A_937 = arith.constant 64 : index
        %get3A_938 = tpu.vector_load %get3A_936[%get3A_937] {strides = array<i32>} : memref<128xf32, #tpu.memory_space<vmem>>, vector<16xf32>,
        %mul3A_939 = arith.mulf %get3A_938, %gather3A_730 : vector<16xf32>
        %swap3A_940 = arith.constant 0 : i32
        %swap3A_941 = tpu.memref_slice %arg30[%add3A_742, %swap3A_940] : memref<80x128xf32, #tpu.memory_space<vmem>> -> memref<1x128xf32, #tpu.memory_space<vmem>>
        %swap3A_942 = tpu.memref_squeeze %swap3A_941 : memref<1x128xf32, #tpu.memory_space<vmem>> -> memref<128xf32, #tpu.memory_space<vmem>>
        %swap3A_943 = arith.constant 64 : index
        %swap3A_944 = tpu.vector_load %swap3A_942[%swap3A_943] {strides = array<i32>} : memref<128xf32, #tpu.memory_space<vmem>>, vector<16xf32>,
        tpu.vector_store %swap3A_942[%swap3A_943], %mul3A_939 {strides = array<i32>} : memref<128xf32, #tpu.memory_space<vmem>>, vector<16xf32>,
        %get3A_945 = arith.constant 0 : i32
        %get3A_946 = tpu.memref_slice %arg30[%add3A_744, %get3A_945] : memref<80x128xf32, #tpu.memory_space<vmem>> -> memref<1x128xf32, #tpu.memory_space<vmem>>
        %get3A_947 = tpu.memref_squeeze %get3A_946 : memref<1x128xf32, #tpu.memory_space<vmem>> -> memref<128xf32, #tpu.memory_space<vmem>>
        %get3A_948 = arith.constant 64 : index
        %get3A_949 = tpu.vector_load %get3A_947[%get3A_948] {strides = array<i32>} : memref<128xf32, #tpu.memory_space<vmem>>, vector<16xf32>,
        %mul3A_950 = arith.mulf %get3A_949, %gather3A_734 : vector<16xf32>
        %swap3A_951 = arith.constant 0 : i32
        %swap3A_952 = tpu.memref_slice %arg30[%add3A_744, %swap3A_951] : memref<80x128xf32, #tpu.memory_space<vmem>> -> memref<1x128xf32, #tpu.memory_space<vmem>>
        %swap3A_953 = tpu.memref_squeeze %swap3A_952 : memref<1x128xf32, #tpu.memory_space<vmem>> -> memref<128xf32, #tpu.memory_space<vmem>>
        %swap3A_954 = arith.constant 64 : index
        %swap3A_955 = tpu.vector_load %swap3A_953[%swap3A_954] {strides = array<i32>} : memref<128xf32, #tpu.memory_space<vmem>>, vector<16xf32>,
        tpu.vector_store %swap3A_953[%swap3A_954], %mul3A_950 {strides = array<i32>} : memref<128xf32, #tpu.memory_space<vmem>>, vector<16xf32>,
        %get3A_956 = arith.constant 0 : i32
        %get3A_957 = tpu.memref_slice %arg30[%add3A_746, %get3A_956] : memref<80x128xf32, #tpu.memory_space<vmem>> -> memref<1x128xf32, #tpu.memory_space<vmem>>
        %get3A_958 = tpu.memref_squeeze %get3A_957 : memref<1x128xf32, #tpu.memory_space<vmem>> -> memref<128xf32, #tpu.memory_space<vmem>>
        %get3A_959 = arith.constant 64 : index
        %get3A_960 = tpu.vector_load %get3A_958[%get3A_959] {strides = array<i32>} : memref<128xf32, #tpu.memory_space<vmem>>, vector<16xf32>,
        %mul3A_961 = arith.mulf %get3A_960, %gather3A_738 : vector<16xf32>
        %swap3A_962 = arith.constant 0 : i32
        %swap3A_963 = tpu.memref_slice %arg30[%add3A_746, %swap3A_962] : memref<80x128xf32, #tpu.memory_space<vmem>> -> memref<1x128xf32, #tpu.memory_space<vmem>>
        %swap3A_964 = tpu.memref_squeeze %swap3A_963 : memref<1x128xf32, #tpu.memory_space<vmem>> -> memref<128xf32, #tpu.memory_space<vmem>>
        %swap3A_965 = arith.constant 64 : index
        %swap3A_966 = tpu.vector_load %swap3A_964[%swap3A_965] {strides = array<i32>} : memref<128xf32, #tpu.memory_space<vmem>>, vector<16xf32>,
        tpu.vector_store %swap3A_964[%swap3A_965], %mul3A_961 {strides = array<i32>} : memref<128xf32, #tpu.memory_space<vmem>>, vector<16xf32>,
        %get3A_967 = arith.constant 0 : i32
        %get3A_968 = tpu.memref_slice %arg30[%add3A_740, %get3A_967] : memref<80x128xf32, #tpu.memory_space<vmem>> -> memref<1x128xf32, #tpu.memory_space<vmem>>
        %get3A_969 = tpu.memref_squeeze %get3A_968 : memref<1x128xf32, #tpu.memory_space<vmem>> -> memref<128xf32, #tpu.memory_space<vmem>>
        %get3A_970 = arith.constant 80 : index
        %get3A_971 = tpu.vector_load %get3A_969[%get3A_970] {strides = array<i32>} : memref<128xf32, #tpu.memory_space<vmem>>, vector<16xf32>,
        %mul3A_972 = arith.mulf %get3A_971, %gather3A : vector<16xf32>
        %swap3A_973 = arith.constant 0 : i32
        %swap3A_974 = tpu.memref_slice %arg30[%add3A_740, %swap3A_973] : memref<80x128xf32, #tpu.memory_space<vmem>> -> memref<1x128xf32, #tpu.memory_space<vmem>>
        %swap3A_975 = tpu.memref_squeeze %swap3A_974 : memref<1x128xf32, #tpu.memory_space<vmem>> -> memref<128xf32, #tpu.memory_space<vmem>>
        %swap3A_976 = arith.constant 80 : index
        %swap3A_977 = tpu.vector_load %swap3A_975[%swap3A_976] {strides = array<i32>} : memref<128xf32, #tpu.memory_space<vmem>>, vector<16xf32>,
        tpu.vector_store %swap3A_975[%swap3A_976], %mul3A_972 {strides = array<i32>} : memref<128xf32, #tpu.memory_space<vmem>>, vector<16xf32>,
        %get3A_978 = arith.constant 0 : i32
        %get3A_979 = tpu.memref_slice %arg30[%add3A_742, %get3A_978] : memref<80x128xf32, #tpu.memory_space<vmem>> -> memref<1x128xf32, #tpu.memory_space<vmem>>
        %get3A_980 = tpu.memref_squeeze %get3A_979 : memref<1x128xf32, #tpu.memory_space<vmem>> -> memref<128xf32, #tpu.memory_space<vmem>>
        %get3A_981 = arith.constant 80 : index
        %get3A_982 = tpu.vector_load %get3A_980[%get3A_981] {strides = array<i32>} : memref<128xf32, #tpu.memory_space<vmem>>, vector<16xf32>,
        %mul3A_983 = arith.mulf %get3A_982, %gather3A_730 : vector<16xf32>
        %swap3A_984 = arith.constant 0 : i32
        %swap3A_985 = tpu.memref_slice %arg30[%add3A_742, %swap3A_984] : memref<80x128xf32, #tpu.memory_space<vmem>> -> memref<1x128xf32, #tpu.memory_space<vmem>>
        %swap3A_986 = tpu.memref_squeeze %swap3A_985 : memref<1x128xf32, #tpu.memory_space<vmem>> -> memref<128xf32, #tpu.memory_space<vmem>>
        %swap3A_987 = arith.constant 80 : index
        %swap3A_988 = tpu.vector_load %swap3A_986[%swap3A_987] {strides = array<i32>} : memref<128xf32, #tpu.memory_space<vmem>>, vector<16xf32>,
        tpu.vector_store %swap3A_986[%swap3A_987], %mul3A_983 {strides = array<i32>} : memref<128xf32, #tpu.memory_space<vmem>>, vector<16xf32>,
        %get3A_989 = arith.constant 0 : i32
        %get3A_990 = tpu.memref_slice %arg30[%add3A_744, %get3A_989] : memref<80x128xf32, #tpu.memory_space<vmem>> -> memref<1x128xf32, #tpu.memory_space<vmem>>
        %get3A_991 = tpu.memref_squeeze %get3A_990 : memref<1x128xf32, #tpu.memory_space<vmem>> -> memref<128xf32, #tpu.memory_space<vmem>>
        %get3A_992 = arith.constant 80 : index
        %get3A_993 = tpu.vector_load %get3A_991[%get3A_992] {strides = array<i32>} : memref<128xf32, #tpu.memory_space<vmem>>, vector<16xf32>,
        %mul3A_994 = arith.mulf %get3A_993, %gather3A_734 : vector<16xf32>
        %swap3A_995 = arith.constant 0 : i32
        %swap3A_996 = tpu.memref_slice %arg30[%add3A_744, %swap3A_995] : memref<80x128xf32, #tpu.memory_space<vmem>> -> memref<1x128xf32, #tpu.memory_space<vmem>>
        %swap3A_997 = tpu.memref_squeeze %swap3A_996 : memref<1x128xf32, #tpu.memory_space<vmem>> -> memref<128xf32, #tpu.memory_space<vmem>>
        %swap3A_998 = arith.constant 80 : index
        %swap3A_999 = tpu.vector_load %swap3A_997[%swap3A_998] {strides = array<i32>} : memref<128xf32, #tpu.memory_space<vmem>>, vector<16xf32>,
        tpu.vector_store %swap3A_997[%swap3A_998], %mul3A_994 {strides = array<i32>} : memref<128xf32, #tpu.memory_space<vmem>>, vector<16xf32>,
        %get3A_1000 = arith.constant 0 : i32
        %get3A_1001 = tpu.memref_slice %arg30[%add3A_746, %get3A_1000] : memref<80x128xf32, #tpu.memory_space<vmem>> -> memref<1x128xf32, #tpu.memory_space<vmem>>
        %get3A_1002 = tpu.memref_squeeze %get3A_1001 : memref<1x128xf32, #tpu.memory_space<vmem>> -> memref<128xf32, #tpu.memory_space<vmem>>
        %get3A_1003 = arith.constant 80 : index
        %get3A_1004 = tpu.vector_load %get3A_1002[%get3A_1003] {strides = array<i32>} : memref<128xf32, #tpu.memory_space<vmem>>, vector<16xf32>,
        %mul3A_1005 = arith.mulf %get3A_1004, %gather3A_738 : vector<16xf32>
        %swap3A_1006 = arith.constant 0 : i32
        %swap3A_1007 = tpu.memref_slice %arg30[%add3A_746, %swap3A_1006] : memref<80x128xf32, #tpu.memory_space<vmem>> -> memref<1x128xf32, #tpu.memory_space<vmem>>
        %swap3A_1008 = tpu.memref_squeeze %swap3A_1007 : memref<1x128xf32, #tpu.memory_space<vmem>> -> memref<128xf32, #tpu.memory_space<vmem>>
        %swap3A_1009 = arith.constant 80 : index
        %swap3A_1010 = tpu.vector_load %swap3A_1008[%swap3A_1009] {strides = array<i32>} : memref<128xf32, #tpu.memory_space<vmem>>, vector<16xf32>,
        tpu.vector_store %swap3A_1008[%swap3A_1009], %mul3A_1005 {strides = array<i32>} : memref<128xf32, #tpu.memory_space<vmem>>, vector<16xf32>,
        %get3A_1011 = arith.constant 0 : i32
        %get3A_1012 = tpu.memref_slice %arg30[%add3A_740, %get3A_1011] : memref<80x128xf32, #tpu.memory_space<vmem>> -> memref<1x128xf32, #tpu.memory_space<vmem>>
        %get3A_1013 = tpu.memref_squeeze %get3A_1012 : memref<1x128xf32, #tpu.memory_space<vmem>> -> memref<128xf32, #tpu.memory_space<vmem>>
        %get3A_1014 = arith.constant 96 : index
        %get3A_1015 = tpu.vector_load %get3A_1013[%get3A_1014] {strides = array<i32>} : memref<128xf32, #tpu.memory_space<vmem>>, vector<16xf32>,
        %mul3A_1016 = arith.mulf %get3A_1015, %gather3A : vector<16xf32>
        %swap3A_1017 = arith.constant 0 : i32
        %swap3A_1018 = tpu.memref_slice %arg30[%add3A_740, %swap3A_1017] : memref<80x128xf32, #tpu.memory_space<vmem>> -> memref<1x128xf32, #tpu.memory_space<vmem>>
        %swap3A_1019 = tpu.memref_squeeze %swap3A_1018 : memref<1x128xf32, #tpu.memory_space<vmem>> -> memref<128xf32, #tpu.memory_space<vmem>>
        %swap3A_1020 = arith.constant 96 : index
        %swap3A_1021 = tpu.vector_load %swap3A_1019[%swap3A_1020] {strides = array<i32>} : memref<128xf32, #tpu.memory_space<vmem>>, vector<16xf32>,
        tpu.vector_store %swap3A_1019[%swap3A_1020], %mul3A_1016 {strides = array<i32>} : memref<128xf32, #tpu.memory_space<vmem>>, vector<16xf32>,
        %get3A_1022 = arith.constant 0 : i32
        %get3A_1023 = tpu.memref_slice %arg30[%add3A_742, %get3A_1022] : memref<80x128xf32, #tpu.memory_space<vmem>> -> memref<1x128xf32, #tpu.memory_space<vmem>>
        %get3A_1024 = tpu.memref_squeeze %get3A_1023 : memref<1x128xf32, #tpu.memory_space<vmem>> -> memref<128xf32, #tpu.memory_space<vmem>>
        %get3A_1025 = arith.constant 96 : index
        %get3A_1026 = tpu.vector_load %get3A_1024[%get3A_1025] {strides = array<i32>} : memref<128xf32, #tpu.memory_space<vmem>>, vector<16xf32>,
        %mul3A_1027 = arith.mulf %get3A_1026, %gather3A_730 : vector<16xf32>
        %swap3A_1028 = arith.constant 0 : i32
        %swap3A_1029 = tpu.memref_slice %arg30[%add3A_742, %swap3A_1028] : memref<80x128xf32, #tpu.memory_space<vmem>> -> memref<1x128xf32, #tpu.memory_space<vmem>>
        %swap3A_1030 = tpu.memref_squeeze %swap3A_1029 : memref<1x128xf32, #tpu.memory_space<vmem>> -> memref<128xf32, #tpu.memory_space<vmem>>
        %swap3A_1031 = arith.constant 96 : index
        %swap3A_1032 = tpu.vector_load %swap3A_1030[%swap3A_1031] {strides = array<i32>} : memref<128xf32, #tpu.memory_space<vmem>>, vector<16xf32>,
        tpu.vector_store %swap3A_1030[%swap3A_1031], %mul3A_1027 {strides = array<i32>} : memref<128xf32, #tpu.memory_space<vmem>>, vector<16xf32>,
        %get3A_1033 = arith.constant 0 : i32
        %get3A_1034 = tpu.memref_slice %arg30[%add3A_744, %get3A_1033] : memref<80x128xf32, #tpu.memory_space<vmem>> -> memref<1x128xf32, #tpu.memory_space<vmem>>
        %get3A_1035 = tpu.memref_squeeze %get3A_1034 : memref<1x128xf32, #tpu.memory_space<vmem>> -> memref<128xf32, #tpu.memory_space<vmem>>
        %get3A_1036 = arith.constant 96 : index
        %get3A_1037 = tpu.vector_load %get3A_1035[%get3A_1036] {strides = array<i32>} : memref<128xf32, #tpu.memory_space<vmem>>, vector<16xf32>,
        %mul3A_1038 = arith.mulf %get3A_1037, %gather3A_734 : vector<16xf32>
        %swap3A_1039 = arith.constant 0 : i32
        %swap3A_1040 = tpu.memref_slice %arg30[%add3A_744, %swap3A_1039] : memref<80x128xf32, #tpu.memory_space<vmem>> -> memref<1x128xf32, #tpu.memory_space<vmem>>
        %swap3A_1041 = tpu.memref_squeeze %swap3A_1040 : memref<1x128xf32, #tpu.memory_space<vmem>> -> memref<128xf32, #tpu.memory_space<vmem>>
        %swap3A_1042 = arith.constant 96 : index
        %swap3A_1043 = tpu.vector_load %swap3A_1041[%swap3A_1042] {strides = array<i32>} : memref<128xf32, #tpu.memory_space<vmem>>, vector<16xf32>,
        tpu.vector_store %swap3A_1041[%swap3A_1042], %mul3A_1038 {strides = array<i32>} : memref<128xf32, #tpu.memory_space<vmem>>, vector<16xf32>,
        %get3A_1044 = arith.constant 0 : i32
        %get3A_1045 = tpu.memref_slice %arg30[%add3A_746, %get3A_1044] : memref<80x128xf32, #tpu.memory_space<vmem>> -> memref<1x128xf32, #tpu.memory_space<vmem>>
        %get3A_1046 = tpu.memref_squeeze %get3A_1045 : memref<1x128xf32, #tpu.memory_space<vmem>> -> memref<128xf32, #tpu.memory_space<vmem>>
        %get3A_1047 = arith.constant 96 : index
        %get3A_1048 = tpu.vector_load %get3A_1046[%get3A_1047] {strides = array<i32>} : memref<128xf32, #tpu.memory_space<vmem>>, vector<16xf32>,
        %mul3A_1049 = arith.mulf %get3A_1048, %gather3A_738 : vector<16xf32>
        %swap3A_1050 = arith.constant 0 : i32
        %swap3A_1051 = tpu.memref_slice %arg30[%add3A_746, %swap3A_1050] : memref<80x128xf32, #tpu.memory_space<vmem>> -> memref<1x128xf32, #tpu.memory_space<vmem>>
        %swap3A_1052 = tpu.memref_squeeze %swap3A_1051 : memref<1x128xf32, #tpu.memory_space<vmem>> -> memref<128xf32, #tpu.memory_space<vmem>>
        %swap3A_1053 = arith.constant 96 : index
        %swap3A_1054 = tpu.vector_load %swap3A_1052[%swap3A_1053] {strides = array<i32>} : memref<128xf32, #tpu.memory_space<vmem>>, vector<16xf32>,
        tpu.vector_store %swap3A_1052[%swap3A_1053], %mul3A_1049 {strides = array<i32>} : memref<128xf32, #tpu.memory_space<vmem>>, vector<16xf32>,
        %get3A_1055 = arith.constant 0 : i32
        %get3A_1056 = tpu.memref_slice %arg30[%add3A_740, %get3A_1055] : memref<80x128xf32, #tpu.memory_space<vmem>> -> memref<1x128xf32, #tpu.memory_space<vmem>>
        %get3A_1057 = tpu.memref_squeeze %get3A_1056 : memref<1x128xf32, #tpu.memory_space<vmem>> -> memref<128xf32, #tpu.memory_space<vmem>>
        %get3A_1058 = arith.constant 112 : index
        %get3A_1059 = tpu.vector_load %get3A_1057[%get3A_1058] {strides = array<i32>} : memref<128xf32, #tpu.memory_space<vmem>>, vector<16xf32>,
        %mul3A_1060 = arith.mulf %get3A_1059, %gather3A : vector<16xf32>
        %swap3A_1061 = arith.constant 0 : i32
        %swap3A_1062 = tpu.memref_slice %arg30[%add3A_740, %swap3A_1061] : memref<80x128xf32, #tpu.memory_space<vmem>> -> memref<1x128xf32, #tpu.memory_space<vmem>>
        %swap3A_1063 = tpu.memref_squeeze %swap3A_1062 : memref<1x128xf32, #tpu.memory_space<vmem>> -> memref<128xf32, #tpu.memory_space<vmem>>
        %swap3A_1064 = arith.constant 112 : index
        %swap3A_1065 = tpu.vector_load %swap3A_1063[%swap3A_1064] {strides = array<i32>} : memref<128xf32, #tpu.memory_space<vmem>>, vector<16xf32>,
        tpu.vector_store %swap3A_1063[%swap3A_1064], %mul3A_1060 {strides = array<i32>} : memref<128xf32, #tpu.memory_space<vmem>>, vector<16xf32>,
        %get3A_1066 = arith.constant 0 : i32
        %get3A_1067 = tpu.memref_slice %arg30[%add3A_742, %get3A_1066] : memref<80x128xf32, #tpu.memory_space<vmem>> -> memref<1x128xf32, #tpu.memory_space<vmem>>
        %get3A_1068 = tpu.memref_squeeze %get3A_1067 : memref<1x128xf32, #tpu.memory_space<vmem>> -> memref<128xf32, #tpu.memory_space<vmem>>
        %get3A_1069 = arith.constant 112 : index
        %get3A_1070 = tpu.vector_load %get3A_1068[%get3A_1069] {strides = array<i32>} : memref<128xf32, #tpu.memory_space<vmem>>, vector<16xf32>,
        %mul3A_1071 = arith.mulf %get3A_1070, %gather3A_730 : vector<16xf32>
        %swap3A_1072 = arith.constant 0 : i32
        %swap3A_1073 = tpu.memref_slice %arg30[%add3A_742, %swap3A_1072] : memref<80x128xf32, #tpu.memory_space<vmem>> -> memref<1x128xf32, #tpu.memory_space<vmem>>
        %swap3A_1074 = tpu.memref_squeeze %swap3A_1073 : memref<1x128xf32, #tpu.memory_space<vmem>> -> memref<128xf32, #tpu.memory_space<vmem>>
        %swap3A_1075 = arith.constant 112 : index
        %swap3A_1076 = tpu.vector_load %swap3A_1074[%swap3A_1075] {strides = array<i32>} : memref<128xf32, #tpu.memory_space<vmem>>, vector<16xf32>,
        tpu.vector_store %swap3A_1074[%swap3A_1075], %mul3A_1071 {strides = array<i32>} : memref<128xf32, #tpu.memory_space<vmem>>, vector<16xf32>,
        %get3A_1077 = arith.constant 0 : i32
        %get3A_1078 = tpu.memref_slice %arg30[%add3A_744, %get3A_1077] : memref<80x128xf32, #tpu.memory_space<vmem>> -> memref<1x128xf32, #tpu.memory_space<vmem>>
        %get3A_1079 = tpu.memref_squeeze %get3A_1078 : memref<1x128xf32, #tpu.memory_space<vmem>> -> memref<128xf32, #tpu.memory_space<vmem>>
        %get3A_1080 = arith.constant 112 : index
        %get3A_1081 = tpu.vector_load %get3A_1079[%get3A_1080] {strides = array<i32>} : memref<128xf32, #tpu.memory_space<vmem>>, vector<16xf32>,
        %mul3A_1082 = arith.mulf %get3A_1081, %gather3A_734 : vector<16xf32>
        %swap3A_1083 = arith.constant 0 : i32
        %swap3A_1084 = tpu.memref_slice %arg30[%add3A_744, %swap3A_1083] : memref<80x128xf32, #tpu.memory_space<vmem>> -> memref<1x128xf32, #tpu.memory_space<vmem>>
        %swap3A_1085 = tpu.memref_squeeze %swap3A_1084 : memref<1x128xf32, #tpu.memory_space<vmem>> -> memref<128xf32, #tpu.memory_space<vmem>>
        %swap3A_1086 = arith.constant 112 : index
        %swap3A_1087 = tpu.vector_load %swap3A_1085[%swap3A_1086] {strides = array<i32>} : memref<128xf32, #tpu.memory_space<vmem>>, vector<16xf32>,
        tpu.vector_store %swap3A_1085[%swap3A_1086], %mul3A_1082 {strides = array<i32>} : memref<128xf32, #tpu.memory_space<vmem>>, vector<16xf32>,
        %get3A_1088 = arith.constant 0 : i32
        %get3A_1089 = tpu.memref_slice %arg30[%add3A_746, %get3A_1088] : memref<80x128xf32, #tpu.memory_space<vmem>> -> memref<1x128xf32, #tpu.memory_space<vmem>>
        %get3A_1090 = tpu.memref_squeeze %get3A_1089 : memref<1x128xf32, #tpu.memory_space<vmem>> -> memref<128xf32, #tpu.memory_space<vmem>>
        %get3A_1091 = arith.constant 112 : index
        %get3A_1092 = tpu.vector_load %get3A_1090[%get3A_1091] {strides = array<i32>} : memref<128xf32, #tpu.memory_space<vmem>>, vector<16xf32>,
        %mul3A_1093 = arith.mulf %get3A_1092, %gather3A_738 : vector<16xf32>
        %swap3A_1094 = arith.constant 0 : i32
        %swap3A_1095 = tpu.memref_slice %arg30[%add3A_746, %swap3A_1094] : memref<80x128xf32, #tpu.memory_space<vmem>> -> memref<1x128xf32, #tpu.memory_space<vmem>>
        %swap3A_1096 = tpu.memref_squeeze %swap3A_1095 : memref<1x128xf32, #tpu.memory_space<vmem>> -> memref<128xf32, #tpu.memory_space<vmem>>
        %swap3A_1097 = arith.constant 112 : index
        %swap3A_1098 = tpu.vector_load %swap3A_1096[%swap3A_1097] {strides = array<i32>} : memref<128xf32, #tpu.memory_space<vmem>>, vector<16xf32>,
        tpu.vector_store %swap3A_1096[%swap3A_1097], %mul3A_1093 {strides = array<i32>} : memref<128xf32, #tpu.memory_space<vmem>>, vector<16xf32>,
      }
      %scan3A_716 = arith.constant 20 : i32
      %dma_start3A_717 = arith.constant 0 : i32
      %dma_start3A_718 = arith.constant 0 : i32
      %dma_start3A_719 = tpu.memref_slice %arg33[%dma_start3A_717, %dma_start3A_718] : memref<10000x128xf32, #tpu.memory_space<vmem_shared>> -> memref<10000x128xf32, #tpu.memory_space<vmem_shared>>
      tpu.enqueue_indirect_dma source(%arg30 : memref<80x128xf32, #tpu.memory_space<vmem>>) target(%dma_start3A_719 : memref<10000x128xf32, #tpu.memory_space<vmem_shared>>) offsets(%arg14 : memref<80xi32, #tpu.memory_space<vmem>>) semaphore(%arg46 : memref<!tpu.dma_semaphore, #tpu.memory_space<semaphore_mem>>) {add = true}
      %dma_start3A_720 = arith.constant 0 : i32
      %dma_start3A_721 = tpu.memref_slice %arg34[%dma_start3A_720] : memref<10000xf32, #tpu.memory_space<vmem_shared>> -> memref<10000xf32, #tpu.memory_space<vmem_shared>>
      tpu.enqueue_indirect_dma source(%arg26 : memref<80xf32, #tpu.memory_space<vmem>>) target(%dma_start3A_721 : memref<10000xf32, #tpu.memory_space<vmem_shared>>) offsets(%arg14 : memref<80xi32, #tpu.memory_space<vmem>>) semaphore(%arg50 : memref<!tpu.dma_semaphore, #tpu.memory_space<semaphore_mem>>) {add = true}
    }
    %scan3A_244 = arith.constant 31 : i32
    %dma_wait3A_245 = arith.constant 0 : i32
    %dma_wait3A_246 = arith.constant 0 : i32
    %dma_wait3A_247 = tpu.memref_slice %arg33[%dma_wait3A_245, %dma_wait3A_246] : memref<10000x128xf32, #tpu.memory_space<vmem_shared>> -> memref<10000x128xf32, #tpu.memory_space<vmem_shared>>
    tpu.wait_indirect_dma semaphore(%arg45 : memref<!tpu.dma_semaphore, #tpu.memory_space<semaphore_mem>>) src(%arg29 : memref<80x128xf32, #tpu.memory_space<vmem>>) dst(%dma_wait3A_247 : memref<10000x128xf32, #tpu.memory_space<vmem_shared>>)
    %dma_wait3A_248 = arith.constant 0 : i32
    %dma_wait3A_249 = tpu.memref_slice %arg34[%dma_wait3A_248] : memref<10000xf32, #tpu.memory_space<vmem_shared>> -> memref<10000xf32, #tpu.memory_space<vmem_shared>>
    tpu.wait_indirect_dma semaphore(%arg49 : memref<!tpu.dma_semaphore, #tpu.memory_space<semaphore_mem>>) src(%arg25 : memref<80xf32, #tpu.memory_space<vmem>>) dst(%dma_wait3A_249 : memref<10000xf32, #tpu.memory_space<vmem_shared>>)
    %dma_wait3A_250 = arith.constant 0 : i32
    %dma_wait3A_251 = arith.constant 0 : i32
    %dma_wait3A_252 = tpu.memref_slice %arg6[%dma_wait3A_250, %dma_wait3A_251] : memref<10000x128xf32, #tpu.memory_space<hbm>> -> memref<10000x128xf32, #tpu.memory_space<hbm>>
    tpu.wait_indirect_dma semaphore(%arg39 : memref<!tpu.dma_semaphore, #tpu.memory_space<semaphore_mem>>) src(%dma_wait3A_252 : memref<10000x128xf32, #tpu.memory_space<hbm>>) dst(%arg27 : memref<80x128xf32, #tpu.memory_space<vmem>>)
    %get3A_253 = arith.constant 0 : index
    %get3A_254 = tpu.vector_load %arg19[%get3A_253] {strides = array<i32>} : memref<80xf32, #tpu.memory_space<vmem>>, vector<16xf32>,
    %sub3A = vector.broadcast %reduce_max3A_212 : f32 to vector<16xf32>
    %sub3A_255 = arith.subf %get3A_254, %sub3A : vector<16xf32>
    %exp3A = math.exp %sub3A_255 : vector<16xf32>
    %swap3A = arith.constant 0 : index
    %swap3A_256 = tpu.vector_load %arg23[%swap3A] {strides = array<i32>} : memref<80xf32, #tpu.memory_space<vmem>>, vector<16xf32>,
    tpu.vector_store %arg23[%swap3A], %exp3A {strides = array<i32>} : memref<80xf32, #tpu.memory_space<vmem>>, vector<16xf32>,
    %get3A_257 = arith.constant 16 : index
    %get3A_258 = tpu.vector_load %arg19[%get3A_257] {strides = array<i32>} : memref<80xf32, #tpu.memory_space<vmem>>, vector<16xf32>,
    %sub3A_259 = vector.broadcast %reduce_max3A_212 : f32 to vector<16xf32>
    %sub3A_260 = arith.subf %get3A_258, %sub3A_259 : vector<16xf32>
    %exp3A_261 = math.exp %sub3A_260 : vector<16xf32>
    %swap3A_262 = arith.constant 16 : index
    %swap3A_263 = tpu.vector_load %arg23[%swap3A_262] {strides = array<i32>} : memref<80xf32, #tpu.memory_space<vmem>>, vector<16xf32>,
    tpu.vector_store %arg23[%swap3A_262], %exp3A_261 {strides = array<i32>} : memref<80xf32, #tpu.memory_space<vmem>>, vector<16xf32>,
    %get3A_264 = arith.constant 32 : index
    %get3A_265 = tpu.vector_load %arg19[%get3A_264] {strides = array<i32>} : memref<80xf32, #tpu.memory_space<vmem>>, vector<16xf32>,
    %sub3A_266 = vector.broadcast %reduce_max3A_212 : f32 to vector<16xf32>
    %sub3A_267 = arith.subf %get3A_265, %sub3A_266 : vector<16xf32>
    %exp3A_268 = math.exp %sub3A_267 : vector<16xf32>
    %swap3A_269 = arith.constant 32 : index
    %swap3A_270 = tpu.vector_load %arg23[%swap3A_269] {strides = array<i32>} : memref<80xf32, #tpu.memory_space<vmem>>, vector<16xf32>,
    tpu.vector_store %arg23[%swap3A_269], %exp3A_268 {strides = array<i32>} : memref<80xf32, #tpu.memory_space<vmem>>, vector<16xf32>,
    %get3A_271 = arith.constant 48 : index
    %get3A_272 = tpu.vector_load %arg19[%get3A_271] {strides = array<i32>} : memref<80xf32, #tpu.memory_space<vmem>>, vector<16xf32>,
    %sub3A_273 = vector.broadcast %reduce_max3A_212 : f32 to vector<16xf32>
    %sub3A_274 = arith.subf %get3A_272, %sub3A_273 : vector<16xf32>
    %exp3A_275 = math.exp %sub3A_274 : vector<16xf32>
    %swap3A_276 = arith.constant 48 : index
    %swap3A_277 = tpu.vector_load %arg23[%swap3A_276] {strides = array<i32>} : memref<80xf32, #tpu.memory_space<vmem>>, vector<16xf32>,
    tpu.vector_store %arg23[%swap3A_276], %exp3A_275 {strides = array<i32>} : memref<80xf32, #tpu.memory_space<vmem>>, vector<16xf32>,
    %get3A_278 = arith.constant 64 : index
    %get3A_279 = tpu.vector_load %arg19[%get3A_278] {strides = array<i32>} : memref<80xf32, #tpu.memory_space<vmem>>, vector<16xf32>,
    %sub3A_280 = vector.broadcast %reduce_max3A_212 : f32 to vector<16xf32>
    %sub3A_281 = arith.subf %get3A_279, %sub3A_280 : vector<16xf32>
    %exp3A_282 = math.exp %sub3A_281 : vector<16xf32>
    %swap3A_283 = arith.constant 64 : index
    %swap3A_284 = tpu.vector_load %arg23[%swap3A_283] {strides = array<i32>} : memref<80xf32, #tpu.memory_space<vmem>>, vector<16xf32>,
    tpu.vector_store %arg23[%swap3A_283], %exp3A_282 {strides = array<i32>} : memref<80xf32, #tpu.memory_space<vmem>>, vector<16xf32>,
    %scan3A_285 = arith.constant 0 : i32
    %scan3A_286 = arith.constant 0 : i32
    %scan3A_287 = arith.constant 20 : i32
    %scan3A_288 = arith.addi %scan3A_286, %scan3A_287 : i32
    %scan3A_289 = arith.constant 1 : i32
    scf.for %scan3A_442 = %scan3A_286 to %scan3A_288 step %scan3A_289  : i32 {
      %mul3A_443 = arith.constant 4 : i32
      %mul3A_444 = arith.muli %mul3A_443, %scan3A_442 : i32
      %add3A_445 = arith.constant 0 : i32
      %add3A_446 = arith.addi %mul3A_444, %add3A_445 : i32
      %broadcast_in_dim3A = vector.broadcast %add3A_446 : i32 to vector<16xi32>
      %gather3A = tpu.vector_load_idx %arg23[%broadcast_in_dim3A] : memref<80xf32, #tpu.memory_space<vmem>>[vector<16xi32>], vector<16xf32>,
      %add3A_447 = arith.constant 1 : i32
      %add3A_448 = arith.addi %mul3A_444, %add3A_447 : i32
      %broadcast_in_dim3A_449 = vector.broadcast %add3A_448 : i32 to vector<16xi32>
      %gather3A_450 = tpu.vector_load_idx %arg23[%broadcast_in_dim3A_449] : memref<80xf32, #tpu.memory_space<vmem>>[vector<16xi32>], vector<16xf32>,
      %add3A_451 = arith.constant 2 : i32
      %add3A_452 = arith.addi %mul3A_444, %add3A_451 : i32
      %broadcast_in_dim3A_453 = vector.broadcast %add3A_452 : i32 to vector<16xi32>
      %gather3A_454 = tpu.vector_load_idx %arg23[%broadcast_in_dim3A_453] : memref<80xf32, #tpu.memory_space<vmem>>[vector<16xi32>], vector<16xf32>,
      %add3A_455 = arith.constant 3 : i32
      %add3A_456 = arith.addi %mul3A_444, %add3A_455 : i32
      %broadcast_in_dim3A_457 = vector.broadcast %add3A_456 : i32 to vector<16xi32>
      %gather3A_458 = tpu.vector_load_idx %arg23[%broadcast_in_dim3A_457] : memref<80xf32, #tpu.memory_space<vmem>>[vector<16xi32>], vector<16xf32>,
      %add3A_459 = arith.constant 0 : i32
      %add3A_460 = arith.addi %mul3A_444, %add3A_459 : i32
      %add3A_461 = arith.constant 1 : i32
      %add3A_462 = arith.addi %mul3A_444, %add3A_461 : i32
      %add3A_463 = arith.constant 2 : i32
      %add3A_464 = arith.addi %mul3A_444, %add3A_463 : i32
      %add3A_465 = arith.constant 3 : i32
      %add3A_466 = arith.addi %mul3A_444, %add3A_465 : i32
      %get3A_467 = arith.constant 0 : i32
      %get3A_468 = tpu.memref_slice %arg27[%add3A_460, %get3A_467] : memref<80x128xf32, #tpu.memory_space<vmem>> -> memref<1x128xf32, #tpu.memory_space<vmem>>
      %get3A_469 = tpu.memref_squeeze %get3A_468 : memref<1x128xf32, #tpu.memory_space<vmem>> -> memref<128xf32, #tpu.memory_space<vmem>>
      %get3A_470 = arith.constant 0 : index
      %get3A_471 = tpu.vector_load %get3A_469[%get3A_470] {strides = array<i32>} : memref<128xf32, #tpu.memory_space<vmem>>, vector<16xf32>,
      %mul3A_472 = arith.mulf %get3A_471, %gather3A : vector<16xf32>
      %swap3A_473 = arith.constant 0 : i32
      %swap3A_474 = tpu.memref_slice %arg27[%add3A_460, %swap3A_473] : memref<80x128xf32, #tpu.memory_space<vmem>> -> memref<1x128xf32, #tpu.memory_space<vmem>>
      %swap3A_475 = tpu.memref_squeeze %swap3A_474 : memref<1x128xf32, #tpu.memory_space<vmem>> -> memref<128xf32, #tpu.memory_space<vmem>>
      %swap3A_476 = arith.constant 0 : index
      %swap3A_477 = tpu.vector_load %swap3A_475[%swap3A_476] {strides = array<i32>} : memref<128xf32, #tpu.memory_space<vmem>>, vector<16xf32>,
      tpu.vector_store %swap3A_475[%swap3A_476], %mul3A_472 {strides = array<i32>} : memref<128xf32, #tpu.memory_space<vmem>>, vector<16xf32>,
      %get3A_478 = arith.constant 0 : i32
      %get3A_479 = tpu.memref_slice %arg27[%add3A_462, %get3A_478] : memref<80x128xf32, #tpu.memory_space<vmem>> -> memref<1x128xf32, #tpu.memory_space<vmem>>
      %get3A_480 = tpu.memref_squeeze %get3A_479 : memref<1x128xf32, #tpu.memory_space<vmem>> -> memref<128xf32, #tpu.memory_space<vmem>>
      %get3A_481 = arith.constant 0 : index
      %get3A_482 = tpu.vector_load %get3A_480[%get3A_481] {strides = array<i32>} : memref<128xf32, #tpu.memory_space<vmem>>, vector<16xf32>,
      %mul3A_483 = arith.mulf %get3A_482, %gather3A_450 : vector<16xf32>
      %swap3A_484 = arith.constant 0 : i32
      %swap3A_485 = tpu.memref_slice %arg27[%add3A_462, %swap3A_484] : memref<80x128xf32, #tpu.memory_space<vmem>> -> memref<1x128xf32, #tpu.memory_space<vmem>>
      %swap3A_486 = tpu.memref_squeeze %swap3A_485 : memref<1x128xf32, #tpu.memory_space<vmem>> -> memref<128xf32, #tpu.memory_space<vmem>>
      %swap3A_487 = arith.constant 0 : index
      %swap3A_488 = tpu.vector_load %swap3A_486[%swap3A_487] {strides = array<i32>} : memref<128xf32, #tpu.memory_space<vmem>>, vector<16xf32>,
      tpu.vector_store %swap3A_486[%swap3A_487], %mul3A_483 {strides = array<i32>} : memref<128xf32, #tpu.memory_space<vmem>>, vector<16xf32>,
      %get3A_489 = arith.constant 0 : i32
      %get3A_490 = tpu.memref_slice %arg27[%add3A_464, %get3A_489] : memref<80x128xf32, #tpu.memory_space<vmem>> -> memref<1x128xf32, #tpu.memory_space<vmem>>
      %get3A_491 = tpu.memref_squeeze %get3A_490 : memref<1x128xf32, #tpu.memory_space<vmem>> -> memref<128xf32, #tpu.memory_space<vmem>>
      %get3A_492 = arith.constant 0 : index
      %get3A_493 = tpu.vector_load %get3A_491[%get3A_492] {strides = array<i32>} : memref<128xf32, #tpu.memory_space<vmem>>, vector<16xf32>,
      %mul3A_494 = arith.mulf %get3A_493, %gather3A_454 : vector<16xf32>
      %swap3A_495 = arith.constant 0 : i32
      %swap3A_496 = tpu.memref_slice %arg27[%add3A_464, %swap3A_495] : memref<80x128xf32, #tpu.memory_space<vmem>> -> memref<1x128xf32, #tpu.memory_space<vmem>>
      %swap3A_497 = tpu.memref_squeeze %swap3A_496 : memref<1x128xf32, #tpu.memory_space<vmem>> -> memref<128xf32, #tpu.memory_space<vmem>>
      %swap3A_498 = arith.constant 0 : index
      %swap3A_499 = tpu.vector_load %swap3A_497[%swap3A_498] {strides = array<i32>} : memref<128xf32, #tpu.memory_space<vmem>>, vector<16xf32>,
      tpu.vector_store %swap3A_497[%swap3A_498], %mul3A_494 {strides = array<i32>} : memref<128xf32, #tpu.memory_space<vmem>>, vector<16xf32>,
      %get3A_500 = arith.constant 0 : i32
      %get3A_501 = tpu.memref_slice %arg27[%add3A_466, %get3A_500] : memref<80x128xf32, #tpu.memory_space<vmem>> -> memref<1x128xf32, #tpu.memory_space<vmem>>
      %get3A_502 = tpu.memref_squeeze %get3A_501 : memref<1x128xf32, #tpu.memory_space<vmem>> -> memref<128xf32, #tpu.memory_space<vmem>>
      %get3A_503 = arith.constant 0 : index
      %get3A_504 = tpu.vector_load %get3A_502[%get3A_503] {strides = array<i32>} : memref<128xf32, #tpu.memory_space<vmem>>, vector<16xf32>,
      %mul3A_505 = arith.mulf %get3A_504, %gather3A_458 : vector<16xf32>
      %swap3A_506 = arith.constant 0 : i32
      %swap3A_507 = tpu.memref_slice %arg27[%add3A_466, %swap3A_506] : memref<80x128xf32, #tpu.memory_space<vmem>> -> memref<1x128xf32, #tpu.memory_space<vmem>>
      %swap3A_508 = tpu.memref_squeeze %swap3A_507 : memref<1x128xf32, #tpu.memory_space<vmem>> -> memref<128xf32, #tpu.memory_space<vmem>>
      %swap3A_509 = arith.constant 0 : index
      %swap3A_510 = tpu.vector_load %swap3A_508[%swap3A_509] {strides = array<i32>} : memref<128xf32, #tpu.memory_space<vmem>>, vector<16xf32>,
      tpu.vector_store %swap3A_508[%swap3A_509], %mul3A_505 {strides = array<i32>} : memref<128xf32, #tpu.memory_space<vmem>>, vector<16xf32>,
      %get3A_511 = arith.constant 0 : i32
      %get3A_512 = tpu.memref_slice %arg27[%add3A_460, %get3A_511] : memref<80x128xf32, #tpu.memory_space<vmem>> -> memref<1x128xf32, #tpu.memory_space<vmem>>
      %get3A_513 = tpu.memref_squeeze %get3A_512 : memref<1x128xf32, #tpu.memory_space<vmem>> -> memref<128xf32, #tpu.memory_space<vmem>>
      %get3A_514 = arith.constant 16 : index
      %get3A_515 = tpu.vector_load %get3A_513[%get3A_514] {strides = array<i32>} : memref<128xf32, #tpu.memory_space<vmem>>, vector<16xf32>,
      %mul3A_516 = arith.mulf %get3A_515, %gather3A : vector<16xf32>
      %swap3A_517 = arith.constant 0 : i32
      %swap3A_518 = tpu.memref_slice %arg27[%add3A_460, %swap3A_517] : memref<80x128xf32, #tpu.memory_space<vmem>> -> memref<1x128xf32, #tpu.memory_space<vmem>>
      %swap3A_519 = tpu.memref_squeeze %swap3A_518 : memref<1x128xf32, #tpu.memory_space<vmem>> -> memref<128xf32, #tpu.memory_space<vmem>>
      %swap3A_520 = arith.constant 16 : index
      %swap3A_521 = tpu.vector_load %swap3A_519[%swap3A_520] {strides = array<i32>} : memref<128xf32, #tpu.memory_space<vmem>>, vector<16xf32>,
      tpu.vector_store %swap3A_519[%swap3A_520], %mul3A_516 {strides = array<i32>} : memref<128xf32, #tpu.memory_space<vmem>>, vector<16xf32>,
      %get3A_522 = arith.constant 0 : i32
      %get3A_523 = tpu.memref_slice %arg27[%add3A_462, %get3A_522] : memref<80x128xf32, #tpu.memory_space<vmem>> -> memref<1x128xf32, #tpu.memory_space<vmem>>
      %get3A_524 = tpu.memref_squeeze %get3A_523 : memref<1x128xf32, #tpu.memory_space<vmem>> -> memref<128xf32, #tpu.memory_space<vmem>>
      %get3A_525 = arith.constant 16 : index
      %get3A_526 = tpu.vector_load %get3A_524[%get3A_525] {strides = array<i32>} : memref<128xf32, #tpu.memory_space<vmem>>, vector<16xf32>,
      %mul3A_527 = arith.mulf %get3A_526, %gather3A_450 : vector<16xf32>
      %swap3A_528 = arith.constant 0 : i32
      %swap3A_529 = tpu.memref_slice %arg27[%add3A_462, %swap3A_528] : memref<80x128xf32, #tpu.memory_space<vmem>> -> memref<1x128xf32, #tpu.memory_space<vmem>>
      %swap3A_530 = tpu.memref_squeeze %swap3A_529 : memref<1x128xf32, #tpu.memory_space<vmem>> -> memref<128xf32, #tpu.memory_space<vmem>>
      %swap3A_531 = arith.constant 16 : index
      %swap3A_532 = tpu.vector_load %swap3A_530[%swap3A_531] {strides = array<i32>} : memref<128xf32, #tpu.memory_space<vmem>>, vector<16xf32>,
      tpu.vector_store %swap3A_530[%swap3A_531], %mul3A_527 {strides = array<i32>} : memref<128xf32, #tpu.memory_space<vmem>>, vector<16xf32>,
      %get3A_533 = arith.constant 0 : i32
      %get3A_534 = tpu.memref_slice %arg27[%add3A_464, %get3A_533] : memref<80x128xf32, #tpu.memory_space<vmem>> -> memref<1x128xf32, #tpu.memory_space<vmem>>
      %get3A_535 = tpu.memref_squeeze %get3A_534 : memref<1x128xf32, #tpu.memory_space<vmem>> -> memref<128xf32, #tpu.memory_space<vmem>>
      %get3A_536 = arith.constant 16 : index
      %get3A_537 = tpu.vector_load %get3A_535[%get3A_536] {strides = array<i32>} : memref<128xf32, #tpu.memory_space<vmem>>, vector<16xf32>,
      %mul3A_538 = arith.mulf %get3A_537, %gather3A_454 : vector<16xf32>
      %swap3A_539 = arith.constant 0 : i32
      %swap3A_540 = tpu.memref_slice %arg27[%add3A_464, %swap3A_539] : memref<80x128xf32, #tpu.memory_space<vmem>> -> memref<1x128xf32, #tpu.memory_space<vmem>>
      %swap3A_541 = tpu.memref_squeeze %swap3A_540 : memref<1x128xf32, #tpu.memory_space<vmem>> -> memref<128xf32, #tpu.memory_space<vmem>>
      %swap3A_542 = arith.constant 16 : index
      %swap3A_543 = tpu.vector_load %swap3A_541[%swap3A_542] {strides = array<i32>} : memref<128xf32, #tpu.memory_space<vmem>>, vector<16xf32>,
      tpu.vector_store %swap3A_541[%swap3A_542], %mul3A_538 {strides = array<i32>} : memref<128xf32, #tpu.memory_space<vmem>>, vector<16xf32>,
      %get3A_544 = arith.constant 0 : i32
      %get3A_545 = tpu.memref_slice %arg27[%add3A_466, %get3A_544] : memref<80x128xf32, #tpu.memory_space<vmem>> -> memref<1x128xf32, #tpu.memory_space<vmem>>
      %get3A_546 = tpu.memref_squeeze %get3A_545 : memref<1x128xf32, #tpu.memory_space<vmem>> -> memref<128xf32, #tpu.memory_space<vmem>>
      %get3A_547 = arith.constant 16 : index
      %get3A_548 = tpu.vector_load %get3A_546[%get3A_547] {strides = array<i32>} : memref<128xf32, #tpu.memory_space<vmem>>, vector<16xf32>,
      %mul3A_549 = arith.mulf %get3A_548, %gather3A_458 : vector<16xf32>
      %swap3A_550 = arith.constant 0 : i32
      %swap3A_551 = tpu.memref_slice %arg27[%add3A_466, %swap3A_550] : memref<80x128xf32, #tpu.memory_space<vmem>> -> memref<1x128xf32, #tpu.memory_space<vmem>>
      %swap3A_552 = tpu.memref_squeeze %swap3A_551 : memref<1x128xf32, #tpu.memory_space<vmem>> -> memref<128xf32, #tpu.memory_space<vmem>>
      %swap3A_553 = arith.constant 16 : index
      %swap3A_554 = tpu.vector_load %swap3A_552[%swap3A_553] {strides = array<i32>} : memref<128xf32, #tpu.memory_space<vmem>>, vector<16xf32>,
      tpu.vector_store %swap3A_552[%swap3A_553], %mul3A_549 {strides = array<i32>} : memref<128xf32, #tpu.memory_space<vmem>>, vector<16xf32>,
      %get3A_555 = arith.constant 0 : i32
      %get3A_556 = tpu.memref_slice %arg27[%add3A_460, %get3A_555] : memref<80x128xf32, #tpu.memory_space<vmem>> -> memref<1x128xf32, #tpu.memory_space<vmem>>
      %get3A_557 = tpu.memref_squeeze %get3A_556 : memref<1x128xf32, #tpu.memory_space<vmem>> -> memref<128xf32, #tpu.memory_space<vmem>>
      %get3A_558 = arith.constant 32 : index
      %get3A_559 = tpu.vector_load %get3A_557[%get3A_558] {strides = array<i32>} : memref<128xf32, #tpu.memory_space<vmem>>, vector<16xf32>,
      %mul3A_560 = arith.mulf %get3A_559, %gather3A : vector<16xf32>
      %swap3A_561 = arith.constant 0 : i32
      %swap3A_562 = tpu.memref_slice %arg27[%add3A_460, %swap3A_561] : memref<80x128xf32, #tpu.memory_space<vmem>> -> memref<1x128xf32, #tpu.memory_space<vmem>>
      %swap3A_563 = tpu.memref_squeeze %swap3A_562 : memref<1x128xf32, #tpu.memory_space<vmem>> -> memref<128xf32, #tpu.memory_space<vmem>>
      %swap3A_564 = arith.constant 32 : index
      %swap3A_565 = tpu.vector_load %swap3A_563[%swap3A_564] {strides = array<i32>} : memref<128xf32, #tpu.memory_space<vmem>>, vector<16xf32>,
      tpu.vector_store %swap3A_563[%swap3A_564], %mul3A_560 {strides = array<i32>} : memref<128xf32, #tpu.memory_space<vmem>>, vector<16xf32>,
      %get3A_566 = arith.constant 0 : i32
      %get3A_567 = tpu.memref_slice %arg27[%add3A_462, %get3A_566] : memref<80x128xf32, #tpu.memory_space<vmem>> -> memref<1x128xf32, #tpu.memory_space<vmem>>
      %get3A_568 = tpu.memref_squeeze %get3A_567 : memref<1x128xf32, #tpu.memory_space<vmem>> -> memref<128xf32, #tpu.memory_space<vmem>>
      %get3A_569 = arith.constant 32 : index
      %get3A_570 = tpu.vector_load %get3A_568[%get3A_569] {strides = array<i32>} : memref<128xf32, #tpu.memory_space<vmem>>, vector<16xf32>,
      %mul3A_571 = arith.mulf %get3A_570, %gather3A_450 : vector<16xf32>
      %swap3A_572 = arith.constant 0 : i32
      %swap3A_573 = tpu.memref_slice %arg27[%add3A_462, %swap3A_572] : memref<80x128xf32, #tpu.memory_space<vmem>> -> memref<1x128xf32, #tpu.memory_space<vmem>>
      %swap3A_574 = tpu.memref_squeeze %swap3A_573 : memref<1x128xf32, #tpu.memory_space<vmem>> -> memref<128xf32, #tpu.memory_space<vmem>>
      %swap3A_575 = arith.constant 32 : index
      %swap3A_576 = tpu.vector_load %swap3A_574[%swap3A_575] {strides = array<i32>} : memref<128xf32, #tpu.memory_space<vmem>>, vector<16xf32>,
      tpu.vector_store %swap3A_574[%swap3A_575], %mul3A_571 {strides = array<i32>} : memref<128xf32, #tpu.memory_space<vmem>>, vector<16xf32>,
      %get3A_577 = arith.constant 0 : i32
      %get3A_578 = tpu.memref_slice %arg27[%add3A_464, %get3A_577] : memref<80x128xf32, #tpu.memory_space<vmem>> -> memref<1x128xf32, #tpu.memory_space<vmem>>
      %get3A_579 = tpu.memref_squeeze %get3A_578 : memref<1x128xf32, #tpu.memory_space<vmem>> -> memref<128xf32, #tpu.memory_space<vmem>>
      %get3A_580 = arith.constant 32 : index
      %get3A_581 = tpu.vector_load %get3A_579[%get3A_580] {strides = array<i32>} : memref<128xf32, #tpu.memory_space<vmem>>, vector<16xf32>,
      %mul3A_582 = arith.mulf %get3A_581, %gather3A_454 : vector<16xf32>
      %swap3A_583 = arith.constant 0 : i32
      %swap3A_584 = tpu.memref_slice %arg27[%add3A_464, %swap3A_583] : memref<80x128xf32, #tpu.memory_space<vmem>> -> memref<1x128xf32, #tpu.memory_space<vmem>>
      %swap3A_585 = tpu.memref_squeeze %swap3A_584 : memref<1x128xf32, #tpu.memory_space<vmem>> -> memref<128xf32, #tpu.memory_space<vmem>>
      %swap3A_586 = arith.constant 32 : index
      %swap3A_587 = tpu.vector_load %swap3A_585[%swap3A_586] {strides = array<i32>} : memref<128xf32, #tpu.memory_space<vmem>>, vector<16xf32>,
      tpu.vector_store %swap3A_585[%swap3A_586], %mul3A_582 {strides = array<i32>} : memref<128xf32, #tpu.memory_space<vmem>>, vector<16xf32>,
      %get3A_588 = arith.constant 0 : i32
      %get3A_589 = tpu.memref_slice %arg27[%add3A_466, %get3A_588] : memref<80x128xf32, #tpu.memory_space<vmem>> -> memref<1x128xf32, #tpu.memory_space<vmem>>
      %get3A_590 = tpu.memref_squeeze %get3A_589 : memref<1x128xf32, #tpu.memory_space<vmem>> -> memref<128xf32, #tpu.memory_space<vmem>>
      %get3A_591 = arith.constant 32 : index
      %get3A_592 = tpu.vector_load %get3A_590[%get3A_591] {strides = array<i32>} : memref<128xf32, #tpu.memory_space<vmem>>, vector<16xf32>,
      %mul3A_593 = arith.mulf %get3A_592, %gather3A_458 : vector<16xf32>
      %swap3A_594 = arith.constant 0 : i32
      %swap3A_595 = tpu.memref_slice %arg27[%add3A_466, %swap3A_594] : memref<80x128xf32, #tpu.memory_space<vmem>> -> memref<1x128xf32, #tpu.memory_space<vmem>>
      %swap3A_596 = tpu.memref_squeeze %swap3A_595 : memref<1x128xf32, #tpu.memory_space<vmem>> -> memref<128xf32, #tpu.memory_space<vmem>>
      %swap3A_597 = arith.constant 32 : index
      %swap3A_598 = tpu.vector_load %swap3A_596[%swap3A_597] {strides = array<i32>} : memref<128xf32, #tpu.memory_space<vmem>>, vector<16xf32>,
      tpu.vector_store %swap3A_596[%swap3A_597], %mul3A_593 {strides = array<i32>} : memref<128xf32, #tpu.memory_space<vmem>>, vector<16xf32>,
      %get3A_599 = arith.constant 0 : i32
      %get3A_600 = tpu.memref_slice %arg27[%add3A_460, %get3A_599] : memref<80x128xf32, #tpu.memory_space<vmem>> -> memref<1x128xf32, #tpu.memory_space<vmem>>
      %get3A_601 = tpu.memref_squeeze %get3A_600 : memref<1x128xf32, #tpu.memory_space<vmem>> -> memref<128xf32, #tpu.memory_space<vmem>>
      %get3A_602 = arith.constant 48 : index
      %get3A_603 = tpu.vector_load %get3A_601[%get3A_602] {strides = array<i32>} : memref<128xf32, #tpu.memory_space<vmem>>, vector<16xf32>,
      %mul3A_604 = arith.mulf %get3A_603, %gather3A : vector<16xf32>
      %swap3A_605 = arith.constant 0 : i32
      %swap3A_606 = tpu.memref_slice %arg27[%add3A_460, %swap3A_605] : memref<80x128xf32, #tpu.memory_space<vmem>> -> memref<1x128xf32, #tpu.memory_space<vmem>>
      %swap3A_607 = tpu.memref_squeeze %swap3A_606 : memref<1x128xf32, #tpu.memory_space<vmem>> -> memref<128xf32, #tpu.memory_space<vmem>>
      %swap3A_608 = arith.constant 48 : index
      %swap3A_609 = tpu.vector_load %swap3A_607[%swap3A_608] {strides = array<i32>} : memref<128xf32, #tpu.memory_space<vmem>>, vector<16xf32>,
      tpu.vector_store %swap3A_607[%swap3A_608], %mul3A_604 {strides = array<i32>} : memref<128xf32, #tpu.memory_space<vmem>>, vector<16xf32>,
      %get3A_610 = arith.constant 0 : i32
      %get3A_611 = tpu.memref_slice %arg27[%add3A_462, %get3A_610] : memref<80x128xf32, #tpu.memory_space<vmem>> -> memref<1x128xf32, #tpu.memory_space<vmem>>
      %get3A_612 = tpu.memref_squeeze %get3A_611 : memref<1x128xf32, #tpu.memory_space<vmem>> -> memref<128xf32, #tpu.memory_space<vmem>>
      %get3A_613 = arith.constant 48 : index
      %get3A_614 = tpu.vector_load %get3A_612[%get3A_613] {strides = array<i32>} : memref<128xf32, #tpu.memory_space<vmem>>, vector<16xf32>,
      %mul3A_615 = arith.mulf %get3A_614, %gather3A_450 : vector<16xf32>
      %swap3A_616 = arith.constant 0 : i32
      %swap3A_617 = tpu.memref_slice %arg27[%add3A_462, %swap3A_616] : memref<80x128xf32, #tpu.memory_space<vmem>> -> memref<1x128xf32, #tpu.memory_space<vmem>>
      %swap3A_618 = tpu.memref_squeeze %swap3A_617 : memref<1x128xf32, #tpu.memory_space<vmem>> -> memref<128xf32, #tpu.memory_space<vmem>>
      %swap3A_619 = arith.constant 48 : index
      %swap3A_620 = tpu.vector_load %swap3A_618[%swap3A_619] {strides = array<i32>} : memref<128xf32, #tpu.memory_space<vmem>>, vector<16xf32>,
      tpu.vector_store %swap3A_618[%swap3A_619], %mul3A_615 {strides = array<i32>} : memref<128xf32, #tpu.memory_space<vmem>>, vector<16xf32>,
      %get3A_621 = arith.constant 0 : i32
      %get3A_622 = tpu.memref_slice %arg27[%add3A_464, %get3A_621] : memref<80x128xf32, #tpu.memory_space<vmem>> -> memref<1x128xf32, #tpu.memory_space<vmem>>
      %get3A_623 = tpu.memref_squeeze %get3A_622 : memref<1x128xf32, #tpu.memory_space<vmem>> -> memref<128xf32, #tpu.memory_space<vmem>>
      %get3A_624 = arith.constant 48 : index
      %get3A_625 = tpu.vector_load %get3A_623[%get3A_624] {strides = array<i32>} : memref<128xf32, #tpu.memory_space<vmem>>, vector<16xf32>,
      %mul3A_626 = arith.mulf %get3A_625, %gather3A_454 : vector<16xf32>
      %swap3A_627 = arith.constant 0 : i32
      %swap3A_628 = tpu.memref_slice %arg27[%add3A_464, %swap3A_627] : memref<80x128xf32, #tpu.memory_space<vmem>> -> memref<1x128xf32, #tpu.memory_space<vmem>>
      %swap3A_629 = tpu.memref_squeeze %swap3A_628 : memref<1x128xf32, #tpu.memory_space<vmem>> -> memref<128xf32, #tpu.memory_space<vmem>>
      %swap3A_630 = arith.constant 48 : index
      %swap3A_631 = tpu.vector_load %swap3A_629[%swap3A_630] {strides = array<i32>} : memref<128xf32, #tpu.memory_space<vmem>>, vector<16xf32>,
      tpu.vector_store %swap3A_629[%swap3A_630], %mul3A_626 {strides = array<i32>} : memref<128xf32, #tpu.memory_space<vmem>>, vector<16xf32>,
      %get3A_632 = arith.constant 0 : i32
      %get3A_633 = tpu.memref_slice %arg27[%add3A_466, %get3A_632] : memref<80x128xf32, #tpu.memory_space<vmem>> -> memref<1x128xf32, #tpu.memory_space<vmem>>
      %get3A_634 = tpu.memref_squeeze %get3A_633 : memref<1x128xf32, #tpu.memory_space<vmem>> -> memref<128xf32, #tpu.memory_space<vmem>>
      %get3A_635 = arith.constant 48 : index
      %get3A_636 = tpu.vector_load %get3A_634[%get3A_635] {strides = array<i32>} : memref<128xf32, #tpu.memory_space<vmem>>, vector<16xf32>,
      %mul3A_637 = arith.mulf %get3A_636, %gather3A_458 : vector<16xf32>
      %swap3A_638 = arith.constant 0 : i32
      %swap3A_639 = tpu.memref_slice %arg27[%add3A_466, %swap3A_638] : memref<80x128xf32, #tpu.memory_space<vmem>> -> memref<1x128xf32, #tpu.memory_space<vmem>>
      %swap3A_640 = tpu.memref_squeeze %swap3A_639 : memref<1x128xf32, #tpu.memory_space<vmem>> -> memref<128xf32, #tpu.memory_space<vmem>>
      %swap3A_641 = arith.constant 48 : index
      %swap3A_642 = tpu.vector_load %swap3A_640[%swap3A_641] {strides = array<i32>} : memref<128xf32, #tpu.memory_space<vmem>>, vector<16xf32>,
      tpu.vector_store %swap3A_640[%swap3A_641], %mul3A_637 {strides = array<i32>} : memref<128xf32, #tpu.memory_space<vmem>>, vector<16xf32>,
      %get3A_643 = arith.constant 0 : i32
      %get3A_644 = tpu.memref_slice %arg27[%add3A_460, %get3A_643] : memref<80x128xf32, #tpu.memory_space<vmem>> -> memref<1x128xf32, #tpu.memory_space<vmem>>
      %get3A_645 = tpu.memref_squeeze %get3A_644 : memref<1x128xf32, #tpu.memory_space<vmem>> -> memref<128xf32, #tpu.memory_space<vmem>>
      %get3A_646 = arith.constant 64 : index
      %get3A_647 = tpu.vector_load %get3A_645[%get3A_646] {strides = array<i32>} : memref<128xf32, #tpu.memory_space<vmem>>, vector<16xf32>,
      %mul3A_648 = arith.mulf %get3A_647, %gather3A : vector<16xf32>
      %swap3A_649 = arith.constant 0 : i32
      %swap3A_650 = tpu.memref_slice %arg27[%add3A_460, %swap3A_649] : memref<80x128xf32, #tpu.memory_space<vmem>> -> memref<1x128xf32, #tpu.memory_space<vmem>>
      %swap3A_651 = tpu.memref_squeeze %swap3A_650 : memref<1x128xf32, #tpu.memory_space<vmem>> -> memref<128xf32, #tpu.memory_space<vmem>>
      %swap3A_652 = arith.constant 64 : index
      %swap3A_653 = tpu.vector_load %swap3A_651[%swap3A_652] {strides = array<i32>} : memref<128xf32, #tpu.memory_space<vmem>>, vector<16xf32>,
      tpu.vector_store %swap3A_651[%swap3A_652], %mul3A_648 {strides = array<i32>} : memref<128xf32, #tpu.memory_space<vmem>>, vector<16xf32>,
      %get3A_654 = arith.constant 0 : i32
      %get3A_655 = tpu.memref_slice %arg27[%add3A_462, %get3A_654] : memref<80x128xf32, #tpu.memory_space<vmem>> -> memref<1x128xf32, #tpu.memory_space<vmem>>
      %get3A_656 = tpu.memref_squeeze %get3A_655 : memref<1x128xf32, #tpu.memory_space<vmem>> -> memref<128xf32, #tpu.memory_space<vmem>>
      %get3A_657 = arith.constant 64 : index
      %get3A_658 = tpu.vector_load %get3A_656[%get3A_657] {strides = array<i32>} : memref<128xf32, #tpu.memory_space<vmem>>, vector<16xf32>,
      %mul3A_659 = arith.mulf %get3A_658, %gather3A_450 : vector<16xf32>
      %swap3A_660 = arith.constant 0 : i32
      %swap3A_661 = tpu.memref_slice %arg27[%add3A_462, %swap3A_660] : memref<80x128xf32, #tpu.memory_space<vmem>> -> memref<1x128xf32, #tpu.memory_space<vmem>>
      %swap3A_662 = tpu.memref_squeeze %swap3A_661 : memref<1x128xf32, #tpu.memory_space<vmem>> -> memref<128xf32, #tpu.memory_space<vmem>>
      %swap3A_663 = arith.constant 64 : index
      %swap3A_664 = tpu.vector_load %swap3A_662[%swap3A_663] {strides = array<i32>} : memref<128xf32, #tpu.memory_space<vmem>>, vector<16xf32>,
      tpu.vector_store %swap3A_662[%swap3A_663], %mul3A_659 {strides = array<i32>} : memref<128xf32, #tpu.memory_space<vmem>>, vector<16xf32>,
      %get3A_665 = arith.constant 0 : i32
      %get3A_666 = tpu.memref_slice %arg27[%add3A_464, %get3A_665] : memref<80x128xf32, #tpu.memory_space<vmem>> -> memref<1x128xf32, #tpu.memory_space<vmem>>
      %get3A_667 = tpu.memref_squeeze %get3A_666 : memref<1x128xf32, #tpu.memory_space<vmem>> -> memref<128xf32, #tpu.memory_space<vmem>>
      %get3A_668 = arith.constant 64 : index
      %get3A_669 = tpu.vector_load %get3A_667[%get3A_668] {strides = array<i32>} : memref<128xf32, #tpu.memory_space<vmem>>, vector<16xf32>,
      %mul3A_670 = arith.mulf %get3A_669, %gather3A_454 : vector<16xf32>
      %swap3A_671 = arith.constant 0 : i32
      %swap3A_672 = tpu.memref_slice %arg27[%add3A_464, %swap3A_671] : memref<80x128xf32, #tpu.memory_space<vmem>> -> memref<1x128xf32, #tpu.memory_space<vmem>>
      %swap3A_673 = tpu.memref_squeeze %swap3A_672 : memref<1x128xf32, #tpu.memory_space<vmem>> -> memref<128xf32, #tpu.memory_space<vmem>>
      %swap3A_674 = arith.constant 64 : index
      %swap3A_675 = tpu.vector_load %swap3A_673[%swap3A_674] {strides = array<i32>} : memref<128xf32, #tpu.memory_space<vmem>>, vector<16xf32>,
      tpu.vector_store %swap3A_673[%swap3A_674], %mul3A_670 {strides = array<i32>} : memref<128xf32, #tpu.memory_space<vmem>>, vector<16xf32>,
      %get3A_676 = arith.constant 0 : i32
      %get3A_677 = tpu.memref_slice %arg27[%add3A_466, %get3A_676] : memref<80x128xf32, #tpu.memory_space<vmem>> -> memref<1x128xf32, #tpu.memory_space<vmem>>
      %get3A_678 = tpu.memref_squeeze %get3A_677 : memref<1x128xf32, #tpu.memory_space<vmem>> -> memref<128xf32, #tpu.memory_space<vmem>>
      %get3A_679 = arith.constant 64 : index
      %get3A_680 = tpu.vector_load %get3A_678[%get3A_679] {strides = array<i32>} : memref<128xf32, #tpu.memory_space<vmem>>, vector<16xf32>,
      %mul3A_681 = arith.mulf %get3A_680, %gather3A_458 : vector<16xf32>
      %swap3A_682 = arith.constant 0 : i32
      %swap3A_683 = tpu.memref_slice %arg27[%add3A_466, %swap3A_682] : memref<80x128xf32, #tpu.memory_space<vmem>> -> memref<1x128xf32, #tpu.memory_space<vmem>>
      %swap3A_684 = tpu.memref_squeeze %swap3A_683 : memref<1x128xf32, #tpu.memory_space<vmem>> -> memref<128xf32, #tpu.memory_space<vmem>>
      %swap3A_685 = arith.constant 64 : index
      %swap3A_686 = tpu.vector_load %swap3A_684[%swap3A_685] {strides = array<i32>} : memref<128xf32, #tpu.memory_space<vmem>>, vector<16xf32>,
      tpu.vector_store %swap3A_684[%swap3A_685], %mul3A_681 {strides = array<i32>} : memref<128xf32, #tpu.memory_space<vmem>>, vector<16xf32>,
      %get3A_687 = arith.constant 0 : i32
      %get3A_688 = tpu.memref_slice %arg27[%add3A_460, %get3A_687] : memref<80x128xf32, #tpu.memory_space<vmem>> -> memref<1x128xf32, #tpu.memory_space<vmem>>
      %get3A_689 = tpu.memref_squeeze %get3A_688 : memref<1x128xf32, #tpu.memory_space<vmem>> -> memref<128xf32, #tpu.memory_space<vmem>>
      %get3A_690 = arith.constant 80 : index
      %get3A_691 = tpu.vector_load %get3A_689[%get3A_690] {strides = array<i32>} : memref<128xf32, #tpu.memory_space<vmem>>, vector<16xf32>,
      %mul3A_692 = arith.mulf %get3A_691, %gather3A : vector<16xf32>
      %swap3A_693 = arith.constant 0 : i32
      %swap3A_694 = tpu.memref_slice %arg27[%add3A_460, %swap3A_693] : memref<80x128xf32, #tpu.memory_space<vmem>> -> memref<1x128xf32, #tpu.memory_space<vmem>>
      %swap3A_695 = tpu.memref_squeeze %swap3A_694 : memref<1x128xf32, #tpu.memory_space<vmem>> -> memref<128xf32, #tpu.memory_space<vmem>>
      %swap3A_696 = arith.constant 80 : index
      %swap3A_697 = tpu.vector_load %swap3A_695[%swap3A_696] {strides = array<i32>} : memref<128xf32, #tpu.memory_space<vmem>>, vector<16xf32>,
      tpu.vector_store %swap3A_695[%swap3A_696], %mul3A_692 {strides = array<i32>} : memref<128xf32, #tpu.memory_space<vmem>>, vector<16xf32>,
      %get3A_698 = arith.constant 0 : i32
      %get3A_699 = tpu.memref_slice %arg27[%add3A_462, %get3A_698] : memref<80x128xf32, #tpu.memory_space<vmem>> -> memref<1x128xf32, #tpu.memory_space<vmem>>
      %get3A_700 = tpu.memref_squeeze %get3A_699 : memref<1x128xf32, #tpu.memory_space<vmem>> -> memref<128xf32, #tpu.memory_space<vmem>>
      %get3A_701 = arith.constant 80 : index
      %get3A_702 = tpu.vector_load %get3A_700[%get3A_701] {strides = array<i32>} : memref<128xf32, #tpu.memory_space<vmem>>, vector<16xf32>,
      %mul3A_703 = arith.mulf %get3A_702, %gather3A_450 : vector<16xf32>
      %swap3A_704 = arith.constant 0 : i32
      %swap3A_705 = tpu.memref_slice %arg27[%add3A_462, %swap3A_704] : memref<80x128xf32, #tpu.memory_space<vmem>> -> memref<1x128xf32, #tpu.memory_space<vmem>>
      %swap3A_706 = tpu.memref_squeeze %swap3A_705 : memref<1x128xf32, #tpu.memory_space<vmem>> -> memref<128xf32, #tpu.memory_space<vmem>>
      %swap3A_707 = arith.constant 80 : index
      %swap3A_708 = tpu.vector_load %swap3A_706[%swap3A_707] {strides = array<i32>} : memref<128xf32, #tpu.memory_space<vmem>>, vector<16xf32>,
      tpu.vector_store %swap3A_706[%swap3A_707], %mul3A_703 {strides = array<i32>} : memref<128xf32, #tpu.memory_space<vmem>>, vector<16xf32>,
      %get3A_709 = arith.constant 0 : i32
      %get3A_710 = tpu.memref_slice %arg27[%add3A_464, %get3A_709] : memref<80x128xf32, #tpu.memory_space<vmem>> -> memref<1x128xf32, #tpu.memory_space<vmem>>
      %get3A_711 = tpu.memref_squeeze %get3A_710 : memref<1x128xf32, #tpu.memory_space<vmem>> -> memref<128xf32, #tpu.memory_space<vmem>>
      %get3A_712 = arith.constant 80 : index
      %get3A_713 = tpu.vector_load %get3A_711[%get3A_712] {strides = array<i32>} : memref<128xf32, #tpu.memory_space<vmem>>, vector<16xf32>,
      %mul3A_714 = arith.mulf %get3A_713, %gather3A_454 : vector<16xf32>
      %swap3A_715 = arith.constant 0 : i32
      %swap3A_716 = tpu.memref_slice %arg27[%add3A_464, %swap3A_715] : memref<80x128xf32, #tpu.memory_space<vmem>> -> memref<1x128xf32, #tpu.memory_space<vmem>>
      %swap3A_717 = tpu.memref_squeeze %swap3A_716 : memref<1x128xf32, #tpu.memory_space<vmem>> -> memref<128xf32, #tpu.memory_space<vmem>>
      %swap3A_718 = arith.constant 80 : index
      %swap3A_719 = tpu.vector_load %swap3A_717[%swap3A_718] {strides = array<i32>} : memref<128xf32, #tpu.memory_space<vmem>>, vector<16xf32>,
      tpu.vector_store %swap3A_717[%swap3A_718], %mul3A_714 {strides = array<i32>} : memref<128xf32, #tpu.memory_space<vmem>>, vector<16xf32>,
      %get3A_720 = arith.constant 0 : i32
      %get3A_721 = tpu.memref_slice %arg27[%add3A_466, %get3A_720] : memref<80x128xf32, #tpu.memory_space<vmem>> -> memref<1x128xf32, #tpu.memory_space<vmem>>
      %get3A_722 = tpu.memref_squeeze %get3A_721 : memref<1x128xf32, #tpu.memory_space<vmem>> -> memref<128xf32, #tpu.memory_space<vmem>>
      %get3A_723 = arith.constant 80 : index
      %get3A_724 = tpu.vector_load %get3A_722[%get3A_723] {strides = array<i32>} : memref<128xf32, #tpu.memory_space<vmem>>, vector<16xf32>,
      %mul3A_725 = arith.mulf %get3A_724, %gather3A_458 : vector<16xf32>
      %swap3A_726 = arith.constant 0 : i32
      %swap3A_727 = tpu.memref_slice %arg27[%add3A_466, %swap3A_726] : memref<80x128xf32, #tpu.memory_space<vmem>> -> memref<1x128xf32, #tpu.memory_space<vmem>>
      %swap3A_728 = tpu.memref_squeeze %swap3A_727 : memref<1x128xf32, #tpu.memory_space<vmem>> -> memref<128xf32, #tpu.memory_space<vmem>>
      %swap3A_729 = arith.constant 80 : index
      %swap3A_730 = tpu.vector_load %swap3A_728[%swap3A_729] {strides = array<i32>} : memref<128xf32, #tpu.memory_space<vmem>>, vector<16xf32>,
      tpu.vector_store %swap3A_728[%swap3A_729], %mul3A_725 {strides = array<i32>} : memref<128xf32, #tpu.memory_space<vmem>>, vector<16xf32>,
      %get3A_731 = arith.constant 0 : i32
      %get3A_732 = tpu.memref_slice %arg27[%add3A_460, %get3A_731] : memref<80x128xf32, #tpu.memory_space<vmem>> -> memref<1x128xf32, #tpu.memory_space<vmem>>
      %get3A_733 = tpu.memref_squeeze %get3A_732 : memref<1x128xf32, #tpu.memory_space<vmem>> -> memref<128xf32, #tpu.memory_space<vmem>>
      %get3A_734 = arith.constant 96 : index
      %get3A_735 = tpu.vector_load %get3A_733[%get3A_734] {strides = array<i32>} : memref<128xf32, #tpu.memory_space<vmem>>, vector<16xf32>,
      %mul3A_736 = arith.mulf %get3A_735, %gather3A : vector<16xf32>
      %swap3A_737 = arith.constant 0 : i32
      %swap3A_738 = tpu.memref_slice %arg27[%add3A_460, %swap3A_737] : memref<80x128xf32, #tpu.memory_space<vmem>> -> memref<1x128xf32, #tpu.memory_space<vmem>>
      %swap3A_739 = tpu.memref_squeeze %swap3A_738 : memref<1x128xf32, #tpu.memory_space<vmem>> -> memref<128xf32, #tpu.memory_space<vmem>>
      %swap3A_740 = arith.constant 96 : index
      %swap3A_741 = tpu.vector_load %swap3A_739[%swap3A_740] {strides = array<i32>} : memref<128xf32, #tpu.memory_space<vmem>>, vector<16xf32>,
      tpu.vector_store %swap3A_739[%swap3A_740], %mul3A_736 {strides = array<i32>} : memref<128xf32, #tpu.memory_space<vmem>>, vector<16xf32>,
      %get3A_742 = arith.constant 0 : i32
      %get3A_743 = tpu.memref_slice %arg27[%add3A_462, %get3A_742] : memref<80x128xf32, #tpu.memory_space<vmem>> -> memref<1x128xf32, #tpu.memory_space<vmem>>
      %get3A_744 = tpu.memref_squeeze %get3A_743 : memref<1x128xf32, #tpu.memory_space<vmem>> -> memref<128xf32, #tpu.memory_space<vmem>>
      %get3A_745 = arith.constant 96 : index
      %get3A_746 = tpu.vector_load %get3A_744[%get3A_745] {strides = array<i32>} : memref<128xf32, #tpu.memory_space<vmem>>, vector<16xf32>,
      %mul3A_747 = arith.mulf %get3A_746, %gather3A_450 : vector<16xf32>
      %swap3A_748 = arith.constant 0 : i32
      %swap3A_749 = tpu.memref_slice %arg27[%add3A_462, %swap3A_748] : memref<80x128xf32, #tpu.memory_space<vmem>> -> memref<1x128xf32, #tpu.memory_space<vmem>>
      %swap3A_750 = tpu.memref_squeeze %swap3A_749 : memref<1x128xf32, #tpu.memory_space<vmem>> -> memref<128xf32, #tpu.memory_space<vmem>>
      %swap3A_751 = arith.constant 96 : index
      %swap3A_752 = tpu.vector_load %swap3A_750[%swap3A_751] {strides = array<i32>} : memref<128xf32, #tpu.memory_space<vmem>>, vector<16xf32>,
      tpu.vector_store %swap3A_750[%swap3A_751], %mul3A_747 {strides = array<i32>} : memref<128xf32, #tpu.memory_space<vmem>>, vector<16xf32>,
      %get3A_753 = arith.constant 0 : i32
      %get3A_754 = tpu.memref_slice %arg27[%add3A_464, %get3A_753] : memref<80x128xf32, #tpu.memory_space<vmem>> -> memref<1x128xf32, #tpu.memory_space<vmem>>
      %get3A_755 = tpu.memref_squeeze %get3A_754 : memref<1x128xf32, #tpu.memory_space<vmem>> -> memref<128xf32, #tpu.memory_space<vmem>>
      %get3A_756 = arith.constant 96 : index
      %get3A_757 = tpu.vector_load %get3A_755[%get3A_756] {strides = array<i32>} : memref<128xf32, #tpu.memory_space<vmem>>, vector<16xf32>,
      %mul3A_758 = arith.mulf %get3A_757, %gather3A_454 : vector<16xf32>
      %swap3A_759 = arith.constant 0 : i32
      %swap3A_760 = tpu.memref_slice %arg27[%add3A_464, %swap3A_759] : memref<80x128xf32, #tpu.memory_space<vmem>> -> memref<1x128xf32, #tpu.memory_space<vmem>>
      %swap3A_761 = tpu.memref_squeeze %swap3A_760 : memref<1x128xf32, #tpu.memory_space<vmem>> -> memref<128xf32, #tpu.memory_space<vmem>>
      %swap3A_762 = arith.constant 96 : index
      %swap3A_763 = tpu.vector_load %swap3A_761[%swap3A_762] {strides = array<i32>} : memref<128xf32, #tpu.memory_space<vmem>>, vector<16xf32>,
      tpu.vector_store %swap3A_761[%swap3A_762], %mul3A_758 {strides = array<i32>} : memref<128xf32, #tpu.memory_space<vmem>>, vector<16xf32>,
      %get3A_764 = arith.constant 0 : i32
      %get3A_765 = tpu.memref_slice %arg27[%add3A_466, %get3A_764] : memref<80x128xf32, #tpu.memory_space<vmem>> -> memref<1x128xf32, #tpu.memory_space<vmem>>
      %get3A_766 = tpu.memref_squeeze %get3A_765 : memref<1x128xf32, #tpu.memory_space<vmem>> -> memref<128xf32, #tpu.memory_space<vmem>>
      %get3A_767 = arith.constant 96 : index
      %get3A_768 = tpu.vector_load %get3A_766[%get3A_767] {strides = array<i32>} : memref<128xf32, #tpu.memory_space<vmem>>, vector<16xf32>,
      %mul3A_769 = arith.mulf %get3A_768, %gather3A_458 : vector<16xf32>
      %swap3A_770 = arith.constant 0 : i32
      %swap3A_771 = tpu.memref_slice %arg27[%add3A_466, %swap3A_770] : memref<80x128xf32, #tpu.memory_space<vmem>> -> memref<1x128xf32, #tpu.memory_space<vmem>>
      %swap3A_772 = tpu.memref_squeeze %swap3A_771 : memref<1x128xf32, #tpu.memory_space<vmem>> -> memref<128xf32, #tpu.memory_space<vmem>>
      %swap3A_773 = arith.constant 96 : index
      %swap3A_774 = tpu.vector_load %swap3A_772[%swap3A_773] {strides = array<i32>} : memref<128xf32, #tpu.memory_space<vmem>>, vector<16xf32>,
      tpu.vector_store %swap3A_772[%swap3A_773], %mul3A_769 {strides = array<i32>} : memref<128xf32, #tpu.memory_space<vmem>>, vector<16xf32>,
      %get3A_775 = arith.constant 0 : i32
      %get3A_776 = tpu.memref_slice %arg27[%add3A_460, %get3A_775] : memref<80x128xf32, #tpu.memory_space<vmem>> -> memref<1x128xf32, #tpu.memory_space<vmem>>
      %get3A_777 = tpu.memref_squeeze %get3A_776 : memref<1x128xf32, #tpu.memory_space<vmem>> -> memref<128xf32, #tpu.memory_space<vmem>>
      %get3A_778 = arith.constant 112 : index
      %get3A_779 = tpu.vector_load %get3A_777[%get3A_778] {strides = array<i32>} : memref<128xf32, #tpu.memory_space<vmem>>, vector<16xf32>,
      %mul3A_780 = arith.mulf %get3A_779, %gather3A : vector<16xf32>
      %swap3A_781 = arith.constant 0 : i32
      %swap3A_782 = tpu.memref_slice %arg27[%add3A_460, %swap3A_781] : memref<80x128xf32, #tpu.memory_space<vmem>> -> memref<1x128xf32, #tpu.memory_space<vmem>>
      %swap3A_783 = tpu.memref_squeeze %swap3A_782 : memref<1x128xf32, #tpu.memory_space<vmem>> -> memref<128xf32, #tpu.memory_space<vmem>>
      %swap3A_784 = arith.constant 112 : index
      %swap3A_785 = tpu.vector_load %swap3A_783[%swap3A_784] {strides = array<i32>} : memref<128xf32, #tpu.memory_space<vmem>>, vector<16xf32>,
      tpu.vector_store %swap3A_783[%swap3A_784], %mul3A_780 {strides = array<i32>} : memref<128xf32, #tpu.memory_space<vmem>>, vector<16xf32>,
      %get3A_786 = arith.constant 0 : i32
      %get3A_787 = tpu.memref_slice %arg27[%add3A_462, %get3A_786] : memref<80x128xf32, #tpu.memory_space<vmem>> -> memref<1x128xf32, #tpu.memory_space<vmem>>
      %get3A_788 = tpu.memref_squeeze %get3A_787 : memref<1x128xf32, #tpu.memory_space<vmem>> -> memref<128xf32, #tpu.memory_space<vmem>>
      %get3A_789 = arith.constant 112 : index
      %get3A_790 = tpu.vector_load %get3A_788[%get3A_789] {strides = array<i32>} : memref<128xf32, #tpu.memory_space<vmem>>, vector<16xf32>,
      %mul3A_791 = arith.mulf %get3A_790, %gather3A_450 : vector<16xf32>
      %swap3A_792 = arith.constant 0 : i32
      %swap3A_793 = tpu.memref_slice %arg27[%add3A_462, %swap3A_792] : memref<80x128xf32, #tpu.memory_space<vmem>> -> memref<1x128xf32, #tpu.memory_space<vmem>>
      %swap3A_794 = tpu.memref_squeeze %swap3A_793 : memref<1x128xf32, #tpu.memory_space<vmem>> -> memref<128xf32, #tpu.memory_space<vmem>>
      %swap3A_795 = arith.constant 112 : index
      %swap3A_796 = tpu.vector_load %swap3A_794[%swap3A_795] {strides = array<i32>} : memref<128xf32, #tpu.memory_space<vmem>>, vector<16xf32>,
      tpu.vector_store %swap3A_794[%swap3A_795], %mul3A_791 {strides = array<i32>} : memref<128xf32, #tpu.memory_space<vmem>>, vector<16xf32>,
      %get3A_797 = arith.constant 0 : i32
      %get3A_798 = tpu.memref_slice %arg27[%add3A_464, %get3A_797] : memref<80x128xf32, #tpu.memory_space<vmem>> -> memref<1x128xf32, #tpu.memory_space<vmem>>
      %get3A_799 = tpu.memref_squeeze %get3A_798 : memref<1x128xf32, #tpu.memory_space<vmem>> -> memref<128xf32, #tpu.memory_space<vmem>>
      %get3A_800 = arith.constant 112 : index
      %get3A_801 = tpu.vector_load %get3A_799[%get3A_800] {strides = array<i32>} : memref<128xf32, #tpu.memory_space<vmem>>, vector<16xf32>,
      %mul3A_802 = arith.mulf %get3A_801, %gather3A_454 : vector<16xf32>
      %swap3A_803 = arith.constant 0 : i32
      %swap3A_804 = tpu.memref_slice %arg27[%add3A_464, %swap3A_803] : memref<80x128xf32, #tpu.memory_space<vmem>> -> memref<1x128xf32, #tpu.memory_space<vmem>>
      %swap3A_805 = tpu.memref_squeeze %swap3A_804 : memref<1x128xf32, #tpu.memory_space<vmem>> -> memref<128xf32, #tpu.memory_space<vmem>>
      %swap3A_806 = arith.constant 112 : index
      %swap3A_807 = tpu.vector_load %swap3A_805[%swap3A_806] {strides = array<i32>} : memref<128xf32, #tpu.memory_space<vmem>>, vector<16xf32>,
      tpu.vector_store %swap3A_805[%swap3A_806], %mul3A_802 {strides = array<i32>} : memref<128xf32, #tpu.memory_space<vmem>>, vector<16xf32>,
      %get3A_808 = arith.constant 0 : i32
      %get3A_809 = tpu.memref_slice %arg27[%add3A_466, %get3A_808] : memref<80x128xf32, #tpu.memory_space<vmem>> -> memref<1x128xf32, #tpu.memory_space<vmem>>
      %get3A_810 = tpu.memref_squeeze %get3A_809 : memref<1x128xf32, #tpu.memory_space<vmem>> -> memref<128xf32, #tpu.memory_space<vmem>>
      %get3A_811 = arith.constant 112 : index
      %get3A_812 = tpu.vector_load %get3A_810[%get3A_811] {strides = array<i32>} : memref<128xf32, #tpu.memory_space<vmem>>, vector<16xf32>,
      %mul3A_813 = arith.mulf %get3A_812, %gather3A_458 : vector<16xf32>
      %swap3A_814 = arith.constant 0 : i32
      %swap3A_815 = tpu.memref_slice %arg27[%add3A_466, %swap3A_814] : memref<80x128xf32, #tpu.memory_space<vmem>> -> memref<1x128xf32, #tpu.memory_space<vmem>>
      %swap3A_816 = tpu.memref_squeeze %swap3A_815 : memref<1x128xf32, #tpu.memory_space<vmem>> -> memref<128xf32, #tpu.memory_space<vmem>>
      %swap3A_817 = arith.constant 112 : index
      %swap3A_818 = tpu.vector_load %swap3A_816[%swap3A_817] {strides = array<i32>} : memref<128xf32, #tpu.memory_space<vmem>>, vector<16xf32>,
      tpu.vector_store %swap3A_816[%swap3A_817], %mul3A_813 {strides = array<i32>} : memref<128xf32, #tpu.memory_space<vmem>>, vector<16xf32>,
    }
    %scan3A_290 = arith.constant 20 : i32
    %dma_start3A_291 = arith.constant 0 : i32
    %dma_start3A_292 = arith.constant 0 : i32
    %dma_start3A_293 = tpu.memref_slice %arg33[%dma_start3A_291, %dma_start3A_292] : memref<10000x128xf32, #tpu.memory_space<vmem_shared>> -> memref<10000x128xf32, #tpu.memory_space<vmem_shared>>
    tpu.enqueue_indirect_dma source(%arg27 : memref<80x128xf32, #tpu.memory_space<vmem>>) target(%dma_start3A_293 : memref<10000x128xf32, #tpu.memory_space<vmem_shared>>) offsets(%arg11 : memref<80xi32, #tpu.memory_space<vmem>>) semaphore(%arg43 : memref<!tpu.dma_semaphore, #tpu.memory_space<semaphore_mem>>) {add = true}
    %dma_start3A_294 = arith.constant 0 : i32
    %dma_start3A_295 = tpu.memref_slice %arg34[%dma_start3A_294] : memref<10000xf32, #tpu.memory_space<vmem_shared>> -> memref<10000xf32, #tpu.memory_space<vmem_shared>>
    tpu.enqueue_indirect_dma source(%arg23 : memref<80xf32, #tpu.memory_space<vmem>>) target(%dma_start3A_295 : memref<10000xf32, #tpu.memory_space<vmem_shared>>) offsets(%arg11 : memref<80xi32, #tpu.memory_space<vmem>>) semaphore(%arg47 : memref<!tpu.dma_semaphore, #tpu.memory_space<semaphore_mem>>) {add = true}
    %dma_wait3A_296 = arith.constant 0 : i32
    %dma_wait3A_297 = arith.constant 0 : i32
    %dma_wait3A_298 = tpu.memref_slice %arg33[%dma_wait3A_296, %dma_wait3A_297] : memref<10000x128xf32, #tpu.memory_space<vmem_shared>> -> memref<10000x128xf32, #tpu.memory_space<vmem_shared>>
    tpu.wait_indirect_dma semaphore(%arg46 : memref<!tpu.dma_semaphore, #tpu.memory_space<semaphore_mem>>) src(%arg30 : memref<80x128xf32, #tpu.memory_space<vmem>>) dst(%dma_wait3A_298 : memref<10000x128xf32, #tpu.memory_space<vmem_shared>>)
    %dma_wait3A_299 = arith.constant 0 : i32
    %dma_wait3A_300 = tpu.memref_slice %arg34[%dma_wait3A_299] : memref<10000xf32, #tpu.memory_space<vmem_shared>> -> memref<10000xf32, #tpu.memory_space<vmem_shared>>
    tpu.wait_indirect_dma semaphore(%arg50 : memref<!tpu.dma_semaphore, #tpu.memory_space<semaphore_mem>>) src(%arg26 : memref<80xf32, #tpu.memory_space<vmem>>) dst(%dma_wait3A_300 : memref<10000xf32, #tpu.memory_space<vmem_shared>>)
    %dma_wait3A_301 = arith.constant 0 : i32
    %dma_wait3A_302 = arith.constant 0 : i32
    %dma_wait3A_303 = tpu.memref_slice %arg33[%dma_wait3A_301, %dma_wait3A_302] : memref<10000x128xf32, #tpu.memory_space<vmem_shared>> -> memref<10000x128xf32, #tpu.memory_space<vmem_shared>>
    tpu.wait_indirect_dma semaphore(%arg43 : memref<!tpu.dma_semaphore, #tpu.memory_space<semaphore_mem>>) src(%arg27 : memref<80x128xf32, #tpu.memory_space<vmem>>) dst(%dma_wait3A_303 : memref<10000x128xf32, #tpu.memory_space<vmem_shared>>)
    %dma_wait3A_304 = arith.constant 0 : i32
    %dma_wait3A_305 = tpu.memref_slice %arg34[%dma_wait3A_304] : memref<10000xf32, #tpu.memory_space<vmem_shared>> -> memref<10000xf32, #tpu.memory_space<vmem_shared>>
    tpu.wait_indirect_dma semaphore(%arg47 : memref<!tpu.dma_semaphore, #tpu.memory_space<semaphore_mem>>) src(%arg23 : memref<80xf32, #tpu.memory_space<vmem>>) dst(%dma_wait3A_305 : memref<10000xf32, #tpu.memory_space<vmem_shared>>)
    %barrier3A_306 = arith.constant 0 : index
    tpu.barrier barrier_id(%barrier3A_306)
    %add3A_307 = arith.constant 0 : i32
    %add3A_308 = arith.addi %arg1, %add3A_307 : i32
    %lt3A_309 = arith.constant 125 : i32
    %lt3A_310 = arith.cmpi slt, %add3A_308, %lt3A_309 : i32
    %convert_element_type3A_311 = arith.extui %lt3A_310 : i1 to i32
    %cond3A_312 = arith.constant 0 : i32
    %cond3A_313 = arith.cmpi ne, %convert_element_type3A_311, %cond3A_312 : i32
    scf.if %cond3A_313 {
      %mul3A_442 = arith.constant 80 : i32
      %mul3A_443 = arith.muli %add3A_308, %mul3A_442 : i32
      "tpu.region"() ({
        %run_scoped3A = tpu.sem_alloc : memref<!tpu.dma_semaphore, #tpu.memory_space<semaphore_mem>>
        %dma_start3A_450 = arith.constant 0 : i32
        %dma_start3A_451 = tpu.memref_slice %arg33[%mul3A_443, %dma_start3A_450] : memref<10000x128xf32, #tpu.memory_space<vmem_shared>> -> memref<80x128xf32, #tpu.memory_space<vmem_shared>>
        %dma_start3A_452 = arith.constant 0 : i32
        %dma_start3A_453 = tpu.memref_slice %arg33[%mul3A_443, %dma_start3A_452] : memref<10000x128xf32, #tpu.memory_space<vmem_shared>> -> memref<80x128xf32, #tpu.memory_space<vmem_shared>>
        tpu.enqueue_dma source(%dma_start3A_453 : memref<80x128xf32, #tpu.memory_space<vmem_shared>>) target(%arg27 : memref<80x128xf32, #tpu.memory_space<vmem>>) target_semaphore(%run_scoped3A : memref<!tpu.dma_semaphore, #tpu.memory_space<semaphore_mem>>)
        %dma_wait3A_454 = arith.constant 0 : i32
        %dma_wait3A_455 = tpu.memref_slice %arg33[%mul3A_443, %dma_wait3A_454] : memref<10000x128xf32, #tpu.memory_space<vmem_shared>> -> memref<80x128xf32, #tpu.memory_space<vmem_shared>>
        %dma_wait3A_456 = arith.constant 0 : i32
        %dma_wait3A_457 = tpu.memref_slice %arg33[%mul3A_443, %dma_wait3A_456] : memref<10000x128xf32, #tpu.memory_space<vmem_shared>> -> memref<80x128xf32, #tpu.memory_space<vmem_shared>>
        tpu.wait_dma2 semaphore(%run_scoped3A : memref<!tpu.dma_semaphore, #tpu.memory_space<semaphore_mem>>) src(%dma_wait3A_457 : memref<80x128xf32, #tpu.memory_space<vmem_shared>>) dst(%arg27 : memref<80x128xf32, #tpu.memory_space<vmem>>)
        tpu.yield
      }) : () -> ()
      %dma_start3A_444 = arith.constant 0 : i32
      %dma_start3A_445 = tpu.memref_slice %arg9[%arg0, %mul3A_443, %dma_start3A_444] : memref<2x10000x128xf32, #tpu.memory_space<hbm>> -> memref<1x80x128xf32, #tpu.memory_space<hbm>>
      %dma_start3A_446 = tpu.memref_squeeze %dma_start3A_445 : memref<1x80x128xf32, #tpu.memory_space<hbm>> -> memref<80x128xf32, #tpu.memory_space<hbm>>
      %dma_start3A_447 = arith.constant 0 : i32
      %dma_start3A_448 = tpu.memref_slice %arg9[%arg0, %mul3A_443, %dma_start3A_447] : memref<2x10000x128xf32, #tpu.memory_space<hbm>> -> memref<1x80x128xf32, #tpu.memory_space<hbm>>
      %dma_start3A_449 = tpu.memref_squeeze %dma_start3A_448 : memref<1x80x128xf32, #tpu.memory_space<hbm>> -> memref<80x128xf32, #tpu.memory_space<hbm>>
      tpu.enqueue_dma source(%arg27 : memref<80x128xf32, #tpu.memory_space<vmem>>) target(%dma_start3A_449 : memref<80x128xf32, #tpu.memory_space<hbm>>) target_semaphore(%arg43 : memref<!tpu.dma_semaphore, #tpu.memory_space<semaphore_mem>>)
    } else {
    }
    %add3A_314 = arith.constant 16 : i32
    %add3A_315 = arith.addi %arg1, %add3A_314 : i32
    %lt3A_316 = arith.constant 125 : i32
    %lt3A_317 = arith.cmpi slt, %add3A_315, %lt3A_316 : i32
    %convert_element_type3A_318 = arith.extui %lt3A_317 : i1 to i32
    %cond3A_319 = arith.constant 0 : i32
    %cond3A_320 = arith.cmpi ne, %convert_element_type3A_318, %cond3A_319 : i32
    scf.if %cond3A_320 {
      %mul3A_442 = arith.constant 80 : i32
      %mul3A_443 = arith.muli %add3A_315, %mul3A_442 : i32
      "tpu.region"() ({
        %run_scoped3A = tpu.sem_alloc : memref<!tpu.dma_semaphore, #tpu.memory_space<semaphore_mem>>
        %dma_start3A_450 = arith.constant 0 : i32
        %dma_start3A_451 = tpu.memref_slice %arg33[%mul3A_443, %dma_start3A_450] : memref<10000x128xf32, #tpu.memory_space<vmem_shared>> -> memref<80x128xf32, #tpu.memory_space<vmem_shared>>
        %dma_start3A_452 = arith.constant 0 : i32
        %dma_start3A_453 = tpu.memref_slice %arg33[%mul3A_443, %dma_start3A_452] : memref<10000x128xf32, #tpu.memory_space<vmem_shared>> -> memref<80x128xf32, #tpu.memory_space<vmem_shared>>
        tpu.enqueue_dma source(%dma_start3A_453 : memref<80x128xf32, #tpu.memory_space<vmem_shared>>) target(%arg28 : memref<80x128xf32, #tpu.memory_space<vmem>>) target_semaphore(%run_scoped3A : memref<!tpu.dma_semaphore, #tpu.memory_space<semaphore_mem>>)
        %dma_wait3A_454 = arith.constant 0 : i32
        %dma_wait3A_455 = tpu.memref_slice %arg33[%mul3A_443, %dma_wait3A_454] : memref<10000x128xf32, #tpu.memory_space<vmem_shared>> -> memref<80x128xf32, #tpu.memory_space<vmem_shared>>
        %dma_wait3A_456 = arith.constant 0 : i32
        %dma_wait3A_457 = tpu.memref_slice %arg33[%mul3A_443, %dma_wait3A_456] : memref<10000x128xf32, #tpu.memory_space<vmem_shared>> -> memref<80x128xf32, #tpu.memory_space<vmem_shared>>
        tpu.wait_dma2 semaphore(%run_scoped3A : memref<!tpu.dma_semaphore, #tpu.memory_space<semaphore_mem>>) src(%dma_wait3A_457 : memref<80x128xf32, #tpu.memory_space<vmem_shared>>) dst(%arg28 : memref<80x128xf32, #tpu.memory_space<vmem>>)
        tpu.yield
      }) : () -> ()
      %dma_start3A_444 = arith.constant 0 : i32
      %dma_start3A_445 = tpu.memref_slice %arg9[%arg0, %mul3A_443, %dma_start3A_444] : memref<2x10000x128xf32, #tpu.memory_space<hbm>> -> memref<1x80x128xf32, #tpu.memory_space<hbm>>
      %dma_start3A_446 = tpu.memref_squeeze %dma_start3A_445 : memref<1x80x128xf32, #tpu.memory_space<hbm>> -> memref<80x128xf32, #tpu.memory_space<hbm>>
      %dma_start3A_447 = arith.constant 0 : i32
      %dma_start3A_448 = tpu.memref_slice %arg9[%arg0, %mul3A_443, %dma_start3A_447] : memref<2x10000x128xf32, #tpu.memory_space<hbm>> -> memref<1x80x128xf32, #tpu.memory_space<hbm>>
      %dma_start3A_449 = tpu.memref_squeeze %dma_start3A_448 : memref<1x80x128xf32, #tpu.memory_space<hbm>> -> memref<80x128xf32, #tpu.memory_space<hbm>>
      tpu.enqueue_dma source(%arg28 : memref<80x128xf32, #tpu.memory_space<vmem>>) target(%dma_start3A_449 : memref<80x128xf32, #tpu.memory_space<hbm>>) target_semaphore(%arg44 : memref<!tpu.dma_semaphore, #tpu.memory_space<semaphore_mem>>)
    } else {
    }
    %add3A_321 = arith.constant 32 : i32
    %add3A_322 = arith.addi %arg1, %add3A_321 : i32
    %lt3A_323 = arith.constant 125 : i32
    %lt3A_324 = arith.cmpi slt, %add3A_322, %lt3A_323 : i32
    %convert_element_type3A_325 = arith.extui %lt3A_324 : i1 to i32
    %cond3A_326 = arith.constant 0 : i32
    %cond3A_327 = arith.cmpi ne, %convert_element_type3A_325, %cond3A_326 : i32
    scf.if %cond3A_327 {
      %mul3A_442 = arith.constant 80 : i32
      %mul3A_443 = arith.muli %add3A_322, %mul3A_442 : i32
      "tpu.region"() ({
        %run_scoped3A = tpu.sem_alloc : memref<!tpu.dma_semaphore, #tpu.memory_space<semaphore_mem>>
        %dma_start3A_450 = arith.constant 0 : i32
        %dma_start3A_451 = tpu.memref_slice %arg33[%mul3A_443, %dma_start3A_450] : memref<10000x128xf32, #tpu.memory_space<vmem_shared>> -> memref<80x128xf32, #tpu.memory_space<vmem_shared>>
        %dma_start3A_452 = arith.constant 0 : i32
        %dma_start3A_453 = tpu.memref_slice %arg33[%mul3A_443, %dma_start3A_452] : memref<10000x128xf32, #tpu.memory_space<vmem_shared>> -> memref<80x128xf32, #tpu.memory_space<vmem_shared>>
        tpu.enqueue_dma source(%dma_start3A_453 : memref<80x128xf32, #tpu.memory_space<vmem_shared>>) target(%arg29 : memref<80x128xf32, #tpu.memory_space<vmem>>) target_semaphore(%run_scoped3A : memref<!tpu.dma_semaphore, #tpu.memory_space<semaphore_mem>>)
        %dma_wait3A_454 = arith.constant 0 : i32
        %dma_wait3A_455 = tpu.memref_slice %arg33[%mul3A_443, %dma_wait3A_454] : memref<10000x128xf32, #tpu.memory_space<vmem_shared>> -> memref<80x128xf32, #tpu.memory_space<vmem_shared>>
        %dma_wait3A_456 = arith.constant 0 : i32
        %dma_wait3A_457 = tpu.memref_slice %arg33[%mul3A_443, %dma_wait3A_456] : memref<10000x128xf32, #tpu.memory_space<vmem_shared>> -> memref<80x128xf32, #tpu.memory_space<vmem_shared>>
        tpu.wait_dma2 semaphore(%run_scoped3A : memref<!tpu.dma_semaphore, #tpu.memory_space<semaphore_mem>>) src(%dma_wait3A_457 : memref<80x128xf32, #tpu.memory_space<vmem_shared>>) dst(%arg29 : memref<80x128xf32, #tpu.memory_space<vmem>>)
        tpu.yield
      }) : () -> ()
      %dma_start3A_444 = arith.constant 0 : i32
      %dma_start3A_445 = tpu.memref_slice %arg9[%arg0, %mul3A_443, %dma_start3A_444] : memref<2x10000x128xf32, #tpu.memory_space<hbm>> -> memref<1x80x128xf32, #tpu.memory_space<hbm>>
      %dma_start3A_446 = tpu.memref_squeeze %dma_start3A_445 : memref<1x80x128xf32, #tpu.memory_space<hbm>> -> memref<80x128xf32, #tpu.memory_space<hbm>>
      %dma_start3A_447 = arith.constant 0 : i32
      %dma_start3A_448 = tpu.memref_slice %arg9[%arg0, %mul3A_443, %dma_start3A_447] : memref<2x10000x128xf32, #tpu.memory_space<hbm>> -> memref<1x80x128xf32, #tpu.memory_space<hbm>>
      %dma_start3A_449 = tpu.memref_squeeze %dma_start3A_448 : memref<1x80x128xf32, #tpu.memory_space<hbm>> -> memref<80x128xf32, #tpu.memory_space<hbm>>
      tpu.enqueue_dma source(%arg29 : memref<80x128xf32, #tpu.memory_space<vmem>>) target(%dma_start3A_449 : memref<80x128xf32, #tpu.memory_space<hbm>>) target_semaphore(%arg45 : memref<!tpu.dma_semaphore, #tpu.memory_space<semaphore_mem>>)
    } else {
    }
    %add3A_328 = arith.constant 48 : i32
    %add3A_329 = arith.addi %arg1, %add3A_328 : i32
    %lt3A_330 = arith.constant 125 : i32
    %lt3A_331 = arith.cmpi slt, %add3A_329, %lt3A_330 : i32
    %convert_element_type3A_332 = arith.extui %lt3A_331 : i1 to i32
    %cond3A_333 = arith.constant 0 : i32
    %cond3A_334 = arith.cmpi ne, %convert_element_type3A_332, %cond3A_333 : i32
    scf.if %cond3A_334 {
      %mul3A_442 = arith.constant 80 : i32
      %mul3A_443 = arith.muli %add3A_329, %mul3A_442 : i32
      "tpu.region"() ({
        %run_scoped3A = tpu.sem_alloc : memref<!tpu.dma_semaphore, #tpu.memory_space<semaphore_mem>>
        %dma_start3A_450 = arith.constant 0 : i32
        %dma_start3A_451 = tpu.memref_slice %arg33[%mul3A_443, %dma_start3A_450] : memref<10000x128xf32, #tpu.memory_space<vmem_shared>> -> memref<80x128xf32, #tpu.memory_space<vmem_shared>>
        %dma_start3A_452 = arith.constant 0 : i32
        %dma_start3A_453 = tpu.memref_slice %arg33[%mul3A_443, %dma_start3A_452] : memref<10000x128xf32, #tpu.memory_space<vmem_shared>> -> memref<80x128xf32, #tpu.memory_space<vmem_shared>>
        tpu.enqueue_dma source(%dma_start3A_453 : memref<80x128xf32, #tpu.memory_space<vmem_shared>>) target(%arg30 : memref<80x128xf32, #tpu.memory_space<vmem>>) target_semaphore(%run_scoped3A : memref<!tpu.dma_semaphore, #tpu.memory_space<semaphore_mem>>)
        %dma_wait3A_454 = arith.constant 0 : i32
        %dma_wait3A_455 = tpu.memref_slice %arg33[%mul3A_443, %dma_wait3A_454] : memref<10000x128xf32, #tpu.memory_space<vmem_shared>> -> memref<80x128xf32, #tpu.memory_space<vmem_shared>>
        %dma_wait3A_456 = arith.constant 0 : i32
        %dma_wait3A_457 = tpu.memref_slice %arg33[%mul3A_443, %dma_wait3A_456] : memref<10000x128xf32, #tpu.memory_space<vmem_shared>> -> memref<80x128xf32, #tpu.memory_space<vmem_shared>>
        tpu.wait_dma2 semaphore(%run_scoped3A : memref<!tpu.dma_semaphore, #tpu.memory_space<semaphore_mem>>) src(%dma_wait3A_457 : memref<80x128xf32, #tpu.memory_space<vmem_shared>>) dst(%arg30 : memref<80x128xf32, #tpu.memory_space<vmem>>)
        tpu.yield
      }) : () -> ()
      %dma_start3A_444 = arith.constant 0 : i32
      %dma_start3A_445 = tpu.memref_slice %arg9[%arg0, %mul3A_443, %dma_start3A_444] : memref<2x10000x128xf32, #tpu.memory_space<hbm>> -> memref<1x80x128xf32, #tpu.memory_space<hbm>>
      %dma_start3A_446 = tpu.memref_squeeze %dma_start3A_445 : memref<1x80x128xf32, #tpu.memory_space<hbm>> -> memref<80x128xf32, #tpu.memory_space<hbm>>
      %dma_start3A_447 = arith.constant 0 : i32
      %dma_start3A_448 = tpu.memref_slice %arg9[%arg0, %mul3A_443, %dma_start3A_447] : memref<2x10000x128xf32, #tpu.memory_space<hbm>> -> memref<1x80x128xf32, #tpu.memory_space<hbm>>
      %dma_start3A_449 = tpu.memref_squeeze %dma_start3A_448 : memref<1x80x128xf32, #tpu.memory_space<hbm>> -> memref<80x128xf32, #tpu.memory_space<hbm>>
      tpu.enqueue_dma source(%arg30 : memref<80x128xf32, #tpu.memory_space<vmem>>) target(%dma_start3A_449 : memref<80x128xf32, #tpu.memory_space<hbm>>) target_semaphore(%arg46 : memref<!tpu.dma_semaphore, #tpu.memory_space<semaphore_mem>>)
    } else {
    }
    %add3A_335 = arith.constant 64 : i32
    %add3A_336 = arith.addi %arg1, %add3A_335 : i32
    %lt3A_337 = arith.constant 125 : i32
    %lt3A_338 = arith.cmpi slt, %add3A_336, %lt3A_337 : i32
    %convert_element_type3A_339 = arith.extui %lt3A_338 : i1 to i32
    %cond3A_340 = arith.constant 0 : i32
    %cond3A_341 = arith.cmpi ne, %convert_element_type3A_339, %cond3A_340 : i32
    scf.if %cond3A_341 {
      %sub3A_442 = arith.constant 64 : i32
      %sub3A_443 = arith.subi %add3A_336, %sub3A_442 : i32
      %mul3A_444 = arith.constant 80 : i32
      %mul3A_445 = arith.muli %sub3A_443, %mul3A_444 : i32
      %dma_wait3A_446 = arith.constant 0 : i32
      %dma_wait3A_447 = tpu.memref_slice %arg9[%arg0, %mul3A_445, %dma_wait3A_446] : memref<2x10000x128xf32, #tpu.memory_space<hbm>> -> memref<1x80x128xf32, #tpu.memory_space<hbm>>
      %dma_wait3A_448 = tpu.memref_squeeze %dma_wait3A_447 : memref<1x80x128xf32, #tpu.memory_space<hbm>> -> memref<80x128xf32, #tpu.memory_space<hbm>>
      %dma_wait3A_449 = arith.constant 0 : i32
      %dma_wait3A_450 = tpu.memref_slice %arg9[%arg0, %mul3A_445, %dma_wait3A_449] : memref<2x10000x128xf32, #tpu.memory_space<hbm>> -> memref<1x80x128xf32, #tpu.memory_space<hbm>>
      %dma_wait3A_451 = tpu.memref_squeeze %dma_wait3A_450 : memref<1x80x128xf32, #tpu.memory_space<hbm>> -> memref<80x128xf32, #tpu.memory_space<hbm>>
      tpu.wait_dma2 semaphore(%arg43 : memref<!tpu.dma_semaphore, #tpu.memory_space<semaphore_mem>>) src(%arg27 : memref<80x128xf32, #tpu.memory_space<vmem>>) dst(%dma_wait3A_451 : memref<80x128xf32, #tpu.memory_space<hbm>>)
      %mul3A_452 = arith.constant 80 : i32
      %mul3A_453 = arith.muli %add3A_336, %mul3A_452 : i32
      "tpu.region"() ({
        %run_scoped3A = tpu.sem_alloc : memref<!tpu.dma_semaphore, #tpu.memory_space<semaphore_mem>>
        %dma_start3A_460 = arith.constant 0 : i32
        %dma_start3A_461 = tpu.memref_slice %arg33[%mul3A_453, %dma_start3A_460] : memref<10000x128xf32, #tpu.memory_space<vmem_shared>> -> memref<80x128xf32, #tpu.memory_space<vmem_shared>>
        %dma_start3A_462 = arith.constant 0 : i32
        %dma_start3A_463 = tpu.memref_slice %arg33[%mul3A_453, %dma_start3A_462] : memref<10000x128xf32, #tpu.memory_space<vmem_shared>> -> memref<80x128xf32, #tpu.memory_space<vmem_shared>>
        tpu.enqueue_dma source(%dma_start3A_463 : memref<80x128xf32, #tpu.memory_space<vmem_shared>>) target(%arg27 : memref<80x128xf32, #tpu.memory_space<vmem>>) target_semaphore(%run_scoped3A : memref<!tpu.dma_semaphore, #tpu.memory_space<semaphore_mem>>)
        %dma_wait3A_464 = arith.constant 0 : i32
        %dma_wait3A_465 = tpu.memref_slice %arg33[%mul3A_453, %dma_wait3A_464] : memref<10000x128xf32, #tpu.memory_space<vmem_shared>> -> memref<80x128xf32, #tpu.memory_space<vmem_shared>>
        %dma_wait3A_466 = arith.constant 0 : i32
        %dma_wait3A_467 = tpu.memref_slice %arg33[%mul3A_453, %dma_wait3A_466] : memref<10000x128xf32, #tpu.memory_space<vmem_shared>> -> memref<80x128xf32, #tpu.memory_space<vmem_shared>>
        tpu.wait_dma2 semaphore(%run_scoped3A : memref<!tpu.dma_semaphore, #tpu.memory_space<semaphore_mem>>) src(%dma_wait3A_467 : memref<80x128xf32, #tpu.memory_space<vmem_shared>>) dst(%arg27 : memref<80x128xf32, #tpu.memory_space<vmem>>)
        tpu.yield
      }) : () -> ()
      %dma_start3A_454 = arith.constant 0 : i32
      %dma_start3A_455 = tpu.memref_slice %arg9[%arg0, %mul3A_453, %dma_start3A_454] : memref<2x10000x128xf32, #tpu.memory_space<hbm>> -> memref<1x80x128xf32, #tpu.memory_space<hbm>>
      %dma_start3A_456 = tpu.memref_squeeze %dma_start3A_455 : memref<1x80x128xf32, #tpu.memory_space<hbm>> -> memref<80x128xf32, #tpu.memory_space<hbm>>
      %dma_start3A_457 = arith.constant 0 : i32
      %dma_start3A_458 = tpu.memref_slice %arg9[%arg0, %mul3A_453, %dma_start3A_457] : memref<2x10000x128xf32, #tpu.memory_space<hbm>> -> memref<1x80x128xf32, #tpu.memory_space<hbm>>
      %dma_start3A_459 = tpu.memref_squeeze %dma_start3A_458 : memref<1x80x128xf32, #tpu.memory_space<hbm>> -> memref<80x128xf32, #tpu.memory_space<hbm>>
      tpu.enqueue_dma source(%arg27 : memref<80x128xf32, #tpu.memory_space<vmem>>) target(%dma_start3A_459 : memref<80x128xf32, #tpu.memory_space<hbm>>) target_semaphore(%arg43 : memref<!tpu.dma_semaphore, #tpu.memory_space<semaphore_mem>>)
    } else {
    }
    %add3A_342 = arith.constant 80 : i32
    %add3A_343 = arith.addi %arg1, %add3A_342 : i32
    %lt3A_344 = arith.constant 125 : i32
    %lt3A_345 = arith.cmpi slt, %add3A_343, %lt3A_344 : i32
    %convert_element_type3A_346 = arith.extui %lt3A_345 : i1 to i32
    %cond3A_347 = arith.constant 0 : i32
    %cond3A_348 = arith.cmpi ne, %convert_element_type3A_346, %cond3A_347 : i32
    scf.if %cond3A_348 {
      %sub3A_442 = arith.constant 64 : i32
      %sub3A_443 = arith.subi %add3A_343, %sub3A_442 : i32
      %mul3A_444 = arith.constant 80 : i32
      %mul3A_445 = arith.muli %sub3A_443, %mul3A_444 : i32
      %dma_wait3A_446 = arith.constant 0 : i32
      %dma_wait3A_447 = tpu.memref_slice %arg9[%arg0, %mul3A_445, %dma_wait3A_446] : memref<2x10000x128xf32, #tpu.memory_space<hbm>> -> memref<1x80x128xf32, #tpu.memory_space<hbm>>
      %dma_wait3A_448 = tpu.memref_squeeze %dma_wait3A_447 : memref<1x80x128xf32, #tpu.memory_space<hbm>> -> memref<80x128xf32, #tpu.memory_space<hbm>>
      %dma_wait3A_449 = arith.constant 0 : i32
      %dma_wait3A_450 = tpu.memref_slice %arg9[%arg0, %mul3A_445, %dma_wait3A_449] : memref<2x10000x128xf32, #tpu.memory_space<hbm>> -> memref<1x80x128xf32, #tpu.memory_space<hbm>>
      %dma_wait3A_451 = tpu.memref_squeeze %dma_wait3A_450 : memref<1x80x128xf32, #tpu.memory_space<hbm>> -> memref<80x128xf32, #tpu.memory_space<hbm>>
      tpu.wait_dma2 semaphore(%arg44 : memref<!tpu.dma_semaphore, #tpu.memory_space<semaphore_mem>>) src(%arg28 : memref<80x128xf32, #tpu.memory_space<vmem>>) dst(%dma_wait3A_451 : memref<80x128xf32, #tpu.memory_space<hbm>>)
      %mul3A_452 = arith.constant 80 : i32
      %mul3A_453 = arith.muli %add3A_343, %mul3A_452 : i32
      "tpu.region"() ({
        %run_scoped3A = tpu.sem_alloc : memref<!tpu.dma_semaphore, #tpu.memory_space<semaphore_mem>>
        %dma_start3A_460 = arith.constant 0 : i32
        %dma_start3A_461 = tpu.memref_slice %arg33[%mul3A_453, %dma_start3A_460] : memref<10000x128xf32, #tpu.memory_space<vmem_shared>> -> memref<80x128xf32, #tpu.memory_space<vmem_shared>>
        %dma_start3A_462 = arith.constant 0 : i32
        %dma_start3A_463 = tpu.memref_slice %arg33[%mul3A_453, %dma_start3A_462] : memref<10000x128xf32, #tpu.memory_space<vmem_shared>> -> memref<80x128xf32, #tpu.memory_space<vmem_shared>>
        tpu.enqueue_dma source(%dma_start3A_463 : memref<80x128xf32, #tpu.memory_space<vmem_shared>>) target(%arg28 : memref<80x128xf32, #tpu.memory_space<vmem>>) target_semaphore(%run_scoped3A : memref<!tpu.dma_semaphore, #tpu.memory_space<semaphore_mem>>)
        %dma_wait3A_464 = arith.constant 0 : i32
        %dma_wait3A_465 = tpu.memref_slice %arg33[%mul3A_453, %dma_wait3A_464] : memref<10000x128xf32, #tpu.memory_space<vmem_shared>> -> memref<80x128xf32, #tpu.memory_space<vmem_shared>>
        %dma_wait3A_466 = arith.constant 0 : i32
        %dma_wait3A_467 = tpu.memref_slice %arg33[%mul3A_453, %dma_wait3A_466] : memref<10000x128xf32, #tpu.memory_space<vmem_shared>> -> memref<80x128xf32, #tpu.memory_space<vmem_shared>>
        tpu.wait_dma2 semaphore(%run_scoped3A : memref<!tpu.dma_semaphore, #tpu.memory_space<semaphore_mem>>) src(%dma_wait3A_467 : memref<80x128xf32, #tpu.memory_space<vmem_shared>>) dst(%arg28 : memref<80x128xf32, #tpu.memory_space<vmem>>)
        tpu.yield
      }) : () -> ()
      %dma_start3A_454 = arith.constant 0 : i32
      %dma_start3A_455 = tpu.memref_slice %arg9[%arg0, %mul3A_453, %dma_start3A_454] : memref<2x10000x128xf32, #tpu.memory_space<hbm>> -> memref<1x80x128xf32, #tpu.memory_space<hbm>>
      %dma_start3A_456 = tpu.memref_squeeze %dma_start3A_455 : memref<1x80x128xf32, #tpu.memory_space<hbm>> -> memref<80x128xf32, #tpu.memory_space<hbm>>
      %dma_start3A_457 = arith.constant 0 : i32
      %dma_start3A_458 = tpu.memref_slice %arg9[%arg0, %mul3A_453, %dma_start3A_457] : memref<2x10000x128xf32, #tpu.memory_space<hbm>> -> memref<1x80x128xf32, #tpu.memory_space<hbm>>
      %dma_start3A_459 = tpu.memref_squeeze %dma_start3A_458 : memref<1x80x128xf32, #tpu.memory_space<hbm>> -> memref<80x128xf32, #tpu.memory_space<hbm>>
      tpu.enqueue_dma source(%arg28 : memref<80x128xf32, #tpu.memory_space<vmem>>) target(%dma_start3A_459 : memref<80x128xf32, #tpu.memory_space<hbm>>) target_semaphore(%arg44 : memref<!tpu.dma_semaphore, #tpu.memory_space<semaphore_mem>>)
    } else {
    }
    %add3A_349 = arith.constant 96 : i32
    %add3A_350 = arith.addi %arg1, %add3A_349 : i32
    %lt3A_351 = arith.constant 125 : i32
    %lt3A_352 = arith.cmpi slt, %add3A_350, %lt3A_351 : i32
    %convert_element_type3A_353 = arith.extui %lt3A_352 : i1 to i32
    %cond3A_354 = arith.constant 0 : i32
    %cond3A_355 = arith.cmpi ne, %convert_element_type3A_353, %cond3A_354 : i32
    scf.if %cond3A_355 {
      %sub3A_442 = arith.constant 64 : i32
      %sub3A_443 = arith.subi %add3A_350, %sub3A_442 : i32
      %mul3A_444 = arith.constant 80 : i32
      %mul3A_445 = arith.muli %sub3A_443, %mul3A_444 : i32
      %dma_wait3A_446 = arith.constant 0 : i32
      %dma_wait3A_447 = tpu.memref_slice %arg9[%arg0, %mul3A_445, %dma_wait3A_446] : memref<2x10000x128xf32, #tpu.memory_space<hbm>> -> memref<1x80x128xf32, #tpu.memory_space<hbm>>
      %dma_wait3A_448 = tpu.memref_squeeze %dma_wait3A_447 : memref<1x80x128xf32, #tpu.memory_space<hbm>> -> memref<80x128xf32, #tpu.memory_space<hbm>>
      %dma_wait3A_449 = arith.constant 0 : i32
      %dma_wait3A_450 = tpu.memref_slice %arg9[%arg0, %mul3A_445, %dma_wait3A_449] : memref<2x10000x128xf32, #tpu.memory_space<hbm>> -> memref<1x80x128xf32, #tpu.memory_space<hbm>>
      %dma_wait3A_451 = tpu.memref_squeeze %dma_wait3A_450 : memref<1x80x128xf32, #tpu.memory_space<hbm>> -> memref<80x128xf32, #tpu.memory_space<hbm>>
      tpu.wait_dma2 semaphore(%arg45 : memref<!tpu.dma_semaphore, #tpu.memory_space<semaphore_mem>>) src(%arg29 : memref<80x128xf32, #tpu.memory_space<vmem>>) dst(%dma_wait3A_451 : memref<80x128xf32, #tpu.memory_space<hbm>>)
      %mul3A_452 = arith.constant 80 : i32
      %mul3A_453 = arith.muli %add3A_350, %mul3A_452 : i32
      "tpu.region"() ({
        %run_scoped3A = tpu.sem_alloc : memref<!tpu.dma_semaphore, #tpu.memory_space<semaphore_mem>>
        %dma_start3A_460 = arith.constant 0 : i32
        %dma_start3A_461 = tpu.memref_slice %arg33[%mul3A_453, %dma_start3A_460] : memref<10000x128xf32, #tpu.memory_space<vmem_shared>> -> memref<80x128xf32, #tpu.memory_space<vmem_shared>>
        %dma_start3A_462 = arith.constant 0 : i32
        %dma_start3A_463 = tpu.memref_slice %arg33[%mul3A_453, %dma_start3A_462] : memref<10000x128xf32, #tpu.memory_space<vmem_shared>> -> memref<80x128xf32, #tpu.memory_space<vmem_shared>>
        tpu.enqueue_dma source(%dma_start3A_463 : memref<80x128xf32, #tpu.memory_space<vmem_shared>>) target(%arg29 : memref<80x128xf32, #tpu.memory_space<vmem>>) target_semaphore(%run_scoped3A : memref<!tpu.dma_semaphore, #tpu.memory_space<semaphore_mem>>)
        %dma_wait3A_464 = arith.constant 0 : i32
        %dma_wait3A_465 = tpu.memref_slice %arg33[%mul3A_453, %dma_wait3A_464] : memref<10000x128xf32, #tpu.memory_space<vmem_shared>> -> memref<80x128xf32, #tpu.memory_space<vmem_shared>>
        %dma_wait3A_466 = arith.constant 0 : i32
        %dma_wait3A_467 = tpu.memref_slice %arg33[%mul3A_453, %dma_wait3A_466] : memref<10000x128xf32, #tpu.memory_space<vmem_shared>> -> memref<80x128xf32, #tpu.memory_space<vmem_shared>>
        tpu.wait_dma2 semaphore(%run_scoped3A : memref<!tpu.dma_semaphore, #tpu.memory_space<semaphore_mem>>) src(%dma_wait3A_467 : memref<80x128xf32, #tpu.memory_space<vmem_shared>>) dst(%arg29 : memref<80x128xf32, #tpu.memory_space<vmem>>)
        tpu.yield
      }) : () -> ()
      %dma_start3A_454 = arith.constant 0 : i32
      %dma_start3A_455 = tpu.memref_slice %arg9[%arg0, %mul3A_453, %dma_start3A_454] : memref<2x10000x128xf32, #tpu.memory_space<hbm>> -> memref<1x80x128xf32, #tpu.memory_space<hbm>>
      %dma_start3A_456 = tpu.memref_squeeze %dma_start3A_455 : memref<1x80x128xf32, #tpu.memory_space<hbm>> -> memref<80x128xf32, #tpu.memory_space<hbm>>
      %dma_start3A_457 = arith.constant 0 : i32
      %dma_start3A_458 = tpu.memref_slice %arg9[%arg0, %mul3A_453, %dma_start3A_457] : memref<2x10000x128xf32, #tpu.memory_space<hbm>> -> memref<1x80x128xf32, #tpu.memory_space<hbm>>
      %dma_start3A_459 = tpu.memref_squeeze %dma_start3A_458 : memref<1x80x128xf32, #tpu.memory_space<hbm>> -> memref<80x128xf32, #tpu.memory_space<hbm>>
      tpu.enqueue_dma source(%arg29 : memref<80x128xf32, #tpu.memory_space<vmem>>) target(%dma_start3A_459 : memref<80x128xf32, #tpu.memory_space<hbm>>) target_semaphore(%arg45 : memref<!tpu.dma_semaphore, #tpu.memory_space<semaphore_mem>>)
    } else {
    }
    %add3A_356 = arith.constant 112 : i32
    %add3A_357 = arith.addi %arg1, %add3A_356 : i32
    %lt3A_358 = arith.constant 125 : i32
    %lt3A_359 = arith.cmpi slt, %add3A_357, %lt3A_358 : i32
    %convert_element_type3A_360 = arith.extui %lt3A_359 : i1 to i32
    %cond3A_361 = arith.constant 0 : i32
    %cond3A_362 = arith.cmpi ne, %convert_element_type3A_360, %cond3A_361 : i32
    scf.if %cond3A_362 {
      %sub3A_442 = arith.constant 64 : i32
      %sub3A_443 = arith.subi %add3A_357, %sub3A_442 : i32
      %mul3A_444 = arith.constant 80 : i32
      %mul3A_445 = arith.muli %sub3A_443, %mul3A_444 : i32
      %dma_wait3A_446 = arith.constant 0 : i32
      %dma_wait3A_447 = tpu.memref_slice %arg9[%arg0, %mul3A_445, %dma_wait3A_446] : memref<2x10000x128xf32, #tpu.memory_space<hbm>> -> memref<1x80x128xf32, #tpu.memory_space<hbm>>
      %dma_wait3A_448 = tpu.memref_squeeze %dma_wait3A_447 : memref<1x80x128xf32, #tpu.memory_space<hbm>> -> memref<80x128xf32, #tpu.memory_space<hbm>>
      %dma_wait3A_449 = arith.constant 0 : i32
      %dma_wait3A_450 = tpu.memref_slice %arg9[%arg0, %mul3A_445, %dma_wait3A_449] : memref<2x10000x128xf32, #tpu.memory_space<hbm>> -> memref<1x80x128xf32, #tpu.memory_space<hbm>>
      %dma_wait3A_451 = tpu.memref_squeeze %dma_wait3A_450 : memref<1x80x128xf32, #tpu.memory_space<hbm>> -> memref<80x128xf32, #tpu.memory_space<hbm>>
      tpu.wait_dma2 semaphore(%arg46 : memref<!tpu.dma_semaphore, #tpu.memory_space<semaphore_mem>>) src(%arg30 : memref<80x128xf32, #tpu.memory_space<vmem>>) dst(%dma_wait3A_451 : memref<80x128xf32, #tpu.memory_space<hbm>>)
      %mul3A_452 = arith.constant 80 : i32
      %mul3A_453 = arith.muli %add3A_357, %mul3A_452 : i32
      "tpu.region"() ({
        %run_scoped3A = tpu.sem_alloc : memref<!tpu.dma_semaphore, #tpu.memory_space<semaphore_mem>>
        %dma_start3A_460 = arith.constant 0 : i32
        %dma_start3A_461 = tpu.memref_slice %arg33[%mul3A_453, %dma_start3A_460] : memref<10000x128xf32, #tpu.memory_space<vmem_shared>> -> memref<80x128xf32, #tpu.memory_space<vmem_shared>>
        %dma_start3A_462 = arith.constant 0 : i32
        %dma_start3A_463 = tpu.memref_slice %arg33[%mul3A_453, %dma_start3A_462] : memref<10000x128xf32, #tpu.memory_space<vmem_shared>> -> memref<80x128xf32, #tpu.memory_space<vmem_shared>>
        tpu.enqueue_dma source(%dma_start3A_463 : memref<80x128xf32, #tpu.memory_space<vmem_shared>>) target(%arg30 : memref<80x128xf32, #tpu.memory_space<vmem>>) target_semaphore(%run_scoped3A : memref<!tpu.dma_semaphore, #tpu.memory_space<semaphore_mem>>)
        %dma_wait3A_464 = arith.constant 0 : i32
        %dma_wait3A_465 = tpu.memref_slice %arg33[%mul3A_453, %dma_wait3A_464] : memref<10000x128xf32, #tpu.memory_space<vmem_shared>> -> memref<80x128xf32, #tpu.memory_space<vmem_shared>>
        %dma_wait3A_466 = arith.constant 0 : i32
        %dma_wait3A_467 = tpu.memref_slice %arg33[%mul3A_453, %dma_wait3A_466] : memref<10000x128xf32, #tpu.memory_space<vmem_shared>> -> memref<80x128xf32, #tpu.memory_space<vmem_shared>>
        tpu.wait_dma2 semaphore(%run_scoped3A : memref<!tpu.dma_semaphore, #tpu.memory_space<semaphore_mem>>) src(%dma_wait3A_467 : memref<80x128xf32, #tpu.memory_space<vmem_shared>>) dst(%arg30 : memref<80x128xf32, #tpu.memory_space<vmem>>)
        tpu.yield
      }) : () -> ()
      %dma_start3A_454 = arith.constant 0 : i32
      %dma_start3A_455 = tpu.memref_slice %arg9[%arg0, %mul3A_453, %dma_start3A_454] : memref<2x10000x128xf32, #tpu.memory_space<hbm>> -> memref<1x80x128xf32, #tpu.memory_space<hbm>>
      %dma_start3A_456 = tpu.memref_squeeze %dma_start3A_455 : memref<1x80x128xf32, #tpu.memory_space<hbm>> -> memref<80x128xf32, #tpu.memory_space<hbm>>
      %dma_start3A_457 = arith.constant 0 : i32
      %dma_start3A_458 = tpu.memref_slice %arg9[%arg0, %mul3A_453, %dma_start3A_457] : memref<2x10000x128xf32, #tpu.memory_space<hbm>> -> memref<1x80x128xf32, #tpu.memory_space<hbm>>
      %dma_start3A_459 = tpu.memref_squeeze %dma_start3A_458 : memref<1x80x128xf32, #tpu.memory_space<hbm>> -> memref<80x128xf32, #tpu.memory_space<hbm>>
      tpu.enqueue_dma source(%arg30 : memref<80x128xf32, #tpu.memory_space<vmem>>) target(%dma_start3A_459 : memref<80x128xf32, #tpu.memory_space<hbm>>) target_semaphore(%arg46 : memref<!tpu.dma_semaphore, #tpu.memory_space<semaphore_mem>>)
    } else {
    }
    %add3A_363 = arith.constant 64 : i32
    %add3A_364 = arith.addi %arg1, %add3A_363 : i32
    %lt3A_365 = arith.constant 125 : i32
    %lt3A_366 = arith.cmpi slt, %add3A_364, %lt3A_365 : i32
    %convert_element_type3A_367 = arith.extui %lt3A_366 : i1 to i32
    %cond3A_368 = arith.constant 0 : i32
    %cond3A_369 = arith.cmpi ne, %convert_element_type3A_367, %cond3A_368 : i32
    scf.if %cond3A_369 {
      %mul3A_442 = arith.constant 80 : i32
      %mul3A_443 = arith.muli %add3A_364, %mul3A_442 : i32
      %dma_wait3A_444 = arith.constant 0 : i32
      %dma_wait3A_445 = tpu.memref_slice %arg9[%arg0, %mul3A_443, %dma_wait3A_444] : memref<2x10000x128xf32, #tpu.memory_space<hbm>> -> memref<1x80x128xf32, #tpu.memory_space<hbm>>
      %dma_wait3A_446 = tpu.memref_squeeze %dma_wait3A_445 : memref<1x80x128xf32, #tpu.memory_space<hbm>> -> memref<80x128xf32, #tpu.memory_space<hbm>>
      %dma_wait3A_447 = arith.constant 0 : i32
      %dma_wait3A_448 = tpu.memref_slice %arg9[%arg0, %mul3A_443, %dma_wait3A_447] : memref<2x10000x128xf32, #tpu.memory_space<hbm>> -> memref<1x80x128xf32, #tpu.memory_space<hbm>>
      %dma_wait3A_449 = tpu.memref_squeeze %dma_wait3A_448 : memref<1x80x128xf32, #tpu.memory_space<hbm>> -> memref<80x128xf32, #tpu.memory_space<hbm>>
      tpu.wait_dma2 semaphore(%arg43 : memref<!tpu.dma_semaphore, #tpu.memory_space<semaphore_mem>>) src(%arg27 : memref<80x128xf32, #tpu.memory_space<vmem>>) dst(%dma_wait3A_449 : memref<80x128xf32, #tpu.memory_space<hbm>>)
    } else {
    }
    %add3A_370 = arith.constant 80 : i32
    %add3A_371 = arith.addi %arg1, %add3A_370 : i32
    %lt3A_372 = arith.constant 125 : i32
    %lt3A_373 = arith.cmpi slt, %add3A_371, %lt3A_372 : i32
    %convert_element_type3A_374 = arith.extui %lt3A_373 : i1 to i32
    %cond3A_375 = arith.constant 0 : i32
    %cond3A_376 = arith.cmpi ne, %convert_element_type3A_374, %cond3A_375 : i32
    scf.if %cond3A_376 {
      %mul3A_442 = arith.constant 80 : i32
      %mul3A_443 = arith.muli %add3A_371, %mul3A_442 : i32
      %dma_wait3A_444 = arith.constant 0 : i32
      %dma_wait3A_445 = tpu.memref_slice %arg9[%arg0, %mul3A_443, %dma_wait3A_444] : memref<2x10000x128xf32, #tpu.memory_space<hbm>> -> memref<1x80x128xf32, #tpu.memory_space<hbm>>
      %dma_wait3A_446 = tpu.memref_squeeze %dma_wait3A_445 : memref<1x80x128xf32, #tpu.memory_space<hbm>> -> memref<80x128xf32, #tpu.memory_space<hbm>>
      %dma_wait3A_447 = arith.constant 0 : i32
      %dma_wait3A_448 = tpu.memref_slice %arg9[%arg0, %mul3A_443, %dma_wait3A_447] : memref<2x10000x128xf32, #tpu.memory_space<hbm>> -> memref<1x80x128xf32, #tpu.memory_space<hbm>>
      %dma_wait3A_449 = tpu.memref_squeeze %dma_wait3A_448 : memref<1x80x128xf32, #tpu.memory_space<hbm>> -> memref<80x128xf32, #tpu.memory_space<hbm>>
      tpu.wait_dma2 semaphore(%arg44 : memref<!tpu.dma_semaphore, #tpu.memory_space<semaphore_mem>>) src(%arg28 : memref<80x128xf32, #tpu.memory_space<vmem>>) dst(%dma_wait3A_449 : memref<80x128xf32, #tpu.memory_space<hbm>>)
    } else {
    }
    %add3A_377 = arith.constant 96 : i32
    %add3A_378 = arith.addi %arg1, %add3A_377 : i32
    %lt3A_379 = arith.constant 125 : i32
    %lt3A_380 = arith.cmpi slt, %add3A_378, %lt3A_379 : i32
    %convert_element_type3A_381 = arith.extui %lt3A_380 : i1 to i32
    %cond3A_382 = arith.constant 0 : i32
    %cond3A_383 = arith.cmpi ne, %convert_element_type3A_381, %cond3A_382 : i32
    scf.if %cond3A_383 {
      %mul3A_442 = arith.constant 80 : i32
      %mul3A_443 = arith.muli %add3A_378, %mul3A_442 : i32
      %dma_wait3A_444 = arith.constant 0 : i32
      %dma_wait3A_445 = tpu.memref_slice %arg9[%arg0, %mul3A_443, %dma_wait3A_444] : memref<2x10000x128xf32, #tpu.memory_space<hbm>> -> memref<1x80x128xf32, #tpu.memory_space<hbm>>
      %dma_wait3A_446 = tpu.memref_squeeze %dma_wait3A_445 : memref<1x80x128xf32, #tpu.memory_space<hbm>> -> memref<80x128xf32, #tpu.memory_space<hbm>>
      %dma_wait3A_447 = arith.constant 0 : i32
      %dma_wait3A_448 = tpu.memref_slice %arg9[%arg0, %mul3A_443, %dma_wait3A_447] : memref<2x10000x128xf32, #tpu.memory_space<hbm>> -> memref<1x80x128xf32, #tpu.memory_space<hbm>>
      %dma_wait3A_449 = tpu.memref_squeeze %dma_wait3A_448 : memref<1x80x128xf32, #tpu.memory_space<hbm>> -> memref<80x128xf32, #tpu.memory_space<hbm>>
      tpu.wait_dma2 semaphore(%arg45 : memref<!tpu.dma_semaphore, #tpu.memory_space<semaphore_mem>>) src(%arg29 : memref<80x128xf32, #tpu.memory_space<vmem>>) dst(%dma_wait3A_449 : memref<80x128xf32, #tpu.memory_space<hbm>>)
    } else {
    }
    %add3A_384 = arith.constant 112 : i32
    %add3A_385 = arith.addi %arg1, %add3A_384 : i32
    %lt3A_386 = arith.constant 125 : i32
    %lt3A_387 = arith.cmpi slt, %add3A_385, %lt3A_386 : i32
    %convert_element_type3A_388 = arith.extui %lt3A_387 : i1 to i32
    %cond3A_389 = arith.constant 0 : i32
    %cond3A_390 = arith.cmpi ne, %convert_element_type3A_388, %cond3A_389 : i32
    scf.if %cond3A_390 {
      %mul3A_442 = arith.constant 80 : i32
      %mul3A_443 = arith.muli %add3A_385, %mul3A_442 : i32
      %dma_wait3A_444 = arith.constant 0 : i32
      %dma_wait3A_445 = tpu.memref_slice %arg9[%arg0, %mul3A_443, %dma_wait3A_444] : memref<2x10000x128xf32, #tpu.memory_space<hbm>> -> memref<1x80x128xf32, #tpu.memory_space<hbm>>
      %dma_wait3A_446 = tpu.memref_squeeze %dma_wait3A_445 : memref<1x80x128xf32, #tpu.memory_space<hbm>> -> memref<80x128xf32, #tpu.memory_space<hbm>>
      %dma_wait3A_447 = arith.constant 0 : i32
      %dma_wait3A_448 = tpu.memref_slice %arg9[%arg0, %mul3A_443, %dma_wait3A_447] : memref<2x10000x128xf32, #tpu.memory_space<hbm>> -> memref<1x80x128xf32, #tpu.memory_space<hbm>>
      %dma_wait3A_449 = tpu.memref_squeeze %dma_wait3A_448 : memref<1x80x128xf32, #tpu.memory_space<hbm>> -> memref<80x128xf32, #tpu.memory_space<hbm>>
      tpu.wait_dma2 semaphore(%arg46 : memref<!tpu.dma_semaphore, #tpu.memory_space<semaphore_mem>>) src(%arg30 : memref<80x128xf32, #tpu.memory_space<vmem>>) dst(%dma_wait3A_449 : memref<80x128xf32, #tpu.memory_space<hbm>>)
    } else {
    }
    %add3A_391 = arith.constant 0 : i32
    %add3A_392 = arith.addi %arg1, %add3A_391 : i32
    %lt3A_393 = arith.constant 125 : i32
    %lt3A_394 = arith.cmpi slt, %add3A_392, %lt3A_393 : i32
    %add3A_395 = arith.constant 64 : i32
    %add3A_396 = arith.addi %add3A_392, %add3A_395 : i32
    %ge3A = arith.constant 125 : i32
    %ge3A_397 = arith.cmpi sge, %add3A_396, %ge3A : i32
    %and3A = arith.andi %lt3A_394, %ge3A_397 : i1
    %convert_element_type3A_398 = arith.extui %and3A : i1 to i32
    %cond3A_399 = arith.constant 0 : i32
    %cond3A_400 = arith.cmpi ne, %convert_element_type3A_398, %cond3A_399 : i32
    scf.if %cond3A_400 {
      %mul3A_442 = arith.constant 80 : i32
      %mul3A_443 = arith.muli %add3A_392, %mul3A_442 : i32
      %dma_wait3A_444 = arith.constant 0 : i32
      %dma_wait3A_445 = tpu.memref_slice %arg9[%arg0, %mul3A_443, %dma_wait3A_444] : memref<2x10000x128xf32, #tpu.memory_space<hbm>> -> memref<1x80x128xf32, #tpu.memory_space<hbm>>
      %dma_wait3A_446 = tpu.memref_squeeze %dma_wait3A_445 : memref<1x80x128xf32, #tpu.memory_space<hbm>> -> memref<80x128xf32, #tpu.memory_space<hbm>>
      %dma_wait3A_447 = arith.constant 0 : i32
      %dma_wait3A_448 = tpu.memref_slice %arg9[%arg0, %mul3A_443, %dma_wait3A_447] : memref<2x10000x128xf32, #tpu.memory_space<hbm>> -> memref<1x80x128xf32, #tpu.memory_space<hbm>>
      %dma_wait3A_449 = tpu.memref_squeeze %dma_wait3A_448 : memref<1x80x128xf32, #tpu.memory_space<hbm>> -> memref<80x128xf32, #tpu.memory_space<hbm>>
      tpu.wait_dma2 semaphore(%arg43 : memref<!tpu.dma_semaphore, #tpu.memory_space<semaphore_mem>>) src(%arg27 : memref<80x128xf32, #tpu.memory_space<vmem>>) dst(%dma_wait3A_449 : memref<80x128xf32, #tpu.memory_space<hbm>>)
    } else {
    }
    %add3A_401 = arith.constant 16 : i32
    %add3A_402 = arith.addi %arg1, %add3A_401 : i32
    %lt3A_403 = arith.constant 125 : i32
    %lt3A_404 = arith.cmpi slt, %add3A_402, %lt3A_403 : i32
    %add3A_405 = arith.constant 64 : i32
    %add3A_406 = arith.addi %add3A_402, %add3A_405 : i32
    %ge3A_407 = arith.constant 125 : i32
    %ge3A_408 = arith.cmpi sge, %add3A_406, %ge3A_407 : i32
    %and3A_409 = arith.andi %lt3A_404, %ge3A_408 : i1
    %convert_element_type3A_410 = arith.extui %and3A_409 : i1 to i32
    %cond3A_411 = arith.constant 0 : i32
    %cond3A_412 = arith.cmpi ne, %convert_element_type3A_410, %cond3A_411 : i32
    scf.if %cond3A_412 {
      %mul3A_442 = arith.constant 80 : i32
      %mul3A_443 = arith.muli %add3A_402, %mul3A_442 : i32
      %dma_wait3A_444 = arith.constant 0 : i32
      %dma_wait3A_445 = tpu.memref_slice %arg9[%arg0, %mul3A_443, %dma_wait3A_444] : memref<2x10000x128xf32, #tpu.memory_space<hbm>> -> memref<1x80x128xf32, #tpu.memory_space<hbm>>
      %dma_wait3A_446 = tpu.memref_squeeze %dma_wait3A_445 : memref<1x80x128xf32, #tpu.memory_space<hbm>> -> memref<80x128xf32, #tpu.memory_space<hbm>>
      %dma_wait3A_447 = arith.constant 0 : i32
      %dma_wait3A_448 = tpu.memref_slice %arg9[%arg0, %mul3A_443, %dma_wait3A_447] : memref<2x10000x128xf32, #tpu.memory_space<hbm>> -> memref<1x80x128xf32, #tpu.memory_space<hbm>>
      %dma_wait3A_449 = tpu.memref_squeeze %dma_wait3A_448 : memref<1x80x128xf32, #tpu.memory_space<hbm>> -> memref<80x128xf32, #tpu.memory_space<hbm>>
      tpu.wait_dma2 semaphore(%arg44 : memref<!tpu.dma_semaphore, #tpu.memory_space<semaphore_mem>>) src(%arg28 : memref<80x128xf32, #tpu.memory_space<vmem>>) dst(%dma_wait3A_449 : memref<80x128xf32, #tpu.memory_space<hbm>>)
    } else {
    }
    %add3A_413 = arith.constant 32 : i32
    %add3A_414 = arith.addi %arg1, %add3A_413 : i32
    %lt3A_415 = arith.constant 125 : i32
    %lt3A_416 = arith.cmpi slt, %add3A_414, %lt3A_415 : i32
    %add3A_417 = arith.constant 64 : i32
    %add3A_418 = arith.addi %add3A_414, %add3A_417 : i32
    %ge3A_419 = arith.constant 125 : i32
    %ge3A_420 = arith.cmpi sge, %add3A_418, %ge3A_419 : i32
    %and3A_421 = arith.andi %lt3A_416, %ge3A_420 : i1
    %convert_element_type3A_422 = arith.extui %and3A_421 : i1 to i32
    %cond3A_423 = arith.constant 0 : i32
    %cond3A_424 = arith.cmpi ne, %convert_element_type3A_422, %cond3A_423 : i32
    scf.if %cond3A_424 {
      %mul3A_442 = arith.constant 80 : i32
      %mul3A_443 = arith.muli %add3A_414, %mul3A_442 : i32
      %dma_wait3A_444 = arith.constant 0 : i32
      %dma_wait3A_445 = tpu.memref_slice %arg9[%arg0, %mul3A_443, %dma_wait3A_444] : memref<2x10000x128xf32, #tpu.memory_space<hbm>> -> memref<1x80x128xf32, #tpu.memory_space<hbm>>
      %dma_wait3A_446 = tpu.memref_squeeze %dma_wait3A_445 : memref<1x80x128xf32, #tpu.memory_space<hbm>> -> memref<80x128xf32, #tpu.memory_space<hbm>>
      %dma_wait3A_447 = arith.constant 0 : i32
      %dma_wait3A_448 = tpu.memref_slice %arg9[%arg0, %mul3A_443, %dma_wait3A_447] : memref<2x10000x128xf32, #tpu.memory_space<hbm>> -> memref<1x80x128xf32, #tpu.memory_space<hbm>>
      %dma_wait3A_449 = tpu.memref_squeeze %dma_wait3A_448 : memref<1x80x128xf32, #tpu.memory_space<hbm>> -> memref<80x128xf32, #tpu.memory_space<hbm>>
      tpu.wait_dma2 semaphore(%arg45 : memref<!tpu.dma_semaphore, #tpu.memory_space<semaphore_mem>>) src(%arg29 : memref<80x128xf32, #tpu.memory_space<vmem>>) dst(%dma_wait3A_449 : memref<80x128xf32, #tpu.memory_space<hbm>>)
    } else {
    }
    %add3A_425 = arith.constant 48 : i32
    %add3A_426 = arith.addi %arg1, %add3A_425 : i32
    %lt3A_427 = arith.constant 125 : i32
    %lt3A_428 = arith.cmpi slt, %add3A_426, %lt3A_427 : i32
    %add3A_429 = arith.constant 64 : i32
    %add3A_430 = arith.addi %add3A_426, %add3A_429 : i32
    %ge3A_431 = arith.constant 125 : i32
    %ge3A_432 = arith.cmpi sge, %add3A_430, %ge3A_431 : i32
    %and3A_433 = arith.andi %lt3A_428, %ge3A_432 : i1
    %convert_element_type3A_434 = arith.extui %and3A_433 : i1 to i32
    %cond3A_435 = arith.constant 0 : i32
    %cond3A_436 = arith.cmpi ne, %convert_element_type3A_434, %cond3A_435 : i32
    scf.if %cond3A_436 {
      %mul3A_442 = arith.constant 80 : i32
      %mul3A_443 = arith.muli %add3A_426, %mul3A_442 : i32
      %dma_wait3A_444 = arith.constant 0 : i32
      %dma_wait3A_445 = tpu.memref_slice %arg9[%arg0, %mul3A_443, %dma_wait3A_444] : memref<2x10000x128xf32, #tpu.memory_space<hbm>> -> memref<1x80x128xf32, #tpu.memory_space<hbm>>
      %dma_wait3A_446 = tpu.memref_squeeze %dma_wait3A_445 : memref<1x80x128xf32, #tpu.memory_space<hbm>> -> memref<80x128xf32, #tpu.memory_space<hbm>>
      %dma_wait3A_447 = arith.constant 0 : i32
      %dma_wait3A_448 = tpu.memref_slice %arg9[%arg0, %mul3A_443, %dma_wait3A_447] : memref<2x10000x128xf32, #tpu.memory_space<hbm>> -> memref<1x80x128xf32, #tpu.memory_space<hbm>>
      %dma_wait3A_449 = tpu.memref_squeeze %dma_wait3A_448 : memref<1x80x128xf32, #tpu.memory_space<hbm>> -> memref<80x128xf32, #tpu.memory_space<hbm>>
      tpu.wait_dma2 semaphore(%arg46 : memref<!tpu.dma_semaphore, #tpu.memory_space<semaphore_mem>>) src(%arg30 : memref<80x128xf32, #tpu.memory_space<vmem>>) dst(%dma_wait3A_449 : memref<80x128xf32, #tpu.memory_space<hbm>>)
    } else {
    }
    %lt3A_437 = arith.constant 10 : i32
    %lt3A_438 = arith.cmpi slt, %arg1, %lt3A_437 : i32
    %convert_element_type3A_439 = arith.extui %lt3A_438 : i1 to i32
    %cond3A_440 = arith.constant 0 : i32
    %cond3A_441 = arith.cmpi ne, %convert_element_type3A_439, %cond3A_440 : i32
    scf.if %cond3A_441 {
      %mul3A_442 = arith.constant 1000 : i32
      %mul3A_443 = arith.muli %arg1, %mul3A_442 : i32
      "tpu.region"() ({
        %run_scoped3A = tpu.sem_alloc : memref<!tpu.dma_semaphore, #tpu.memory_space<semaphore_mem>>
        %dma_start3A_449 = tpu.memref_slice %arg34[%mul3A_443] : memref<10000xf32, #tpu.memory_space<vmem_shared>> -> memref<1000xf32, #tpu.memory_space<vmem_shared>>
        %dma_start3A_450 = tpu.memref_slice %arg34[%mul3A_443] : memref<10000xf32, #tpu.memory_space<vmem_shared>> -> memref<1000xf32, #tpu.memory_space<vmem_shared>>
        tpu.enqueue_dma source(%dma_start3A_450 : memref<1000xf32, #tpu.memory_space<vmem_shared>>) target(%arg31 : memref<1000xf32, #tpu.memory_space<vmem>>) target_semaphore(%run_scoped3A : memref<!tpu.dma_semaphore, #tpu.memory_space<semaphore_mem>>)
        %dma_wait3A_451 = tpu.memref_slice %arg34[%mul3A_443] : memref<10000xf32, #tpu.memory_space<vmem_shared>> -> memref<1000xf32, #tpu.memory_space<vmem_shared>>
        %dma_wait3A_452 = tpu.memref_slice %arg34[%mul3A_443] : memref<10000xf32, #tpu.memory_space<vmem_shared>> -> memref<1000xf32, #tpu.memory_space<vmem_shared>>
        tpu.wait_dma2 semaphore(%run_scoped3A : memref<!tpu.dma_semaphore, #tpu.memory_space<semaphore_mem>>) src(%dma_wait3A_452 : memref<1000xf32, #tpu.memory_space<vmem_shared>>) dst(%arg31 : memref<1000xf32, #tpu.memory_space<vmem>>)
        tpu.yield
      }) : () -> ()
      %mul3A_444 = arith.constant 10000 : i32
      %mul3A_445 = arith.muli %arg0, %mul3A_444 : i32
      %mul3A_446 = arith.constant 1000 : i32
      %mul3A_447 = arith.muli %arg1, %mul3A_446 : i32
      %add3A_448 = arith.addi %mul3A_445, %mul3A_447 : i32
      "tpu.region"() ({
        %run_scoped3A = tpu.sem_alloc : memref<!tpu.dma_semaphore, #tpu.memory_space<semaphore_mem>>
        %dma_start3A_449 = tpu.memref_slice %arg10[%add3A_448] : memref<20000xf32, #tpu.memory_space<hbm>> -> memref<1000xf32, #tpu.memory_space<hbm>>
        %dma_start3A_450 = tpu.memref_slice %arg10[%add3A_448] : memref<20000xf32, #tpu.memory_space<hbm>> -> memref<1000xf32, #tpu.memory_space<hbm>>
        tpu.enqueue_dma source(%arg31 : memref<1000xf32, #tpu.memory_space<vmem>>) target(%dma_start3A_450 : memref<1000xf32, #tpu.memory_space<hbm>>) target_semaphore(%run_scoped3A : memref<!tpu.dma_semaphore, #tpu.memory_space<semaphore_mem>>)
        %dma_wait3A_451 = tpu.memref_slice %arg10[%add3A_448] : memref<20000xf32, #tpu.memory_space<hbm>> -> memref<1000xf32, #tpu.memory_space<hbm>>
        %dma_wait3A_452 = tpu.memref_slice %arg10[%add3A_448] : memref<20000xf32, #tpu.memory_space<hbm>> -> memref<1000xf32, #tpu.memory_space<hbm>>
        tpu.wait_dma2 semaphore(%run_scoped3A : memref<!tpu.dma_semaphore, #tpu.memory_space<semaphore_mem>>) src(%arg31 : memref<1000xf32, #tpu.memory_space<vmem>>) dst(%dma_wait3A_452 : memref<1000xf32, #tpu.memory_space<hbm>>)
        tpu.yield
      }) : () -> ()
    } else {
    }
    return
  }
}

module attributes {stable_mosaic.version = 14 : i64} {
  func.func @_prep_body(%arg0: i32, %arg1: memref<1024x128xf32, #tpu.memory_space<vmem>>, %arg2: memref<128x128xf32, #tpu.memory_space<vmem>>, %arg3: memref<384x1xf32, #tpu.memory_space<vmem>>, %arg4: memref<16x128xf32, #tpu.memory_space<vmem>>, %arg5: memref<1024x128xf32, #tpu.memory_space<vmem>>, %arg6: memref<4x10240xf32, #tpu.memory_space<vmem>>) attributes {dimension_semantics = [#tpu.dimension_semantics<arbitrary>], iteration_bounds = array<i64: 10>, scalar_prefetch = 0 : i64, scratch_operands = 0 : i64, tpu.core_type = #tpu.core_type<tc>, window_params = [{transform_indices = @transform_0, window_bounds = array<i64: 1024, 128>}, {pipeline_mode = #tpu.pipeline_mode<synchronous>, transform_indices = @transform_1, window_bounds = array<i64: 128, 128>}, {pipeline_mode = #tpu.pipeline_mode<synchronous>, transform_indices = @transform_2, window_bounds = array<i64: 384, 1>}, {pipeline_mode = #tpu.pipeline_mode<synchronous>, transform_indices = @transform_3, window_bounds = array<i64: 16, 128>}, {transform_indices = @transform_4, window_bounds = array<i64: 1024, 128>}, {pipeline_mode = #tpu.pipeline_mode<synchronous>, transform_indices = @transform_5, window_bounds = array<i64: 4, 10240>}]} {
    %get3A = arith.constant 0 : index
    %get3A_0 = arith.constant 0 : index
    %get3A_1 = vector.load %arg1[%get3A, %get3A_0] : memref<1024x128xf32, #tpu.memory_space<vmem>>, vector<1024x128xf32>
    %get3A_2 = arith.constant 0 : index
    %get3A_3 = arith.constant 0 : index
    %get3A_4 = vector.load %arg2[%get3A_2, %get3A_3] : memref<128x128xf32, #tpu.memory_space<vmem>>, vector<128x128xf32>
    %dot_general3A = arith.constant dense<0.000000e+00> : vector<1024x128xf32>
    %dot_general3A_5 = tpu.matmul %get3A_1, %get3A_4, %dot_general3A {dimension_numbers = #tpu.dot_dimension_numbers<[1], [0], [0], [1], [0, 0, 1, 1], [], []>, transpose_lhs_hint = false} : vector<1024x128xf32>, vector<128x128xf32>, vector<1024x128xf32> -> vector<1024x128xf32>
    %swap3A = arith.constant 0 : index
    %swap3A_6 = arith.constant 0 : index
    %swap3A_7 = vector.load %arg5[%swap3A, %swap3A_6] : memref<1024x128xf32, #tpu.memory_space<vmem>>, vector<1024x128xf32>
    tpu.vector_store %arg5[%swap3A, %swap3A_6], %dot_general3A_5 {strides = array<i32>} : memref<1024x128xf32, #tpu.memory_space<vmem>>, vector<1024x128xf32>,
    %get3A_8 = arith.constant 0 : index
    %get3A_9 = arith.constant 0 : index
    %get3A_10 = vector.load %arg3[%get3A_8, %get3A_9] : memref<384x1xf32, #tpu.memory_space<vmem>>, vector<384x1xf32>
    %squeeze3A = vector.shape_cast %get3A_10 : vector<384x1xf32> to vector<384xf32>
    %slice3A = vector.extract_strided_slice %squeeze3A {offsets = [0], sizes = [128], strides = [1]} : vector<384xf32> to vector<128xf32>
    %reshape3A = vector.shape_cast %slice3A : vector<128xf32> to vector<1x128xf32>
    %slice3A_11 = vector.extract_strided_slice %squeeze3A {offsets = [128], sizes = [128], strides = [1]} : vector<384xf32> to vector<128xf32>
    %reshape3A_12 = vector.shape_cast %slice3A_11 : vector<128xf32> to vector<1x128xf32>
    %mul3A = vector.broadcast %reshape3A : vector<1x128xf32> to vector<1024x128xf32>
    %mul3A_13 = arith.mulf %dot_general3A_5, %mul3A : vector<1024x128xf32>
    %reduce_sum3A = arith.constant dense<0.000000e+00> : vector<1024xf32>
    %reduce_sum3A_14 = vector.multi_reduction <add>, %mul3A_13, %reduce_sum3A [1] : vector<1024x128xf32> to vector<1024xf32>
    %reshape3A_15 = vector.shape_cast %reduce_sum3A_14 : vector<1024xf32> to vector<1x1024xf32>
    %mul3A_16 = arith.constant 1024 : i32
    %mul3A_17 = arith.muli %arg0, %mul3A_16 : i32
    %swap3A_18 = arith.constant 0 : index
    %swap3A_19 = arith.index_cast %mul3A_17 : i32 to index
    %swap3A_20 = vector.load %arg6[%swap3A_18, %swap3A_19] : memref<4x10240xf32, #tpu.memory_space<vmem>>, vector<1x1024xf32>
    tpu.vector_store %arg6[%swap3A_18, %swap3A_19], %reshape3A_15 {strides = array<i32>} : memref<4x10240xf32, #tpu.memory_space<vmem>>, vector<1x1024xf32>,
    %mul3A_21 = vector.broadcast %reshape3A_12 : vector<1x128xf32> to vector<1024x128xf32>
    %mul3A_22 = arith.mulf %dot_general3A_5, %mul3A_21 : vector<1024x128xf32>
    %reduce_sum3A_23 = arith.constant dense<0.000000e+00> : vector<1024xf32>
    %reduce_sum3A_24 = vector.multi_reduction <add>, %mul3A_22, %reduce_sum3A_23 [1] : vector<1024x128xf32> to vector<1024xf32>
    %reshape3A_25 = vector.shape_cast %reduce_sum3A_24 : vector<1024xf32> to vector<1x1024xf32>
    %mul3A_26 = arith.constant 1024 : i32
    %mul3A_27 = arith.muli %arg0, %mul3A_26 : i32
    %swap3A_28 = arith.constant 1 : index
    %swap3A_29 = arith.index_cast %mul3A_27 : i32 to index
    %swap3A_30 = vector.load %arg6[%swap3A_28, %swap3A_29] : memref<4x10240xf32, #tpu.memory_space<vmem>>, vector<1x1024xf32>
    tpu.vector_store %arg6[%swap3A_28, %swap3A_29], %reshape3A_25 {strides = array<i32>} : memref<4x10240xf32, #tpu.memory_space<vmem>>, vector<1x1024xf32>,
    %eq3A = arith.constant 0 : i32
    %eq3A_31 = arith.cmpi eq, %arg0, %eq3A : i32
    %convert_element_type3A = arith.extui %eq3A_31 : i1 to i32
    %cond3A = arith.constant 0 : i32
    %cond3A_32 = arith.cmpi ne, %convert_element_type3A, %cond3A : i32
    scf.if %cond3A_32 {
      %slice3A_33 = vector.extract_strided_slice %squeeze3A {offsets = [256], sizes = [128], strides = [1]} : vector<384xf32> to vector<128xf32>
      %reshape3A_34 = vector.shape_cast %slice3A_33 : vector<128xf32> to vector<1x128xf32>
      %get3A_35 = arith.constant 0 : index
      %get3A_36 = arith.constant 0 : index
      %get3A_37 = vector.load %arg4[%get3A_35, %get3A_36] : memref<16x128xf32, #tpu.memory_space<vmem>>, vector<16x128xf32>
      %mul3A_38 = vector.broadcast %reshape3A_34 : vector<1x128xf32> to vector<16x128xf32>
      %mul3A_39 = arith.mulf %get3A_37, %mul3A_38 : vector<16x128xf32>
      %reduce_sum3A_40 = arith.constant dense<0.000000e+00> : vector<16xf32>
      %reduce_sum3A_41 = vector.multi_reduction <add>, %mul3A_39, %reduce_sum3A_40 [1] : vector<16x128xf32> to vector<16xf32>
      %reshape3A_42 = vector.shape_cast %reduce_sum3A_41 : vector<16xf32> to vector<1x16xf32>
      %swap3A_43 = arith.constant 2 : index
      %swap3A_44 = arith.constant 0 : index
      %swap3A_45 = vector.load %arg6[%swap3A_43, %swap3A_44] : memref<4x10240xf32, #tpu.memory_space<vmem>>, vector<1x16xf32>
      tpu.vector_store %arg6[%swap3A_43, %swap3A_44], %reshape3A_42 {strides = array<i32>} : memref<4x10240xf32, #tpu.memory_space<vmem>>, vector<1x16xf32>,
    } else {
    }
    return
  }
  func.func @transform_0(%arg0: i32) -> (i32, i32) {
    %c0_i32 = arith.constant 0 : i32
    %c0_i32_0 = arith.constant 0 : i32
    return %arg0, %c0_i32 : i32, i32
  }
  func.func @transform_1(%arg0: i32) -> (i32, i32) {
    %c0_i32 = arith.constant 0 : i32
    %c0_i32_0 = arith.constant 0 : i32
    %c0_i32_1 = arith.constant 0 : i32
    return %c0_i32, %c0_i32_0 : i32, i32
  }
  func.func @transform_2(%arg0: i32) -> (i32, i32) {
    %c0_i32 = arith.constant 0 : i32
    %c0_i32_0 = arith.constant 0 : i32
    %c0_i32_1 = arith.constant 0 : i32
    return %c0_i32, %c0_i32_0 : i32, i32
  }
  func.func @transform_3(%arg0: i32) -> (i32, i32) {
    %c0_i32 = arith.constant 0 : i32
    %c0_i32_0 = arith.constant 0 : i32
    %c0_i32_1 = arith.constant 0 : i32
    return %c0_i32, %c0_i32_0 : i32, i32
  }
  func.func @transform_4(%arg0: i32) -> (i32, i32) {
    %c0_i32 = arith.constant 0 : i32
    %c0_i32_0 = arith.constant 0 : i32
    return %arg0, %c0_i32 : i32, i32
  }
  func.func @transform_5(%arg0: i32) -> (i32, i32) {
    %c0_i32 = arith.constant 0 : i32
    %c0_i32_0 = arith.constant 0 : i32
    %c0_i32_1 = arith.constant 0 : i32
    return %c0_i32, %c0_i32_0 : i32, i32
  }
}

module attributes {stable_mosaic.version = 14 : i64} {
  func.func @_final_body(%arg0: i32, %arg1: memref<2x1000x128xf32, #tpu.memory_space<vmem>>, %arg2: memref<1x2x1000xf32, #tpu.memory_space<vmem>>, %arg3: memref<1000x128xf32, #tpu.memory_space<vmem>>) attributes {dimension_semantics = [#tpu.dimension_semantics<arbitrary>], iteration_bounds = array<i64: 10>, scalar_prefetch = 0 : i64, scratch_operands = 0 : i64, tpu.core_type = #tpu.core_type<tc>, window_params = [{transform_indices = @transform_0, window_bounds = array<i64: 2, 1000, 128>}, {transform_indices = @transform_1, window_bounds = array<i64: 1, 2, 1000>}, {transform_indices = @transform_2, window_bounds = array<i64: 1000, 128>}]} {
    %get3A = arith.constant 0 : index
    %get3A_0 = arith.constant 0 : index
    %get3A_1 = arith.constant 0 : index
    %get3A_2 = vector.load %arg1[%get3A, %get3A_0, %get3A_1] : memref<2x1000x128xf32, #tpu.memory_space<vmem>>, vector<1x1000x128xf32>
    %get3A_3 = vector.shape_cast %get3A_2 : vector<1x1000x128xf32> to vector<1000x128xf32>
    %get3A_4 = arith.constant 1 : index
    %get3A_5 = arith.constant 0 : index
    %get3A_6 = arith.constant 0 : index
    %get3A_7 = vector.load %arg1[%get3A_4, %get3A_5, %get3A_6] : memref<2x1000x128xf32, #tpu.memory_space<vmem>>, vector<1x1000x128xf32>
    %get3A_8 = vector.shape_cast %get3A_7 : vector<1x1000x128xf32> to vector<1000x128xf32>
    %add3A = arith.addf %get3A_3, %get3A_8 : vector<1000x128xf32>
    %get3A_9 = arith.constant 0 : index
    %get3A_10 = arith.constant 0 : index
    %get3A_11 = arith.constant 0 : index
    %get3A_12 = vector.load %arg2[%get3A_9, %get3A_10, %get3A_11] : memref<1x2x1000xf32, #tpu.memory_space<vmem>>, vector<1x1x1000xf32>
    %get3A_13 = vector.shape_cast %get3A_12 : vector<1x1x1000xf32> to vector<1000xf32>
    %get3A_14 = arith.constant 0 : index
    %get3A_15 = arith.constant 1 : index
    %get3A_16 = arith.constant 0 : index
    %get3A_17 = vector.load %arg2[%get3A_14, %get3A_15, %get3A_16] : memref<1x2x1000xf32, #tpu.memory_space<vmem>>, vector<1x1x1000xf32>
    %get3A_18 = vector.shape_cast %get3A_17 : vector<1x1x1000xf32> to vector<1000xf32>
    %add3A_19 = arith.addf %get3A_13, %get3A_18 : vector<1000xf32>
    %add3A_20 = arith.constant 1.000000e-10 : f32
    %add3A_21 = vector.broadcast %add3A_20 : f32 to vector<1000xf32>
    %add3A_22 = arith.addf %add3A_19, %add3A_21 : vector<1000xf32>
    %broadcast_in_dim3A = vector.shape_cast %add3A_22 : vector<1000xf32> to vector<1000x1xf32>
    %div3A = vector.broadcast %broadcast_in_dim3A : vector<1000x1xf32> to vector<1000x128xf32>
    %div3A_23 = arith.divf %add3A, %div3A : vector<1000x128xf32>
    %gt3A = arith.constant 0.000000e+00 : f32
    %gt3A_24 = vector.broadcast %gt3A : f32 to vector<1000x128xf32>
    %gt3A_25 = arith.cmpf ogt, %div3A_23, %gt3A_24 : vector<1000x128xf32>
    %min3A = arith.constant 0.000000e+00 : f32
    %min3A_26 = vector.broadcast %min3A : f32 to vector<1000x128xf32>
    %min3A_27 = arith.minimumf %div3A_23, %min3A_26 : vector<1000x128xf32>
    %exp3A = math.exp %min3A_27 : vector<1000x128xf32>
    %sub3A = arith.constant 1.000000e+00 : f32
    %sub3A_28 = vector.broadcast %sub3A : f32 to vector<1000x128xf32>
    %sub3A_29 = arith.subf %exp3A, %sub3A_28 : vector<1000x128xf32>
    %select_n3A = arith.select %gt3A_25, %div3A_23, %sub3A_29 : vector<1000x128xi1>, vector<1000x128xf32>
    %swap3A = arith.constant 0 : index
    %swap3A_30 = arith.constant 0 : index
    %swap3A_31 = vector.load %arg3[%swap3A, %swap3A_30] : memref<1000x128xf32, #tpu.memory_space<vmem>>, vector<1000x128xf32>
    tpu.vector_store %arg3[%swap3A, %swap3A_30], %select_n3A {strides = array<i32>} : memref<1000x128xf32, #tpu.memory_space<vmem>>, vector<1000x128xf32>,
    return
  }
  func.func @transform_0(%arg0: i32) -> (i32, i32, i32) {
    %c0_i32 = arith.constant 0 : i32
    %c0_i32_0 = arith.constant 0 : i32
    %c0_i32_1 = arith.constant 0 : i32
    return %c0_i32, %arg0, %c0_i32_0 : i32, i32, i32
  }
  func.func @transform_1(%arg0: i32) -> (i32, i32, i32) {
    %c0_i32 = arith.constant 0 : i32
    %c0_i32_0 = arith.constant 0 : i32
    %c0_i32_1 = arith.constant 0 : i32
    return %arg0, %c0_i32, %c0_i32_0 : i32, i32, i32
  }
  func.func @transform_2(%arg0: i32) -> (i32, i32) {
    %c0_i32 = arith.constant 0 : i32
    %c0_i32_0 = arith.constant 0 : i32
    return %arg0, %c0_i32 : i32, i32
  }
}

</mosaic_0001>

<sc_bundles>
// kernel: _impl.6.cloned.1.call-start
scs
__scs_entry_jumppad:
0x0: {  	(pc) =	sbr.rel $0x88, $3  }
0x1: {  	(tag) =	ssettag $0x0;
	lr =	simm.s32 $0x1  }
0x2: {  	[smem:$0x3F9B] =	sst lr;
	_ =	strace $0xD0000000  }
0x3: {  	_ = 	snop  }
0x4: {  	_ = 	snop  }
0x5: {  	_ = 	snop  }
0x6: {  	_ = 	snop  }
0x7: {  	_ = 	snop  }
__scs_overlays_trampoline_lowered:
0x8: {  	[smem:$0x3FAA] =	sst s0  }
0x9: {  	[smem:$0x3FAB] =	sst s1  }
0xa: {  	[smem:$0x3FAC] =	sst s2  }
0xb: {  	[smem:$0x3FAD] =	sst s3  }
0xc: {  	[smem:$0x3FAE] =	sst s4  }
0xd: {  	[smem:$0x3FAF] =	sst s5  }
0xe: {  	[smem:$0x3FB0] =	sst s6  }
0xf: {  	[smem:$0x3FB1] =	sst s7  }
0x10: {  	[smem:$0x3FB2] =	sst s8  }
0x11: {  	[smem:$0x3FB3] =	sst s9;
	s0 =	simm.s32 @!p0 $0x0  }
0x12: {  	s1 =	sld [smem:$0x3F99];
	s0 =	simm.s32 @p0 $0x1  }
0x13: {  	[smem:$0x3FB4] =	sst s0;
	s0 =	simm.s32 @!p1 $0x0  }
0x14: {  	s2 =	sld [smem:$0x3F98];
	s0 =	simm.s32 @p1 $0x1  }
0x15: {  	[smem:$0x3FB5] =	sst s0;
	s0 =	simm.s32 @!p2 $0x0  }
0x16: {  	s3 =	sld [smem:$0x3FDB];
	s0 =	simm.s32 @p2 $0x1  }
0x17: {  	s4 =	simm.s32 $0x1BF5;
	[smem:$0x3FB7] =	sst s0  }
0x18: {  	s0 =	sld [smem:$0x3F9A];
	_ =	swait.ge [sflag:s4], $0x0  }
0x19: {  	s7 =	sld [smem:$0x3F9B]  }
0x1a: {  	s8 =	sadd.s32 $0xFFFFE003, lr  }
0x1b: {  	s9 =	sadd.s32 $0xFFFFFEF7, lr;
	s5 =	simm.s32 $0xFFFFFFFF;
	p2 =	slt.u32 s8, $0xFFFFF086  }
0x1c: {  	p1 =	slt.u32 s9, $0xF7A;
	s5 =	simm.s32 @!p2 $0x0  }
0x1d: {  	s5 =	simm.s32 @p1 $0x1;
	p0 =	seq.s32 s7, s2  }
0x1e: {  	s7 =	smul.u32 @!p0 $0xF7A, s2;
	p2 =	seq.s32 @!p0 s5, $0x0  }
0x1f: {  	s9 =	smul.u32 $0xF7A, s1;
	s8 =	simm.s32 @!p0 $0x1BF5;
	p2 =	por !p2, p0  }
0x20: {  	[sflag:s8] =	ssyncset.s32 @!p0 $0xFFFFF086;
	s6 =	sadd.s32 @!p0 s3, s7;
	s7 =	simm.s32 @!p0 $0x108  }
0x21: {  	s3 =	sadd.s32 s3, s9;
	s6 =	sadd.s32 @!p0 $0x88, s6;
	s7 =	simm.s32 @p2 $0x1082  }
0x22: {  	[simem:s7], [sflag:s8] =	dma.local @!p0 [hbm:s6], $0xF7A  }
0x23: {  	s9 =	sor.u32 $0xD0000000, s2;
	s6 =	simm.s32 $0x108;
	_ =	swait.ge @!p0 [sflag:s8], $0x0  }
0x24: {  	s3 =	sadd.s32 $0x88, s3;
	s6 =	simm.s32 @!p1 $0x1082;
	[sflag:s4] =	ssyncset.s32 $0xFFFFF086  }
0x25: {  	[simem:s6], [sflag:s4] =	dma.local [hbm:s3], $0xF7A  }
0x26: {  	[smem:$0x3F9B] =	sst s1;
	(tag) =	ssettag s2;
	_ =	strace s9  }
0x27: {  	s1 =	sld [smem:$0x3FAB]  }
0x28: {  	s2 =	sld [smem:$0x3FAC]  }
0x29: {  	s4 =	sld [smem:$0x3FAE]  }
0x2a: {  	p0 =	seq.s32 s5, $0x0;
	s5 =	sld [smem:$0x3FAF]  }
0x2b: {  	s6 =	sld [smem:$0x3FB0]  }
0x2c: {  	s7 =	sld [smem:$0x3FB1]  }
0x2d: {  	s3 =	simm.s32 $0x108;
	s8 =	sld [smem:$0x3FB2]  }
0x2e: {  	s3 =	simm.s32 @!p0 $0x1082;
	s9 =	sld [smem:$0x3FB3]  }
0x2f: {  	lr =	sadd.s32 s0, s3;
	s0 =	sld [smem:$0x3FAA]  }
0x30: {  	s3 =	sld [smem:$0x3FAD]  }
0x31: {  	[smem:$0x3FB6] =	sst s10  }
0x32: {  	s10 =	sld [smem:$0x3FB4];
	_ =	sdelay $0x3  }
0x33: {  	p0 =	seq.s32 s10, $0x1;
	s10 =	sld [smem:$0x3FB6];
	_ =	sdelay $0x3  }
0x34: {  	[smem:$0x3FB6] =	sst s10  }
0x35: {  	s10 =	sld [smem:$0x3FB5];
	_ =	sdelay $0x3  }
0x36: {  	p1 =	seq.s32 s10, $0x1;
	s10 =	sld [smem:$0x3FB6];
	_ =	sdelay $0x3  }
0x37: {  	[smem:$0x3FB6] =	sst s10  }
0x38: {  	s10 =	sld [smem:$0x3FB7]  }
0x39: {  	_ = 	snop;
	(pc) =	sbr.ind lr, $3  }
0x3a: {  	_ = 	snop  }
0x3b: {  	_ = 	snop  }
0x3c: {  	p2 =	seq.s32 s10, $0x1;
	s10 =	sld [smem:$0x3FB6]  }
0x3d: {  	_ =	shalt  }
0x3e: {  	_ =	shalt  }
0x3f: {  	_ =	shalt  }
0x40: {  	_ =	shalt  }
0x41: {  	_ =	shalt  }
0x42: {  	_ =	shalt  }
0x43: {  	_ =	shalt  }
0x44: {  	_ =	shalt  }
0x45: {  	_ =	shalt  }
0x46: {  	_ =	shalt  }
0x47: {  	_ =	shalt  }
0x48: {  	_ =	shalt  }
0x49: {  	_ =	shalt  }
0x4a: {  	_ =	shalt  }
0x4b: {  	_ =	shalt  }
0x4c: {  	_ =	shalt  }
0x4d: {  	_ =	shalt  }
0x4e: {  	_ =	shalt  }
0x4f: {  	_ =	shalt  }
0x50: {  	_ =	shalt  }
0x51: {  	_ =	shalt  }
0x52: {  	_ =	shalt  }
0x53: {  	_ =	shalt  }
0x54: {  	_ =	shalt  }
0x55: {  	_ =	shalt  }
0x56: {  	_ =	shalt  }
0x57: {  	_ =	shalt  }
0x58: {  	_ =	shalt  }
0x59: {  	_ =	shalt  }
0x5a: {  	_ =	shalt  }
0x5b: {  	_ =	shalt  }
0x5c: {  	_ =	shalt  }
0x5d: {  	_ =	shalt  }
0x5e: {  	_ =	shalt  }
0x5f: {  	_ =	shalt  }
0x60: {  	_ =	shalt  }
0x61: {  	_ =	shalt  }
0x62: {  	_ =	shalt  }
0x63: {  	_ =	shalt  }
0x64: {  	_ =	shalt  }
0x65: {  	_ =	shalt  }
0x66: {  	_ =	shalt  }
0x67: {  	_ =	shalt  }
0x68: {  	_ =	shalt  }
0x69: {  	_ =	shalt  }
0x6a: {  	_ =	shalt  }
0x6b: {  	_ =	shalt  }
0x6c: {  	_ =	shalt  }
0x6d: {  	_ =	shalt  }
0x6e: {  	_ =	shalt  }
0x6f: {  	_ =	shalt  }
0x70: {  	_ =	shalt  }
0x71: {  	_ =	shalt  }
0x72: {  	_ =	shalt  }
0x73: {  	_ =	shalt  }
0x74: {  	_ =	shalt  }
0x75: {  	_ =	shalt  }
0x76: {  	_ =	shalt  }
0x77: {  	_ =	shalt  }
0x78: {  	_ =	shalt  }
0x79: {  	_ =	shalt  }
0x7a: {  	_ =	shalt  }
0x7b: {  	_ =	shalt  }
0x7c: {  	_ =	shalt  }
0x7d: {  	_ =	shalt  }
0x7e: {  	_ =	shalt  }
0x7f: {  	_ =	shalt  }
0x80: {  	_ =	shalt  }
0x81: {  	_ =	shalt  }
0x82: {  	_ =	shalt  }
0x83: {  	_ =	shalt  }
0x84: {  	_ =	shalt  }
0x85: {  	_ =	shalt  }
0x86: {  	_ =	shalt  }
0x87: {  	_ =	shalt  }
.Lfunc_end0:
.L_simem_size_0:
called_computation_lowered:
.L_overlay_start_0:
0x88: {  	s2 =	sld [smem:$0x3FD9]  }
0x89: {  	s3 =	sld [smem:$0x3FFE];
	_ =	sdelay $0x1  }
0x8a: {  	s1 =	srdreg.scid  }
0x8b: {  	s0 =	sand.u32 $0x1, s1  }
0x8c: {  	s17 =	sshll.u32 s0, $0xA;
	s2 =	sadd.s32 s3, s2  }
0x8d: {  	s2 =	sadd.s32 s2, s17  }
0x8e: {  	[smem:$0x3FC2] =	sst s2  }
0x8f: {  	_ = 	snop  }
0x90: {  	s2 =	sld [smem:$0x3FC7];
	(tm) =	ssettm $0x1  }
0x91: {  	s18 =	sld [smem:$0x3FFB];
	_ =	sdelay $0x3  }
0x92: {  	_ =	strace s18  }
0x93: {  	s3 =	sld [smem:$0x3FFC];
	_ =	sdelay $0x3  }
0x94: {  	_ =	strace s3  }
0x95: {  	s3 =	sld [smem:$0x3FFD];
	_ =	sdelay $0x3  }
0x96: {  	_ =	strace s3  }
0x97: {  	_ =	strace $0x8FFFFFFF  }
0x98: {  	s19 =	sld [smem:$0x3FDB];
	_ =	sdelay $0x1  }
0x99: {  	s4 =	simm.s32 $_scs_section_size  }
0x9a: {  	s5 =	simm.s32 $_size__tile_overlayer_lowered;
	s6 =	simm.s32 $_tile_overlayer_lowered  }
0x9b: {  	s22 =	simm.s32 $0x1BFF;
	s21 =	sshll.u32 s6, $0x1;
	s3 =	sadd.s32 s4, s19  }
0x9c: {  	s7 =	simm.s32 $0x0;
	s20 =	sshll.u32 s5, $0x1;
	s5 =	sadd.s32 s21, s3  }
0x9d: {  	[timem:s7], [sflag:s22] =	dma.local [hbm:s5], s20  }
0x9e: {  	_ =	swait.ge [sflag:s22], s20  }
0x9f: {  	s4 =	ssub.s32 $0x0, s20;
	[sflag:s22] =	ssyncset.done $0x0  }
0xa0: {  	[sflag:s22] =	ssyncadd.s32 s4;
	_ =	sdelay $0x1  }
0xa1: {  	s23 =	simm.s32 $0x1B8B  }
0xa2: {  	_ =	swait.ge [sflag:s23], $0x1  }
0xa3: {  	[sflag:s23] =	ssyncset.done $0x0  }
0xa4: {  	s25 =	simm.s32 $0x1B8E;
	s24 =	sld [smem:$0x3FFE];
	[sflag:s23] =	ssyncadd.s32 $0xFFFFFFFF  }
0xa5: {  	s26 =	simm.s32 $execute0_lowered;
	[smem:$0x3FD2] =	sst s25  }
0xa6: {  	s5 =	sshll.u32 s26, $0x1;
	_ =	strace $0x80000046;
	[dreg:$0x1] =	wrdreg $0xFFFFFFFF  }
0xa7: {  	s28 =	simm.s32 $_size_execute0_lowered;
	s3 =	sadd.s32 s3, s5;
	[dreg:$0x0] =	wrdreg $0x0  }
0xa8: {  	s5 =	sshll.u32 s28, $0x1;
	[dreg:$0x2] =	wrdreg s3  }
0xa9: {  	[dreg:$0x3] =	wrdreg s5  }
0xaa: {  	[dreg:$0x4] =	wrdreg $0xC0  }
0xab: {  	_ =	task [dreg:s7], $0x5FFFF  }
0xac: {  	[dreg:$0x1] =	wrdreg $0xFFFFFFFF  }
0xad: {  	[dreg:$0x0] =	wrdreg $0x60  }
0xae: {  	[dreg:$0x2] =	wrdreg s24  }
0xaf: {  	[dreg:$0x3] =	wrdreg s2  }
0xb0: {  	[dreg:$0x4] =	wrdreg $0x9  }
0xb1: {  	_ =	task.clear_ibuf [dreg:s7], $0x5FFFF;
	_ =	strace $0x90000046  }
0xb2: {  	s29 =	simm.s32 $0x9;
	_ =	strace $0x80000048  }
0xb3: {  	_ =	swait.ge [sflag:s29], $0x1  }
0xb4: {  	[sflag:s29] =	ssyncadd.s32 $0xFFFFFFFF  }
0xb5: {  	_ =	strace $0x90000048  }
0xb6: {  	_ =	sfence  }
0xb7: {  	s30 =	sld [smem:$0x0];
	_ =	sdelay $0x2  }
0xb8: {  	s31 =	sshll.u32 s1, $0xD;
	s1 =	sshrl.u32 s1, $0x2  }
0xb9: {  	s3 =	sand.u32 $0x4000, s31;
	s1 =	sadd.s32 s1, s30  }
0xba: {  	s0 =	sor.u32 s3, s0;
	s1 =	sshll.u32 s1, $0x11  }
0xbb: {  	s0 =	sor.u32 s1, s0  }
0xbc: {  	s0 =	sadd.s32 $0x8F2B, s0  }
0xbd: {  	[sflag:s0] =	ssyncadd.remote.s32 $0x1  }
0xbe: {  	_ =	sfence.sel $0xFFFF  }
0xbf: {  	[dreg:$0x0] =	wrdreg $0xFFFFFFFF;
	(pc) =	sbr.abs _section_cstart, $3  }
0xc0: {  	[dreg:$0x1] =	wrdreg $0xFFFFFFFF  }
0xc1: {  	_ =	task.clear_ibuf [dreg:s7], $0x2FFFF;
	_ =	strace $0x9FFFFFFF  }
0xc2: {  	(tm) =	ssettm $0x7FFFFFFF  }
0xc3: {  	_ =	shalt  }
tec
execute0_lowered:
.L_overlay_start_1:
0x0: {  	(tag) =	ssettag $0x1  }
0x1: {  	s8 =	rddreg [dreg:$0x0]  }
0x2: {  	s6 =	rddreg [dreg:$0x1]  }
0x3: {  	s0 =	rddreg [dreg:$0x2]  }
0x4: {  	s3 =	srdreg.scid;
	s1 =	stileid.u32;
	s2 =	simm.s32 $0x0  }
0x5: {  	s12 =	simm.s32 $0x2780;
	s13 =	simm.s32 $0x4F00;
	s14 =	simm.s32 $0x80  }
0x6: {  	s15 =	simm.s32 $0x200;
	s16 =	simm.s32 $0x9E00;
	s17 =	simm.s32 $0xC600  }
0x7: {  	s18 =	simm.s32 $0xEE00;
	s19 =	simm.s32 $0x1;
	s20 =	simm.s32 $0x7680  }
0x8: {  	s21 =	simm.s32 $0x2;
	s22 =	simm.s32 $0xEE80;
	s23 =	simm.s32 $0x0  }
0x9: {  	s4 =	sand.u32 $0x1, s3;
	s30 =	sshll.u32 s1, $0x1;
	[smem:$0x7FF] =	sst s2  }
0xa: {  	s3 =	sadd.s32 $0x15200, s8;
	s5 =	sor.u32 s4, s30;
	s4 =	ssub.s32 $0x2, s4  }
0xb: {  	s7 =	smul.u32 $0x4E2, s5;
	s5 =	sshll.u32 s5, $0x1;
	s31 =	sshrl.u32 s4, $0x1  }
0xc: {  	_ =	strace $0x80000047;
	s10 =	sadd.s32 s5, s8;
	s11 =	ssub.s32 s4, s31  }
0xd: {  	s9 =	sadd.s32 s7, s8;
	s6 =	sadd.s32 s6, s7;
	s7 =	sadd.s32 $0x15210, s8  }
0xe: {  	s8 =	sadd.s32 $0x15220, s8;
	s10 =	sadd.s32 $0x20400, s10;
	s11 =	smax.u32 s11, $0x1  }
0xf: {  	s4 =	sadd.s32 $0xB400, s9;
	s5 =	sadd.s32 $0x1600, s9;
	s9 =	sadd.s32 $0x16600, s9  }
.LBB2_1:
0x10: {  	[tilespmem:s2], [sflag:$0x1] =	stream.linear.gather [hbm4b:s4+s2], $0x2710, $0x38;
	[tilespmem:$0xEF00] =	vst v63  }
0x11: {  	_ = 	snop  }
0x12: {  	[tilespmem:s12], [sflag:$0x1] =	stream.linear.gather [hbm4b:s5+s2], $0x2710, $0x38;
	[tilespmem:$0xEF00] =	vst v63  }
0x13: {  	_ = 	snop  }
0x14: {  	[tilespmem:s13], [sflag:$0x1] =	stream.linear.gather [hbm4b:s6+s2], $0x2710, $0x38;
	[tilespmem:$0xEF00] =	vst v63  }
0x15: {  	_ = 	snop  }
0x16: {  	[tilespmem:s16], [sflag:$0x1] =	stream.strided.gather [hbm4b:s3+s14], $0x2800, s15, s14, $0x38;
	[tilespmem:$0xEF00] =	vst v63  }
0x17: {  	_ = 	snop  }
0x18: {  	[tilespmem:s17], [sflag:$0x1] =	stream.strided.gather [hbm4b:s7+s14], $0x2800, s15, s14, $0x38;
	[tilespmem:$0xEF00] =	vst v63  }
0x19: {  	_ = 	snop  }
0x1a: {  	[tilespmem:s18], [sflag:$0x1] =	stream.linear.gather [hbm4b:s8+s2], $0x10, $0x38;
	[tilespmem:$0xEF00] =	vst v63  }
0x1b: {  	_ =	swait.ge [sflag:s19], $0x2710  }
0x1c: {  	[sflag:s19] =	ssyncset.done $0x0  }
0x1d: {  	[sflag:s19] =	ssyncadd.s32 $0xFFFFD8F0  }
0x1e: {  	_ =	swait.ge [sflag:s19], $0x2710  }
0x1f: {  	[sflag:s19] =	ssyncset.done $0x0  }
0x20: {  	[sflag:s19] =	ssyncadd.s32 $0xFFFFD8F0  }
0x21: {  	_ =	swait.ge [sflag:s19], $0x2710  }
0x22: {  	[sflag:s19] =	ssyncset.done $0x0  }
0x23: {  	[sflag:s19] =	ssyncadd.s32 $0xFFFFD8F0  }
0x24: {  	_ =	swait.ge [sflag:s19], $0x2800  }
0x25: {  	[sflag:s19] =	ssyncset.done $0x0  }
0x26: {  	[sflag:s19] =	ssyncadd.s32 $0xFFFFD800  }
0x27: {  	_ =	swait.ge [sflag:s19], $0x2800  }
0x28: {  	[sflag:s19] =	ssyncset.done $0x0  }
0x29: {  	[sflag:s19] =	ssyncadd.s32 $0xFFFFD800  }
0x2a: {  	_ =	swait.ge [sflag:s19], $0x10  }
0x2b: {  	[sflag:s19] =	ssyncset.done $0x0  }
0x2c: {  	s24 =	simm.s32 $0x0;
	[sflag:s19] =	ssyncadd.s32 $0xFFFFFFF0  }
0x2d: {  	v0 =	vld [tilespmem:s24+$0x2780]  }
0x2e: {  	v1 =	vld [tilespmem:s24+$0x0];
	_ =	sdelay $0x1  }
0x2f: {  	v2 =	vld [tilespmem:s24+$0x4F00];
	_ =	sdelay $0x4  }
0x30: {  	v3 =	vld.idx.msk [tilespmem:v0+s17+$0x0], $0xffff  }
0x31: {  	v4 =	vld.idx.msk [tilespmem:v1+s16+$0x0], $0xffff;
	_ =	sdelay $0x1  }
0x32: {  	v2 =	vld.idx.msk [tilespmem:v2+s18+$0x0], $0xffff;
	_ =	sdelay $0x1  }
0x33: {  	s25 =	simm.s32 $0x10  }
0x34: {  	s26 =	simm.s32 $0x80;
	v0 =	vimm.f32 $-3.000000010e+38;
	v1 =	vld [tilespmem:s25+$0x2780];
	v3 =	vadd.f32 v3, v4  }
.LBB2_2:
0x35: {  	p0 =	sne.s32 s26, $0x9C00;
	v4 =	vld [tilespmem:s25+$0x0]  }
0x36: {  	v2 =	vadd.f32 v2, v3  }
0x37: {  	v3 =	vld [tilespmem:s25+$0x4F00]  }
0x38: {  	v5 =	vmul.f32 $2.000000030e-01, v2  }
0x39: {  	vm0 =	vgt.f32 v2, $0.0e+00  }
0x3a: {  	v2 =	vsel vm0, v2, v5  }
0x3b: {  	[tilespmem:s24+$0x7680] =	vst v2;
	v0 =	vmax.f32 v0, v2;
	s24 =	smov.u32 s25  }
0x3c: {  	v5 =	vld.idx.msk [tilespmem:v1+s17+$0x0], $0xffff  }
0x3d: {  	v4 =	vld.idx.msk [tilespmem:v4+s16+$0x0], $0xffff;
	_ =	sdelay $0x1  }
.Ltmp0:
0x3e: {  	v2 =	vld.idx.msk [tilespmem:v3+s18+$0x0], $0xffff;
	(pc) =	sbr.rel @p0 .LBB2_2-.Ltmp0, $3  }
0x3f: {  	_ =	sdelay $0x1  }
0x40: {  	s25 =	sshra.s32 s26, $0x2  }
0x41: {  	s26 =	sadd.s32 $0x40, s26;
	v3 =	vadd.f32 v5, v4;
	v1 =	vld [tilespmem:s25+$0x2780]  }
0x42: {  	_ = 	snop  }
0x43: {  	v4 =	vld [tilespmem:s25+$0x0]  }
0x44: {  	v2 =	vadd.f32 v2, v3  }
0x45: {  	v63 =	vld [tilespmem:s25+$0x4F00]  }
0x46: {  	v5 =	vmul.f32 $2.000000030e-01, v2  }
0x47: {  	vm0 =	vgt.f32 v2, $0.0e+00  }
0x48: {  	v2 =	vsel vm0, v2, v5  }
0x49: {  	[tilespmem:s24+$0x7680] =	vst v2  }
0x4a: {  	v1 =	vld.idx.msk [tilespmem:v1+s17+$0x0], $0xffff  }
0x4b: {  	v4 =	vld.idx.msk [tilespmem:v4+s16+$0x0], $0xffff;
	_ =	sdelay $0x1  }
0x4c: {  	v3 =	vld.idx.msk [tilespmem:v63+s18+$0x0], $0xffff;
	_ =	sdelay $0x2  }
0x4d: {  	v1 =	vadd.f32 v1, v4;
	_ =	sdelay $0x1  }
0x4e: {  	v1 =	vadd.f32 v3, v1;
	_ =	sdelay $0x1  }
0x4f: {  	v3 =	vmul.f32 $2.000000030e-01, v1  }
0x50: {  	vm15 =	vgt.f32 v1, $0.0e+00  }
0x51: {  	v0 =	vmax.f32 v0, v2;
	v1 =	vsel vm15, v1, v3  }
0x52: {  	[tilespmem:s25+$0x7680] =	vst v1;
	v0 =	vmax.f32 v0, v1  }
0x53: {  	[tilespmem:$0xEE80] =	vst v0  }
0x54: {  	[hbm4b:s9+s2] =	stream.linear.scatter [tilespmem:s20], [sflag:$0x2], $0x2710, $0x38;
	[tilespmem:$0xEF00] =	vst v63  }
0x55: {  	s23 =	sadd.s32 $0x1, s23;
	_ =	swait.ge [sflag:s21], $0x2710  }
0x56: {  	p0 =	sne.s32 s23, s11;
	[sflag:s21] =	ssyncset.done $0x0  }
.Ltmp1:
0x57: {  	[sflag:s21] =	ssyncadd.s32 $0xFFFFD8F0;
	(pc) =	sbr.rel @p0 .LBB2_1-.Ltmp1, $4  }
0x58: {  	[hbm4b:s10+s2] =	stream.linear.scatter [tilespmem:s22], [sflag:$0x2], $0x10, $0x38;
	[tilespmem:$0xEF00] =	vst v63  }
0x59: {  	_ =	swait.ge [sflag:s21], $0x10  }
0x5a: {  	[sflag:s21] =	ssyncset.done $0x0  }
0x5b: {  	[sflag:s21] =	ssyncadd.s32 $0xFFFFFFF0  }
0x5c: {  	_ =	sfence.sel $0x180000  }
0x5d: {  	[bflag:$0x0] =	sbarrier.arrive $0xFFFF  }
0x5e: {  	p0 =	sne.s32 s1, $0x0;
	_ =	strace $0x90000047  }
0x5f: {  	s0 =	sadd.s32 @!p0 $0x100000, s0;
	[bflag:$0x2] =	sbarrier.arrive $0xFFFF  }
0x60: {  	[sflag:s0] =	ssyncadd.tile.s32 @!p0 $0x1;
	_ =	shalt  }
.Lfunc_end2:
_tile_overlayer_lowered:
.L_overlay_start_2:
0x61: {  	(tag) =	ssettag $0x2  }
0x62: {  	s0 =	rddreg [dreg:$0x0];
	s2 =	stileid.u32  }
0x63: {  	s1 =	rddreg [dreg:$0x1];
	p0 =	sne.s32 s2, $0x0  }
0x64: {  	s3 =	rddreg [dreg:$0x2];
	[bflag:$0x3] =	sbarrier.arrive $0xFFFF;
	s2 =	simm.s32 @!p0 $0x1C02  }
0x65: {  	[timem:s3], [sflag:s2] =	dma.local @!p0 [hbm:s0], s1  }
0x66: {  	s0 =	simm.s32 @!p0 $0x2  }
0x67: {  	_ =	swait.ge @!p0 [sflag:s0], s1  }
0x68: {  	s1 =	ssub.s32 @!p0 $0x0, s1;
	[sflag:s0] =	ssyncset.done @!p0 $0x0  }
0x69: {  	[sflag:s0] =	ssyncadd.s32 @!p0 s1  }
0x6a: {  	[bflag:$0x3] =	sbarrier.arrive $0xFFFF  }
0x6b: {  	_ =	shalt  }

// kernel: _impl.9.cloned.1.call-start
scs
__scs_entry_jumppad:
0x0: {  	(pc) =	sbr.rel $0x88, $3  }
0x1: {  	(tag) =	ssettag $0x0;
	lr =	simm.s32 $0x1  }
0x2: {  	[smem:$0x3F9B] =	sst lr;
	_ =	strace $0xD0000000  }
0x3: {  	_ = 	snop  }
0x4: {  	_ = 	snop  }
0x5: {  	_ = 	snop  }
0x6: {  	_ = 	snop  }
0x7: {  	_ = 	snop  }
__scs_overlays_trampoline_lowered:
0x8: {  	[smem:$0x3FAA] =	sst s0  }
0x9: {  	[smem:$0x3FAB] =	sst s1  }
0xa: {  	[smem:$0x3FAC] =	sst s2  }
0xb: {  	[smem:$0x3FAD] =	sst s3  }
0xc: {  	[smem:$0x3FAE] =	sst s4  }
0xd: {  	[smem:$0x3FAF] =	sst s5  }
0xe: {  	[smem:$0x3FB0] =	sst s6  }
0xf: {  	[smem:$0x3FB1] =	sst s7  }
0x10: {  	[smem:$0x3FB2] =	sst s8  }
0x11: {  	[smem:$0x3FB3] =	sst s9;
	s0 =	simm.s32 @!p0 $0x0  }
0x12: {  	s1 =	sld [smem:$0x3F99];
	s0 =	simm.s32 @p0 $0x1  }
0x13: {  	[smem:$0x3FB4] =	sst s0;
	s0 =	simm.s32 @!p1 $0x0  }
0x14: {  	s2 =	sld [smem:$0x3F98];
	s0 =	simm.s32 @p1 $0x1  }
0x15: {  	[smem:$0x3FB5] =	sst s0;
	s0 =	simm.s32 @!p2 $0x0  }
0x16: {  	s3 =	sld [smem:$0x3FDB];
	s0 =	simm.s32 @p2 $0x1  }
0x17: {  	s4 =	simm.s32 $0x1BF5;
	[smem:$0x3FB7] =	sst s0  }
0x18: {  	s0 =	sld [smem:$0x3F9A];
	_ =	swait.ge [sflag:s4], $0x0  }
0x19: {  	s7 =	sld [smem:$0x3F9B]  }
0x1a: {  	s8 =	sadd.s32 $0xFFFFE003, lr  }
0x1b: {  	s9 =	sadd.s32 $0xFFFFFEF7, lr;
	s5 =	simm.s32 $0xFFFFFFFF;
	p2 =	slt.u32 s8, $0xFFFFF086  }
0x1c: {  	p1 =	slt.u32 s9, $0xF7A;
	s5 =	simm.s32 @!p2 $0x0  }
0x1d: {  	s5 =	simm.s32 @p1 $0x1;
	p0 =	seq.s32 s7, s2  }
0x1e: {  	s7 =	smul.u32 @!p0 $0xF7A, s2;
	p2 =	seq.s32 @!p0 s5, $0x0  }
0x1f: {  	s9 =	smul.u32 $0xF7A, s1;
	s8 =	simm.s32 @!p0 $0x1BF5;
	p2 =	por !p2, p0  }
0x20: {  	[sflag:s8] =	ssyncset.s32 @!p0 $0xFFFFF086;
	s6 =	sadd.s32 @!p0 s3, s7;
	s7 =	simm.s32 @!p0 $0x108  }
0x21: {  	s3 =	sadd.s32 s3, s9;
	s6 =	sadd.s32 @!p0 $0x88, s6;
	s7 =	simm.s32 @p2 $0x1082  }
0x22: {  	[simem:s7], [sflag:s8] =	dma.local @!p0 [hbm:s6], $0xF7A  }
0x23: {  	s9 =	sor.u32 $0xD0000000, s2;
	s6 =	simm.s32 $0x108;
	_ =	swait.ge @!p0 [sflag:s8], $0x0  }
0x24: {  	s3 =	sadd.s32 $0x88, s3;
	s6 =	simm.s32 @!p1 $0x1082;
	[sflag:s4] =	ssyncset.s32 $0xFFFFF086  }
0x25: {  	[simem:s6], [sflag:s4] =	dma.local [hbm:s3], $0xF7A  }
0x26: {  	[smem:$0x3F9B] =	sst s1;
	(tag) =	ssettag s2;
	_ =	strace s9  }
0x27: {  	s1 =	sld [smem:$0x3FAB]  }
0x28: {  	s2 =	sld [smem:$0x3FAC]  }
0x29: {  	s4 =	sld [smem:$0x3FAE]  }
0x2a: {  	p0 =	seq.s32 s5, $0x0;
	s5 =	sld [smem:$0x3FAF]  }
0x2b: {  	s6 =	sld [smem:$0x3FB0]  }
0x2c: {  	s7 =	sld [smem:$0x3FB1]  }
0x2d: {  	s3 =	simm.s32 $0x108;
	s8 =	sld [smem:$0x3FB2]  }
0x2e: {  	s3 =	simm.s32 @!p0 $0x1082;
	s9 =	sld [smem:$0x3FB3]  }
0x2f: {  	lr =	sadd.s32 s0, s3;
	s0 =	sld [smem:$0x3FAA]  }
0x30: {  	s3 =	sld [smem:$0x3FAD]  }
0x31: {  	[smem:$0x3FB6] =	sst s10  }
0x32: {  	s10 =	sld [smem:$0x3FB4];
	_ =	sdelay $0x3  }
0x33: {  	p0 =	seq.s32 s10, $0x1;
	s10 =	sld [smem:$0x3FB6];
	_ =	sdelay $0x3  }
0x34: {  	[smem:$0x3FB6] =	sst s10  }
0x35: {  	s10 =	sld [smem:$0x3FB5];
	_ =	sdelay $0x3  }
0x36: {  	p1 =	seq.s32 s10, $0x1;
	s10 =	sld [smem:$0x3FB6];
	_ =	sdelay $0x3  }
0x37: {  	[smem:$0x3FB6] =	sst s10  }
0x38: {  	s10 =	sld [smem:$0x3FB7]  }
0x39: {  	_ = 	snop;
	(pc) =	sbr.ind lr, $3  }
0x3a: {  	_ = 	snop  }
0x3b: {  	_ = 	snop  }
0x3c: {  	p2 =	seq.s32 s10, $0x1;
	s10 =	sld [smem:$0x3FB6]  }
0x3d: {  	_ =	shalt  }
0x3e: {  	_ =	shalt  }
0x3f: {  	_ =	shalt  }
0x40: {  	_ =	shalt  }
0x41: {  	_ =	shalt  }
0x42: {  	_ =	shalt  }
0x43: {  	_ =	shalt  }
0x44: {  	_ =	shalt  }
0x45: {  	_ =	shalt  }
0x46: {  	_ =	shalt  }
0x47: {  	_ =	shalt  }
0x48: {  	_ =	shalt  }
0x49: {  	_ =	shalt  }
0x4a: {  	_ =	shalt  }
0x4b: {  	_ =	shalt  }
0x4c: {  	_ =	shalt  }
0x4d: {  	_ =	shalt  }
0x4e: {  	_ =	shalt  }
0x4f: {  	_ =	shalt  }
0x50: {  	_ =	shalt  }
0x51: {  	_ =	shalt  }
0x52: {  	_ =	shalt  }
0x53: {  	_ =	shalt  }
0x54: {  	_ =	shalt  }
0x55: {  	_ =	shalt  }
0x56: {  	_ =	shalt  }
0x57: {  	_ =	shalt  }
0x58: {  	_ =	shalt  }
0x59: {  	_ =	shalt  }
0x5a: {  	_ =	shalt  }
0x5b: {  	_ =	shalt  }
0x5c: {  	_ =	shalt  }
0x5d: {  	_ =	shalt  }
0x5e: {  	_ =	shalt  }
0x5f: {  	_ =	shalt  }
0x60: {  	_ =	shalt  }
0x61: {  	_ =	shalt  }
0x62: {  	_ =	shalt  }
0x63: {  	_ =	shalt  }
0x64: {  	_ =	shalt  }
0x65: {  	_ =	shalt  }
0x66: {  	_ =	shalt  }
0x67: {  	_ =	shalt  }
0x68: {  	_ =	shalt  }
0x69: {  	_ =	shalt  }
0x6a: {  	_ =	shalt  }
0x6b: {  	_ =	shalt  }
0x6c: {  	_ =	shalt  }
0x6d: {  	_ =	shalt  }
0x6e: {  	_ =	shalt  }
0x6f: {  	_ =	shalt  }
0x70: {  	_ =	shalt  }
0x71: {  	_ =	shalt  }
0x72: {  	_ =	shalt  }
0x73: {  	_ =	shalt  }
0x74: {  	_ =	shalt  }
0x75: {  	_ =	shalt  }
0x76: {  	_ =	shalt  }
0x77: {  	_ =	shalt  }
0x78: {  	_ =	shalt  }
0x79: {  	_ =	shalt  }
0x7a: {  	_ =	shalt  }
0x7b: {  	_ =	shalt  }
0x7c: {  	_ =	shalt  }
0x7d: {  	_ =	shalt  }
0x7e: {  	_ =	shalt  }
0x7f: {  	_ =	shalt  }
0x80: {  	_ =	shalt  }
0x81: {  	_ =	shalt  }
0x82: {  	_ =	shalt  }
0x83: {  	_ =	shalt  }
0x84: {  	_ =	shalt  }
0x85: {  	_ =	shalt  }
0x86: {  	_ =	shalt  }
0x87: {  	_ =	shalt  }
.Lfunc_end0:
.L_simem_size_0:
called_computation.1_lowered:
.L_overlay_start_0:
0x88: {  	s2 =	sld [smem:$0x3FD9]  }
0x89: {  	s3 =	sld [smem:$0x3FFE];
	_ =	sdelay $0x1  }
0x8a: {  	s1 =	srdreg.scid  }
0x8b: {  	s0 =	sand.u32 $0x1, s1  }
0x8c: {  	s17 =	sshll.u32 s0, $0xA;
	s2 =	sadd.s32 s3, s2  }
0x8d: {  	s2 =	sadd.s32 s2, s17  }
0x8e: {  	[smem:$0x3FC2] =	sst s2  }
0x8f: {  	_ = 	snop  }
0x90: {  	s2 =	sld [smem:$0x3FD0];
	(tm) =	ssettm $0x1  }
0x91: {  	s18 =	sld [smem:$0x3FFB];
	_ =	sdelay $0x3  }
0x92: {  	_ =	strace s18  }
0x93: {  	s3 =	sld [smem:$0x3FFC];
	_ =	sdelay $0x3  }
0x94: {  	_ =	strace s3  }
0x95: {  	s3 =	sld [smem:$0x3FFD];
	_ =	sdelay $0x3  }
0x96: {  	_ =	strace s3  }
0x97: {  	_ =	strace $0x8FFFFFFF  }
0x98: {  	s19 =	sld [smem:$0x3FDB];
	_ =	sdelay $0x1  }
0x99: {  	s4 =	simm.s32 $_scs_section_size  }
0x9a: {  	s5 =	simm.s32 $_size__tile_overlayer_lowered;
	s6 =	simm.s32 $_tile_overlayer_lowered  }
0x9b: {  	s22 =	simm.s32 $0x1BFF;
	s21 =	sshll.u32 s6, $0x1;
	s3 =	sadd.s32 s4, s19  }
0x9c: {  	s7 =	simm.s32 $0x0;
	s20 =	sshll.u32 s5, $0x1;
	s5 =	sadd.s32 s21, s3  }
0x9d: {  	[timem:s7], [sflag:s22] =	dma.local [hbm:s5], s20  }
0x9e: {  	_ =	swait.ge [sflag:s22], s20  }
0x9f: {  	s4 =	ssub.s32 $0x0, s20;
	[sflag:s22] =	ssyncset.done $0x0  }
0xa0: {  	[sflag:s22] =	ssyncadd.s32 s4;
	_ =	sdelay $0x1  }
0xa1: {  	s23 =	simm.s32 $0x1B8B  }
0xa2: {  	_ =	swait.ge [sflag:s23], $0x1  }
0xa3: {  	[sflag:s23] =	ssyncset.done $0x0  }
0xa4: {  	s25 =	simm.s32 $0x1B8E;
	s24 =	sld [smem:$0x3FFE];
	[sflag:s23] =	ssyncadd.s32 $0xFFFFFFFF  }
0xa5: {  	s26 =	simm.s32 $execute0_lowered;
	[smem:$0x3FD2] =	sst s25  }
0xa6: {  	s5 =	sshll.u32 s26, $0x1;
	_ =	strace $0x80000049;
	[dreg:$0x1] =	wrdreg $0xFFFFFFFF  }
0xa7: {  	s28 =	simm.s32 $_size_execute0_lowered;
	s3 =	sadd.s32 s3, s5;
	[dreg:$0x0] =	wrdreg $0x0  }
0xa8: {  	s5 =	sshll.u32 s28, $0x1;
	[dreg:$0x2] =	wrdreg s3  }
0xa9: {  	[dreg:$0x3] =	wrdreg s5  }
0xaa: {  	[dreg:$0x4] =	wrdreg $0xC0  }
0xab: {  	_ =	task [dreg:s7], $0x5FFFF  }
0xac: {  	[dreg:$0x1] =	wrdreg $0xFFFFFFFF  }
0xad: {  	[dreg:$0x0] =	wrdreg $0x60  }
0xae: {  	[dreg:$0x2] =	wrdreg s24  }
0xaf: {  	[dreg:$0x3] =	wrdreg s2  }
0xb0: {  	[dreg:$0x4] =	wrdreg $0xAE000  }
0xb1: {  	[dreg:$0x5] =	wrdreg $0x1E6800  }
0xb2: {  	[dreg:$0x6] =	wrdreg $0x9  }
0xb3: {  	_ =	task.clear_ibuf [dreg:s7], $0x7FFFF;
	_ =	strace $0x90000049  }
0xb4: {  	s29 =	simm.s32 $0x9;
	_ =	strace $0x8000004B  }
0xb5: {  	_ =	swait.ge [sflag:s29], $0x1  }
0xb6: {  	[sflag:s29] =	ssyncadd.s32 $0xFFFFFFFF  }
0xb7: {  	_ =	strace $0x9000004B  }
0xb8: {  	_ =	sfence  }
0xb9: {  	s30 =	sld [smem:$0x0];
	_ =	sdelay $0x2  }
0xba: {  	s31 =	sshll.u32 s1, $0xD;
	s1 =	sshrl.u32 s1, $0x2  }
0xbb: {  	s3 =	sand.u32 $0x4000, s31;
	s1 =	sadd.s32 s1, s30  }
0xbc: {  	s0 =	sor.u32 s3, s0;
	s1 =	sshll.u32 s1, $0x11  }
0xbd: {  	s0 =	sor.u32 s1, s0  }
0xbe: {  	s0 =	sadd.s32 $0x8F2B, s0  }
0xbf: {  	[sflag:s0] =	ssyncadd.remote.s32 $0x1  }
0xc0: {  	_ =	sfence.sel $0xFFFF  }
0xc1: {  	[dreg:$0x0] =	wrdreg $0xFFFFFFFF;
	(pc) =	sbr.abs _section_cstart, $3  }
0xc2: {  	[dreg:$0x1] =	wrdreg $0xFFFFFFFF  }
0xc3: {  	_ =	task.clear_ibuf [dreg:s7], $0x2FFFF;
	_ =	strace $0x9FFFFFFF  }
0xc4: {  	(tm) =	ssettm $0x7FFFFFFF  }
0xc5: {  	_ =	shalt  }
tec
execute0_lowered:
.L_overlay_start_1:
0x0: {  	(tag) =	ssettag $0x1  }
0x1: {  	s0 =	srdreg.scid;
	s24 =	stileid.u32  }
0x2: {  	s6 =	sand.u32 $0x1, s0;
	s8 =	smul.u32 $0x2800, s24  }
0x3: {  	s7 =	sor.u32 $0x10, s24;
	s5 =	smul.u32 $0x138800, s6  }
0x4: {  	s9 =	sor.u32 $0x20, s24;
	s10 =	smul.u32 $0x2800, s7  }
0x5: {  	s12 =	sor.u32 $0x30, s24;
	s13 =	smul.u32 $0x2800, s9  }
0x6: {  	s18 =	sor.u32 $0x40, s24;
	s14 =	smul.u32 $0x2800, s12  }
0x7: {  	s19 =	sor.u32 $0x50, s24;
	s16 =	smul.u32 $0x2800, s18  }
0x8: {  	s20 =	sor.u32 $0x60, s24;
	s25 =	smul.u32 $0x2800, s19  }
0x9: {  	s21 =	sor.u32 $0x70, s24;
	s22 =	smul.u32 $0x2800, s20  }
0xa: {  	s3 =	rddreg [dreg:$0x0];
	s17 =	sshll.u32 s24, $0x1;
	s23 =	smul.u32 $0x2800, s21  }
0xb: {  	s0 =	ssub.s32 $0x2, s6;
	s17 =	sor.u32 s6, s17;
	s6 =	smul.u32 $0x2710, s6  }
0xc: {  	s1 =	rddreg [dreg:$0x2];
	s7 =	smul.u32 $0xA000, s7  }
0xd: {  	s2 =	rddreg [dreg:$0x3];
	s12 =	smul.u32 $0xA000, s12  }
0xe: {  	s30 =	simm.s32 $0xC;
	p0 =	sgt.u32 s24, $0xC;
	s19 =	smul.u32 $0xA000, s19  }
0xf: {  	s11 =	sadd.s32 $0x20600, s3;
	s20 =	smul.u32 $0xA000, s20;
	p2 =	sgt.u32 @!p0 s24, $0x9  }
0x10: {  	s21 =	smul.u32 $0xA000, s21;
	s15 =	sshrl.u32 s0, $0x1;
	p1 =	por p2, p0  }
0x11: {  	p2 =	por !p2, p0;
	s0 =	ssub.s32 s0, s15;
	s8 =	sadd.s32 s8, s5  }
0x12: {  	s10 =	sadd.s32 s5, s10;
	s13 =	sadd.s32 s5, s13;
	s14 =	sadd.s32 s5, s14  }
0x13: {  	s16 =	sadd.s32 s5, s16;
	s15 =	sadd.s32 s5, s25;
	s22 =	sadd.s32 s5, s22  }
0x14: {  	s23 =	sadd.s32 s5, s23;
	s5 =	smul.u32 $0x3E8, s24;
	s7 =	sshrl.u32 s7, $0x2  }
0x15: {  	s8 =	sshrl.u32 s8, $0x3;
	s26 =	sshrl.u32 s10, $0x3;
	s29 =	sshrl.u32 s13, $0x3  }
0x16: {  	s4 =	sshrl.u32 s14, $0x3;
	s14 =	sshrl.u32 s16, $0x3;
	s15 =	sshrl.u32 s15, $0x3  }
0x17: {  	s16 =	sshrl.u32 s22, $0x3;
	s25 =	sshrl.u32 s23, $0x3;
	s31 =	sadd.s32 s7, s1  }
0x18: {  	s7 =	sshrl.u32 s19, $0x2;
	s8 =	sadd.s32 s11, s8;
	s13 =	sadd.s32 s11, s4  }
0x19: {  	s22 =	sadd.s32 s11, s16;
	s6 =	sadd.s32 s5, s6;
	[dreg:$0x5] =	wrdreg s8  }
0x1a: {  	s16 =	sadd.s32 $0x1600, s3;
	s4 =	smul.u32 $0xA000, s24;
	[dreg:$0x8] =	wrdreg s13  }
0x1b: {  	s8 =	sadd.s32 s11, s26;
	[dreg:$0xb] =	wrdreg s22;
	s13 =	simm.s32 $0x0  }
0x1c: {  	s6 =	sshrl.u32 s6, $0x3;
	s22 =	smul.u32 $0x2710, s17;
	[dreg:$0x6] =	wrdreg s8  }
0x1d: {  	s26 =	smul.u32 $0xA000, s9;
	s8 =	sadd.s32 s11, s29;
	[smem:$0x7FF] =	sst s13  }
0x1e: {  	s17 =	sadd.s32 $0x16600, s3;
	[dreg:$0x7] =	wrdreg s8;
	s8 =	sadd.s32 s11, s14  }
0x1f: {  	s6 =	sadd.s32 s6, s3;
	[dreg:$0x9] =	wrdreg s8;
	s8 =	sadd.s32 s11, s15  }
0x20: {  	s29 =	sadd.s32 $0x20400, s3;
	[dreg:$0xa] =	wrdreg s8;
	s8 =	sadd.s32 s11, s25  }
0x21: {  	s14 =	smul.u32 $0xA000, s18;
	s15 =	sadd.s32 $0xB400, s3;
	[dreg:$0xc] =	wrdreg s8  }
0x22: {  	s11 =	sadd.s32 $0x15400, s3;
	_ =	strace $0x8000004A;
	[dreg:$0xd] =	wrdreg s29  }
0x23: {  	s3 =	sadd.s32 $0x15200, s3;
	s23 =	sshrl.u32 s14, $0x2;
	[dreg:$0xe] =	wrdreg s11  }
0x24: {  	s9 =	sshrl.u32 s4, $0x2;
	s4 =	sadd.s32 s23, s1;
	[dreg:$0xf] =	wrdreg s3  }
0x25: {  	s8 =	sshrl.u32 s26, $0x2;
	s26 =	sadd.s32 s7, s1;
	[dreg:$0x14] =	wrdreg s4  }
0x26: {  	s0 =	smax.u32 s0, $0x1;
	s28 =	sadd.s32 s9, s1;
	[dreg:$0x15] =	wrdreg s26  }
0x27: {  	s25 =	smul.u32 $0xFA0, s24;
	s3 =	sshrl.u32 s12, $0x2;
	[smem:$0x7F9] =	sst s0  }
0x28: {  	s18 =	sadd.s32 s8, s1;
	s29 =	sshrl.u32 s20, $0x2;
	[smem:$0x7FA] =	sst s22  }
0x29: {  	s4 =	sshrl.u32 s25, $0x2;
	s8 =	sshrl.u32 s22, $0x3;
	[dreg:$0x10] =	wrdreg s28  }
0x2a: {  	s25 =	sadd.s32 s5, s2;
	s26 =	sadd.s32 $0x15A00, s6;
	[dreg:$0x11] =	wrdreg s31  }
0x2b: {  	s5 =	simm.s32 $0x4;
	s6 =	simm.s32 $0x780;
	[dreg:$0x1f] =	wrdreg s25  }
0x2c: {  	s12 =	sadd.s32 s3, s1;
	s11 =	sadd.s32 s29, s1;
	[smem:$0x7F8] =	sst s26  }
0x2d: {  	s3 =	sshrl.u32 s21, $0x2;
	s7 =	sadd.s32 s4, s2;
	[dreg:$0x12] =	wrdreg s18  }
0x2e: {  	s9 =	sadd.s32 s15, s8;
	s14 =	sadd.s32 s16, s8;
	[dreg:$0x18] =	wrdreg s7  }
0x2f: {  	s19 =	sadd.s32 $0xA, s8;
	s4 =	sadd.s32 $0x190, s22;
	[dreg:$0x19] =	wrdreg s9  }
0x30: {  	s25 =	simm.s32 $0x800;
	s29 =	simm.s32 $0x0;
	[dreg:$0x1a] =	wrdreg s14  }
0x31: {  	s2 =	simm.s32 $0x100;
	s26 =	simm.s32 $0x600;
	[smem:$0x7FB] =	sst s29  }
0x32: {  	s10 =	sadd.s32 s3, s1;
	s3 =	sadd.s32 s17, s8;
	[dreg:$0x16] =	wrdreg s11  }
0x33: {  	s20 =	sadd.s32 s15, s19;
	s21 =	sadd.s32 s16, s19;
	[smem:$0x7FD] =	sst s4  }
0x34: {  	s23 =	sadd.s32 s17, s19;
	s24 =	smov.u32 s12;
	[dreg:$0x1b] =	wrdreg s3  }
0x35: {  	s7 =	simm.s32 $0x11;
	s1 =	simm.s32 $0x9;
	[dreg:$0x1c] =	wrdreg s20  }
0x36: {  	s8 =	simm.s32 $0x1;
	s9 =	simm.s32 $0x50;
	[dreg:$0x1d] =	wrdreg s21  }
0x37: {  	s14 =	simm.s32 $0x180;
	s19 =	simm.s32 $0x5800;
	[dreg:$0x1e] =	wrdreg s23  }
0x38: {  	s12 =	simm.s32 $0x700;
	s21 =	sadd.s32 $0x140, s22;
	[dreg:$0x13] =	wrdreg s24  }
0x39: {  	s20 =	simm.s32 $0xA;
	s3 =	simm.s32 $0xB;
	[dreg:$0x17] =	wrdreg s10  }
0x3a: {  	s23 =	simm.s32 $0x2;
	s22 =	simm.s32 $0x680;
	[smem:$0x7FC] =	sst s21  }
.LBB2_1:
0x3b: {  	s0 =	rddreg [dreg:$0xe]  }
0x3c: {  	[tilespmem:s25], [sflag:$0x11] =	stream.linear.gather [hbm4b:s0+s13], $0x2800, $0x38;
	[tilespmem:$0x1E8F8] =	vst v63  }
0x3d: {  	s29 =	smov.u32 s21;
	s21 =	rddreg [dreg:$0x15];
	_ =	swait.ge [sflag:s7], $0x2800  }
0x3e: {  	[sflag:s7] =	ssyncset.done $0x0  }
0x3f: {  	[sflag:s7] =	ssyncadd.s32 $0xFFFFD800  }
0x40: {  	[spmem:s28] =	stream.linear.scatter [tilespmem:s25], [sflag:$0x9], $0x2800, $0x38;
	[tilespmem:$0x1E8F8] =	vst v63  }
0x41: {  	_ = 	snop  }
0x42: {  	[spmem:s31] =	stream.linear.scatter [tilespmem:s25], [sflag:$0xA], $0x2800, $0x38;
	[tilespmem:$0x1E8F8] =	vst v63  }
0x43: {  	_ = 	snop  }
0x44: {  	[spmem:s18] =	stream.linear.scatter [tilespmem:s25], [sflag:$0xB], $0x2800, $0x38;
	[tilespmem:$0x1E8F8] =	vst v63  }
0x45: {  	_ = 	snop  }
0x46: {  	[spmem:s24] =	stream.linear.scatter [tilespmem:s25], [sflag:$0xC], $0x2800, $0x38;
	[tilespmem:$0x1E8F8] =	vst v63  }
0x47: {  	s18 =	rddreg [dreg:$0x14]  }
0x48: {  	[spmem:s18] =	stream.linear.scatter [tilespmem:s25], [sflag:$0x9], $0x2800, $0x38;
	[tilespmem:$0x1E8F8] =	vst v63  }
0x49: {  	_ = 	snop  }
0x4a: {  	[spmem:s21] =	stream.linear.scatter [tilespmem:s25], [sflag:$0xA], $0x2800, $0x38;
	[tilespmem:$0x1E8F8] =	vst v63  }
0x4b: {  	_ = 	snop  }
0x4c: {  	[spmem:s11] =	stream.linear.scatter [tilespmem:s25], [sflag:$0xB], $0x2800, $0x38;
	[tilespmem:$0x1E8F8] =	vst v63  }
0x4d: {  	s0 =	simm.s32 @!p0 $0x800  }
0x4e: {  	[spmem:s10] =	stream.linear.scatter @!p0 [tilespmem:s0], [sflag:$0xC], $0x2800, $0x38;
	[tilespmem:$0x1E8F8] =	vst v63  }
0x4f: {  	_ =	swait.ge [sflag:s1], $0x2800  }
0x50: {  	[sflag:s1] =	ssyncset.done $0x0  }
0x51: {  	[sflag:s1] =	ssyncadd.s32 $0xFFFFD800  }
0x52: {  	_ =	swait.ge [sflag:s20], $0x2800  }
0x53: {  	[sflag:s20] =	ssyncset.done $0x0  }
0x54: {  	[sflag:s20] =	ssyncadd.s32 $0xFFFFD800  }
0x55: {  	_ =	swait.ge [sflag:s3], $0x2800  }
0x56: {  	[sflag:s3] =	ssyncset.done $0x0  }
0x57: {  	[sflag:s3] =	ssyncadd.s32 $0xFFFFD800  }
0x58: {  	_ =	swait.ge [sflag:s30], $0x2800  }
0x59: {  	[sflag:s30] =	ssyncset.done $0x0  }
0x5a: {  	[sflag:s30] =	ssyncadd.s32 $0xFFFFD800  }
0x5b: {  	_ =	swait.ge [sflag:s1], $0x2800  }
0x5c: {  	[sflag:s1] =	ssyncset.done $0x0  }
0x5d: {  	[sflag:s1] =	ssyncadd.s32 $0xFFFFD800  }
0x5e: {  	_ =	swait.ge [sflag:s20], $0x2800  }
0x5f: {  	[sflag:s20] =	ssyncset.done $0x0  }
0x60: {  	[sflag:s20] =	ssyncadd.s32 $0xFFFFD800  }
0x61: {  	_ =	swait.ge [sflag:s3], $0x2800  }
0x62: {  	[sflag:s3] =	ssyncset.done $0x0  }
0x63: {  	s0 =	simm.s32 @!p0 $0xC;
	[sflag:s3] =	ssyncadd.s32 $0xFFFFD800  }
0x64: {  	_ =	swait.ge @!p0 [sflag:s0], $0x2800  }
0x65: {  	s7 =	simm.s32 @!p1 $0xA800;
	[sflag:s0] =	ssyncset.done @!p0 $0x0  }
0x66: {  	s10 =	rddreg [dreg:$0xf];
	[sflag:s0] =	ssyncadd.s32 @!p0 $0xFFFFD800;
	s0 =	simm.s32 @!p1 $0x0  }
0x67: {  	[tilespmem:s7], [sflag:$0x11] =	stream.linear.gather @!p1 [hbm4b:s10+s0], $0x400, $0x38;
	[tilespmem:$0x1E8F8] =	vst v63  }
0x68: {  	s0 =	simm.s32 @!p1 $0x11  }
0x69: {  	_ =	swait.ge @!p1 [sflag:s0], $0x400  }
0x6a: {  	[sflag:s0] =	ssyncset.done @!p1 $0x0  }
0x6b: {  	s10 =	rddreg [dreg:$0x18];
	[sflag:s0] =	ssyncadd.s32 @!p1 $0xFFFFFC00  }
0x6c: {  	[spmem:s10] =	stream.linear.scatter @!p1 [tilespmem:s7], [sflag:$0x11], $0x3E8, $0x38;
	[tilespmem:$0x1E8F8] =	vst v63  }
0x6d: {  	_ =	swait.ge @!p1 [sflag:s0], $0x3E8  }
0x6e: {  	[sflag:s0] =	ssyncset.done @!p1 $0x0  }
0x6f: {  	[sflag:s0] =	ssyncadd.s32 @!p1 $0xFFFFFC18  }
0x70: {  	[bflag:$0x0] =	sbarrier.arrive $0xFFFF  }
0x71: {  	s31 =	simm.s32 $0xAC00;
	s24 =	simm.s32 $0x11;
	s28 =	rddreg [dreg:$0xd]  }
0x72: {  	[tilespmem:s31], [sflag:$0x11] =	stream.linear.gather [hbm4b:s28+s13], $0x200, $0x38;
	[tilespmem:$0x1E8F8] =	vst v63  }
0x73: {  	_ =	swait.ge [sflag:s24], $0x200  }
0x74: {  	[sflag:s24] =	ssyncset.done $0x0  }
0x75: {  	[sflag:s24] =	ssyncadd.s32 $0xFFFFFE00  }
0x76: {  	v0 =	vld [tilespmem:$0xAC00]  }
0x77: {  	v1 =	vld [tilespmem:$0xAC10]  }
0x78: {  	v2 =	vld [tilespmem:$0xAC20]  }
0x79: {  	v3 =	vld [tilespmem:$0xAC30]  }
0x7a: {  	v4 =	vld [tilespmem:$0xAC40]  }
0x7b: {  	v5 =	vld [tilespmem:$0xAC50]  }
0x7c: {  	v0 =	vmax.f32 v0, v1;
	v1 =	vld [tilespmem:$0xAC60]  }
0x7d: {  	v0 =	vmax.f32 v0, v2;
	v2 =	vld [tilespmem:$0xAC70]  }
0x7e: {  	v0 =	vmax.f32 v0, v3;
	v3 =	vld [tilespmem:$0xAC80]  }
0x7f: {  	v54 =	vld [tilespmem:$0xAC90];
	v0 =	vmax.f32 v0, v4  }
0x80: {  	v55 =	vld [tilespmem:$0xACA0];
	v0 =	vmax.f32 v0, v5  }
0x81: {  	v0 =	vmax.f32 v0, v1;
	v1 =	vld [tilespmem:$0xACB0]  }
0x82: {  	v0 =	vmax.f32 v0, v2;
	v2 =	vld [tilespmem:$0xACC0]  }
0x83: {  	v0 =	vmax.f32 v0, v3;
	v3 =	vld [tilespmem:$0xACD0]  }
0x84: {  	v56 =	vld [tilespmem:$0xACE0];
	v0 =	vmax.f32 v0, v54  }
0x85: {  	v57 =	vld [tilespmem:$0xACF0];
	v0 =	vmax.f32 v0, v55  }
0x86: {  	v0 =	vmax.f32 v0, v1;
	v1 =	vld [tilespmem:$0xAD00]  }
0x87: {  	v0 =	vmax.f32 v0, v2;
	v2 =	vld [tilespmem:$0xAD10]  }
0x88: {  	v0 =	vmax.f32 v0, v3;
	v3 =	vld [tilespmem:$0xAD20]  }
0x89: {  	v58 =	vld [tilespmem:$0xAD30];
	v0 =	vmax.f32 v0, v56  }
0x8a: {  	v59 =	vld [tilespmem:$0xAD40];
	v0 =	vmax.f32 v0, v57  }
0x8b: {  	v0 =	vmax.f32 v0, v1;
	v1 =	vld [tilespmem:$0xAD50]  }
0x8c: {  	v0 =	vmax.f32 v0, v2;
	v2 =	vld [tilespmem:$0xAD60]  }
0x8d: {  	v0 =	vmax.f32 v0, v3;
	v3 =	vld [tilespmem:$0xAD70]  }
0x8e: {  	v60 =	vld [tilespmem:$0xAD80];
	v0 =	vmax.f32 v0, v58  }
0x8f: {  	v61 =	vld [tilespmem:$0xAD90];
	v0 =	vmax.f32 v0, v59  }
0x90: {  	v0 =	vmax.f32 v0, v1;
	v1 =	vld [tilespmem:$0xADA0]  }
0x91: {  	v0 =	vmax.f32 v0, v2;
	v2 =	vld [tilespmem:$0xADB0]  }
0x92: {  	v0 =	vmax.f32 v0, v3;
	v3 =	vld [tilespmem:$0xADC0]  }
0x93: {  	v62 =	vld [tilespmem:$0xADD0];
	v0 =	vmax.f32 v0, v60  }
0x94: {  	v63 =	vld [tilespmem:$0xADE0];
	v0 =	vmax.f32 v0, v61  }
0x95: {  	s21 =	smov.u32 s29;
	s3 =	rddreg [dreg:$0x19];
	v0 =	vmax.f32 v0, v1;
	v1 =	vld [tilespmem:$0xADF0]  }
0x96: {  	[tilespmem:s13], [sflag:$0x1] =	stream.linear.gather [hbm4b:s3+s13], $0x50, $0x38;
	v0 =	vmax.f32 v0, v2;
	[tilespmem:$0x1E8F8] =	vst v63  }
0x97: {  	s29 =	smov.u32 s4;
	s30 =	simm.s32 $0x200;
	s4 =	rddreg [dreg:$0x1a];
	v0 =	vmax.f32 v0, v3  }
0x98: {  	[tilespmem:s30], [sflag:$0x1] =	stream.linear.gather [hbm4b:s4+s13], $0x50, $0x38;
	v0 =	vmax.f32 v0, v62;
	[tilespmem:$0x1E8F8] =	vst v63  }
0x99: {  	s10 =	simm.s32 $0x400;
	s7 =	rddreg [dreg:$0x1b];
	v0 =	vmax.f32 v0, v63  }
0x9a: {  	[tilespmem:s10], [sflag:$0x1] =	stream.linear.gather [hbm4b:s7+s13], $0x50, $0x38;
	v0 =	vmax.f32 v0, v1;
	[tilespmem:$0x1E8F8] =	vst v63  }
0x9b: {  	(xrf0) =	vmax.scan.msk.f32 $0xffff, v0  }
0x9c: {  	s18 =	simm.s32 $0x80;
	s11 =	rddreg [dreg:$0x1c]  }
0x9d: {  	[tilespmem:s18], [sflag:$0x2] =	stream.linear.gather [hbm4b:s11+s13], $0x50, $0x38;
	[tilespmem:$0x1E8F8] =	vst v63  }
0x9e: {  	s20 =	rddreg [dreg:$0x1d];
	s24 =	simm.s32 $0x280  }
0x9f: {  	[tilespmem:s24], [sflag:$0x2] =	stream.linear.gather [hbm4b:s20+s13], $0x50, $0x38;
	[tilespmem:$0x1E8F8] =	vst v63  }
0xa0: {  	s31 =	simm.s32 $0x480;
	s28 =	rddreg [dreg:$0x1e]  }
0xa1: {  	[tilespmem:s31], [sflag:$0x2] =	stream.linear.gather [hbm4b:s28+s13], $0x50, $0x38;
	v0, _, _ =	vpop (xrf0);
	[tilespmem:$0x1E8F8] =	vst v63  }
0xa2: {  	_ =	swait.ge [sflag:s8], $0x50  }
0xa3: {  	[sflag:s8] =	ssyncset.done $0x0  }
0xa4: {  	[sflag:s8] =	ssyncadd.s32 $0xFFFFFFB0  }
0xa5: {  	_ =	swait.ge [sflag:s8], $0x50  }
0xa6: {  	[sflag:s8] =	ssyncset.done $0x0  }
0xa7: {  	[sflag:s8] =	ssyncadd.s32 $0xFFFFFFB0  }
0xa8: {  	p3 =	por @!p0 $0x0, $0x0;
	p4 =	por @!p1 $0x1, $0x1;
	_ =	swait.ge [sflag:s8], $0x50  }
0xa9: {  	p4 =	por @!p2 p3, p3;
	p3 =	por $0x0, $0x0;
	[sflag:s8] =	ssyncset.done $0x0  }
0xaa: {  	p3 =	por @!p0 p4, p4;
	[sflag:s8] =	ssyncadd.s32 $0xFFFFFFB0  }
0xab: {  	s0 =	simm.s32 $0x0;
	s3 =	simm.s32 $0xA;
	s1 =	rddreg [dreg:$0x1]  }
0xac: {  	[tilespmem:s25], [sflag:$0x5] =	stream.indirect.gather [hbm4b:s1+s9], $0x80, s30, s9, $0xb8;
	[tilespmem:$0x1E8F8] =	vst v63  }
0xad: {  	s11 =	simm.s32 $0x800;
	s20 =	simm.s32 $0x9;
	v0 =	vbroadcast v0, $0xF;
	s25 =	simm.s32 $0x400  }
.LBB2_2:
0xae: {  	p4 =	seq.s32 s0, $0x0  }
0xaf: {  	s18 =	simm.s32 @!p4 $0xB  }
0xb0: {  	_ =	swait.ge @!p4 [sflag:s18], $0x2800  }
0xb1: {  	[sflag:s18] =	ssyncset.done @!p4 $0x0  }
0xb2: {  	[sflag:s18] =	ssyncadd.s32 @!p4 $0xFFFFD800;
	s18 =	simm.s32 @!p4 $0xF  }
0xb3: {  	s7 =	smul.u32 @!p4 $0x140, s0;
	_ =	swait.ge @!p4 [sflag:s18], $0x50  }
0xb4: {  	s10 =	sld [smem:$0x7FA]  }
0xb5: {  	s24 =	sadd.s32 @!p4 $0xA0, s7  }
0xb6: {  	s24 =	simm.s32 @p4 $0xA0  }
0xb7: {  	s24 =	sadd.s32 s10, s24  }
0xb8: {  	[sflag:s18] =	ssyncset.done @!p4 $0x0;
	s24 =	sshrl.u32 s24, $0x3  }
0xb9: {  	[sflag:s18] =	ssyncadd.s32 @!p4 $0xFFFFFFB0;
	s4 =	sadd.s32 s15, s24  }
0xba: {  	[tilespmem:s2], [sflag:$0x3] =	stream.linear.gather [hbm4b:s4+s13], $0x50, $0x38;
	[tilespmem:$0x1E8F8] =	vst v63  }
0xbb: {  	s28 =	simm.s32 $0x300;
	s10 =	sadd.s32 s16, s24  }
0xbc: {  	[tilespmem:s28], [sflag:$0x3] =	stream.linear.gather [hbm4b:s10+s13], $0x50, $0x38;
	[tilespmem:$0x1E8F8] =	vst v63  }
0xbd: {  	s4 =	sadd.s32 s17, s24;
	s10 =	simm.s32 $0x500  }
0xbe: {  	[tilespmem:s10], [sflag:$0x3] =	stream.linear.gather [hbm4b:s4+s13], $0x50, $0x38;
	[tilespmem:$0x1E8F8] =	vst v63  }
0xbf: {  	_ =	swait.ge [sflag:s23], $0x50  }
0xc0: {  	[sflag:s23] =	ssyncset.done $0x0  }
0xc1: {  	[sflag:s23] =	ssyncadd.s32 $0xFFFFFFB0  }
0xc2: {  	_ =	swait.ge [sflag:s23], $0x50  }
0xc3: {  	[sflag:s23] =	ssyncset.done $0x0  }
0xc4: {  	[sflag:s23] =	ssyncadd.s32 $0xFFFFFFB0  }
0xc5: {  	_ =	swait.ge [sflag:s23], $0x50  }
0xc6: {  	s18 =	simm.s32 $0x280;
	[sflag:s23] =	ssyncset.done $0x0  }
0xc7: {  	s24 =	simm.s32 $0x3000;
	s28 =	simm.s32 $0x5;
	[sflag:s23] =	ssyncadd.s32 $0xFFFFFFB0  }
0xc8: {  	[tilespmem:s24], [sflag:$0x6] =	stream.indirect.gather [hbm4b:s1+s9], $0x80, s18, s9, $0xb8;
	[tilespmem:$0x1E8F8] =	vst v63  }
0xc9: {  	_ =	swait.ge [sflag:s28], $0x2800  }
0xca: {  	[sflag:s28] =	ssyncset.done $0x0  }
0xcb: {  	[sflag:s28] =	ssyncadd.s32 $0xFFFFD800  }
0xcc: {  	v1 =	vld [tilespmem:$0x400]  }
0xcd: {  	v2 =	vld [tilespmem:$0x410]  }
0xce: {  	v3 =	vld [tilespmem:$0x420]  }
0xcf: {  	v4 =	vld [tilespmem:$0x430]  }
0xd0: {  	v5 =	vld [tilespmem:$0x440]  }
0xd1: {  	v1 =	vsub.f32 v1, v0  }
0xd2: {  	v2 =	vsub.f32 v2, v0  }
0xd3: {  	v3 =	vsub.f32 v3, v0;
	v1 =	vmul.f32 $1.442695020e+00, v1  }
0xd4: {  	v4 =	vsub.f32 v4, v0;
	v2 =	vmul.f32 $1.442695020e+00, v2  }
0xd5: {  	(erf) = vpow2.f32 v1;
	v1 =	vmul.f32 $1.442695020e+00, v3;
	v3 =	vsub.f32 v5, v0  }
0xd6: {  	(erf) = vpow2.f32 v2;
	v2 =	vmul.f32 $1.442695020e+00, v4  }
0xd7: {  	(erf) = vpow2.f32 v1;
	v1 =	vmul.f32 $1.442695020e+00, v3  }
0xd8: {  	(erf) = vpow2.f32 v2  }
0xd9: {  	(erf) = vpow2.f32 v1;
	_ =	sdelay $0x4  }
0xda: {  	v1 =	vpop (erf)  }
0xdb: {  	v2 =	vpop (erf);
	[tilespmem:$0x600] =	vst v1  }
0xdc: {  	v1 =	vpop (erf);
	[tilespmem:$0x610] =	vst v2  }
0xdd: {  	v2 =	vpop (erf);
	[tilespmem:$0x620] =	vst v1  }
0xde: {  	[tilespmem:$0x630] =	vst v2;
	v1 =	vpop (erf)  }
0xdf: {  	s24 =	simm.s32 $0x900;
	[tilespmem:$0x640] =	vst v1  }
0xe0: {  	v3 =	vld [tilespmem:s24+$0xFFFFFFF0]  }
0xe1: {  	v4 =	vld [tilespmem:s24+$0xF0]  }
0xe2: {  	v2 =	vld [tilespmem:s24+$0xB0]  }
0xe3: {  	v5 =	vld [tilespmem:s24+$0xFFFFFFC0]  }
0xe4: {  	v6 =	vld [tilespmem:s24+$0x40]  }
0xe5: {  	v7 =	vld [tilespmem:s24+$0xFFFFFF50]  }
0xe6: {  	v8 =	vld [tilespmem:s24+$0xFFFFFFD0]  }
0xe7: {  	v9 =	vld [tilespmem:s24+$0x50]  }
0xe8: {  	v12 =	vld [tilespmem:s24+$0xD0]  }
0xe9: {  	s31 =	simm.s32 $0x3;
	v14 =	vld [tilespmem:s24+$0xFFFFFF60]  }
0xea: {  	v10 =	vmov s31;
	s4 =	simm.s32 $0x0;
	v17 =	vld [tilespmem:s24+$0x60]  }
0xeb: {  	s10 =	simm.s32 $0x1;
	v1 =	vmov s4;
	v18 =	vld [tilespmem:s24+$0xE0]  }
0xec: {  	v11 =	vmov s10;
	s28 =	simm.s32 $0x2;
	v1 =	vand.u32 $0xFFFFFFFC, v1;
	v19 =	vld [tilespmem:s24+$0xFFFFFF70]  }
0xed: {  	v22 =	vld [tilespmem:s24+$0xA0];
	v13 =	vbroadcast v1, $0x0;
	v1 =	vand.u32 $0xFFFFFFFD, v11;
	v11 =	vmov s28  }
0xee: {  	v23 =	vld [tilespmem:s24+$0xFFFFFF30];
	v15 =	vbroadcast v1, $0x0;
	v1 =	vand.u32 $0xFFFFFFFE, v11  }
0xef: {  	v16 =	vbroadcast v1, $0x0;
	v1 =	vld.idx.msk [tilespmem:v10+s26+$0x0], $0xffff  }
0xf0: {  	v60 =	vld [tilespmem:s24+$0xFFFFFFA0]  }
0xf1: {  	v24 =	vld [tilespmem:s24+$0xFFFFFF20]  }
0xf2: {  	v25 =	vld [tilespmem:s24+$0x10]  }
0xf3: {  	v61 =	vld [tilespmem:s24+$0xFFFFFF80]  }
0xf4: {  	v20 =	vld.idx.msk [tilespmem:v13+s26+$0x0], $0xffff;
	v12 =	vmul.f32 v12, v1  }
0xf5: {  	v21 =	vld.idx.msk [tilespmem:v15+s26+$0x0], $0xffff;
	v18 =	vmul.f32 v18, v1  }
0xf6: {  	v2 =	vmul.f32 v2, v1;
	v16 =	vld.idx.msk [tilespmem:v16+s26+$0x0], $0xffff;
	[tilespmem:s24+$0xD0] =	vst v12  }
0xf7: {  	v11 =	vld [tilespmem:s24+$0xFFFFFFE0];
	v4 =	vmul.f32 v4, v1;
	[tilespmem:s24+$0xE0] =	vst v18  }
0xf8: {  	v62 =	vld [tilespmem:s24+$0xFFFFFF00];
	v22 =	vmul.f32 v22, v1;
	[tilespmem:s24+$0xB0] =	vst v2  }
0xf9: {  	v63 =	vld [tilespmem:s24+$0xFFFFFF40];
	[tilespmem:s24+$0xF0] =	vst v4;
	v7 =	vmul.f32 v7, v20  }
0xfa: {  	v15 =	vld [tilespmem:s24+$0xFFFFFFB0];
	[tilespmem:s24+$0xA0] =	vst v22;
	v12 =	vmul.f32 v14, v20  }
0xfb: {  	v13 =	vld [tilespmem:s24+$0x30];
	v5 =	vmul.f32 v5, v21;
	[tilespmem:s24+$0xFFFFFF50] =	vst v7  }
0xfc: {  	v10 =	vld [tilespmem:s24+$0x70];
	v11 =	vmul.f32 v11, v21;
	[tilespmem:s24+$0xFFFFFF60] =	vst v12  }
0xfd: {  	v14 =	vld [tilespmem:s24+$0x20];
	v26 =	vmul.f32 v3, v21;
	v7 =	vmul.f32 v8, v21;
	[tilespmem:s24+$0xFFFFFFC0] =	vst v5  }
0xfe: {  	v3 =	vmul.f32 v19, v20;
	v12 =	vld [tilespmem:s24+$0x90];
	v8 =	vmul.f32 v9, v16;
	[tilespmem:s24+$0xFFFFFFE0] =	vst v11  }
0xff: {  	v9 =	vmul.f32 v15, v21;
	v2 =	vmul.f32 v17, v16;
	v17 =	vld [tilespmem:s24+$0x80];
	[tilespmem:s24+$0xFFFFFFD0] =	vst v7  }
0x100: {  	v5 =	vmul.f32 v6, v16;
	v6 =	vmul.f32 v13, v16;
	v13 =	vld [tilespmem:s24+$0xFFFFFF10];
	[tilespmem:s24+$0x50] =	vst v8  }
0x101: {  	v4 =	vmul.f32 v61, v21;
	v10 =	vmul.f32 v10, v16;
	v7 =	vld [tilespmem:s24+$0xFFFFFF90];
	[tilespmem:s24+$0xFFFFFFB0] =	vst v9  }
0x102: {  	v11 =	vmul.f32 v25, v16;
	[tilespmem:s24+$0x30] =	vst v6;
	v6 =	vmul.f32 v14, v16;
	v14 =	vld [tilespmem:s24+$0x0]  }
0x103: {  	v8 =	vmul.f32 v60, v21;
	[tilespmem:s24+$0x40] =	vst v5;
	v5 =	vmul.f32 v23, v20  }
0x104: {  	v15 =	vld [tilespmem:s24+$0xC0];
	[tilespmem:s24+$0x70] =	vst v10;
	v10 =	vmul.f32 v24, v20;
	v9 =	vmul.f32 v12, v1  }
0x105: {  	[tilespmem:s24+$0xFFFFFF30] =	vst v5;
	v5 =	vmul.f32 v62, v20;
	v13 =	vmul.f32 v13, v20  }
0x106: {  	[tilespmem:s24+$0xFFFFFF70] =	vst v3;
	v12 =	vmul.f32 v7, v21;
	v7 =	vmul.f32 v17, v1  }
0x107: {  	s31 =	simm.s32 $0x7;
	s18 =	simm.s32 $0xB00;
	[tilespmem:s24+$0xFFFFFFF0] =	vst v26;
	v3 =	vmul.f32 v14, v16;
	v14 =	vmul.f32 v63, v20  }
.LBB2_3:
0x108: {  	s10 =	sadd.s32 $0xFFFFFFFD, s31  }
0x109: {  	v16 =	vmov s31;
	v17 =	vld [tilespmem:s18+$0xFFFFFFF0];
	p5 =	sne.s32 s31, $0x4F;
	[tilespmem:s24+$0x20] =	vst v6;
	v1 =	vmul.f32 v15, v1;
	s28 =	smov.u32 s31;
	s31 =	sadd.s32 $0x4, s31  }
0x10a: {  	v6 =	vmov s10;
	s10 =	sadd.s32 $0xFFFFFFFE, s28;
	v15 =	vld [tilespmem:s18+$0xF0];
	[tilespmem:s24+$0xFFFFFFA0] =	vst v8  }
0x10b: {  	v6 =	vand.u32 $0xFFFFFFFC, v6;
	v8 =	vmov s10;
	s10 =	sadd.s32 $0xFFFFFFFF, s28;
	v18 =	vld [tilespmem:s18+$0xB0];
	[tilespmem:s24+$0xFFFFFF20] =	vst v10  }
0x10c: {  	v6 =	vbroadcast v6, $0x0;
	v8 =	vand.u32 $0xFFFFFFFD, v8;
	v10 =	vmov s10;
	v19 =	vld [tilespmem:s18+$0xFFFFFFC0];
	[tilespmem:s24+$0x90] =	vst v9  }
0x10d: {  	v8 =	vbroadcast v8, $0x0;
	v9 =	vand.u32 $0xFFFFFFFE, v10;
	v10 =	vld [tilespmem:s18+$0x40];
	[tilespmem:s24+$0x10] =	vst v11  }
0x10e: {  	v9 =	vbroadcast v9, $0x0;
	v11 =	vld [tilespmem:s18+$0xFFFFFF50];
	[tilespmem:s24+$0xFFFFFF90] =	vst v12  }
0x10f: {  	v12 =	vld [tilespmem:s18+$0xFFFFFFD0];
	[tilespmem:s24+$0xFFFFFF10] =	vst v13  }
0x110: {  	v13 =	vld [tilespmem:s18+$0x50];
	[tilespmem:s24+$0xFFFFFF40] =	vst v14  }
0x111: {  	v14 =	vld [tilespmem:s18+$0xD0];
	[tilespmem:s24+$0x80] =	vst v7  }
0x112: {  	v7 =	vld [tilespmem:s18+$0xFFFFFF60];
	[tilespmem:s24+$0x60] =	vst v2  }
0x113: {  	v20 =	vld [tilespmem:s18+$0xFFFFFFE0];
	[tilespmem:s24+$0xC0] =	vst v1  }
0x114: {  	v2 =	vld [tilespmem:s18+$0x60];
	[tilespmem:s24+$0x0] =	vst v3  }
0x115: {  	v3 =	vld [tilespmem:s18+$0xE0];
	[tilespmem:s24+$0xFFFFFF80] =	vst v4  }
0x116: {  	v4 =	vld [tilespmem:s18+$0xFFFFFF70];
	[tilespmem:s24+$0xFFFFFF00] =	vst v5;
	s24 =	smov.u32 s18  }
0x117: {  	v1 =	vld.idx.msk [tilespmem:v16+s26+$0x0], $0xffff  }
0x118: {  	v16 =	vld.idx.msk [tilespmem:v6+s26+$0x0], $0xffff  }
0x119: {  	v5 =	vld.idx.msk [tilespmem:v8+s26+$0x0], $0xffff  }
0x11a: {  	v21 =	vld.idx.msk [tilespmem:v9+s26+$0x0], $0xffff  }
0x11b: {  	v6 =	vld [tilespmem:s18+$0x70]  }
0x11c: {  	v8 =	vld [tilespmem:s18+$0x30]  }
0x11d: {  	v14 =	vmul.f32 v14, v1;
	v3 =	vmul.f32 v3, v1;
	v9 =	vld [tilespmem:s18+$0xFFFFFFB0]  }
0x11e: {  	v11 =	vmul.f32 v11, v16;
	v7 =	vmul.f32 v7, v16;
	v22 =	vld [tilespmem:s18+$0xFFFFFF30]  }
0x11f: {  	v19 =	vmul.f32 v19, v5;
	v12 =	vmul.f32 v12, v5;
	v23 =	vld [tilespmem:s18+$0xA0];
	[tilespmem:s18+$0xD0] =	vst v14  }
0x120: {  	v18 =	vmul.f32 v18, v1;
	v10 =	vmul.f32 v10, v21;
	v14 =	vld [tilespmem:s18+$0x20];
	[tilespmem:s18+$0xE0] =	vst v3  }
0x121: {  	v3 =	vld [tilespmem:s18+$0xFFFFFFA0];
	v24 =	vmul.f32 v8, v21;
	[tilespmem:s18+$0xFFFFFF50] =	vst v11;
	v11 =	vmul.f32 v13, v21  }
0x122: {  	v2 =	vmul.f32 v2, v21;
	v13 =	vld [tilespmem:s18+$0xFFFFFF20];
	v25 =	vmul.f32 v9, v5;
	[tilespmem:s18+$0xFFFFFF60] =	vst v7  }
0x123: {  	v7 =	vld [tilespmem:s18+$0x90];
	v22 =	vmul.f32 v22, v16;
	[tilespmem:s18+$0xFFFFFFC0] =	vst v19;
	v19 =	vmul.f32 v6, v21  }
0x124: {  	v20 =	vmul.f32 v20, v5;
	v26 =	vld [tilespmem:s18+$0x10];
	v23 =	vmul.f32 v23, v1;
	[tilespmem:s18+$0xFFFFFFD0] =	vst v12  }
0x125: {  	v12 =	vld [tilespmem:s18+$0xFFFFFF90];
	v6 =	vmul.f32 v14, v21;
	[tilespmem:s18+$0xB0] =	vst v18;
	v14 =	vmul.f32 v17, v5  }
0x126: {  	v17 =	vld [tilespmem:s18+$0xFFFFFF10];
	v8 =	vmul.f32 v3, v5;
	[tilespmem:s18+$0x40] =	vst v10;
	v3 =	vmul.f32 v4, v16  }
0x127: {  	v18 =	vmul.f32 v15, v1;
	v4 =	vld [tilespmem:s18+$0x80];
	v10 =	vmul.f32 v13, v16;
	[tilespmem:s18+$0x30] =	vst v24  }
0x128: {  	v24 =	vld [tilespmem:s18+$0x0];
	v9 =	vmul.f32 v7, v1;
	[tilespmem:s18+$0x50] =	vst v11  }
0x129: {  	v27 =	vld [tilespmem:s18+$0xFFFFFF80];
	v11 =	vmul.f32 v26, v21;
	[tilespmem:s18+$0xFFFFFFB0] =	vst v25  }
0x12a: {  	v25 =	vld [tilespmem:s18+$0xFFFFFF00];
	v12 =	vmul.f32 v12, v5;
	[tilespmem:s18+$0x70] =	vst v19  }
0x12b: {  	v13 =	vmul.f32 v17, v16;
	v17 =	vld [tilespmem:s18+$0xFFFFFF40];
	[tilespmem:s18+$0xFFFFFFE0] =	vst v20  }
.Ltmp0:
0x12c: {  	v7 =	vmul.f32 v4, v1;
	v15 =	vld [tilespmem:s18+$0xC0];
	[tilespmem:s18+$0xFFFFFF70] =	vst v3;
	(pc) =	sbr.rel @p5 .LBB2_3-.Ltmp0, $4  }
0x12d: {  	v3 =	vmul.f32 v24, v21;
	[tilespmem:s18+$0xF0] =	vst v18  }
0x12e: {  	v4 =	vmul.f32 v27, v5;
	[tilespmem:s18+$0xFFFFFF30] =	vst v22  }
0x12f: {  	v5 =	vmul.f32 v25, v16;
	[tilespmem:s18+$0xFFFFFFF0] =	vst v14  }
0x130: {  	s18 =	sadd.s32 $0x200, s18;
	[tilespmem:s24+$0xA0] =	vst v23;
	v14 =	vmul.f32 v17, v16  }
0x131: {  	[tilespmem:s24+$0x20] =	vst v6  }
0x132: {  	[tilespmem:s24+$0xFFFFFFA0] =	vst v8  }
0x133: {  	[tilespmem:s24+$0xFFFFFF20] =	vst v10  }
0x134: {  	[tilespmem:s24+$0x90] =	vst v9  }
0x135: {  	[tilespmem:s24+$0x10] =	vst v11  }
0x136: {  	[tilespmem:s24+$0xFFFFFF90] =	vst v12  }
0x137: {  	[tilespmem:s24+$0xFFFFFF10] =	vst v13  }
0x138: {  	[tilespmem:s24+$0x80] =	vst v7  }
0x139: {  	[tilespmem:s24+$0x60] =	vst v2  }
0x13a: {  	[tilespmem:s24+$0x0] =	vst v3  }
0x13b: {  	[tilespmem:s24+$0xFFFFFF80] =	vst v4  }
0x13c: {  	v1 =	vmul.f32 v15, v1;
	[tilespmem:s24+$0xFFFFFF00] =	vst v5  }
0x13d: {  	[tilespmem:s24+$0xFFFFFF40] =	vst v14  }
0x13e: {  	s2 =	rddreg [dreg:$0x2];
	[tilespmem:s24+$0xC0] =	vst v1  }
0x13f: {  	[spmem:s2] =	stream.indirect.scatter.add.f32 [tilespmem:s11], [sflag:$0x9], $0x80, s13, s9, $0xb8;
	[tilespmem:$0x1E8F8] =	vst v63  }
0x140: {  	s10 =	simm.s32 @!p4 $0xC;
	s24 =	rddreg [dreg:$0x3]  }
0x141: {  	[spmem:s24] =	stream.indirect.scatter.add.f32 [tilespmem:s26], [sflag:$0xD], $0x1, s13, s9, $0xb8;
	[tilespmem:$0x1E8F8] =	vst v63  }
0x142: {  	_ =	swait.ge @!p4 [sflag:s10], $0x2800  }
0x143: {  	[sflag:s10] =	ssyncset.done @!p4 $0x0  }
0x144: {  	[sflag:s10] =	ssyncadd.s32 @!p4 $0xFFFFD800;
	s10 =	simm.s32 @!p4 $0x10  }
0x145: {  	_ =	swait.ge @!p4 [sflag:s10], $0x50  }
0x146: {  	s28 =	sld [smem:$0x7FA]  }
0x147: {  	s7 =	sadd.s32 @!p4 $0xF0, s7  }
0x148: {  	s7 =	simm.s32 @p4 $0xF0  }
0x149: {  	s7 =	sadd.s32 s28, s7  }
0x14a: {  	[sflag:s10] =	ssyncset.done @!p4 $0x0;
	s7 =	sshrl.u32 s7, $0x3  }
0x14b: {  	[sflag:s10] =	ssyncadd.s32 @!p4 $0xFFFFFFB0;
	s31 =	sadd.s32 s15, s7  }
0x14c: {  	[tilespmem:s14], [sflag:$0x4] =	stream.linear.gather [hbm4b:s31+s13], $0x50, $0x38;
	[tilespmem:$0x1E8F8] =	vst v63  }
0x14d: {  	s4 =	simm.s32 $0x380;
	s2 =	sadd.s32 s16, s7  }
0x14e: {  	[tilespmem:s4], [sflag:$0x4] =	stream.linear.gather [hbm4b:s2+s13], $0x50, $0x38;
	[tilespmem:$0x1E8F8] =	vst v63  }
0x14f: {  	s10 =	simm.s32 $0x580;
	s7 =	sadd.s32 s17, s7;
	s14 =	simm.s32 $0x3  }
0x150: {  	[tilespmem:s10], [sflag:$0x4] =	stream.linear.gather [hbm4b:s7+s13], $0x50, $0x38;
	[tilespmem:$0x1E8F8] =	vst v63  }
0x151: {  	_ =	swait.ge [sflag:s14], $0x50  }
0x152: {  	[sflag:s14] =	ssyncset.done $0x0  }
0x153: {  	[sflag:s14] =	ssyncadd.s32 $0xFFFFFFB0  }
0x154: {  	_ =	swait.ge [sflag:s14], $0x50  }
0x155: {  	[sflag:s14] =	ssyncset.done $0x0  }
0x156: {  	[sflag:s14] =	ssyncadd.s32 $0xFFFFFFB0  }
0x157: {  	_ =	swait.ge [sflag:s14], $0x50  }
0x158: {  	[sflag:s14] =	ssyncset.done $0x0  }
0x159: {  	s18 =	simm.s32 $0x300;
	s24 =	simm.s32 $0x6;
	[sflag:s14] =	ssyncadd.s32 $0xFFFFFFB0  }
0x15a: {  	[tilespmem:s19], [sflag:$0x7] =	stream.indirect.gather [hbm4b:s1+s9], $0x80, s18, s9, $0xb8;
	[tilespmem:$0x1E8F8] =	vst v63  }
0x15b: {  	_ =	swait.ge [sflag:s24], $0x2800  }
0x15c: {  	[sflag:s24] =	ssyncset.done $0x0  }
0x15d: {  	[sflag:s24] =	ssyncadd.s32 $0xFFFFD800  }
0x15e: {  	v1 =	vld [tilespmem:$0x480]  }
0x15f: {  	v2 =	vld [tilespmem:$0x490]  }
0x160: {  	v3 =	vld [tilespmem:$0x4A0]  }
0x161: {  	v4 =	vld [tilespmem:$0x4B0]  }
0x162: {  	v5 =	vld [tilespmem:$0x4C0]  }
0x163: {  	v1 =	vsub.f32 v1, v0  }
0x164: {  	v2 =	vsub.f32 v2, v0  }
0x165: {  	v3 =	vsub.f32 v3, v0;
	v1 =	vmul.f32 $1.442695020e+00, v1  }
0x166: {  	v4 =	vsub.f32 v4, v0;
	v2 =	vmul.f32 $1.442695020e+00, v2  }
0x167: {  	(erf) = vpow2.f32 v1;
	v1 =	vmul.f32 $1.442695020e+00, v3;
	v3 =	vsub.f32 v5, v0  }
0x168: {  	(erf) = vpow2.f32 v2;
	v2 =	vmul.f32 $1.442695020e+00, v4  }
0x169: {  	(erf) = vpow2.f32 v1;
	v1 =	vmul.f32 $1.442695020e+00, v3  }
0x16a: {  	(erf) = vpow2.f32 v2  }
0x16b: {  	(erf) = vpow2.f32 v1;
	_ =	sdelay $0x4  }
0x16c: {  	v1 =	vpop (erf)  }
0x16d: {  	v2 =	vpop (erf);
	[tilespmem:$0x680] =	vst v1  }
0x16e: {  	v1 =	vpop (erf);
	[tilespmem:$0x690] =	vst v2  }
0x16f: {  	v2 =	vpop (erf);
	[tilespmem:$0x6A0] =	vst v1  }
0x170: {  	[tilespmem:$0x6B0] =	vst v2;
	v1 =	vpop (erf)  }
0x171: {  	s7 =	simm.s32 $0x3100;
	[tilespmem:$0x6C0] =	vst v1  }
0x172: {  	v3 =	vld [tilespmem:s7+$0xFFFFFFF0]  }
0x173: {  	v4 =	vld [tilespmem:s7+$0xF0]  }
0x174: {  	v2 =	vld [tilespmem:s7+$0xB0]  }
0x175: {  	v5 =	vld [tilespmem:s7+$0xFFFFFFC0]  }
0x176: {  	v6 =	vld [tilespmem:s7+$0x40]  }
0x177: {  	v7 =	vld [tilespmem:s7+$0xFFFFFF50]  }
0x178: {  	v8 =	vld [tilespmem:s7+$0xFFFFFFD0]  }
0x179: {  	v9 =	vld [tilespmem:s7+$0x50]  }
0x17a: {  	v12 =	vld [tilespmem:s7+$0xD0]  }
0x17b: {  	v14 =	vld [tilespmem:s7+$0xFFFFFF60]  }
0x17c: {  	v10 =	vmov s14;
	s18 =	simm.s32 $0x0;
	v17 =	vld [tilespmem:s7+$0x60]  }
0x17d: {  	s28 =	simm.s32 $0x1;
	v1 =	vmov s18;
	v18 =	vld [tilespmem:s7+$0xE0]  }
0x17e: {  	v11 =	vmov s28;
	s31 =	simm.s32 $0x2;
	v1 =	vand.u32 $0xFFFFFFFC, v1;
	v19 =	vld [tilespmem:s7+$0xFFFFFF70]  }
0x17f: {  	v22 =	vld [tilespmem:s7+$0xA0];
	v13 =	vbroadcast v1, $0x0;
	v1 =	vand.u32 $0xFFFFFFFD, v11;
	v11 =	vmov s31  }
0x180: {  	v23 =	vld [tilespmem:s7+$0xFFFFFF30];
	v15 =	vbroadcast v1, $0x0;
	v1 =	vand.u32 $0xFFFFFFFE, v11  }
0x181: {  	v16 =	vbroadcast v1, $0x0;
	v1 =	vld.idx.msk [tilespmem:v10+s22+$0x0], $0xffff  }
0x182: {  	v60 =	vld [tilespmem:s7+$0xFFFFFFA0]  }
0x183: {  	v24 =	vld [tilespmem:s7+$0xFFFFFF20]  }
0x184: {  	v25 =	vld [tilespmem:s7+$0x10]  }
0x185: {  	v61 =	vld [tilespmem:s7+$0xFFFFFF80]  }
0x186: {  	v20 =	vld.idx.msk [tilespmem:v13+s22+$0x0], $0xffff;
	v12 =	vmul.f32 v12, v1  }
0x187: {  	v21 =	vld.idx.msk [tilespmem:v15+s22+$0x0], $0xffff;
	v18 =	vmul.f32 v18, v1  }
0x188: {  	v2 =	vmul.f32 v2, v1;
	v16 =	vld.idx.msk [tilespmem:v16+s22+$0x0], $0xffff;
	[tilespmem:s7+$0xD0] =	vst v12  }
0x189: {  	v11 =	vld [tilespmem:s7+$0xFFFFFFE0];
	v4 =	vmul.f32 v4, v1;
	[tilespmem:s7+$0xE0] =	vst v18  }
0x18a: {  	v62 =	vld [tilespmem:s7+$0xFFFFFF00];
	v22 =	vmul.f32 v22, v1;
	[tilespmem:s7+$0xB0] =	vst v2  }
0x18b: {  	v63 =	vld [tilespmem:s7+$0xFFFFFF40];
	[tilespmem:s7+$0xF0] =	vst v4;
	v7 =	vmul.f32 v7, v20  }
0x18c: {  	v15 =	vld [tilespmem:s7+$0xFFFFFFB0];
	[tilespmem:s7+$0xA0] =	vst v22;
	v12 =	vmul.f32 v14, v20  }
0x18d: {  	v13 =	vld [tilespmem:s7+$0x30];
	v5 =	vmul.f32 v5, v21;
	[tilespmem:s7+$0xFFFFFF50] =	vst v7  }
0x18e: {  	v10 =	vld [tilespmem:s7+$0x70];
	v11 =	vmul.f32 v11, v21;
	[tilespmem:s7+$0xFFFFFF60] =	vst v12  }
0x18f: {  	v14 =	vld [tilespmem:s7+$0x20];
	v26 =	vmul.f32 v3, v21;
	v7 =	vmul.f32 v8, v21;
	[tilespmem:s7+$0xFFFFFFC0] =	vst v5  }
0x190: {  	v3 =	vmul.f32 v19, v20;
	v12 =	vld [tilespmem:s7+$0x90];
	v8 =	vmul.f32 v9, v16;
	[tilespmem:s7+$0xFFFFFFE0] =	vst v11  }
0x191: {  	v9 =	vmul.f32 v15, v21;
	v2 =	vmul.f32 v17, v16;
	v17 =	vld [tilespmem:s7+$0x80];
	[tilespmem:s7+$0xFFFFFFD0] =	vst v7  }
0x192: {  	v5 =	vmul.f32 v6, v16;
	v6 =	vmul.f32 v13, v16;
	v13 =	vld [tilespmem:s7+$0xFFFFFF10];
	[tilespmem:s7+$0x50] =	vst v8  }
0x193: {  	v4 =	vmul.f32 v61, v21;
	v10 =	vmul.f32 v10, v16;
	v7 =	vld [tilespmem:s7+$0xFFFFFF90];
	[tilespmem:s7+$0xFFFFFFB0] =	vst v9  }
0x194: {  	v11 =	vmul.f32 v25, v16;
	[tilespmem:s7+$0x30] =	vst v6;
	v6 =	vmul.f32 v14, v16;
	v14 =	vld [tilespmem:s7+$0x0]  }
0x195: {  	v8 =	vmul.f32 v60, v21;
	[tilespmem:s7+$0x40] =	vst v5;
	v5 =	vmul.f32 v23, v20  }
0x196: {  	v15 =	vld [tilespmem:s7+$0xC0];
	[tilespmem:s7+$0x70] =	vst v10;
	v10 =	vmul.f32 v24, v20;
	v9 =	vmul.f32 v12, v1  }
0x197: {  	[tilespmem:s7+$0xFFFFFF30] =	vst v5;
	v5 =	vmul.f32 v62, v20;
	v13 =	vmul.f32 v13, v20  }
0x198: {  	[tilespmem:s7+$0xFFFFFF70] =	vst v3;
	v12 =	vmul.f32 v7, v21;
	v7 =	vmul.f32 v17, v1  }
0x199: {  	s24 =	simm.s32 $0x7;
	s18 =	simm.s32 $0x3300;
	[tilespmem:s7+$0xFFFFFFF0] =	vst v26;
	v3 =	vmul.f32 v14, v16;
	v14 =	vmul.f32 v63, v20  }
.LBB2_5:
0x19a: {  	s10 =	sadd.s32 $0xFFFFFFFD, s24  }
0x19b: {  	v16 =	vmov s24;
	v17 =	vld [tilespmem:s18+$0xFFFFFFF0];
	p4 =	sne.s32 s24, $0x4F;
	[tilespmem:s7+$0x20] =	vst v6;
	v1 =	vmul.f32 v15, v1;
	s28 =	smov.u32 s24;
	s24 =	sadd.s32 $0x4, s24  }
0x19c: {  	v6 =	vmov s10;
	s10 =	sadd.s32 $0xFFFFFFFE, s28;
	v15 =	vld [tilespmem:s18+$0xF0];
	[tilespmem:s7+$0xFFFFFFA0] =	vst v8  }
0x19d: {  	v6 =	vand.u32 $0xFFFFFFFC, v6;
	v8 =	vmov s10;
	s10 =	sadd.s32 $0xFFFFFFFF, s28;
	v18 =	vld [tilespmem:s18+$0xB0];
	[tilespmem:s7+$0xFFFFFF20] =	vst v10  }
0x19e: {  	v6 =	vbroadcast v6, $0x0;
	v8 =	vand.u32 $0xFFFFFFFD, v8;
	v10 =	vmov s10;
	v19 =	vld [tilespmem:s18+$0xFFFFFFC0];
	[tilespmem:s7+$0x90] =	vst v9  }
0x19f: {  	v8 =	vbroadcast v8, $0x0;
	v9 =	vand.u32 $0xFFFFFFFE, v10;
	v10 =	vld [tilespmem:s18+$0x40];
	[tilespmem:s7+$0x10] =	vst v11  }
0x1a0: {  	v9 =	vbroadcast v9, $0x0;
	v11 =	vld [tilespmem:s18+$0xFFFFFF50];
	[tilespmem:s7+$0xFFFFFF90] =	vst v12  }
0x1a1: {  	v12 =	vld [tilespmem:s18+$0xFFFFFFD0];
	[tilespmem:s7+$0xFFFFFF10] =	vst v13  }
0x1a2: {  	v13 =	vld [tilespmem:s18+$0x50];
	[tilespmem:s7+$0xFFFFFF40] =	vst v14  }
0x1a3: {  	v14 =	vld [tilespmem:s18+$0xD0];
	[tilespmem:s7+$0x80] =	vst v7  }
0x1a4: {  	v7 =	vld [tilespmem:s18+$0xFFFFFF60];
	[tilespmem:s7+$0x60] =	vst v2  }
0x1a5: {  	v20 =	vld [tilespmem:s18+$0xFFFFFFE0];
	[tilespmem:s7+$0xC0] =	vst v1  }
0x1a6: {  	v2 =	vld [tilespmem:s18+$0x60];
	[tilespmem:s7+$0x0] =	vst v3  }
0x1a7: {  	v3 =	vld [tilespmem:s18+$0xE0];
	[tilespmem:s7+$0xFFFFFF80] =	vst v4  }
0x1a8: {  	v4 =	vld [tilespmem:s18+$0xFFFFFF70];
	[tilespmem:s7+$0xFFFFFF00] =	vst v5;
	s7 =	smov.u32 s18  }
0x1a9: {  	v1 =	vld.idx.msk [tilespmem:v16+s22+$0x0], $0xffff  }
0x1aa: {  	v16 =	vld.idx.msk [tilespmem:v6+s22+$0x0], $0xffff  }
0x1ab: {  	v5 =	vld.idx.msk [tilespmem:v8+s22+$0x0], $0xffff  }
0x1ac: {  	v21 =	vld.idx.msk [tilespmem:v9+s22+$0x0], $0xffff  }
0x1ad: {  	v6 =	vld [tilespmem:s18+$0x70]  }
0x1ae: {  	v8 =	vld [tilespmem:s18+$0x30]  }
0x1af: {  	v14 =	vmul.f32 v14, v1;
	v3 =	vmul.f32 v3, v1;
	v9 =	vld [tilespmem:s18+$0xFFFFFFB0]  }
0x1b0: {  	v11 =	vmul.f32 v11, v16;
	v7 =	vmul.f32 v7, v16;
	v22 =	vld [tilespmem:s18+$0xFFFFFF30]  }
0x1b1: {  	v19 =	vmul.f32 v19, v5;
	v12 =	vmul.f32 v12, v5;
	v23 =	vld [tilespmem:s18+$0xA0];
	[tilespmem:s18+$0xD0] =	vst v14  }
0x1b2: {  	v18 =	vmul.f32 v18, v1;
	v10 =	vmul.f32 v10, v21;
	v14 =	vld [tilespmem:s18+$0x20];
	[tilespmem:s18+$0xE0] =	vst v3  }
0x1b3: {  	v3 =	vld [tilespmem:s18+$0xFFFFFFA0];
	v24 =	vmul.f32 v8, v21;
	[tilespmem:s18+$0xFFFFFF50] =	vst v11;
	v11 =	vmul.f32 v13, v21  }
0x1b4: {  	v2 =	vmul.f32 v2, v21;
	v13 =	vld [tilespmem:s18+$0xFFFFFF20];
	v25 =	vmul.f32 v9, v5;
	[tilespmem:s18+$0xFFFFFF60] =	vst v7  }
0x1b5: {  	v7 =	vld [tilespmem:s18+$0x90];
	v22 =	vmul.f32 v22, v16;
	[tilespmem:s18+$0xFFFFFFC0] =	vst v19;
	v19 =	vmul.f32 v6, v21  }
0x1b6: {  	v20 =	vmul.f32 v20, v5;
	v26 =	vld [tilespmem:s18+$0x10];
	v23 =	vmul.f32 v23, v1;
	[tilespmem:s18+$0xFFFFFFD0] =	vst v12  }
0x1b7: {  	v12 =	vld [tilespmem:s18+$0xFFFFFF90];
	v6 =	vmul.f32 v14, v21;
	[tilespmem:s18+$0xB0] =	vst v18;
	v14 =	vmul.f32 v17, v5  }
0x1b8: {  	v17 =	vld [tilespmem:s18+$0xFFFFFF10];
	v8 =	vmul.f32 v3, v5;
	[tilespmem:s18+$0x40] =	vst v10;
	v3 =	vmul.f32 v4, v16  }
0x1b9: {  	v18 =	vmul.f32 v15, v1;
	v4 =	vld [tilespmem:s18+$0x80];
	v10 =	vmul.f32 v13, v16;
	[tilespmem:s18+$0x30] =	vst v24  }
0x1ba: {  	v24 =	vld [tilespmem:s18+$0x0];
	v9 =	vmul.f32 v7, v1;
	[tilespmem:s18+$0x50] =	vst v11  }
0x1bb: {  	v27 =	vld [tilespmem:s18+$0xFFFFFF80];
	v11 =	vmul.f32 v26, v21;
	[tilespmem:s18+$0xFFFFFFB0] =	vst v25  }
0x1bc: {  	v25 =	vld [tilespmem:s18+$0xFFFFFF00];
	v12 =	vmul.f32 v12, v5;
	[tilespmem:s18+$0x70] =	vst v19  }
0x1bd: {  	v13 =	vmul.f32 v17, v16;
	v17 =	vld [tilespmem:s18+$0xFFFFFF40];
	[tilespmem:s18+$0xFFFFFFE0] =	vst v20  }
.Ltmp1:
0x1be: {  	v7 =	vmul.f32 v4, v1;
	v15 =	vld [tilespmem:s18+$0xC0];
	[tilespmem:s18+$0xFFFFFF70] =	vst v3;
	(pc) =	sbr.rel @p4 .LBB2_5-.Ltmp1, $4  }
0x1bf: {  	v3 =	vmul.f32 v24, v21;
	[tilespmem:s18+$0xF0] =	vst v18  }
0x1c0: {  	v4 =	vmul.f32 v27, v5;
	[tilespmem:s18+$0xFFFFFF30] =	vst v22  }
0x1c1: {  	v5 =	vmul.f32 v25, v16;
	[tilespmem:s18+$0xFFFFFFF0] =	vst v14  }
0x1c2: {  	s18 =	sadd.s32 $0x200, s18;
	[tilespmem:s7+$0xA0] =	vst v23;
	v14 =	vmul.f32 v17, v16  }
0x1c3: {  	[tilespmem:s7+$0x20] =	vst v6  }
0x1c4: {  	[tilespmem:s7+$0xFFFFFFA0] =	vst v8  }
0x1c5: {  	[tilespmem:s7+$0xFFFFFF20] =	vst v10  }
0x1c6: {  	[tilespmem:s7+$0x90] =	vst v9  }
0x1c7: {  	[tilespmem:s7+$0x10] =	vst v11  }
0x1c8: {  	[tilespmem:s7+$0xFFFFFF90] =	vst v12  }
0x1c9: {  	[tilespmem:s7+$0xFFFFFF10] =	vst v13  }
0x1ca: {  	[tilespmem:s7+$0x80] =	vst v7  }
0x1cb: {  	[tilespmem:s7+$0x60] =	vst v2  }
0x1cc: {  	[tilespmem:s7+$0x0] =	vst v3  }
0x1cd: {  	[tilespmem:s7+$0xFFFFFF80] =	vst v4  }
0x1ce: {  	v1 =	vmul.f32 v15, v1;
	[tilespmem:s7+$0xFFFFFF00] =	vst v5  }
0x1cf: {  	[tilespmem:s7+$0xFFFFFF40] =	vst v14  }
0x1d0: {  	s24 =	simm.s32 $0x80;
	s2 =	rddreg [dreg:$0x2];
	s4 =	simm.s32 $0x3000;
	[tilespmem:s7+$0xC0] =	vst v1  }
0x1d1: {  	[spmem:s2] =	stream.indirect.scatter.add.f32 [tilespmem:s4], [sflag:$0xA], $0x80, s24, s9, $0xb8;
	[tilespmem:$0x1E8F8] =	vst v63  }
0x1d2: {  	s28 =	rddreg [dreg:$0x3]  }
0x1d3: {  	[spmem:s28] =	stream.indirect.scatter.add.f32 [tilespmem:s22], [sflag:$0xE], $0x1, s24, s9, $0xb8;
	[tilespmem:$0x1E8F8] =	vst v63  }
0x1d4: {  	_ =	swait.ge [sflag:s20], $0x2800  }
0x1d5: {  	s7 =	smul.u32 $0x140, s0;
	[sflag:s20] =	ssyncset.done $0x0  }
0x1d6: {  	s4 =	simm.s32 $0xD;
	[sflag:s20] =	ssyncadd.s32 $0xFFFFD800  }
0x1d7: {  	s10 =	sadd.s32 s7, s21;
	_ =	swait.ge [sflag:s4], $0x50  }
0x1d8: {  	s10 =	sshrl.u32 s10, $0x3;
	[sflag:s4] =	ssyncset.done $0x0  }
0x1d9: {  	s18 =	sadd.s32 s15, s10;
	[sflag:s4] =	ssyncadd.s32 $0xFFFFFFB0  }
0x1da: {  	[tilespmem:s13], [sflag:$0x1] =	stream.linear.gather [hbm4b:s18+s13], $0x50, $0x38;
	[tilespmem:$0x1E8F8] =	vst v63  }
0x1db: {  	s14 =	sadd.s32 s16, s10  }
0x1dc: {  	[tilespmem:s30], [sflag:$0x1] =	stream.linear.gather [hbm4b:s14+s13], $0x50, $0x38;
	[tilespmem:$0x1E8F8] =	vst v63  }
0x1dd: {  	s10 =	sadd.s32 s17, s10  }
0x1de: {  	[tilespmem:s25], [sflag:$0x1] =	stream.linear.gather [hbm4b:s10+s13], $0x50, $0x38;
	[tilespmem:$0x1E8F8] =	vst v63  }
0x1df: {  	_ =	swait.ge [sflag:s5], $0x50  }
0x1e0: {  	[sflag:s5] =	ssyncset.done $0x0  }
0x1e1: {  	[sflag:s5] =	ssyncadd.s32 $0xFFFFFFB0  }
0x1e2: {  	_ =	swait.ge [sflag:s5], $0x50  }
0x1e3: {  	[sflag:s5] =	ssyncset.done $0x0  }
0x1e4: {  	[sflag:s5] =	ssyncadd.s32 $0xFFFFFFB0  }
0x1e5: {  	_ =	swait.ge [sflag:s5], $0x50  }
0x1e6: {  	s24 =	simm.s32 $0x8000;
	[sflag:s5] =	ssyncset.done $0x0  }
0x1e7: {  	s28 =	simm.s32 $0x7;
	s18 =	simm.s32 $0x380;
	[sflag:s5] =	ssyncadd.s32 $0xFFFFFFB0  }
0x1e8: {  	[tilespmem:s24], [sflag:$0x8] =	stream.indirect.gather [hbm4b:s1+s9], $0x80, s18, s9, $0xb8;
	[tilespmem:$0x1E8F8] =	vst v63  }
0x1e9: {  	_ =	swait.ge [sflag:s28], $0x2800  }
0x1ea: {  	[sflag:s28] =	ssyncset.done $0x0  }
0x1eb: {  	[sflag:s28] =	ssyncadd.s32 $0xFFFFD800  }
0x1ec: {  	v1 =	vld [tilespmem:$0x500]  }
0x1ed: {  	v2 =	vld [tilespmem:$0x510]  }
0x1ee: {  	v3 =	vld [tilespmem:$0x520]  }
0x1ef: {  	v4 =	vld [tilespmem:$0x530]  }
0x1f0: {  	v5 =	vld [tilespmem:$0x540]  }
0x1f1: {  	v1 =	vsub.f32 v1, v0  }
0x1f2: {  	v2 =	vsub.f32 v2, v0  }
0x1f3: {  	v3 =	vsub.f32 v3, v0;
	v1 =	vmul.f32 $1.442695020e+00, v1  }
0x1f4: {  	v4 =	vsub.f32 v4, v0;
	v2 =	vmul.f32 $1.442695020e+00, v2  }
0x1f5: {  	(erf) = vpow2.f32 v1;
	v1 =	vmul.f32 $1.442695020e+00, v3;
	v3 =	vsub.f32 v5, v0  }
0x1f6: {  	(erf) = vpow2.f32 v2;
	v2 =	vmul.f32 $1.442695020e+00, v4  }
0x1f7: {  	(erf) = vpow2.f32 v1;
	v1 =	vmul.f32 $1.442695020e+00, v3  }
0x1f8: {  	(erf) = vpow2.f32 v2  }
0x1f9: {  	(erf) = vpow2.f32 v1;
	_ =	sdelay $0x4  }
0x1fa: {  	v1 =	vpop (erf)  }
0x1fb: {  	v2 =	vpop (erf);
	[tilespmem:$0x700] =	vst v1  }
0x1fc: {  	v1 =	vpop (erf);
	[tilespmem:$0x710] =	vst v2  }
0x1fd: {  	v2 =	vpop (erf);
	[tilespmem:$0x720] =	vst v1  }
0x1fe: {  	[tilespmem:$0x730] =	vst v2;
	v1 =	vpop (erf)  }
0x1ff: {  	s24 =	simm.s32 $0x5900;
	[tilespmem:$0x740] =	vst v1  }
0x200: {  	v3 =	vld [tilespmem:s24+$0xFFFFFFF0]  }
0x201: {  	v4 =	vld [tilespmem:s24+$0xF0]  }
0x202: {  	v2 =	vld [tilespmem:s24+$0xB0]  }
0x203: {  	v5 =	vld [tilespmem:s24+$0xFFFFFFC0]  }
0x204: {  	v6 =	vld [tilespmem:s24+$0x40]  }
0x205: {  	v7 =	vld [tilespmem:s24+$0xFFFFFF50]  }
0x206: {  	v8 =	vld [tilespmem:s24+$0xFFFFFFD0]  }
0x207: {  	v9 =	vld [tilespmem:s24+$0x50]  }
0x208: {  	v12 =	vld [tilespmem:s24+$0xD0]  }
0x209: {  	s4 =	simm.s32 $0x3;
	v14 =	vld [tilespmem:s24+$0xFFFFFF60]  }
0x20a: {  	s2 =	simm.s32 $0x0;
	v10 =	vmov s4;
	v17 =	vld [tilespmem:s24+$0x60]  }
0x20b: {  	s14 =	simm.s32 $0x1;
	v1 =	vmov s2;
	v18 =	vld [tilespmem:s24+$0xE0]  }
0x20c: {  	v11 =	vmov s14;
	s28 =	simm.s32 $0x2;
	v1 =	vand.u32 $0xFFFFFFFC, v1;
	v19 =	vld [tilespmem:s24+$0xFFFFFF70]  }
0x20d: {  	v22 =	vld [tilespmem:s24+$0xA0];
	v13 =	vbroadcast v1, $0x0;
	v1 =	vand.u32 $0xFFFFFFFD, v11;
	v11 =	vmov s28  }
0x20e: {  	v23 =	vld [tilespmem:s24+$0xFFFFFF30];
	v15 =	vbroadcast v1, $0x0;
	v1 =	vand.u32 $0xFFFFFFFE, v11  }
0x20f: {  	v16 =	vbroadcast v1, $0x0;
	v1 =	vld.idx.msk [tilespmem:v10+s12+$0x0], $0xffff  }
0x210: {  	v60 =	vld [tilespmem:s24+$0xFFFFFFA0]  }
0x211: {  	v24 =	vld [tilespmem:s24+$0xFFFFFF20]  }
0x212: {  	v25 =	vld [tilespmem:s24+$0x10]  }
0x213: {  	v61 =	vld [tilespmem:s24+$0xFFFFFF80]  }
0x214: {  	v20 =	vld.idx.msk [tilespmem:v13+s12+$0x0], $0xffff;
	v12 =	vmul.f32 v12, v1  }
0x215: {  	v21 =	vld.idx.msk [tilespmem:v15+s12+$0x0], $0xffff;
	v18 =	vmul.f32 v18, v1  }
0x216: {  	v2 =	vmul.f32 v2, v1;
	v16 =	vld.idx.msk [tilespmem:v16+s12+$0x0], $0xffff;
	[tilespmem:s24+$0xD0] =	vst v12  }
0x217: {  	v11 =	vld [tilespmem:s24+$0xFFFFFFE0];
	v4 =	vmul.f32 v4, v1;
	[tilespmem:s24+$0xE0] =	vst v18  }
0x218: {  	v62 =	vld [tilespmem:s24+$0xFFFFFF00];
	v22 =	vmul.f32 v22, v1;
	[tilespmem:s24+$0xB0] =	vst v2  }
0x219: {  	v63 =	vld [tilespmem:s24+$0xFFFFFF40];
	[tilespmem:s24+$0xF0] =	vst v4;
	v7 =	vmul.f32 v7, v20  }
0x21a: {  	v15 =	vld [tilespmem:s24+$0xFFFFFFB0];
	[tilespmem:s24+$0xA0] =	vst v22;
	v12 =	vmul.f32 v14, v20  }
0x21b: {  	v13 =	vld [tilespmem:s24+$0x30];
	v5 =	vmul.f32 v5, v21;
	[tilespmem:s24+$0xFFFFFF50] =	vst v7  }
0x21c: {  	v10 =	vld [tilespmem:s24+$0x70];
	v11 =	vmul.f32 v11, v21;
	[tilespmem:s24+$0xFFFFFF60] =	vst v12  }
0x21d: {  	v14 =	vld [tilespmem:s24+$0x20];
	v26 =	vmul.f32 v3, v21;
	v7 =	vmul.f32 v8, v21;
	[tilespmem:s24+$0xFFFFFFC0] =	vst v5  }
0x21e: {  	v3 =	vmul.f32 v19, v20;
	v12 =	vld [tilespmem:s24+$0x90];
	v8 =	vmul.f32 v9, v16;
	[tilespmem:s24+$0xFFFFFFE0] =	vst v11  }
0x21f: {  	v9 =	vmul.f32 v15, v21;
	v2 =	vmul.f32 v17, v16;
	v17 =	vld [tilespmem:s24+$0x80];
	[tilespmem:s24+$0xFFFFFFD0] =	vst v7  }
0x220: {  	v5 =	vmul.f32 v6, v16;
	v6 =	vmul.f32 v13, v16;
	v13 =	vld [tilespmem:s24+$0xFFFFFF10];
	[tilespmem:s24+$0x50] =	vst v8  }
0x221: {  	v4 =	vmul.f32 v61, v21;
	v10 =	vmul.f32 v10, v16;
	v7 =	vld [tilespmem:s24+$0xFFFFFF90];
	[tilespmem:s24+$0xFFFFFFB0] =	vst v9  }
0x222: {  	v11 =	vmul.f32 v25, v16;
	[tilespmem:s24+$0x30] =	vst v6;
	v6 =	vmul.f32 v14, v16;
	v14 =	vld [tilespmem:s24+$0x0]  }
0x223: {  	v8 =	vmul.f32 v60, v21;
	[tilespmem:s24+$0x40] =	vst v5;
	v5 =	vmul.f32 v23, v20  }
0x224: {  	v15 =	vld [tilespmem:s24+$0xC0];
	[tilespmem:s24+$0x70] =	vst v10;
	v10 =	vmul.f32 v24, v20;
	v9 =	vmul.f32 v12, v1  }
0x225: {  	[tilespmem:s24+$0xFFFFFF30] =	vst v5;
	v5 =	vmul.f32 v62, v20;
	v13 =	vmul.f32 v13, v20  }
0x226: {  	[tilespmem:s24+$0xFFFFFF70] =	vst v3;
	v12 =	vmul.f32 v7, v21;
	v7 =	vmul.f32 v17, v1  }
0x227: {  	s31 =	simm.s32 $0x7;
	s18 =	simm.s32 $0x5B00;
	[tilespmem:s24+$0xFFFFFFF0] =	vst v26;
	v3 =	vmul.f32 v14, v16;
	v14 =	vmul.f32 v63, v20  }
.LBB2_7:
0x228: {  	s10 =	sadd.s32 $0xFFFFFFFD, s31  }
0x229: {  	v16 =	vmov s31;
	v17 =	vld [tilespmem:s18+$0xFFFFFFF0];
	p4 =	sne.s32 s31, $0x4F;
	[tilespmem:s24+$0x20] =	vst v6;
	v1 =	vmul.f32 v15, v1;
	s28 =	smov.u32 s31;
	s31 =	sadd.s32 $0x4, s31  }
0x22a: {  	v6 =	vmov s10;
	s10 =	sadd.s32 $0xFFFFFFFE, s28;
	v15 =	vld [tilespmem:s18+$0xF0];
	[tilespmem:s24+$0xFFFFFFA0] =	vst v8  }
0x22b: {  	v6 =	vand.u32 $0xFFFFFFFC, v6;
	v8 =	vmov s10;
	s10 =	sadd.s32 $0xFFFFFFFF, s28;
	v18 =	vld [tilespmem:s18+$0xB0];
	[tilespmem:s24+$0xFFFFFF20] =	vst v10  }
0x22c: {  	v6 =	vbroadcast v6, $0x0;
	v8 =	vand.u32 $0xFFFFFFFD, v8;
	v10 =	vmov s10;
	v19 =	vld [tilespmem:s18+$0xFFFFFFC0];
	[tilespmem:s24+$0x90] =	vst v9  }
0x22d: {  	v8 =	vbroadcast v8, $0x0;
	v9 =	vand.u32 $0xFFFFFFFE, v10;
	v10 =	vld [tilespmem:s18+$0x40];
	[tilespmem:s24+$0x10] =	vst v11  }
0x22e: {  	v9 =	vbroadcast v9, $0x0;
	v11 =	vld [tilespmem:s18+$0xFFFFFF50];
	[tilespmem:s24+$0xFFFFFF90] =	vst v12  }
0x22f: {  	v12 =	vld [tilespmem:s18+$0xFFFFFFD0];
	[tilespmem:s24+$0xFFFFFF10] =	vst v13  }
0x230: {  	v13 =	vld [tilespmem:s18+$0x50];
	[tilespmem:s24+$0xFFFFFF40] =	vst v14  }
0x231: {  	v14 =	vld [tilespmem:s18+$0xD0];
	[tilespmem:s24+$0x80] =	vst v7  }
0x232: {  	v7 =	vld [tilespmem:s18+$0xFFFFFF60];
	[tilespmem:s24+$0x60] =	vst v2  }
0x233: {  	v20 =	vld [tilespmem:s18+$0xFFFFFFE0];
	[tilespmem:s24+$0xC0] =	vst v1  }
0x234: {  	v2 =	vld [tilespmem:s18+$0x60];
	[tilespmem:s24+$0x0] =	vst v3  }
0x235: {  	v3 =	vld [tilespmem:s18+$0xE0];
	[tilespmem:s24+$0xFFFFFF80] =	vst v4  }
0x236: {  	v4 =	vld [tilespmem:s18+$0xFFFFFF70];
	[tilespmem:s24+$0xFFFFFF00] =	vst v5;
	s24 =	smov.u32 s18  }
0x237: {  	v1 =	vld.idx.msk [tilespmem:v16+s12+$0x0], $0xffff  }
0x238: {  	v16 =	vld.idx.msk [tilespmem:v6+s12+$0x0], $0xffff  }
0x239: {  	v5 =	vld.idx.msk [tilespmem:v8+s12+$0x0], $0xffff  }
0x23a: {  	v21 =	vld.idx.msk [tilespmem:v9+s12+$0x0], $0xffff  }
0x23b: {  	v6 =	vld [tilespmem:s18+$0x70]  }
0x23c: {  	v8 =	vld [tilespmem:s18+$0x30]  }
0x23d: {  	v14 =	vmul.f32 v14, v1;
	v3 =	vmul.f32 v3, v1;
	v9 =	vld [tilespmem:s18+$0xFFFFFFB0]  }
0x23e: {  	v11 =	vmul.f32 v11, v16;
	v7 =	vmul.f32 v7, v16;
	v22 =	vld [tilespmem:s18+$0xFFFFFF30]  }
0x23f: {  	v19 =	vmul.f32 v19, v5;
	v12 =	vmul.f32 v12, v5;
	v23 =	vld [tilespmem:s18+$0xA0];
	[tilespmem:s18+$0xD0] =	vst v14  }
0x240: {  	v18 =	vmul.f32 v18, v1;
	v10 =	vmul.f32 v10, v21;
	v14 =	vld [tilespmem:s18+$0x20];
	[tilespmem:s18+$0xE0] =	vst v3  }
0x241: {  	v3 =	vld [tilespmem:s18+$0xFFFFFFA0];
	v24 =	vmul.f32 v8, v21;
	[tilespmem:s18+$0xFFFFFF50] =	vst v11;
	v11 =	vmul.f32 v13, v21  }
0x242: {  	v2 =	vmul.f32 v2, v21;
	v13 =	vld [tilespmem:s18+$0xFFFFFF20];
	v25 =	vmul.f32 v9, v5;
	[tilespmem:s18+$0xFFFFFF60] =	vst v7  }
0x243: {  	v7 =	vld [tilespmem:s18+$0x90];
	v22 =	vmul.f32 v22, v16;
	[tilespmem:s18+$0xFFFFFFC0] =	vst v19;
	v19 =	vmul.f32 v6, v21  }
0x244: {  	v20 =	vmul.f32 v20, v5;
	v26 =	vld [tilespmem:s18+$0x10];
	v23 =	vmul.f32 v23, v1;
	[tilespmem:s18+$0xFFFFFFD0] =	vst v12  }
0x245: {  	v12 =	vld [tilespmem:s18+$0xFFFFFF90];
	v6 =	vmul.f32 v14, v21;
	[tilespmem:s18+$0xB0] =	vst v18;
	v14 =	vmul.f32 v17, v5  }
0x246: {  	v17 =	vld [tilespmem:s18+$0xFFFFFF10];
	v8 =	vmul.f32 v3, v5;
	[tilespmem:s18+$0x40] =	vst v10;
	v3 =	vmul.f32 v4, v16  }
0x247: {  	v18 =	vmul.f32 v15, v1;
	v4 =	vld [tilespmem:s18+$0x80];
	v10 =	vmul.f32 v13, v16;
	[tilespmem:s18+$0x30] =	vst v24  }
0x248: {  	v24 =	vld [tilespmem:s18+$0x0];
	v9 =	vmul.f32 v7, v1;
	[tilespmem:s18+$0x50] =	vst v11  }
0x249: {  	v27 =	vld [tilespmem:s18+$0xFFFFFF80];
	v11 =	vmul.f32 v26, v21;
	[tilespmem:s18+$0xFFFFFFB0] =	vst v25  }
0x24a: {  	v25 =	vld [tilespmem:s18+$0xFFFFFF00];
	v12 =	vmul.f32 v12, v5;
	[tilespmem:s18+$0x70] =	vst v19  }
0x24b: {  	v13 =	vmul.f32 v17, v16;
	v17 =	vld [tilespmem:s18+$0xFFFFFF40];
	[tilespmem:s18+$0xFFFFFFE0] =	vst v20  }
.Ltmp2:
0x24c: {  	v7 =	vmul.f32 v4, v1;
	v15 =	vld [tilespmem:s18+$0xC0];
	[tilespmem:s18+$0xFFFFFF70] =	vst v3;
	(pc) =	sbr.rel @p4 .LBB2_7-.Ltmp2, $4  }
0x24d: {  	v3 =	vmul.f32 v24, v21;
	[tilespmem:s18+$0xF0] =	vst v18  }
0x24e: {  	v4 =	vmul.f32 v27, v5;
	[tilespmem:s18+$0xFFFFFF30] =	vst v22  }
0x24f: {  	v5 =	vmul.f32 v25, v16;
	[tilespmem:s18+$0xFFFFFFF0] =	vst v14  }
0x250: {  	s18 =	sadd.s32 $0x200, s18;
	[tilespmem:s24+$0xA0] =	vst v23;
	v14 =	vmul.f32 v17, v16  }
0x251: {  	[tilespmem:s24+$0x20] =	vst v6  }
0x252: {  	[tilespmem:s24+$0xFFFFFFA0] =	vst v8  }
0x253: {  	[tilespmem:s24+$0xFFFFFF20] =	vst v10  }
0x254: {  	[tilespmem:s24+$0x90] =	vst v9  }
0x255: {  	[tilespmem:s24+$0x10] =	vst v11  }
0x256: {  	[tilespmem:s24+$0xFFFFFF90] =	vst v12  }
0x257: {  	[tilespmem:s24+$0xFFFFFF10] =	vst v13  }
0x258: {  	[tilespmem:s24+$0x80] =	vst v7  }
0x259: {  	[tilespmem:s24+$0x60] =	vst v2  }
0x25a: {  	[tilespmem:s24+$0x0] =	vst v3  }
0x25b: {  	[tilespmem:s24+$0xFFFFFF80] =	vst v4  }
0x25c: {  	v1 =	vmul.f32 v15, v1;
	[tilespmem:s24+$0xFFFFFF00] =	vst v5  }
0x25d: {  	[tilespmem:s24+$0xFFFFFF40] =	vst v14  }
0x25e: {  	s10 =	simm.s32 $0x100;
	s2 =	rddreg [dreg:$0x2];
	[tilespmem:s24+$0xC0] =	vst v1  }
0x25f: {  	[spmem:s2] =	stream.indirect.scatter.add.f32 [tilespmem:s19], [sflag:$0xB], $0x80, s10, s9, $0xb8;
	[tilespmem:$0x1E8F8] =	vst v63  }
0x260: {  	s14 =	rddreg [dreg:$0x3]  }
0x261: {  	[spmem:s14] =	stream.indirect.scatter.add.f32 [tilespmem:s12], [sflag:$0xF], $0x1, s10, s9, $0xb8;
	[tilespmem:$0x1E8F8] =	vst v63  }
0x262: {  	_ =	swait.ge [sflag:s3], $0x2800  }
0x263: {  	[sflag:s3] =	ssyncset.done $0x0  }
0x264: {  	s4 =	simm.s32 $0xE;
	p4 =	seq.s32 s0, $0x1E;
	[sflag:s3] =	ssyncadd.s32 $0xFFFFD800  }
0x265: {  	s7 =	sadd.s32 @!p4 s7, s29;
	_ =	swait.ge [sflag:s4], $0x50  }
0x266: {  	s18 =	simm.s32 @!p4 $0x0;
	s7 =	sshrl.u32 @!p4 s7, $0x3;
	[sflag:s4] =	ssyncset.done $0x0  }
0x267: {  	s24 =	simm.s32 @!p4 $0x80;
	s10 =	sadd.s32 @!p4 s15, s7;
	[sflag:s4] =	ssyncadd.s32 $0xFFFFFFB0  }
0x268: {  	[tilespmem:s24], [sflag:$0x2] =	stream.linear.gather @!p4 [hbm4b:s10+s18], $0x50, $0x38;
	[tilespmem:$0x1E8F8] =	vst v63  }
0x269: {  	s10 =	sadd.s32 @!p4 s16, s7;
	s24 =	simm.s32 @!p4 $0x280  }
0x26a: {  	[tilespmem:s24], [sflag:$0x2] =	stream.linear.gather @!p4 [hbm4b:s10+s18], $0x50, $0x38;
	[tilespmem:$0x1E8F8] =	vst v63  }
0x26b: {  	s7 =	sadd.s32 @!p4 s17, s7;
	s10 =	simm.s32 @!p4 $0x480  }
0x26c: {  	[tilespmem:s10], [sflag:$0x2] =	stream.linear.gather @!p4 [hbm4b:s7+s18], $0x50, $0x38;
	[tilespmem:$0x1E8F8] =	vst v63  }
0x26d: {  	_ =	swait.ge [sflag:s8], $0x50  }
0x26e: {  	[sflag:s8] =	ssyncset.done $0x0  }
0x26f: {  	[sflag:s8] =	ssyncadd.s32 $0xFFFFFFB0  }
0x270: {  	_ =	swait.ge [sflag:s8], $0x50  }
0x271: {  	[sflag:s8] =	ssyncset.done $0x0  }
0x272: {  	[sflag:s8] =	ssyncadd.s32 $0xFFFFFFB0  }
0x273: {  	_ =	swait.ge [sflag:s8], $0x50  }
0x274: {  	[sflag:s8] =	ssyncset.done $0x0  }
0x275: {  	s14 =	simm.s32 $0x8;
	[sflag:s8] =	ssyncadd.s32 $0xFFFFFFB0  }
0x276: {  	[tilespmem:s11], [sflag:$0x5] =	stream.indirect.gather [hbm4b:s1+s9], $0x80, s30, s9, $0xb8;
	[tilespmem:$0x1E8F8] =	vst v63  }
0x277: {  	_ =	swait.ge [sflag:s14], $0x2800  }
0x278: {  	[sflag:s14] =	ssyncset.done $0x0  }
0x279: {  	[sflag:s14] =	ssyncadd.s32 $0xFFFFD800  }
0x27a: {  	v1 =	vld [tilespmem:$0x580]  }
0x27b: {  	v2 =	vld [tilespmem:$0x590]  }
0x27c: {  	v3 =	vld [tilespmem:$0x5A0]  }
0x27d: {  	v4 =	vld [tilespmem:$0x5B0]  }
0x27e: {  	v5 =	vld [tilespmem:$0x5C0]  }
0x27f: {  	v1 =	vsub.f32 v1, v0  }
0x280: {  	v2 =	vsub.f32 v2, v0  }
0x281: {  	v3 =	vsub.f32 v3, v0;
	v1 =	vmul.f32 $1.442695020e+00, v1  }
0x282: {  	v4 =	vsub.f32 v4, v0;
	v2 =	vmul.f32 $1.442695020e+00, v2  }
0x283: {  	(erf) = vpow2.f32 v1;
	v1 =	vmul.f32 $1.442695020e+00, v3;
	v3 =	vsub.f32 v5, v0  }
0x284: {  	(erf) = vpow2.f32 v2;
	v2 =	vmul.f32 $1.442695020e+00, v4  }
0x285: {  	(erf) = vpow2.f32 v1;
	v1 =	vmul.f32 $1.442695020e+00, v3  }
0x286: {  	(erf) = vpow2.f32 v2  }
0x287: {  	(erf) = vpow2.f32 v1;
	_ =	sdelay $0x4  }
0x288: {  	v1 =	vpop (erf)  }
0x289: {  	v2 =	vpop (erf);
	[tilespmem:$0x780] =	vst v1  }
0x28a: {  	v1 =	vpop (erf);
	[tilespmem:$0x790] =	vst v2  }
0x28b: {  	v2 =	vpop (erf);
	[tilespmem:$0x7A0] =	vst v1  }
0x28c: {  	[tilespmem:$0x7B0] =	vst v2;
	v1 =	vpop (erf)  }
0x28d: {  	s7 =	simm.s32 $0x8100;
	[tilespmem:$0x7C0] =	vst v1  }
0x28e: {  	v3 =	vld [tilespmem:s7+$0xFFFFFFF0]  }
0x28f: {  	v4 =	vld [tilespmem:s7+$0xF0]  }
0x290: {  	v2 =	vld [tilespmem:s7+$0xB0]  }
0x291: {  	v5 =	vld [tilespmem:s7+$0xFFFFFFC0]  }
0x292: {  	v6 =	vld [tilespmem:s7+$0x40]  }
0x293: {  	v7 =	vld [tilespmem:s7+$0xFFFFFF50]  }
0x294: {  	v8 =	vld [tilespmem:s7+$0xFFFFFFD0]  }
0x295: {  	v9 =	vld [tilespmem:s7+$0x50]  }
0x296: {  	v12 =	vld [tilespmem:s7+$0xD0]  }
0x297: {  	s24 =	simm.s32 $0x3;
	v14 =	vld [tilespmem:s7+$0xFFFFFF60]  }
0x298: {  	v10 =	vmov s24;
	s18 =	simm.s32 $0x0;
	v17 =	vld [tilespmem:s7+$0x60]  }
0x299: {  	s28 =	simm.s32 $0x1;
	v1 =	vmov s18;
	v18 =	vld [tilespmem:s7+$0xE0]  }
0x29a: {  	s31 =	simm.s32 $0x2;
	v11 =	vmov s28;
	v1 =	vand.u32 $0xFFFFFFFC, v1;
	v19 =	vld [tilespmem:s7+$0xFFFFFF70]  }
0x29b: {  	v22 =	vld [tilespmem:s7+$0xA0];
	v13 =	vbroadcast v1, $0x0;
	v1 =	vand.u32 $0xFFFFFFFD, v11;
	v11 =	vmov s31  }
0x29c: {  	v23 =	vld [tilespmem:s7+$0xFFFFFF30];
	v15 =	vbroadcast v1, $0x0;
	v1 =	vand.u32 $0xFFFFFFFE, v11  }
0x29d: {  	v16 =	vbroadcast v1, $0x0;
	v1 =	vld.idx.msk [tilespmem:v10+s6+$0x0], $0xffff  }
0x29e: {  	v60 =	vld [tilespmem:s7+$0xFFFFFFA0]  }
0x29f: {  	v24 =	vld [tilespmem:s7+$0xFFFFFF20]  }
0x2a0: {  	v25 =	vld [tilespmem:s7+$0x10]  }
0x2a1: {  	v61 =	vld [tilespmem:s7+$0xFFFFFF80]  }
0x2a2: {  	v20 =	vld.idx.msk [tilespmem:v13+s6+$0x0], $0xffff;
	v12 =	vmul.f32 v12, v1  }
0x2a3: {  	v21 =	vld.idx.msk [tilespmem:v15+s6+$0x0], $0xffff;
	v18 =	vmul.f32 v18, v1  }
0x2a4: {  	v2 =	vmul.f32 v2, v1;
	v16 =	vld.idx.msk [tilespmem:v16+s6+$0x0], $0xffff;
	[tilespmem:s7+$0xD0] =	vst v12  }
0x2a5: {  	v11 =	vld [tilespmem:s7+$0xFFFFFFE0];
	v4 =	vmul.f32 v4, v1;
	[tilespmem:s7+$0xE0] =	vst v18  }
0x2a6: {  	v62 =	vld [tilespmem:s7+$0xFFFFFF00];
	v22 =	vmul.f32 v22, v1;
	[tilespmem:s7+$0xB0] =	vst v2  }
0x2a7: {  	v63 =	vld [tilespmem:s7+$0xFFFFFF40];
	[tilespmem:s7+$0xF0] =	vst v4;
	v7 =	vmul.f32 v7, v20  }
0x2a8: {  	v15 =	vld [tilespmem:s7+$0xFFFFFFB0];
	[tilespmem:s7+$0xA0] =	vst v22;
	v12 =	vmul.f32 v14, v20  }
0x2a9: {  	v13 =	vld [tilespmem:s7+$0x30];
	v5 =	vmul.f32 v5, v21;
	[tilespmem:s7+$0xFFFFFF50] =	vst v7  }
0x2aa: {  	v10 =	vld [tilespmem:s7+$0x70];
	v11 =	vmul.f32 v11, v21;
	[tilespmem:s7+$0xFFFFFF60] =	vst v12  }
0x2ab: {  	v14 =	vld [tilespmem:s7+$0x20];
	v26 =	vmul.f32 v3, v21;
	v7 =	vmul.f32 v8, v21;
	[tilespmem:s7+$0xFFFFFFC0] =	vst v5  }
0x2ac: {  	v3 =	vmul.f32 v19, v20;
	v12 =	vld [tilespmem:s7+$0x90];
	v8 =	vmul.f32 v9, v16;
	[tilespmem:s7+$0xFFFFFFE0] =	vst v11  }
0x2ad: {  	v9 =	vmul.f32 v15, v21;
	v2 =	vmul.f32 v17, v16;
	v17 =	vld [tilespmem:s7+$0x80];
	[tilespmem:s7+$0xFFFFFFD0] =	vst v7  }
0x2ae: {  	v5 =	vmul.f32 v6, v16;
	v6 =	vmul.f32 v13, v16;
	v13 =	vld [tilespmem:s7+$0xFFFFFF10];
	[tilespmem:s7+$0x50] =	vst v8  }
0x2af: {  	v4 =	vmul.f32 v61, v21;
	v10 =	vmul.f32 v10, v16;
	v7 =	vld [tilespmem:s7+$0xFFFFFF90];
	[tilespmem:s7+$0xFFFFFFB0] =	vst v9  }
0x2b0: {  	v11 =	vmul.f32 v25, v16;
	[tilespmem:s7+$0x30] =	vst v6;
	v6 =	vmul.f32 v14, v16;
	v14 =	vld [tilespmem:s7+$0x0]  }
0x2b1: {  	v8 =	vmul.f32 v60, v21;
	[tilespmem:s7+$0x40] =	vst v5;
	v5 =	vmul.f32 v23, v20  }
0x2b2: {  	v15 =	vld [tilespmem:s7+$0xC0];
	[tilespmem:s7+$0x70] =	vst v10;
	v10 =	vmul.f32 v24, v20;
	v9 =	vmul.f32 v12, v1  }
0x2b3: {  	[tilespmem:s7+$0xFFFFFF30] =	vst v5;
	v5 =	vmul.f32 v62, v20;
	v13 =	vmul.f32 v13, v20  }
0x2b4: {  	[tilespmem:s7+$0xFFFFFF70] =	vst v3;
	v12 =	vmul.f32 v7, v21;
	v7 =	vmul.f32 v17, v1  }
0x2b5: {  	s2 =	simm.s32 $0x100;
	s24 =	simm.s32 $0x7;
	s18 =	simm.s32 $0x8300;
	[tilespmem:s7+$0xFFFFFFF0] =	vst v26;
	v3 =	vmul.f32 v14, v16;
	v14 =	vmul.f32 v63, v20  }
.LBB2_9:
0x2b6: {  	s10 =	sadd.s32 $0xFFFFFFFD, s24  }
0x2b7: {  	v16 =	vmov s24;
	v17 =	vld [tilespmem:s18+$0xFFFFFFF0];
	p4 =	sne.s32 s24, $0x4F;
	[tilespmem:s7+$0x20] =	vst v6;
	v1 =	vmul.f32 v15, v1;
	s28 =	smov.u32 s24;
	s24 =	sadd.s32 $0x4, s24  }
0x2b8: {  	v6 =	vmov s10;
	s10 =	sadd.s32 $0xFFFFFFFE, s28;
	v15 =	vld [tilespmem:s18+$0xF0];
	[tilespmem:s7+$0xFFFFFFA0] =	vst v8  }
0x2b9: {  	v6 =	vand.u32 $0xFFFFFFFC, v6;
	v8 =	vmov s10;
	s10 =	sadd.s32 $0xFFFFFFFF, s28;
	v18 =	vld [tilespmem:s18+$0xB0];
	[tilespmem:s7+$0xFFFFFF20] =	vst v10  }
0x2ba: {  	v6 =	vbroadcast v6, $0x0;
	v8 =	vand.u32 $0xFFFFFFFD, v8;
	v10 =	vmov s10;
	v19 =	vld [tilespmem:s18+$0xFFFFFFC0];
	[tilespmem:s7+$0x90] =	vst v9  }
0x2bb: {  	v8 =	vbroadcast v8, $0x0;
	v9 =	vand.u32 $0xFFFFFFFE, v10;
	v10 =	vld [tilespmem:s18+$0x40];
	[tilespmem:s7+$0x10] =	vst v11  }
0x2bc: {  	v9 =	vbroadcast v9, $0x0;
	v11 =	vld [tilespmem:s18+$0xFFFFFF50];
	[tilespmem:s7+$0xFFFFFF90] =	vst v12  }
0x2bd: {  	v12 =	vld [tilespmem:s18+$0xFFFFFFD0];
	[tilespmem:s7+$0xFFFFFF10] =	vst v13  }
0x2be: {  	v13 =	vld [tilespmem:s18+$0x50];
	[tilespmem:s7+$0xFFFFFF40] =	vst v14  }
0x2bf: {  	v14 =	vld [tilespmem:s18+$0xD0];
	[tilespmem:s7+$0x80] =	vst v7  }
0x2c0: {  	v7 =	vld [tilespmem:s18+$0xFFFFFF60];
	[tilespmem:s7+$0x60] =	vst v2  }
0x2c1: {  	v20 =	vld [tilespmem:s18+$0xFFFFFFE0];
	[tilespmem:s7+$0xC0] =	vst v1  }
0x2c2: {  	v2 =	vld [tilespmem:s18+$0x60];
	[tilespmem:s7+$0x0] =	vst v3  }
0x2c3: {  	v3 =	vld [tilespmem:s18+$0xE0];
	[tilespmem:s7+$0xFFFFFF80] =	vst v4  }
0x2c4: {  	v4 =	vld [tilespmem:s18+$0xFFFFFF70];
	[tilespmem:s7+$0xFFFFFF00] =	vst v5;
	s7 =	smov.u32 s18  }
0x2c5: {  	v1 =	vld.idx.msk [tilespmem:v16+s6+$0x0], $0xffff  }
0x2c6: {  	v16 =	vld.idx.msk [tilespmem:v6+s6+$0x0], $0xffff  }
0x2c7: {  	v5 =	vld.idx.msk [tilespmem:v8+s6+$0x0], $0xffff  }
0x2c8: {  	v21 =	vld.idx.msk [tilespmem:v9+s6+$0x0], $0xffff  }
0x2c9: {  	v6 =	vld [tilespmem:s18+$0x70]  }
0x2ca: {  	v8 =	vld [tilespmem:s18+$0x30]  }
0x2cb: {  	v14 =	vmul.f32 v14, v1;
	v3 =	vmul.f32 v3, v1;
	v9 =	vld [tilespmem:s18+$0xFFFFFFB0]  }
0x2cc: {  	v11 =	vmul.f32 v11, v16;
	v7 =	vmul.f32 v7, v16;
	v22 =	vld [tilespmem:s18+$0xFFFFFF30]  }
0x2cd: {  	v19 =	vmul.f32 v19, v5;
	v12 =	vmul.f32 v12, v5;
	v23 =	vld [tilespmem:s18+$0xA0];
	[tilespmem:s18+$0xD0] =	vst v14  }
0x2ce: {  	v18 =	vmul.f32 v18, v1;
	v10 =	vmul.f32 v10, v21;
	v14 =	vld [tilespmem:s18+$0x20];
	[tilespmem:s18+$0xE0] =	vst v3  }
0x2cf: {  	v3 =	vld [tilespmem:s18+$0xFFFFFFA0];
	v24 =	vmul.f32 v8, v21;
	[tilespmem:s18+$0xFFFFFF50] =	vst v11;
	v11 =	vmul.f32 v13, v21  }
0x2d0: {  	v2 =	vmul.f32 v2, v21;
	v13 =	vld [tilespmem:s18+$0xFFFFFF20];
	v25 =	vmul.f32 v9, v5;
	[tilespmem:s18+$0xFFFFFF60] =	vst v7  }
0x2d1: {  	v7 =	vld [tilespmem:s18+$0x90];
	v22 =	vmul.f32 v22, v16;
	[tilespmem:s18+$0xFFFFFFC0] =	vst v19;
	v19 =	vmul.f32 v6, v21  }
0x2d2: {  	v20 =	vmul.f32 v20, v5;
	v26 =	vld [tilespmem:s18+$0x10];
	v23 =	vmul.f32 v23, v1;
	[tilespmem:s18+$0xFFFFFFD0] =	vst v12  }
0x2d3: {  	v12 =	vld [tilespmem:s18+$0xFFFFFF90];
	v6 =	vmul.f32 v14, v21;
	[tilespmem:s18+$0xB0] =	vst v18;
	v14 =	vmul.f32 v17, v5  }
0x2d4: {  	v17 =	vld [tilespmem:s18+$0xFFFFFF10];
	v8 =	vmul.f32 v3, v5;
	[tilespmem:s18+$0x40] =	vst v10;
	v3 =	vmul.f32 v4, v16  }
0x2d5: {  	v18 =	vmul.f32 v15, v1;
	v4 =	vld [tilespmem:s18+$0x80];
	v10 =	vmul.f32 v13, v16;
	[tilespmem:s18+$0x30] =	vst v24  }
0x2d6: {  	v24 =	vld [tilespmem:s18+$0x0];
	v9 =	vmul.f32 v7, v1;
	[tilespmem:s18+$0x50] =	vst v11  }
0x2d7: {  	v27 =	vld [tilespmem:s18+$0xFFFFFF80];
	v11 =	vmul.f32 v26, v21;
	[tilespmem:s18+$0xFFFFFFB0] =	vst v25  }
0x2d8: {  	v25 =	vld [tilespmem:s18+$0xFFFFFF00];
	v12 =	vmul.f32 v12, v5;
	[tilespmem:s18+$0x70] =	vst v19  }
0x2d9: {  	v13 =	vmul.f32 v17, v16;
	v17 =	vld [tilespmem:s18+$0xFFFFFF40];
	[tilespmem:s18+$0xFFFFFFE0] =	vst v20  }
.Ltmp3:
0x2da: {  	v7 =	vmul.f32 v4, v1;
	v15 =	vld [tilespmem:s18+$0xC0];
	[tilespmem:s18+$0xFFFFFF70] =	vst v3;
	(pc) =	sbr.rel @p4 .LBB2_9-.Ltmp3, $4  }
0x2db: {  	v3 =	vmul.f32 v24, v21;
	[tilespmem:s18+$0xF0] =	vst v18  }
0x2dc: {  	v4 =	vmul.f32 v27, v5;
	[tilespmem:s18+$0xFFFFFF30] =	vst v22  }
0x2dd: {  	v5 =	vmul.f32 v25, v16;
	[tilespmem:s18+$0xFFFFFFF0] =	vst v14  }
0x2de: {  	s18 =	sadd.s32 $0x200, s18;
	[tilespmem:s7+$0xA0] =	vst v23;
	v14 =	vmul.f32 v17, v16  }
0x2df: {  	[tilespmem:s7+$0x20] =	vst v6  }
0x2e0: {  	[tilespmem:s7+$0xFFFFFFA0] =	vst v8  }
0x2e1: {  	[tilespmem:s7+$0xFFFFFF20] =	vst v10  }
0x2e2: {  	[tilespmem:s7+$0x90] =	vst v9  }
0x2e3: {  	[tilespmem:s7+$0x10] =	vst v11  }
0x2e4: {  	[tilespmem:s7+$0xFFFFFF90] =	vst v12  }
0x2e5: {  	[tilespmem:s7+$0xFFFFFF10] =	vst v13  }
0x2e6: {  	[tilespmem:s7+$0x80] =	vst v7  }
0x2e7: {  	[tilespmem:s7+$0x60] =	vst v2  }
0x2e8: {  	[tilespmem:s7+$0x0] =	vst v3  }
0x2e9: {  	[tilespmem:s7+$0xFFFFFF80] =	vst v4;
	s0 =	sadd.s32 $0x1, s0  }
0x2ea: {  	v1 =	vmul.f32 v15, v1;
	[tilespmem:s7+$0xFFFFFF00] =	vst v5;
	p4 =	sne.s32 s0, $0x1F  }
.Ltmp4:
0x2eb: {  	[tilespmem:s7+$0xFFFFFF40] =	vst v14;
	(pc) =	sbr.rel @p4 .LBB2_2-.Ltmp4, $4  }
0x2ec: {  	s28 =	rddreg [dreg:$0x2];
	s10 =	simm.s32 $0x180;
	s14 =	simm.s32 $0x8000;
	[tilespmem:s7+$0xC0] =	vst v1  }
0x2ed: {  	[spmem:s28] =	stream.indirect.scatter.add.f32 [tilespmem:s14], [sflag:$0xC], $0x80, s10, s9, $0xb8;
	[tilespmem:$0x1E8F8] =	vst v63  }
0x2ee: {  	s31 =	rddreg [dreg:$0x3];
	s14 =	simm.s32 $0x180  }
0x2ef: {  	[spmem:s31] =	stream.indirect.scatter.add.f32 [tilespmem:s6], [sflag:$0x10], $0x1, s10, s9, $0xb8;
	[tilespmem:$0x1E8F8] =	vst v63  }
0x2f0: {  	s29 =	simm.s32 $0xB  }
0x2f1: {  	_ =	swait.ge [sflag:s29], $0x2800  }
0x2f2: {  	[sflag:s29] =	ssyncset.done $0x0  }
0x2f3: {  	s0 =	simm.s32 $0xF;
	[sflag:s29] =	ssyncadd.s32 $0xFFFFD800  }
0x2f4: {  	_ =	swait.ge [sflag:s0], $0x50  }
0x2f5: {  	[sflag:s0] =	ssyncset.done $0x0  }
0x2f6: {  	s28 =	simm.s32 $0x5;
	[sflag:s0] =	ssyncadd.s32 $0xFFFFFFB0  }
0x2f7: {  	_ =	swait.ge [sflag:s28], $0x2800  }
0x2f8: {  	[sflag:s28] =	ssyncset.done $0x0  }
0x2f9: {  	[sflag:s28] =	ssyncadd.s32 $0xFFFFD800  }
0x2fa: {  	v1 =	vld [tilespmem:$0x400]  }
0x2fb: {  	v2 =	vld [tilespmem:$0x410]  }
0x2fc: {  	v3 =	vld [tilespmem:$0x420]  }
0x2fd: {  	v4 =	vld [tilespmem:$0x430]  }
0x2fe: {  	v5 =	vld [tilespmem:$0x440]  }
0x2ff: {  	v1 =	vsub.f32 v1, v0  }
0x300: {  	v2 =	vsub.f32 v2, v0  }
0x301: {  	v3 =	vsub.f32 v3, v0;
	v1 =	vmul.f32 $1.442695020e+00, v1  }
0x302: {  	v4 =	vsub.f32 v4, v0;
	v2 =	vmul.f32 $1.442695020e+00, v2  }
0x303: {  	v0 =	vsub.f32 v5, v0;
	(erf) = vpow2.f32 v1;
	v1 =	vmul.f32 $1.442695020e+00, v3  }
0x304: {  	(erf) = vpow2.f32 v2;
	v2 =	vmul.f32 $1.442695020e+00, v4  }
0x305: {  	v0 =	vmul.f32 $1.442695020e+00, v0;
	(erf) = vpow2.f32 v1  }
0x306: {  	(erf) = vpow2.f32 v2  }
0x307: {  	(erf) = vpow2.f32 v0;
	_ =	sdelay $0x4  }
0x308: {  	v0 =	vpop (erf)  }
0x309: {  	v1 =	vpop (erf);
	[tilespmem:$0x600] =	vst v0  }
0x30a: {  	v0 =	vpop (erf);
	[tilespmem:$0x610] =	vst v1  }
0x30b: {  	v1 =	vpop (erf);
	[tilespmem:$0x620] =	vst v0  }
0x30c: {  	[tilespmem:$0x630] =	vst v1;
	v0 =	vpop (erf)  }
0x30d: {  	s0 =	simm.s32 $0x900;
	[tilespmem:$0x640] =	vst v0  }
0x30e: {  	v2 =	vld [tilespmem:s0+$0xFFFFFFF0]  }
0x30f: {  	v3 =	vld [tilespmem:s0+$0xF0]  }
0x310: {  	v1 =	vld [tilespmem:s0+$0xB0]  }
0x311: {  	v4 =	vld [tilespmem:s0+$0xFFFFFFC0]  }
0x312: {  	v5 =	vld [tilespmem:s0+$0x40]  }
0x313: {  	v6 =	vld [tilespmem:s0+$0xFFFFFF50]  }
0x314: {  	v7 =	vld [tilespmem:s0+$0xFFFFFFD0]  }
0x315: {  	v8 =	vld [tilespmem:s0+$0x50]  }
0x316: {  	v11 =	vld [tilespmem:s0+$0xD0]  }
0x317: {  	s10 =	simm.s32 $0x3;
	v13 =	vld [tilespmem:s0+$0xFFFFFF60]  }
0x318: {  	s7 =	simm.s32 $0x0;
	v9 =	vmov s10;
	v16 =	vld [tilespmem:s0+$0x60]  }
0x319: {  	s30 =	simm.s32 $0x1;
	v0 =	vmov s7;
	v17 =	vld [tilespmem:s0+$0xE0]  }
0x31a: {  	s31 =	simm.s32 $0x2;
	v10 =	vmov s30;
	v0 =	vand.u32 $0xFFFFFFFC, v0;
	v18 =	vld [tilespmem:s0+$0xFFFFFF70]  }
0x31b: {  	v21 =	vld [tilespmem:s0+$0xA0];
	v12 =	vbroadcast v0, $0x0;
	v0 =	vand.u32 $0xFFFFFFFD, v10;
	v10 =	vmov s31  }
0x31c: {  	v22 =	vld [tilespmem:s0+$0xFFFFFF30];
	v14 =	vbroadcast v0, $0x0;
	v0 =	vand.u32 $0xFFFFFFFE, v10  }
0x31d: {  	v15 =	vbroadcast v0, $0x0;
	v0 =	vld.idx.msk [tilespmem:v9+s26+$0x0], $0xffff  }
0x31e: {  	v59 =	vld [tilespmem:s0+$0xFFFFFFA0]  }
0x31f: {  	v23 =	vld [tilespmem:s0+$0xFFFFFF20]  }
0x320: {  	v24 =	vld [tilespmem:s0+$0x10]  }
0x321: {  	v60 =	vld [tilespmem:s0+$0x80]  }
0x322: {  	v19 =	vld.idx.msk [tilespmem:v12+s26+$0x0], $0xffff;
	v11 =	vmul.f32 v11, v0  }
0x323: {  	v20 =	vld.idx.msk [tilespmem:v14+s26+$0x0], $0xffff;
	v17 =	vmul.f32 v17, v0  }
0x324: {  	v1 =	vmul.f32 v1, v0;
	v15 =	vld.idx.msk [tilespmem:v15+s26+$0x0], $0xffff;
	[tilespmem:s0+$0xD0] =	vst v11  }
0x325: {  	v10 =	vld [tilespmem:s0+$0xFFFFFFE0];
	v3 =	vmul.f32 v3, v0;
	[tilespmem:s0+$0xE0] =	vst v17  }
0x326: {  	v61 =	vld [tilespmem:s0+$0xFFFFFF80];
	v21 =	vmul.f32 v21, v0;
	[tilespmem:s0+$0xB0] =	vst v1  }
0x327: {  	v62 =	vld [tilespmem:s0+$0xFFFFFF00];
	[tilespmem:s0+$0xF0] =	vst v3;
	v6 =	vmul.f32 v6, v19  }
0x328: {  	v14 =	vld [tilespmem:s0+$0xFFFFFFB0];
	[tilespmem:s0+$0xA0] =	vst v21;
	v11 =	vmul.f32 v13, v19  }
0x329: {  	v12 =	vld [tilespmem:s0+$0x30];
	v4 =	vmul.f32 v4, v20;
	[tilespmem:s0+$0xFFFFFF50] =	vst v6  }
0x32a: {  	v9 =	vld [tilespmem:s0+$0x70];
	v10 =	vmul.f32 v10, v20;
	[tilespmem:s0+$0xFFFFFF60] =	vst v11  }
0x32b: {  	v13 =	vld [tilespmem:s0+$0x20];
	v25 =	vmul.f32 v2, v20;
	v6 =	vmul.f32 v7, v20;
	[tilespmem:s0+$0xFFFFFFC0] =	vst v4  }
0x32c: {  	v63 =	vld [tilespmem:s0+$0xFFFFFF40];
	v2 =	vmul.f32 v18, v19;
	v7 =	vmul.f32 v8, v15;
	[tilespmem:s0+$0xFFFFFFE0] =	vst v10  }
0x32d: {  	v3 =	vmul.f32 v61, v20;
	v11 =	vld [tilespmem:s0+$0x90];
	v8 =	vmul.f32 v14, v20;
	[tilespmem:s0+$0xFFFFFFD0] =	vst v6  }
0x32e: {  	v4 =	vmul.f32 v5, v15;
	v5 =	vmul.f32 v12, v15;
	v12 =	vld [tilespmem:s0+$0xFFFFFF10];
	[tilespmem:s0+$0x50] =	vst v7  }
0x32f: {  	v1 =	vmul.f32 v16, v15;
	v9 =	vmul.f32 v9, v15;
	v6 =	vld [tilespmem:s0+$0xFFFFFF90];
	[tilespmem:s0+$0xFFFFFFB0] =	vst v8  }
0x330: {  	v10 =	vmul.f32 v24, v15;
	[tilespmem:s0+$0x30] =	vst v5;
	v5 =	vmul.f32 v13, v15;
	v13 =	vld [tilespmem:s0+$0x0]  }
0x331: {  	v7 =	vmul.f32 v59, v20;
	[tilespmem:s0+$0x40] =	vst v4;
	v4 =	vmul.f32 v22, v19  }
0x332: {  	v14 =	vld [tilespmem:s0+$0xC0];
	[tilespmem:s0+$0x70] =	vst v9;
	v9 =	vmul.f32 v23, v19;
	v8 =	vmul.f32 v11, v0  }
0x333: {  	[tilespmem:s0+$0xFFFFFF30] =	vst v4;
	v4 =	vmul.f32 v62, v19;
	v12 =	vmul.f32 v12, v19  }
0x334: {  	[tilespmem:s0+$0xFFFFFF70] =	vst v2;
	v11 =	vmul.f32 v6, v20;
	v6 =	vmul.f32 v60, v0  }
0x335: {  	s18 =	simm.s32 $0xB00;
	s7 =	simm.s32 $0x7;
	[tilespmem:s0+$0xFFFFFFF0] =	vst v25;
	v2 =	vmul.f32 v13, v15;
	v13 =	vmul.f32 v63, v19  }
.LBB2_12:
0x336: {  	s10 =	sadd.s32 $0xFFFFFFFD, s7  }
0x337: {  	v15 =	vmov s7;
	v16 =	vld [tilespmem:s18+$0xFFFFFFF0];
	p4 =	sne.s32 s7, $0x4F;
	[tilespmem:s0+$0x20] =	vst v5;
	v0 =	vmul.f32 v14, v0;
	s24 =	smov.u32 s7;
	s7 =	sadd.s32 $0x4, s7  }
0x338: {  	v5 =	vmov s10;
	s10 =	sadd.s32 $0xFFFFFFFE, s24;
	v14 =	vld [tilespmem:s18+$0xF0];
	[tilespmem:s0+$0xFFFFFFA0] =	vst v7  }
0x339: {  	v5 =	vand.u32 $0xFFFFFFFC, v5;
	v7 =	vmov s10;
	s10 =	sadd.s32 $0xFFFFFFFF, s24;
	v17 =	vld [tilespmem:s18+$0xB0];
	[tilespmem:s0+$0xFFFFFF20] =	vst v9  }
0x33a: {  	v5 =	vbroadcast v5, $0x0;
	v7 =	vand.u32 $0xFFFFFFFD, v7;
	v9 =	vmov s10;
	v18 =	vld [tilespmem:s18+$0xFFFFFFC0];
	[tilespmem:s0+$0x90] =	vst v8  }
0x33b: {  	v7 =	vbroadcast v7, $0x0;
	v8 =	vand.u32 $0xFFFFFFFE, v9;
	v9 =	vld [tilespmem:s18+$0x40];
	[tilespmem:s0+$0x10] =	vst v10  }
0x33c: {  	v8 =	vbroadcast v8, $0x0;
	v10 =	vld [tilespmem:s18+$0xFFFFFF50];
	[tilespmem:s0+$0xFFFFFF90] =	vst v11  }
0x33d: {  	v11 =	vld [tilespmem:s18+$0xFFFFFFD0];
	[tilespmem:s0+$0xFFFFFF10] =	vst v12  }
0x33e: {  	v12 =	vld [tilespmem:s18+$0x50];
	[tilespmem:s0+$0xFFFFFF40] =	vst v13  }
0x33f: {  	v13 =	vld [tilespmem:s18+$0xD0];
	[tilespmem:s0+$0x80] =	vst v6  }
0x340: {  	v6 =	vld [tilespmem:s18+$0xFFFFFF60];
	[tilespmem:s0+$0x60] =	vst v1  }
0x341: {  	v19 =	vld [tilespmem:s18+$0xFFFFFFE0];
	[tilespmem:s0+$0xC0] =	vst v0  }
0x342: {  	v1 =	vld [tilespmem:s18+$0x60];
	[tilespmem:s0+$0x0] =	vst v2  }
0x343: {  	v2 =	vld [tilespmem:s18+$0xE0];
	[tilespmem:s0+$0xFFFFFF80] =	vst v3  }
0x344: {  	v3 =	vld [tilespmem:s18+$0xFFFFFF70];
	[tilespmem:s0+$0xFFFFFF00] =	vst v4;
	s0 =	smov.u32 s18  }
0x345: {  	v0 =	vld.idx.msk [tilespmem:v15+s26+$0x0], $0xffff  }
0x346: {  	v15 =	vld.idx.msk [tilespmem:v5+s26+$0x0], $0xffff  }
0x347: {  	v4 =	vld.idx.msk [tilespmem:v7+s26+$0x0], $0xffff  }
0x348: {  	v20 =	vld.idx.msk [tilespmem:v8+s26+$0x0], $0xffff  }
0x349: {  	v5 =	vld [tilespmem:s18+$0x70]  }
0x34a: {  	v7 =	vld [tilespmem:s18+$0x30]  }
0x34b: {  	v13 =	vmul.f32 v13, v0;
	v2 =	vmul.f32 v2, v0;
	v8 =	vld [tilespmem:s18+$0xFFFFFFB0]  }
0x34c: {  	v10 =	vmul.f32 v10, v15;
	v6 =	vmul.f32 v6, v15;
	v21 =	vld [tilespmem:s18+$0xFFFFFF30]  }
0x34d: {  	v18 =	vmul.f32 v18, v4;
	v11 =	vmul.f32 v11, v4;
	v22 =	vld [tilespmem:s18+$0xA0];
	[tilespmem:s18+$0xD0] =	vst v13  }
0x34e: {  	v17 =	vmul.f32 v17, v0;
	v9 =	vmul.f32 v9, v20;
	v13 =	vld [tilespmem:s18+$0x20];
	[tilespmem:s18+$0xE0] =	vst v2  }
0x34f: {  	v2 =	vld [tilespmem:s18+$0xFFFFFFA0];
	v23 =	vmul.f32 v7, v20;
	[tilespmem:s18+$0xFFFFFF50] =	vst v10;
	v10 =	vmul.f32 v12, v20  }
0x350: {  	v1 =	vmul.f32 v1, v20;
	v12 =	vld [tilespmem:s18+$0xFFFFFF20];
	v24 =	vmul.f32 v8, v4;
	[tilespmem:s18+$0xFFFFFF60] =	vst v6  }
0x351: {  	v6 =	vld [tilespmem:s18+$0x90];
	v21 =	vmul.f32 v21, v15;
	[tilespmem:s18+$0xFFFFFFC0] =	vst v18;
	v18 =	vmul.f32 v5, v20  }
0x352: {  	v19 =	vmul.f32 v19, v4;
	v25 =	vld [tilespmem:s18+$0x10];
	v22 =	vmul.f32 v22, v0;
	[tilespmem:s18+$0xFFFFFFD0] =	vst v11  }
0x353: {  	v11 =	vld [tilespmem:s18+$0xFFFFFF90];
	v5 =	vmul.f32 v13, v20;
	[tilespmem:s18+$0xB0] =	vst v17;
	v13 =	vmul.f32 v16, v4  }
0x354: {  	v16 =	vld [tilespmem:s18+$0xFFFFFF10];
	v7 =	vmul.f32 v2, v4;
	[tilespmem:s18+$0x40] =	vst v9;
	v2 =	vmul.f32 v3, v15  }
0x355: {  	v17 =	vmul.f32 v14, v0;
	v3 =	vld [tilespmem:s18+$0x80];
	v9 =	vmul.f32 v12, v15;
	[tilespmem:s18+$0x30] =	vst v23  }
0x356: {  	v23 =	vld [tilespmem:s18+$0x0];
	v8 =	vmul.f32 v6, v0;
	[tilespmem:s18+$0x50] =	vst v10  }
0x357: {  	v26 =	vld [tilespmem:s18+$0xFFFFFF80];
	v10 =	vmul.f32 v25, v20;
	[tilespmem:s18+$0xFFFFFFB0] =	vst v24  }
0x358: {  	v24 =	vld [tilespmem:s18+$0xFFFFFF00];
	v11 =	vmul.f32 v11, v4;
	[tilespmem:s18+$0x70] =	vst v18  }
0x359: {  	v12 =	vmul.f32 v16, v15;
	v16 =	vld [tilespmem:s18+$0xFFFFFF40];
	[tilespmem:s18+$0xFFFFFFE0] =	vst v19  }
.Ltmp5:
0x35a: {  	v6 =	vmul.f32 v3, v0;
	v14 =	vld [tilespmem:s18+$0xC0];
	[tilespmem:s18+$0xFFFFFF70] =	vst v2;
	(pc) =	sbr.rel @p4 .LBB2_12-.Ltmp5, $4  }
0x35b: {  	v2 =	vmul.f32 v23, v20;
	[tilespmem:s18+$0xF0] =	vst v17  }
0x35c: {  	v3 =	vmul.f32 v26, v4;
	[tilespmem:s18+$0xFFFFFF30] =	vst v21  }
0x35d: {  	v4 =	vmul.f32 v24, v15;
	[tilespmem:s18+$0xFFFFFFF0] =	vst v13  }
0x35e: {  	s18 =	sadd.s32 $0x200, s18;
	[tilespmem:s0+$0xA0] =	vst v22;
	v13 =	vmul.f32 v16, v15  }
0x35f: {  	[tilespmem:s0+$0x20] =	vst v5  }
0x360: {  	[tilespmem:s0+$0xFFFFFFA0] =	vst v7  }
0x361: {  	[tilespmem:s0+$0xFFFFFF20] =	vst v9  }
0x362: {  	[tilespmem:s0+$0x90] =	vst v8  }
0x363: {  	[tilespmem:s0+$0x10] =	vst v10  }
0x364: {  	[tilespmem:s0+$0xFFFFFF90] =	vst v11  }
0x365: {  	[tilespmem:s0+$0xFFFFFF10] =	vst v12  }
0x366: {  	[tilespmem:s0+$0x80] =	vst v6  }
0x367: {  	[tilespmem:s0+$0x60] =	vst v1  }
0x368: {  	[tilespmem:s0+$0x0] =	vst v2  }
0x369: {  	[tilespmem:s0+$0xFFFFFF80] =	vst v3  }
0x36a: {  	v0 =	vmul.f32 v14, v0;
	[tilespmem:s0+$0xFFFFFF00] =	vst v4  }
0x36b: {  	[tilespmem:s0+$0xFFFFFF40] =	vst v13  }
0x36c: {  	s10 =	rddreg [dreg:$0x2];
	[tilespmem:s0+$0xC0] =	vst v0  }
0x36d: {  	[spmem:s10] =	stream.indirect.scatter.add.f32 [tilespmem:s11], [sflag:$0x9], $0x80, s13, s9, $0xb8;
	[tilespmem:$0x1E8F8] =	vst v63  }
0x36e: {  	s18 =	rddreg [dreg:$0x3];
	s30 =	simm.s32 $0xC  }
0x36f: {  	[spmem:s18] =	stream.indirect.scatter.add.f32 [tilespmem:s26], [sflag:$0xD], $0x1, s13, s9, $0xb8;
	[tilespmem:$0x1E8F8] =	vst v63  }
0x370: {  	_ =	swait.ge [sflag:s30], $0x2800  }
0x371: {  	[sflag:s30] =	ssyncset.done $0x0  }
0x372: {  	s19 =	simm.s32 $0x10;
	[sflag:s30] =	ssyncadd.s32 $0xFFFFD800  }
0x373: {  	_ =	swait.ge [sflag:s19], $0x50  }
0x374: {  	[sflag:s19] =	ssyncset.done $0x0  }
0x375: {  	[sflag:s19] =	ssyncadd.s32 $0xFFFFFFB0  }
0x376: {  	_ =	swait.ge [sflag:s20], $0x2800  }
0x377: {  	[sflag:s20] =	ssyncset.done $0x0  }
0x378: {  	s21 =	simm.s32 $0xD;
	[sflag:s20] =	ssyncadd.s32 $0xFFFFD800  }
0x379: {  	_ =	swait.ge [sflag:s21], $0x50  }
0x37a: {  	[sflag:s21] =	ssyncset.done $0x0  }
0x37b: {  	[sflag:s21] =	ssyncadd.s32 $0xFFFFFFB0  }
0x37c: {  	[bflag:$0x0] =	sbarrier.arrive $0xFFFF  }
0x37d: {  	s7 =	simm.s32 $0x11;
	s28 =	rddreg [dreg:$0x10]  }
0x37e: {  	[tilespmem:s11], [sflag:$0x11] =	stream.linear.gather [spmem:s28], $0x2800, $0x38;
	[tilespmem:$0x1E8F8] =	vst v63  }
0x37f: {  	_ =	swait.ge [sflag:s7], $0x2800  }
0x380: {  	[sflag:s7] =	ssyncset.done $0x0  }
0x381: {  	s24 =	rddreg [dreg:$0x5];
	[sflag:s7] =	ssyncadd.s32 $0xFFFFD800  }
0x382: {  	[hbm4b:s24+s13] =	stream.linear.scatter [tilespmem:s11], [sflag:$0x9], $0x2800, $0x38;
	[tilespmem:$0x1E8F8] =	vst v63  }
0x383: {  	s3 =	simm.s32 $0x3000;
	s31 =	rddreg [dreg:$0x11]  }
0x384: {  	[tilespmem:s3], [sflag:$0x11] =	stream.linear.gather [spmem:s31], $0x2800, $0x38;
	[tilespmem:$0x1E8F8] =	vst v63  }
0x385: {  	_ =	swait.ge [sflag:s7], $0x2800  }
0x386: {  	[sflag:s7] =	ssyncset.done $0x0  }
0x387: {  	s25 =	rddreg [dreg:$0x6];
	[sflag:s7] =	ssyncadd.s32 $0xFFFFD800  }
0x388: {  	[hbm4b:s25+s13] =	stream.linear.scatter [tilespmem:s3], [sflag:$0xA], $0x2800, $0x38;
	[tilespmem:$0x1E8F8] =	vst v63  }
0x389: {  	s10 =	simm.s32 $0x5800;
	s18 =	rddreg [dreg:$0x12]  }
0x38a: {  	[tilespmem:s10], [sflag:$0x11] =	stream.linear.gather [spmem:s18], $0x2800, $0x38;
	[tilespmem:$0x1E8F8] =	vst v63  }
0x38b: {  	_ =	swait.ge [sflag:s7], $0x2800  }
0x38c: {  	[sflag:s7] =	ssyncset.done $0x0  }
0x38d: {  	s1 =	rddreg [dreg:$0x7];
	[sflag:s7] =	ssyncadd.s32 $0xFFFFD800  }
0x38e: {  	[hbm4b:s1+s13] =	stream.linear.scatter [tilespmem:s10], [sflag:$0xB], $0x2800, $0x38;
	[tilespmem:$0x1E8F8] =	vst v63  }
0x38f: {  	s24 =	rddreg [dreg:$0x13];
	s1 =	simm.s32 $0x8000  }
0x390: {  	[tilespmem:s1], [sflag:$0x11] =	stream.linear.gather [spmem:s24], $0x2800, $0x38;
	[tilespmem:$0x1E8F8] =	vst v63  }
0x391: {  	_ =	swait.ge [sflag:s7], $0x2800  }
0x392: {  	[sflag:s7] =	ssyncset.done $0x0  }
0x393: {  	s4 =	rddreg [dreg:$0x8];
	[sflag:s7] =	ssyncadd.s32 $0xFFFFD800  }
0x394: {  	[hbm4b:s4+s13] =	stream.linear.scatter [tilespmem:s1], [sflag:$0xC], $0x2800, $0x38;
	[tilespmem:$0x1E8F8] =	vst v63  }
0x395: {  	_ =	swait.ge [sflag:s20], $0x2800  }
0x396: {  	[sflag:s20] =	ssyncset.done $0x0  }
0x397: {  	s19 =	rddreg [dreg:$0x14];
	[sflag:s20] =	ssyncadd.s32 $0xFFFFD800  }
0x398: {  	[tilespmem:s11], [sflag:$0x11] =	stream.linear.gather [spmem:s19], $0x2800, $0x38;
	[tilespmem:$0x1E8F8] =	vst v63  }
0x399: {  	_ =	swait.ge [sflag:s7], $0x2800  }
0x39a: {  	[sflag:s7] =	ssyncset.done $0x0  }
0x39b: {  	s20 =	rddreg [dreg:$0x9];
	[sflag:s7] =	ssyncadd.s32 $0xFFFFD800  }
0x39c: {  	[hbm4b:s20+s13] =	stream.linear.scatter [tilespmem:s11], [sflag:$0x9], $0x2800, $0x38;
	[tilespmem:$0x1E8F8] =	vst v63  }
0x39d: {  	s20 =	simm.s32 $0xA  }
0x39e: {  	_ =	swait.ge [sflag:s20], $0x2800  }
0x39f: {  	[sflag:s20] =	ssyncset.done $0x0  }
0x3a0: {  	s21 =	rddreg [dreg:$0x15];
	[sflag:s20] =	ssyncadd.s32 $0xFFFFD800  }
0x3a1: {  	[tilespmem:s3], [sflag:$0x11] =	stream.linear.gather [spmem:s21], $0x2800, $0x38;
	[tilespmem:$0x1E8F8] =	vst v63  }
0x3a2: {  	_ =	swait.ge [sflag:s7], $0x2800  }
0x3a3: {  	[sflag:s7] =	ssyncset.done $0x0  }
0x3a4: {  	s25 =	rddreg [dreg:$0xa];
	[sflag:s7] =	ssyncadd.s32 $0xFFFFD800  }
0x3a5: {  	[hbm4b:s25+s13] =	stream.linear.scatter [tilespmem:s3], [sflag:$0xA], $0x2800, $0x38;
	[tilespmem:$0x1E8F8] =	vst v63  }
0x3a6: {  	_ =	swait.ge [sflag:s29], $0x2800  }
0x3a7: {  	[sflag:s29] =	ssyncset.done $0x0  }
0x3a8: {  	s11 =	rddreg [dreg:$0x16];
	[sflag:s29] =	ssyncadd.s32 $0xFFFFD800  }
0x3a9: {  	[tilespmem:s10], [sflag:$0x11] =	stream.linear.gather [spmem:s11], $0x2800, $0x38;
	[tilespmem:$0x1E8F8] =	vst v63  }
0x3aa: {  	_ =	swait.ge [sflag:s7], $0x2800  }
0x3ab: {  	[sflag:s7] =	ssyncset.done $0x0  }
0x3ac: {  	s0 =	simm.s32 @!p0 $0xC;
	s3 =	rddreg [dreg:$0xb];
	[sflag:s7] =	ssyncadd.s32 $0xFFFFD800  }
0x3ad: {  	[hbm4b:s3+s13] =	stream.linear.scatter [tilespmem:s10], [sflag:$0xB], $0x2800, $0x38;
	[tilespmem:$0x1E8F8] =	vst v63  }
0x3ae: {  	_ =	swait.ge @!p0 [sflag:s0], $0x2800  }
0x3af: {  	s7 =	simm.s32 @!p0 $0x11;
	[sflag:s0] =	ssyncset.done @!p0 $0x0  }
0x3b0: {  	s21 =	rddreg [dreg:$0x17];
	[sflag:s0] =	ssyncadd.s32 @!p0 $0xFFFFD800;
	s0 =	simm.s32 @!p0 $0x8000  }
0x3b1: {  	[tilespmem:s0], [sflag:$0x11] =	stream.linear.gather @!p0 [spmem:s21], $0x2800, $0x38;
	[tilespmem:$0x1E8F8] =	vst v63  }
0x3b2: {  	_ =	swait.ge @!p0 [sflag:s7], $0x2800  }
0x3b3: {  	s1 =	simm.s32 $0x9;
	[sflag:s7] =	ssyncset.done @!p0 $0x0  }
0x3b4: {  	s10 =	rddreg [dreg:$0xc];
	[sflag:s7] =	ssyncadd.s32 @!p0 $0xFFFFD800;
	s7 =	simm.s32 @!p0 $0x0  }
0x3b5: {  	[hbm4b:s10+s7] =	stream.linear.scatter @!p0 [tilespmem:s0], [sflag:$0xC], $0x2800, $0x38;
	[tilespmem:$0x1E8F8] =	vst v63  }
0x3b6: {  	_ =	swait.ge [sflag:s1], $0x2800  }
0x3b7: {  	[sflag:s1] =	ssyncset.done $0x0  }
0x3b8: {  	[sflag:s1] =	ssyncadd.s32 $0xFFFFD800  }
0x3b9: {  	_ =	swait.ge [sflag:s20], $0x2800  }
0x3ba: {  	[sflag:s20] =	ssyncset.done $0x0  }
0x3bb: {  	[sflag:s20] =	ssyncadd.s32 $0xFFFFD800  }
0x3bc: {  	_ =	swait.ge [sflag:s29], $0x2800  }
0x3bd: {  	[sflag:s29] =	ssyncset.done $0x0  }
0x3be: {  	[sflag:s29] =	ssyncadd.s32 $0xFFFFD800  }
0x3bf: {  	_ =	swait.ge [sflag:s30], $0x2800  }
0x3c0: {  	[sflag:s30] =	ssyncset.done $0x0  }
0x3c1: {  	s0 =	simm.s32 @p3 $0xA800;
	s7 =	rddreg [dreg:$0x1f];
	[sflag:s30] =	ssyncadd.s32 $0xFFFFD800  }
0x3c2: {  	[tilespmem:s0], [sflag:$0x11] =	stream.linear.gather @p3 [spmem:s7], $0x3E8, $0x38;
	[tilespmem:$0x1E8F8] =	vst v63  }
0x3c3: {  	s7 =	simm.s32 @p3 $0x11  }
0x3c4: {  	_ =	swait.ge @p3 [sflag:s7], $0x3E8  }
0x3c5: {  	s29 =	sld [smem:$0x7F8]  }
0x3c6: {  	[sflag:s7] =	ssyncset.done @p3 $0x0  }
0x3c7: {  	s10 =	simm.s32 @p3 $0x0;
	[sflag:s7] =	ssyncadd.s32 @p3 $0xFFFFFC18  }
0x3c8: {  	[hbm4b:s29+s10] =	stream.linear.scatter @p3 [tilespmem:s0], [sflag:$0x11], $0x3E8, $0x38;
	[tilespmem:$0x1E8F8] =	vst v63  }
0x3c9: {  	_ =	swait.ge @p3 [sflag:s7], $0x3E8  }
0x3ca: {  	s4 =	sld [smem:$0x7FB]  }
0x3cb: {  	s29 =	sld [smem:$0x7F9];
	_ =	sdelay $0x1  }
0x3cc: {  	s10 =	smov.u32 s21;
	s21 =	sadd.s32 $0x1, s4  }
0x3cd: {  	p4 =	sne.s32 s21, s29  }
.Ltmp6:
0x3ce: {  	_ = 	snop;
	(pc) =	sbr.rel @p4 .LBB2_1-.Ltmp6, $4  }
0x3cf: {  	_ = 	snop  }
0x3d0: {  	s19 =	simm.s32 $0x5800;
	s25 =	simm.s32 $0x800;
	s4 =	sld [smem:$0x7FD]  }
0x3d1: {  	s3 =	simm.s32 $0xB;
	[sflag:s7] =	ssyncset.done @p3 $0x0;
	[smem:$0x7FB] =	sst s21  }
0x3d2: {  	[sflag:s7] =	ssyncadd.s32 @p3 $0xFFFFFC18;
	s7 =	simm.s32 $0x11;
	s21 =	sld [smem:$0x7FC]  }
0x3d3: {  	_ =	sfence.sel $0x180000  }
0x3d4: {  	[bflag:$0x0] =	sbarrier.arrive $0xFFFF  }
0x3d5: {  	_ =	strace $0x9000004A  }
0x3d6: {  	s0 =	stileid.u32;
	[bflag:$0x2] =	sbarrier.arrive $0xFFFF  }
0x3d7: {  	p0 =	sne.s32 s0, $0x0;
	s0 =	rddreg [dreg:$0x4]  }
0x3d8: {  	s0 =	sadd.s32 @!p0 $0x100000, s0  }
0x3d9: {  	[sflag:s0] =	ssyncadd.tile.s32 @!p0 $0x1;
	_ =	shalt  }
.Lfunc_end2:
_tile_overlayer_lowered:
.L_overlay_start_2:
0x3da: {  	(tag) =	ssettag $0x2  }
0x3db: {  	s0 =	rddreg [dreg:$0x0];
	s2 =	stileid.u32  }
0x3dc: {  	s1 =	rddreg [dreg:$0x1];
	p0 =	sne.s32 s2, $0x0  }
0x3dd: {  	s3 =	rddreg [dreg:$0x2];
	[bflag:$0x3] =	sbarrier.arrive $0xFFFF;
	s2 =	simm.s32 @!p0 $0x1C11  }
0x3de: {  	[timem:s3], [sflag:s2] =	dma.local @!p0 [hbm:s0], s1  }
0x3df: {  	s0 =	simm.s32 @!p0 $0x11  }
0x3e0: {  	_ =	swait.ge @!p0 [sflag:s0], s1  }
0x3e1: {  	s1 =	ssub.s32 @!p0 $0x0, s1;
	[sflag:s0] =	ssyncset.done @!p0 $0x0  }
0x3e2: {  	[sflag:s0] =	ssyncadd.s32 @!p0 s1  }
0x3e3: {  	[bflag:$0x3] =	sbarrier.arrive $0xFFFF  }
0x3e4: {  	_ =	shalt  }

</sc_bundles>
